<compile_context>
chip_gen: v7x
topology: tpu7x:2x2x1
jax: 0.10.2.dev20260603
libtpu: 0.0.44.dev20260713+nightly
codegen_flags: <defaults>
</compile_context>

<pallas_src>
import functools

import jax
import jax.numpy as jnp
from jax import lax
from jax.experimental import pallas as pl
from jax.experimental.pallas import tpu as pltpu
from jax.experimental.pallas import tpu_sc as plsc

N_V = 10000
N_E = 10000
NNZ = 320000
D = 128

_NC = 2
_NS = 16
_NW = _NC * _NS
_K = 40
_PPW = NNZ // _NW
_PPC = NNZ // _NS
_CH = NNZ // _NW // _K
_CCH = NNZ // _NS // _K
_NP = 10240
_RPT = _NP // _NS

_mesh = plsc.VectorSubcoreMesh(core_axis_name="c", subcore_axis_name="s")


_NBUF = 5
_TAIL = _CH % _NBUF
assert _TAIL == 0


def _sc_body_gs(table, src1d, dst1d, zeros, out, sidx, didx,
                rows0, rows1, rows2, rows3, rows4,
                acc, sem0, sem1, sem2, sem3, sem4):
    rows = (rows0, rows1, rows2, rows3, rows4)
    sems = (sem0, sem1, sem2, sem3, sem4)
    c = lax.axis_index("c")
    s = lax.axis_index("s")
    wid = s * _NC + c
    pltpu.sync_copy(src1d.at[pl.ds(wid * _PPW, _PPW)], sidx)
    pltpu.sync_copy(dst1d.at[pl.ds(wid * _PPW, _PPW)], didx)
    pltpu.sync_copy(zeros.at[pl.ds(s * _RPT, _RPT)], acc.at[pl.ds(s * _RPT, _RPT)])
    plsc.subcore_barrier()

    def gather(j, b):
        pltpu.async_copy(table.at[sidx.at[pl.ds(j * _K, _K)]], rows[b], sems[b])

    def wait_scatter(j, b):
        pltpu.make_async_copy(table.at[sidx.at[pl.ds(j * _K, _K)]],
                              rows[b], sems[b]).wait()
        pltpu.sync_copy(rows[b], acc.at[didx.at[pl.ds(j * _K, _K)]], add=True)

    for b in range(_NBUF):
        gather(b, b)

    @pl.loop(0, _CH - _NBUF, step=_NBUF)
    def _(j):
        for b in range(_NBUF):
            wait_scatter(j + b, b)
            gather(j + b + _NBUF, b)

    for b in range(_NBUF):
        wait_scatter(_CH - _NBUF + b, b)

    plsc.subcore_barrier()
    pltpu.sync_copy(acc.at[pl.ds(s * _RPT, _RPT)],
                    out.at[pl.ds(c * _NP + s * _RPT, _RPT)])


_sc_gather_scatter = functools.partial(
    pl.kernel,
    out_type=jax.ShapeDtypeStruct((2 * _NP, D), jnp.float32),
    mesh=_mesh,
    scratch_types=(
        [pltpu.VMEM((_PPW,), jnp.int32),
         pltpu.VMEM((_PPW,), jnp.int32)]
        + [pltpu.VMEM((_K, D), jnp.float32) for _ in range(_NBUF)]
        + [pltpu.VMEM_SHARED((_NP, D), jnp.float32)]
        + [pltpu.SemaphoreType.DMA for _ in range(_NBUF)]
    ),
)(_sc_body_gs)


_KC = 200
_CCC = _PPC // _KC
_CW = 4


def _sc_body_cnt(idxcat, ones, zeros, out, cidx, ones_v, acc, csem):
    c = lax.axis_index("c")
    s = lax.axis_index("s")
    pltpu.sync_copy(idxcat.at[pl.ds(c * NNZ + s * _PPC, _PPC)], cidx)
    pltpu.sync_copy(ones, ones_v)
    pltpu.sync_copy(zeros.at[pl.ds(s * _RPT, _RPT)], acc.at[pl.ds(s * _RPT, _RPT)])
    plsc.subcore_barrier()

    def fire(j):
        pltpu.async_copy(ones_v, acc.at[cidx.at[pl.ds(j * _KC, _KC)]],
                         csem, add=True)

    def drain_one():
        pltpu.make_async_copy(ones_v, acc.at[cidx.at[pl.ds(0, _KC)]],
                              csem).wait()

    for w in range(_CW):
        fire(w)

    @pl.loop(_CW, _CCC)
    def _(j):
        drain_one()
        fire(j)

    for _w in range(_CW):
        drain_one()

    plsc.subcore_barrier()
    pltpu.sync_copy(acc.at[pl.ds(s * _RPT, _RPT)],
                    out.at[pl.ds(c * _NP + s * _RPT, _RPT)])


_sc_counts = functools.partial(
    pl.kernel,
    out_type=jax.ShapeDtypeStruct((2 * _NP, D), jnp.float32),
    mesh=_mesh,
    scratch_types=[
        pltpu.VMEM((_PPC,), jnp.int32),
        pltpu.VMEM((_KC, D), jnp.float32),
        pltpu.VMEM_SHARED((_NP, D), jnp.float32),
        pltpu.SemaphoreType.DMA,
    ],
)(_sc_body_cnt)


_R = 1000
_RP = 1024


def _tc_mm(x, w, b2d):
    def body(x_ref, w_ref, b_ref, o_ref):
        o_ref[...] = (jnp.dot(x_ref[...], w_ref[...],
                              preferred_element_type=jnp.float32) + b_ref[...])

    return pl.pallas_call(
        body,
        grid=(N_V // _R,),
        in_specs=[
            pl.BlockSpec((_R, D), lambda i: (i, 0)),
            pl.BlockSpec((D, D), lambda i: (0, 0)),
            pl.BlockSpec((1, D), lambda i: (0, 0)),
        ],
        out_specs=pl.BlockSpec((_R, D), lambda i: (i, 0)),
        out_shape=jax.ShapeDtypeStruct((N_V, D), jnp.float32),
    )(x, w, b2d)


def _tc_combine(partials, cnts, off):
    def body(p0_ref, p1_ref, c_ref, o_ref):
        cnt = jnp.maximum(c_ref[...][:, :1], 1.0)
        o_ref[...] = (p0_ref[...] + p1_ref[...]) / cnt

    nb = _NP // _RP
    return pl.pallas_call(
        body,
        grid=(nb,),
        in_specs=[
            pl.BlockSpec((_RP, D), lambda i: (i, 0)),
            pl.BlockSpec((_RP, D), lambda i: (i + nb, 0)),
            pl.BlockSpec((_RP, D), lambda i: (i + off, 0)),
        ],
        out_specs=pl.BlockSpec((_RP, D), lambda i: (i, 0)),
        out_shape=jax.ShapeDtypeStruct((_NP, D), jnp.float32),
    )(partials, partials, cnts)


def _tc_combine_out(partials, cnts, off):
    def body(p0_ref, p1_ref, c_ref, o_ref):
        cnt = jnp.maximum(c_ref[...][:, :1], 1.0)
        o_ref[...] = (p0_ref[...] + p1_ref[...]) / cnt

    rb = 512
    nb = _NP // rb
    return pl.pallas_call(
        body,
        grid=(pl.cdiv(N_V, rb),),
        in_specs=[
            pl.BlockSpec((rb, D), lambda i: (i, 0)),
            pl.BlockSpec((rb, D), lambda i: (i + nb, 0)),
            pl.BlockSpec((rb, D), lambda i: (i + off, 0)),
        ],
        out_specs=pl.BlockSpec((rb, D), lambda i: (i, 0)),
        out_shape=jax.ShapeDtypeStruct((N_V, D), jnp.float32),
    )(partials, partials, cnts)


def _tc_combine_relu_mm(partials, cnts, off, w, b2d):
    def body(p0_ref, p1_ref, c_ref, w_ref, b_ref, o_ref):
        cnt = jnp.maximum(c_ref[...][:, :1], 1.0)
        v = (p0_ref[...] + p1_ref[...]) / cnt
        v = jnp.maximum(v, 0.0)
        o_ref[...] = (jnp.dot(v, w_ref[...],
                              preferred_element_type=jnp.float32) + b_ref[...])

    nb = _NP // _RP
    return pl.pallas_call(
        body,
        grid=(nb,),
        in_specs=[
            pl.BlockSpec((_RP, D), lambda i: (i, 0)),
            pl.BlockSpec((_RP, D), lambda i: (i + nb, 0)),
            pl.BlockSpec((_RP, D), lambda i: (i + off, 0)),
            pl.BlockSpec((D, D), lambda i: (0, 0)),
            pl.BlockSpec((1, D), lambda i: (0, 0)),
        ],
        out_specs=pl.BlockSpec((_RP, D), lambda i: (i, 0)),
        out_shape=jax.ShapeDtypeStruct((_NP, D), jnp.float32),
    )(partials, partials, cnts, w, b2d)


def kernel(X, incidence, W1, b1, W2, b2):
    v_idx = incidence[0].astype(jnp.int32)
    e_idx = incidence[1].astype(jnp.int32)
    idxcat = jnp.concatenate([e_idx, v_idx])
    zeros = jnp.zeros((_NP, D), jnp.float32)
    ones = jnp.ones((_KC, D), jnp.float32)
    b1r = b1.reshape(1, D)
    b2r = b2.reshape(1, D)

    nb = _NP // _RP
    cnt = _sc_counts(idxcat, ones, zeros)
    h1 = _tc_mm(X, W1, b1r)
    p = _sc_gather_scatter(h1, v_idx, e_idx, zeros)
    he1 = _tc_combine(p, cnt, 0)
    q = _sc_gather_scatter(he1, e_idx, v_idx, zeros)
    h2 = _tc_combine_relu_mm(q, cnt, nb, W2, b2r)
    p2 = _sc_gather_scatter(h2, v_idx, e_idx, zeros)
    he2 = _tc_combine(p2, cnt, 0)
    q2 = _sc_gather_scatter(he2, e_idx, v_idx, zeros)
    return _tc_combine_out(q2, cnt, _NP // 512)

# --- scband reference (transcript-rebuilt; emitter-appended) ---
"""Pipeline reference for scband-hgnnp-28071906247173 (READ-ONLY COPY).

The authoritative reference and input builder live on the scoring server;
editing this copy changes nothing except your own understanding.
"""

import jax, jax.numpy as jnp
import numpy as np

N_V = 10000   # vertices
N_E = 10000   # hyperedges
NNZ = 320000  # incidence pairs
D_IN = 128
D_HID = 128
D_OUT = 128


def _v2v_mean(X, v_idx, e_idx, n_e, n_v):
    # v2e: mean of member-vertex features per hyperedge
    gathered = X[v_idx]
    he_sum = jax.ops.segment_sum(gathered, e_idx, num_segments=n_e)
    e_cnt = jax.ops.segment_sum(jnp.ones((v_idx.shape[0],), X.dtype), e_idx, num_segments=n_e)
    he = he_sum / jnp.maximum(e_cnt, 1.0)[:, None]
    # e2v: mean of incident-hyperedge features per vertex
    v_sum = jax.ops.segment_sum(he[e_idx], v_idx, num_segments=n_v)
    v_cnt = jax.ops.segment_sum(jnp.ones((e_idx.shape[0],), X.dtype), v_idx, num_segments=n_v)
    return v_sum / jnp.maximum(v_cnt, 1.0)[:, None]


def setup_inputs(seed: int = 0):
    key = jax.random.key(seed)
    k1, k2, k3, k4, k5, k6, k7 = jax.random.split(key, 7)
    X = jax.random.normal(k1, (N_V, D_IN), dtype=jnp.float32)
    v_idx = jax.random.randint(k2, (NNZ,), 0, N_V)
    e_idx = jax.random.randint(k3, (NNZ,), 0, N_E)
    incidence = jnp.stack([v_idx, e_idx], axis=0)
    W1 = jax.random.normal(k4, (D_IN, D_HID), dtype=jnp.float32) * 0.05
    b1 = jax.random.normal(k5, (D_HID,), dtype=jnp.float32) * 0.01
    W2 = jax.random.normal(k6, (D_HID, D_OUT), dtype=jnp.float32) * 0.05
    b2 = jax.random.normal(k7, (D_OUT,), dtype=jnp.float32) * 0.01
    return {"X": X, "incidence": incidence, "W1": W1, "b1": b1, "W2": W2, "b2": b2}


def reference(X, incidence, W1, b1, W2, b2):
    v_idx = incidence[0].astype(jnp.int32)
    e_idx = incidence[1].astype(jnp.int32)
    # layer 1: HGNNPConv (theta -> v2v mean -> relu; dropout = identity in eval)
    H = X @ W1 + b1
    H = _v2v_mean(H, v_idx, e_idx, N_E, N_V)
    H = jax.nn.relu(H)
    # layer 2: HGNNPConv (is_last=True: theta -> v2v mean)
    H = H @ W2 + b2
    H = _v2v_mean(H, v_idx, e_idx, N_E, N_V)
    return H

if __name__ == "__main__":
    import jax
    _d = setup_inputs()
    print(jax.jit(kernel)(*tuple(_d.values())))

</pallas_src>

<mosaic_0001>
#map = affine_map<(d0, d1) -> (0)>
#map1 = affine_map<(d0, d1) -> (0, 0)>
module attributes {stable_mosaic.version = 14 : i64} {
  func.func @_sc_body_cnt(%arg0: i32, %arg1: i32, %arg2: memref<640000xi32, #tpu.memory_space<hbm>>, %arg3: memref<200x128xf32, #tpu.memory_space<hbm>>, %arg4: memref<10240x128xf32, #tpu.memory_space<hbm>>, %arg5: memref<20480x128xf32, #tpu.memory_space<hbm>>, %arg6: memref<20000xi32, #tpu.memory_space<vmem>>, %arg7: memref<200x128xf32, #tpu.memory_space<vmem>>, %arg8: memref<10240x128xf32, #tpu.memory_space<vmem_shared>>, %arg9: memref<!tpu.dma_semaphore, #tpu.memory_space<semaphore_mem>>) attributes {dimension_semantics = [#tpu.dimension_semantics<core_parallel>, #tpu.dimension_semantics<subcore_parallel>], iteration_bounds = array<i64: 2, 16>, scalar_prefetch = 0 : i64, scratch_operands = 4 : i64, tpu.core_type = #tpu.core_type<sc_vector_subcore>, window_params = [{transform_indices = #map}, {transform_indices = #map1}, {transform_indices = #map1}, {transform_indices = #map1}]} {
    %mul3A = arith.constant 320000 : i32
    %mul3A_0 = arith.muli %arg0, %mul3A : i32
    %mul3A_1 = arith.constant 20000 : i32
    %mul3A_2 = arith.muli %arg1, %mul3A_1 : i32
    %add3A = arith.addi %mul3A_0, %mul3A_2 : i32
    "tpu.region"() ({
      %run_scoped3A = tpu.sem_alloc : memref<!tpu.dma_semaphore, #tpu.memory_space<semaphore_mem>>
      %dma_start3A_57 = tpu.memref_slice %arg2[%add3A] : memref<640000xi32, #tpu.memory_space<hbm>> -> memref<20000xi32, #tpu.memory_space<hbm>>
      %dma_start3A_58 = tpu.memref_slice %arg2[%add3A] : memref<640000xi32, #tpu.memory_space<hbm>> -> memref<20000xi32, #tpu.memory_space<hbm>>
      tpu.enqueue_dma source(%dma_start3A_58 : memref<20000xi32, #tpu.memory_space<hbm>>) target(%arg6 : memref<20000xi32, #tpu.memory_space<vmem>>) target_semaphore(%run_scoped3A : memref<!tpu.dma_semaphore, #tpu.memory_space<semaphore_mem>>)
      %dma_wait3A_59 = tpu.memref_slice %arg2[%add3A] : memref<640000xi32, #tpu.memory_space<hbm>> -> memref<20000xi32, #tpu.memory_space<hbm>>
      %dma_wait3A_60 = tpu.memref_slice %arg2[%add3A] : memref<640000xi32, #tpu.memory_space<hbm>> -> memref<20000xi32, #tpu.memory_space<hbm>>
      tpu.wait_dma2 semaphore(%run_scoped3A : memref<!tpu.dma_semaphore, #tpu.memory_space<semaphore_mem>>) src(%dma_wait3A_60 : memref<20000xi32, #tpu.memory_space<hbm>>) dst(%arg6 : memref<20000xi32, #tpu.memory_space<vmem>>)
      tpu.yield
    }) : () -> ()
    "tpu.region"() ({
      %run_scoped3A = tpu.sem_alloc : memref<!tpu.dma_semaphore, #tpu.memory_space<semaphore_mem>>
      tpu.enqueue_dma source(%arg3 : memref<200x128xf32, #tpu.memory_space<hbm>>) target(%arg7 : memref<200x128xf32, #tpu.memory_space<vmem>>) target_semaphore(%run_scoped3A : memref<!tpu.dma_semaphore, #tpu.memory_space<semaphore_mem>>)
      tpu.wait_dma2 semaphore(%run_scoped3A : memref<!tpu.dma_semaphore, #tpu.memory_space<semaphore_mem>>) src(%arg3 : memref<200x128xf32, #tpu.memory_space<hbm>>) dst(%arg7 : memref<200x128xf32, #tpu.memory_space<vmem>>)
      tpu.yield
    }) : () -> ()
    %mul3A_3 = arith.constant 640 : i32
    %mul3A_4 = arith.muli %arg1, %mul3A_3 : i32
    %mul3A_5 = arith.constant 640 : i32
    %mul3A_6 = arith.muli %arg1, %mul3A_5 : i32
    "tpu.region"() ({
      %run_scoped3A = tpu.sem_alloc : memref<!tpu.dma_semaphore, #tpu.memory_space<semaphore_mem>>
      %dma_start3A_57 = arith.constant 0 : i32
      %dma_start3A_58 = tpu.memref_slice %arg8[%mul3A_6, %dma_start3A_57] : memref<10240x128xf32, #tpu.memory_space<vmem_shared>> -> memref<640x128xf32, #tpu.memory_space<vmem_shared>>
      %dma_start3A_59 = arith.constant 0 : i32
      %dma_start3A_60 = tpu.memref_slice %arg4[%mul3A_4, %dma_start3A_59] : memref<10240x128xf32, #tpu.memory_space<hbm>> -> memref<640x128xf32, #tpu.memory_space<hbm>>
      tpu.enqueue_dma source(%dma_start3A_60 : memref<640x128xf32, #tpu.memory_space<hbm>>) target(%dma_start3A_58 : memref<640x128xf32, #tpu.memory_space<vmem_shared>>) target_semaphore(%run_scoped3A : memref<!tpu.dma_semaphore, #tpu.memory_space<semaphore_mem>>)
      %dma_wait3A_61 = arith.constant 0 : i32
      %dma_wait3A_62 = tpu.memref_slice %arg8[%mul3A_6, %dma_wait3A_61] : memref<10240x128xf32, #tpu.memory_space<vmem_shared>> -> memref<640x128xf32, #tpu.memory_space<vmem_shared>>
      %dma_wait3A_63 = arith.constant 0 : i32
      %dma_wait3A_64 = tpu.memref_slice %arg4[%mul3A_4, %dma_wait3A_63] : memref<10240x128xf32, #tpu.memory_space<hbm>> -> memref<640x128xf32, #tpu.memory_space<hbm>>
      tpu.wait_dma2 semaphore(%run_scoped3A : memref<!tpu.dma_semaphore, #tpu.memory_space<semaphore_mem>>) src(%dma_wait3A_64 : memref<640x128xf32, #tpu.memory_space<hbm>>) dst(%dma_wait3A_62 : memref<640x128xf32, #tpu.memory_space<vmem_shared>>)
      tpu.yield
    }) : () -> ()
    %barrier3A = arith.constant 0 : index
    tpu.barrier barrier_id(%barrier3A)
    %dma_start3A = arith.constant 0 : i32
    %dma_start3A_7 = tpu.memref_slice %arg6[%dma_start3A] : memref<20000xi32, #tpu.memory_space<vmem>> -> memref<200xi32, #tpu.memory_space<vmem>>
    %dma_start3A_8 = arith.constant 0 : i32
    %dma_start3A_9 = arith.constant 0 : i32
    %dma_start3A_10 = tpu.memref_slice %arg8[%dma_start3A_8, %dma_start3A_9] : memref<10240x128xf32, #tpu.memory_space<vmem_shared>> -> memref<10240x128xf32, #tpu.memory_space<vmem_shared>>
    tpu.enqueue_indirect_dma source(%arg7 : memref<200x128xf32, #tpu.memory_space<vmem>>) target(%dma_start3A_10 : memref<10240x128xf32, #tpu.memory_space<vmem_shared>>) offsets(%dma_start3A_7 : memref<200xi32, #tpu.memory_space<vmem>>) semaphore(%arg9 : memref<!tpu.dma_semaphore, #tpu.memory_space<semaphore_mem>>) {add = true}
    %dma_start3A_11 = arith.constant 200 : i32
    %dma_start3A_12 = tpu.memref_slice %arg6[%dma_start3A_11] : memref<20000xi32, #tpu.memory_space<vmem>> -> memref<200xi32, #tpu.memory_space<vmem>>
    %dma_start3A_13 = arith.constant 0 : i32
    %dma_start3A_14 = arith.constant 0 : i32
    %dma_start3A_15 = tpu.memref_slice %arg8[%dma_start3A_13, %dma_start3A_14] : memref<10240x128xf32, #tpu.memory_space<vmem_shared>> -> memref<10240x128xf32, #tpu.memory_space<vmem_shared>>
    tpu.enqueue_indirect_dma source(%arg7 : memref<200x128xf32, #tpu.memory_space<vmem>>) target(%dma_start3A_15 : memref<10240x128xf32, #tpu.memory_space<vmem_shared>>) offsets(%dma_start3A_12 : memref<200xi32, #tpu.memory_space<vmem>>) semaphore(%arg9 : memref<!tpu.dma_semaphore, #tpu.memory_space<semaphore_mem>>) {add = true}
    %dma_start3A_16 = arith.constant 400 : i32
    %dma_start3A_17 = tpu.memref_slice %arg6[%dma_start3A_16] : memref<20000xi32, #tpu.memory_space<vmem>> -> memref<200xi32, #tpu.memory_space<vmem>>
    %dma_start3A_18 = arith.constant 0 : i32
    %dma_start3A_19 = arith.constant 0 : i32
    %dma_start3A_20 = tpu.memref_slice %arg8[%dma_start3A_18, %dma_start3A_19] : memref<10240x128xf32, #tpu.memory_space<vmem_shared>> -> memref<10240x128xf32, #tpu.memory_space<vmem_shared>>
    tpu.enqueue_indirect_dma source(%arg7 : memref<200x128xf32, #tpu.memory_space<vmem>>) target(%dma_start3A_20 : memref<10240x128xf32, #tpu.memory_space<vmem_shared>>) offsets(%dma_start3A_17 : memref<200xi32, #tpu.memory_space<vmem>>) semaphore(%arg9 : memref<!tpu.dma_semaphore, #tpu.memory_space<semaphore_mem>>) {add = true}
    %dma_start3A_21 = arith.constant 600 : i32
    %dma_start3A_22 = tpu.memref_slice %arg6[%dma_start3A_21] : memref<20000xi32, #tpu.memory_space<vmem>> -> memref<200xi32, #tpu.memory_space<vmem>>
    %dma_start3A_23 = arith.constant 0 : i32
    %dma_start3A_24 = arith.constant 0 : i32
    %dma_start3A_25 = tpu.memref_slice %arg8[%dma_start3A_23, %dma_start3A_24] : memref<10240x128xf32, #tpu.memory_space<vmem_shared>> -> memref<10240x128xf32, #tpu.memory_space<vmem_shared>>
    tpu.enqueue_indirect_dma source(%arg7 : memref<200x128xf32, #tpu.memory_space<vmem>>) target(%dma_start3A_25 : memref<10240x128xf32, #tpu.memory_space<vmem_shared>>) offsets(%dma_start3A_22 : memref<200xi32, #tpu.memory_space<vmem>>) semaphore(%arg9 : memref<!tpu.dma_semaphore, #tpu.memory_space<semaphore_mem>>) {add = true}
    %scan3A = arith.constant 0 : i32
    %scan3A_26 = arith.constant 96 : i32
    %scan3A_27 = arith.addi %scan3A, %scan3A_26 : i32
    %scan3A_28 = arith.constant 1 : i32
    scf.for %scan3A_57 = %scan3A to %scan3A_27 step %scan3A_28  : i32 {
      %mul3A_58 = arith.constant 1 : i32
      %mul3A_59 = arith.muli %scan3A_57, %mul3A_58 : i32
      %add3A_60 = arith.constant 4 : i32
      %add3A_61 = arith.addi %add3A_60, %mul3A_59 : i32
      %dma_wait3A_62 = arith.constant 0 : i32
      %dma_wait3A_63 = tpu.memref_slice %arg6[%dma_wait3A_62] : memref<20000xi32, #tpu.memory_space<vmem>> -> memref<200xi32, #tpu.memory_space<vmem>>
      %dma_wait3A_64 = arith.constant 0 : i32
      %dma_wait3A_65 = arith.constant 0 : i32
      %dma_wait3A_66 = tpu.memref_slice %arg8[%dma_wait3A_64, %dma_wait3A_65] : memref<10240x128xf32, #tpu.memory_space<vmem_shared>> -> memref<10240x128xf32, #tpu.memory_space<vmem_shared>>
      tpu.wait_indirect_dma semaphore(%arg9 : memref<!tpu.dma_semaphore, #tpu.memory_space<semaphore_mem>>) src(%arg7 : memref<200x128xf32, #tpu.memory_space<vmem>>) dst(%dma_wait3A_66 : memref<10240x128xf32, #tpu.memory_space<vmem_shared>>)
      %mul3A_67 = arith.constant 200 : i32
      %mul3A_68 = arith.muli %add3A_61, %mul3A_67 : i32
      %dma_start3A_69 = tpu.memref_slice %arg6[%mul3A_68] : memref<20000xi32, #tpu.memory_space<vmem>> -> memref<200xi32, #tpu.memory_space<vmem>>
      %dma_start3A_70 = arith.constant 0 : i32
      %dma_start3A_71 = arith.constant 0 : i32
      %dma_start3A_72 = tpu.memref_slice %arg8[%dma_start3A_70, %dma_start3A_71] : memref<10240x128xf32, #tpu.memory_space<vmem_shared>> -> memref<10240x128xf32, #tpu.memory_space<vmem_shared>>
      tpu.enqueue_indirect_dma source(%arg7 : memref<200x128xf32, #tpu.memory_space<vmem>>) target(%dma_start3A_72 : memref<10240x128xf32, #tpu.memory_space<vmem_shared>>) offsets(%dma_start3A_69 : memref<200xi32, #tpu.memory_space<vmem>>) semaphore(%arg9 : memref<!tpu.dma_semaphore, #tpu.memory_space<semaphore_mem>>) {add = true}
    }
    %scan3A_29 = arith.constant 96 : i32
    %dma_wait3A = arith.constant 0 : i32
    %dma_wait3A_30 = tpu.memref_slice %arg6[%dma_wait3A] : memref<20000xi32, #tpu.memory_space<vmem>> -> memref<200xi32, #tpu.memory_space<vmem>>
    %dma_wait3A_31 = arith.constant 0 : i32
    %dma_wait3A_32 = arith.constant 0 : i32
    %dma_wait3A_33 = tpu.memref_slice %arg8[%dma_wait3A_31, %dma_wait3A_32] : memref<10240x128xf32, #tpu.memory_space<vmem_shared>> -> memref<10240x128xf32, #tpu.memory_space<vmem_shared>>
    tpu.wait_indirect_dma semaphore(%arg9 : memref<!tpu.dma_semaphore, #tpu.memory_space<semaphore_mem>>) src(%arg7 : memref<200x128xf32, #tpu.memory_space<vmem>>) dst(%dma_wait3A_33 : memref<10240x128xf32, #tpu.memory_space<vmem_shared>>)
    %dma_wait3A_34 = arith.constant 0 : i32
    %dma_wait3A_35 = tpu.memref_slice %arg6[%dma_wait3A_34] : memref<20000xi32, #tpu.memory_space<vmem>> -> memref<200xi32, #tpu.memory_space<vmem>>
    %dma_wait3A_36 = arith.constant 0 : i32
    %dma_wait3A_37 = arith.constant 0 : i32
    %dma_wait3A_38 = tpu.memref_slice %arg8[%dma_wait3A_36, %dma_wait3A_37] : memref<10240x128xf32, #tpu.memory_space<vmem_shared>> -> memref<10240x128xf32, #tpu.memory_space<vmem_shared>>
    tpu.wait_indirect_dma semaphore(%arg9 : memref<!tpu.dma_semaphore, #tpu.memory_space<semaphore_mem>>) src(%arg7 : memref<200x128xf32, #tpu.memory_space<vmem>>) dst(%dma_wait3A_38 : memref<10240x128xf32, #tpu.memory_space<vmem_shared>>)
    %dma_wait3A_39 = arith.constant 0 : i32
    %dma_wait3A_40 = tpu.memref_slice %arg6[%dma_wait3A_39] : memref<20000xi32, #tpu.memory_space<vmem>> -> memref<200xi32, #tpu.memory_space<vmem>>
    %dma_wait3A_41 = arith.constant 0 : i32
    %dma_wait3A_42 = arith.constant 0 : i32
    %dma_wait3A_43 = tpu.memref_slice %arg8[%dma_wait3A_41, %dma_wait3A_42] : memref<10240x128xf32, #tpu.memory_space<vmem_shared>> -> memref<10240x128xf32, #tpu.memory_space<vmem_shared>>
    tpu.wait_indirect_dma semaphore(%arg9 : memref<!tpu.dma_semaphore, #tpu.memory_space<semaphore_mem>>) src(%arg7 : memref<200x128xf32, #tpu.memory_space<vmem>>) dst(%dma_wait3A_43 : memref<10240x128xf32, #tpu.memory_space<vmem_shared>>)
    %dma_wait3A_44 = arith.constant 0 : i32
    %dma_wait3A_45 = tpu.memref_slice %arg6[%dma_wait3A_44] : memref<20000xi32, #tpu.memory_space<vmem>> -> memref<200xi32, #tpu.memory_space<vmem>>
    %dma_wait3A_46 = arith.constant 0 : i32
    %dma_wait3A_47 = arith.constant 0 : i32
    %dma_wait3A_48 = tpu.memref_slice %arg8[%dma_wait3A_46, %dma_wait3A_47] : memref<10240x128xf32, #tpu.memory_space<vmem_shared>> -> memref<10240x128xf32, #tpu.memory_space<vmem_shared>>
    tpu.wait_indirect_dma semaphore(%arg9 : memref<!tpu.dma_semaphore, #tpu.memory_space<semaphore_mem>>) src(%arg7 : memref<200x128xf32, #tpu.memory_space<vmem>>) dst(%dma_wait3A_48 : memref<10240x128xf32, #tpu.memory_space<vmem_shared>>)
    %barrier3A_49 = arith.constant 0 : index
    tpu.barrier barrier_id(%barrier3A_49)
    %mul3A_50 = arith.constant 640 : i32
    %mul3A_51 = arith.muli %arg1, %mul3A_50 : i32
    %mul3A_52 = arith.constant 10240 : i32
    %mul3A_53 = arith.muli %arg0, %mul3A_52 : i32
    %mul3A_54 = arith.constant 640 : i32
    %mul3A_55 = arith.muli %arg1, %mul3A_54 : i32
    %add3A_56 = arith.addi %mul3A_53, %mul3A_55 : i32
    "tpu.region"() ({
      %run_scoped3A = tpu.sem_alloc : memref<!tpu.dma_semaphore, #tpu.memory_space<semaphore_mem>>
      %dma_start3A_57 = arith.constant 0 : i32
      %dma_start3A_58 = tpu.memref_slice %arg5[%add3A_56, %dma_start3A_57] : memref<20480x128xf32, #tpu.memory_space<hbm>> -> memref<640x128xf32, #tpu.memory_space<hbm>>
      %dma_start3A_59 = arith.constant 0 : i32
      %dma_start3A_60 = tpu.memref_slice %arg8[%mul3A_51, %dma_start3A_59] : memref<10240x128xf32, #tpu.memory_space<vmem_shared>> -> memref<640x128xf32, #tpu.memory_space<vmem_shared>>
      tpu.enqueue_dma source(%dma_start3A_60 : memref<640x128xf32, #tpu.memory_space<vmem_shared>>) target(%dma_start3A_58 : memref<640x128xf32, #tpu.memory_space<hbm>>) target_semaphore(%run_scoped3A : memref<!tpu.dma_semaphore, #tpu.memory_space<semaphore_mem>>)
      %dma_wait3A_61 = arith.constant 0 : i32
      %dma_wait3A_62 = tpu.memref_slice %arg5[%add3A_56, %dma_wait3A_61] : memref<20480x128xf32, #tpu.memory_space<hbm>> -> memref<640x128xf32, #tpu.memory_space<hbm>>
      %dma_wait3A_63 = arith.constant 0 : i32
      %dma_wait3A_64 = tpu.memref_slice %arg8[%mul3A_51, %dma_wait3A_63] : memref<10240x128xf32, #tpu.memory_space<vmem_shared>> -> memref<640x128xf32, #tpu.memory_space<vmem_shared>>
      tpu.wait_dma2 semaphore(%run_scoped3A : memref<!tpu.dma_semaphore, #tpu.memory_space<semaphore_mem>>) src(%dma_wait3A_64 : memref<640x128xf32, #tpu.memory_space<vmem_shared>>) dst(%dma_wait3A_62 : memref<640x128xf32, #tpu.memory_space<hbm>>)
      tpu.yield
    }) : () -> ()
    return
  }
}

#map = affine_map<(d0, d1) -> (0, 0)>
#map1 = affine_map<(d0, d1) -> (0)>
module attributes {stable_mosaic.version = 14 : i64} {
  func.func @_sc_body_gs(%arg0: i32, %arg1: i32, %arg2: memref<10000x128xf32, #tpu.memory_space<hbm>>, %arg3: memref<320000xi32, #tpu.memory_space<hbm>>, %arg4: memref<320000xi32, #tpu.memory_space<hbm>>, %arg5: memref<10240x128xf32, #tpu.memory_space<hbm>>, %arg6: memref<20480x128xf32, #tpu.memory_space<hbm>>, %arg7: memref<10000xi32, #tpu.memory_space<vmem>>, %arg8: memref<10000xi32, #tpu.memory_space<vmem>>, %arg9: memref<40x128xf32, #tpu.memory_space<vmem>>, %arg10: memref<40x128xf32, #tpu.memory_space<vmem>>, %arg11: memref<40x128xf32, #tpu.memory_space<vmem>>, %arg12: memref<40x128xf32, #tpu.memory_space<vmem>>, %arg13: memref<40x128xf32, #tpu.memory_space<vmem>>, %arg14: memref<10240x128xf32, #tpu.memory_space<vmem_shared>>, %arg15: memref<!tpu.dma_semaphore, #tpu.memory_space<semaphore_mem>>, %arg16: memref<!tpu.dma_semaphore, #tpu.memory_space<semaphore_mem>>, %arg17: memref<!tpu.dma_semaphore, #tpu.memory_space<semaphore_mem>>, %arg18: memref<!tpu.dma_semaphore, #tpu.memory_space<semaphore_mem>>, %arg19: memref<!tpu.dma_semaphore, #tpu.memory_space<semaphore_mem>>) attributes {dimension_semantics = [#tpu.dimension_semantics<core_parallel>, #tpu.dimension_semantics<subcore_parallel>], iteration_bounds = array<i64: 2, 16>, scalar_prefetch = 0 : i64, scratch_operands = 13 : i64, tpu.core_type = #tpu.core_type<sc_vector_subcore>, window_params = [{transform_indices = #map}, {transform_indices = #map1}, {transform_indices = #map1}, {transform_indices = #map}, {transform_indices = #map}]} {
    %mul3A = arith.constant 2 : i32
    %mul3A_0 = arith.muli %arg1, %mul3A : i32
    %add3A = arith.addi %mul3A_0, %arg0 : i32
    %mul3A_1 = arith.constant 10000 : i32
    %mul3A_2 = arith.muli %add3A, %mul3A_1 : i32
    "tpu.region"() ({
      %run_scoped3A = tpu.sem_alloc : memref<!tpu.dma_semaphore, #tpu.memory_space<semaphore_mem>>
      %dma_start3A_69 = tpu.memref_slice %arg3[%mul3A_2] : memref<320000xi32, #tpu.memory_space<hbm>> -> memref<10000xi32, #tpu.memory_space<hbm>>
      %dma_start3A_70 = tpu.memref_slice %arg3[%mul3A_2] : memref<320000xi32, #tpu.memory_space<hbm>> -> memref<10000xi32, #tpu.memory_space<hbm>>
      tpu.enqueue_dma source(%dma_start3A_70 : memref<10000xi32, #tpu.memory_space<hbm>>) target(%arg7 : memref<10000xi32, #tpu.memory_space<vmem>>) target_semaphore(%run_scoped3A : memref<!tpu.dma_semaphore, #tpu.memory_space<semaphore_mem>>)
      %dma_wait3A_71 = tpu.memref_slice %arg3[%mul3A_2] : memref<320000xi32, #tpu.memory_space<hbm>> -> memref<10000xi32, #tpu.memory_space<hbm>>
      %dma_wait3A_72 = tpu.memref_slice %arg3[%mul3A_2] : memref<320000xi32, #tpu.memory_space<hbm>> -> memref<10000xi32, #tpu.memory_space<hbm>>
      tpu.wait_dma2 semaphore(%run_scoped3A : memref<!tpu.dma_semaphore, #tpu.memory_space<semaphore_mem>>) src(%dma_wait3A_72 : memref<10000xi32, #tpu.memory_space<hbm>>) dst(%arg7 : memref<10000xi32, #tpu.memory_space<vmem>>)
      tpu.yield
    }) : () -> ()
    %mul3A_3 = arith.constant 10000 : i32
    %mul3A_4 = arith.muli %add3A, %mul3A_3 : i32
    "tpu.region"() ({
      %run_scoped3A = tpu.sem_alloc : memref<!tpu.dma_semaphore, #tpu.memory_space<semaphore_mem>>
      %dma_start3A_69 = tpu.memref_slice %arg4[%mul3A_4] : memref<320000xi32, #tpu.memory_space<hbm>> -> memref<10000xi32, #tpu.memory_space<hbm>>
      %dma_start3A_70 = tpu.memref_slice %arg4[%mul3A_4] : memref<320000xi32, #tpu.memory_space<hbm>> -> memref<10000xi32, #tpu.memory_space<hbm>>
      tpu.enqueue_dma source(%dma_start3A_70 : memref<10000xi32, #tpu.memory_space<hbm>>) target(%arg8 : memref<10000xi32, #tpu.memory_space<vmem>>) target_semaphore(%run_scoped3A : memref<!tpu.dma_semaphore, #tpu.memory_space<semaphore_mem>>)
      %dma_wait3A_71 = tpu.memref_slice %arg4[%mul3A_4] : memref<320000xi32, #tpu.memory_space<hbm>> -> memref<10000xi32, #tpu.memory_space<hbm>>
      %dma_wait3A_72 = tpu.memref_slice %arg4[%mul3A_4] : memref<320000xi32, #tpu.memory_space<hbm>> -> memref<10000xi32, #tpu.memory_space<hbm>>
      tpu.wait_dma2 semaphore(%run_scoped3A : memref<!tpu.dma_semaphore, #tpu.memory_space<semaphore_mem>>) src(%dma_wait3A_72 : memref<10000xi32, #tpu.memory_space<hbm>>) dst(%arg8 : memref<10000xi32, #tpu.memory_space<vmem>>)
      tpu.yield
    }) : () -> ()
    %mul3A_5 = arith.constant 640 : i32
    %mul3A_6 = arith.muli %arg1, %mul3A_5 : i32
    %mul3A_7 = arith.constant 640 : i32
    %mul3A_8 = arith.muli %arg1, %mul3A_7 : i32
    "tpu.region"() ({
      %run_scoped3A = tpu.sem_alloc : memref<!tpu.dma_semaphore, #tpu.memory_space<semaphore_mem>>
      %dma_start3A_69 = arith.constant 0 : i32
      %dma_start3A_70 = tpu.memref_slice %arg14[%mul3A_8, %dma_start3A_69] : memref<10240x128xf32, #tpu.memory_space<vmem_shared>> -> memref<640x128xf32, #tpu.memory_space<vmem_shared>>
      %dma_start3A_71 = arith.constant 0 : i32
      %dma_start3A_72 = tpu.memref_slice %arg5[%mul3A_6, %dma_start3A_71] : memref<10240x128xf32, #tpu.memory_space<hbm>> -> memref<640x128xf32, #tpu.memory_space<hbm>>
      tpu.enqueue_dma source(%dma_start3A_72 : memref<640x128xf32, #tpu.memory_space<hbm>>) target(%dma_start3A_70 : memref<640x128xf32, #tpu.memory_space<vmem_shared>>) target_semaphore(%run_scoped3A : memref<!tpu.dma_semaphore, #tpu.memory_space<semaphore_mem>>)
      %dma_wait3A_73 = arith.constant 0 : i32
      %dma_wait3A_74 = tpu.memref_slice %arg14[%mul3A_8, %dma_wait3A_73] : memref<10240x128xf32, #tpu.memory_space<vmem_shared>> -> memref<640x128xf32, #tpu.memory_space<vmem_shared>>
      %dma_wait3A_75 = arith.constant 0 : i32
      %dma_wait3A_76 = tpu.memref_slice %arg5[%mul3A_6, %dma_wait3A_75] : memref<10240x128xf32, #tpu.memory_space<hbm>> -> memref<640x128xf32, #tpu.memory_space<hbm>>
      tpu.wait_dma2 semaphore(%run_scoped3A : memref<!tpu.dma_semaphore, #tpu.memory_space<semaphore_mem>>) src(%dma_wait3A_76 : memref<640x128xf32, #tpu.memory_space<hbm>>) dst(%dma_wait3A_74 : memref<640x128xf32, #tpu.memory_space<vmem_shared>>)
      tpu.yield
    }) : () -> ()
    %barrier3A = arith.constant 0 : index
    tpu.barrier barrier_id(%barrier3A)
    %dma_start3A = arith.constant 0 : i32
    %dma_start3A_9 = tpu.memref_slice %arg7[%dma_start3A] : memref<10000xi32, #tpu.memory_space<vmem>> -> memref<40xi32, #tpu.memory_space<vmem>>
    %dma_start3A_10 = arith.constant 0 : i32
    %dma_start3A_11 = arith.constant 0 : i32
    %dma_start3A_12 = tpu.memref_slice %arg2[%dma_start3A_10, %dma_start3A_11] : memref<10000x128xf32, #tpu.memory_space<hbm>> -> memref<10000x128xf32, #tpu.memory_space<hbm>>
    tpu.enqueue_indirect_dma source(%dma_start3A_12 : memref<10000x128xf32, #tpu.memory_space<hbm>>) target(%arg9 : memref<40x128xf32, #tpu.memory_space<vmem>>) offsets(%dma_start3A_9 : memref<40xi32, #tpu.memory_space<vmem>>) semaphore(%arg15 : memref<!tpu.dma_semaphore, #tpu.memory_space<semaphore_mem>>)
    %dma_start3A_13 = arith.constant 40 : i32
    %dma_start3A_14 = tpu.memref_slice %arg7[%dma_start3A_13] : memref<10000xi32, #tpu.memory_space<vmem>> -> memref<40xi32, #tpu.memory_space<vmem>>
    %dma_start3A_15 = arith.constant 0 : i32
    %dma_start3A_16 = arith.constant 0 : i32
    %dma_start3A_17 = tpu.memref_slice %arg2[%dma_start3A_15, %dma_start3A_16] : memref<10000x128xf32, #tpu.memory_space<hbm>> -> memref<10000x128xf32, #tpu.memory_space<hbm>>
    tpu.enqueue_indirect_dma source(%dma_start3A_17 : memref<10000x128xf32, #tpu.memory_space<hbm>>) target(%arg10 : memref<40x128xf32, #tpu.memory_space<vmem>>) offsets(%dma_start3A_14 : memref<40xi32, #tpu.memory_space<vmem>>) semaphore(%arg16 : memref<!tpu.dma_semaphore, #tpu.memory_space<semaphore_mem>>)
    %dma_start3A_18 = arith.constant 80 : i32
    %dma_start3A_19 = tpu.memref_slice %arg7[%dma_start3A_18] : memref<10000xi32, #tpu.memory_space<vmem>> -> memref<40xi32, #tpu.memory_space<vmem>>
    %dma_start3A_20 = arith.constant 0 : i32
    %dma_start3A_21 = arith.constant 0 : i32
    %dma_start3A_22 = tpu.memref_slice %arg2[%dma_start3A_20, %dma_start3A_21] : memref<10000x128xf32, #tpu.memory_space<hbm>> -> memref<10000x128xf32, #tpu.memory_space<hbm>>
    tpu.enqueue_indirect_dma source(%dma_start3A_22 : memref<10000x128xf32, #tpu.memory_space<hbm>>) target(%arg11 : memref<40x128xf32, #tpu.memory_space<vmem>>) offsets(%dma_start3A_19 : memref<40xi32, #tpu.memory_space<vmem>>) semaphore(%arg17 : memref<!tpu.dma_semaphore, #tpu.memory_space<semaphore_mem>>)
    %dma_start3A_23 = arith.constant 120 : i32
    %dma_start3A_24 = tpu.memref_slice %arg7[%dma_start3A_23] : memref<10000xi32, #tpu.memory_space<vmem>> -> memref<40xi32, #tpu.memory_space<vmem>>
    %dma_start3A_25 = arith.constant 0 : i32
    %dma_start3A_26 = arith.constant 0 : i32
    %dma_start3A_27 = tpu.memref_slice %arg2[%dma_start3A_25, %dma_start3A_26] : memref<10000x128xf32, #tpu.memory_space<hbm>> -> memref<10000x128xf32, #tpu.memory_space<hbm>>
    tpu.enqueue_indirect_dma source(%dma_start3A_27 : memref<10000x128xf32, #tpu.memory_space<hbm>>) target(%arg12 : memref<40x128xf32, #tpu.memory_space<vmem>>) offsets(%dma_start3A_24 : memref<40xi32, #tpu.memory_space<vmem>>) semaphore(%arg18 : memref<!tpu.dma_semaphore, #tpu.memory_space<semaphore_mem>>)
    %dma_start3A_28 = arith.constant 160 : i32
    %dma_start3A_29 = tpu.memref_slice %arg7[%dma_start3A_28] : memref<10000xi32, #tpu.memory_space<vmem>> -> memref<40xi32, #tpu.memory_space<vmem>>
    %dma_start3A_30 = arith.constant 0 : i32
    %dma_start3A_31 = arith.constant 0 : i32
    %dma_start3A_32 = tpu.memref_slice %arg2[%dma_start3A_30, %dma_start3A_31] : memref<10000x128xf32, #tpu.memory_space<hbm>> -> memref<10000x128xf32, #tpu.memory_space<hbm>>
    tpu.enqueue_indirect_dma source(%dma_start3A_32 : memref<10000x128xf32, #tpu.memory_space<hbm>>) target(%arg13 : memref<40x128xf32, #tpu.memory_space<vmem>>) offsets(%dma_start3A_29 : memref<40xi32, #tpu.memory_space<vmem>>) semaphore(%arg19 : memref<!tpu.dma_semaphore, #tpu.memory_space<semaphore_mem>>)
    %scan3A = arith.constant 0 : i32
    %scan3A_33 = arith.constant 49 : i32
    %scan3A_34 = arith.addi %scan3A, %scan3A_33 : i32
    %scan3A_35 = arith.constant 1 : i32
    scf.for %scan3A_69 = %scan3A to %scan3A_34 step %scan3A_35  : i32 {
      %mul3A_70 = arith.constant 5 : i32
      %mul3A_71 = arith.muli %scan3A_69, %mul3A_70 : i32
      %add3A_72 = arith.constant 0 : i32
      %add3A_73 = arith.addi %add3A_72, %mul3A_71 : i32
      %add3A_74 = arith.constant 0 : i32
      %add3A_75 = arith.addi %add3A_73, %add3A_74 : i32
      %mul3A_76 = arith.constant 40 : i32
      %mul3A_77 = arith.muli %add3A_75, %mul3A_76 : i32
      %dma_wait3A_78 = tpu.memref_slice %arg7[%mul3A_77] : memref<10000xi32, #tpu.memory_space<vmem>> -> memref<40xi32, #tpu.memory_space<vmem>>
      %dma_wait3A_79 = arith.constant 0 : i32
      %dma_wait3A_80 = arith.constant 0 : i32
      %dma_wait3A_81 = tpu.memref_slice %arg2[%dma_wait3A_79, %dma_wait3A_80] : memref<10000x128xf32, #tpu.memory_space<hbm>> -> memref<10000x128xf32, #tpu.memory_space<hbm>>
      tpu.wait_indirect_dma semaphore(%arg15 : memref<!tpu.dma_semaphore, #tpu.memory_space<semaphore_mem>>) src(%dma_wait3A_81 : memref<10000x128xf32, #tpu.memory_space<hbm>>) dst(%arg9 : memref<40x128xf32, #tpu.memory_space<vmem>>)
      %mul3A_82 = arith.constant 40 : i32
      %mul3A_83 = arith.muli %add3A_75, %mul3A_82 : i32
      "tpu.region"() ({
        %run_scoped3A = tpu.sem_alloc : memref<!tpu.dma_semaphore, #tpu.memory_space<semaphore_mem>>
        %dma_start3A_174 = tpu.memref_slice %arg8[%mul3A_83] : memref<10000xi32, #tpu.memory_space<vmem>> -> memref<40xi32, #tpu.memory_space<vmem>>
        %dma_start3A_175 = arith.constant 0 : i32
        %dma_start3A_176 = arith.constant 0 : i32
        %dma_start3A_177 = tpu.memref_slice %arg14[%dma_start3A_175, %dma_start3A_176] : memref<10240x128xf32, #tpu.memory_space<vmem_shared>> -> memref<10240x128xf32, #tpu.memory_space<vmem_shared>>
        tpu.enqueue_indirect_dma source(%arg9 : memref<40x128xf32, #tpu.memory_space<vmem>>) target(%dma_start3A_177 : memref<10240x128xf32, #tpu.memory_space<vmem_shared>>) offsets(%dma_start3A_174 : memref<40xi32, #tpu.memory_space<vmem>>) semaphore(%run_scoped3A : memref<!tpu.dma_semaphore, #tpu.memory_space<semaphore_mem>>) {add = true}
        %dma_wait3A_178 = tpu.memref_slice %arg8[%mul3A_83] : memref<10000xi32, #tpu.memory_space<vmem>> -> memref<40xi32, #tpu.memory_space<vmem>>
        %dma_wait3A_179 = arith.constant 0 : i32
        %dma_wait3A_180 = arith.constant 0 : i32
        %dma_wait3A_181 = tpu.memref_slice %arg14[%dma_wait3A_179, %dma_wait3A_180] : memref<10240x128xf32, #tpu.memory_space<vmem_shared>> -> memref<10240x128xf32, #tpu.memory_space<vmem_shared>>
        tpu.wait_indirect_dma semaphore(%run_scoped3A : memref<!tpu.dma_semaphore, #tpu.memory_space<semaphore_mem>>) src(%arg9 : memref<40x128xf32, #tpu.memory_space<vmem>>) dst(%dma_wait3A_181 : memref<10240x128xf32, #tpu.memory_space<vmem_shared>>)
        tpu.yield
      }) : () -> ()
      %add3A_84 = arith.constant 0 : i32
      %add3A_85 = arith.addi %add3A_73, %add3A_84 : i32
      %add3A_86 = arith.constant 5 : i32
      %add3A_87 = arith.addi %add3A_85, %add3A_86 : i32
      %mul3A_88 = arith.constant 40 : i32
      %mul3A_89 = arith.muli %add3A_87, %mul3A_88 : i32
      %dma_start3A_90 = tpu.memref_slice %arg7[%mul3A_89] : memref<10000xi32, #tpu.memory_space<vmem>> -> memref<40xi32, #tpu.memory_space<vmem>>
      %dma_start3A_91 = arith.constant 0 : i32
      %dma_start3A_92 = arith.constant 0 : i32
      %dma_start3A_93 = tpu.memref_slice %arg2[%dma_start3A_91, %dma_start3A_92] : memref<10000x128xf32, #tpu.memory_space<hbm>> -> memref<10000x128xf32, #tpu.memory_space<hbm>>
      tpu.enqueue_indirect_dma source(%dma_start3A_93 : memref<10000x128xf32, #tpu.memory_space<hbm>>) target(%arg9 : memref<40x128xf32, #tpu.memory_space<vmem>>) offsets(%dma_start3A_90 : memref<40xi32, #tpu.memory_space<vmem>>) semaphore(%arg15 : memref<!tpu.dma_semaphore, #tpu.memory_space<semaphore_mem>>)
      %add3A_94 = arith.constant 1 : i32
      %add3A_95 = arith.addi %add3A_73, %add3A_94 : i32
      %mul3A_96 = arith.constant 40 : i32
      %mul3A_97 = arith.muli %add3A_95, %mul3A_96 : i32
      %dma_wait3A_98 = tpu.memref_slice %arg7[%mul3A_97] : memref<10000xi32, #tpu.memory_space<vmem>> -> memref<40xi32, #tpu.memory_space<vmem>>
      %dma_wait3A_99 = arith.constant 0 : i32
      %dma_wait3A_100 = arith.constant 0 : i32
      %dma_wait3A_101 = tpu.memref_slice %arg2[%dma_wait3A_99, %dma_wait3A_100] : memref<10000x128xf32, #tpu.memory_space<hbm>> -> memref<10000x128xf32, #tpu.memory_space<hbm>>
      tpu.wait_indirect_dma semaphore(%arg16 : memref<!tpu.dma_semaphore, #tpu.memory_space<semaphore_mem>>) src(%dma_wait3A_101 : memref<10000x128xf32, #tpu.memory_space<hbm>>) dst(%arg10 : memref<40x128xf32, #tpu.memory_space<vmem>>)
      %mul3A_102 = arith.constant 40 : i32
      %mul3A_103 = arith.muli %add3A_95, %mul3A_102 : i32
      "tpu.region"() ({
        %run_scoped3A = tpu.sem_alloc : memref<!tpu.dma_semaphore, #tpu.memory_space<semaphore_mem>>
        %dma_start3A_174 = tpu.memref_slice %arg8[%mul3A_103] : memref<10000xi32, #tpu.memory_space<vmem>> -> memref<40xi32, #tpu.memory_space<vmem>>
        %dma_start3A_175 = arith.constant 0 : i32
        %dma_start3A_176 = arith.constant 0 : i32
        %dma_start3A_177 = tpu.memref_slice %arg14[%dma_start3A_175, %dma_start3A_176] : memref<10240x128xf32, #tpu.memory_space<vmem_shared>> -> memref<10240x128xf32, #tpu.memory_space<vmem_shared>>
        tpu.enqueue_indirect_dma source(%arg10 : memref<40x128xf32, #tpu.memory_space<vmem>>) target(%dma_start3A_177 : memref<10240x128xf32, #tpu.memory_space<vmem_shared>>) offsets(%dma_start3A_174 : memref<40xi32, #tpu.memory_space<vmem>>) semaphore(%run_scoped3A : memref<!tpu.dma_semaphore, #tpu.memory_space<semaphore_mem>>) {add = true}
        %dma_wait3A_178 = tpu.memref_slice %arg8[%mul3A_103] : memref<10000xi32, #tpu.memory_space<vmem>> -> memref<40xi32, #tpu.memory_space<vmem>>
        %dma_wait3A_179 = arith.constant 0 : i32
        %dma_wait3A_180 = arith.constant 0 : i32
        %dma_wait3A_181 = tpu.memref_slice %arg14[%dma_wait3A_179, %dma_wait3A_180] : memref<10240x128xf32, #tpu.memory_space<vmem_shared>> -> memref<10240x128xf32, #tpu.memory_space<vmem_shared>>
        tpu.wait_indirect_dma semaphore(%run_scoped3A : memref<!tpu.dma_semaphore, #tpu.memory_space<semaphore_mem>>) src(%arg10 : memref<40x128xf32, #tpu.memory_space<vmem>>) dst(%dma_wait3A_181 : memref<10240x128xf32, #tpu.memory_space<vmem_shared>>)
        tpu.yield
      }) : () -> ()
      %add3A_104 = arith.constant 1 : i32
      %add3A_105 = arith.addi %add3A_73, %add3A_104 : i32
      %add3A_106 = arith.constant 5 : i32
      %add3A_107 = arith.addi %add3A_105, %add3A_106 : i32
      %mul3A_108 = arith.constant 40 : i32
      %mul3A_109 = arith.muli %add3A_107, %mul3A_108 : i32
      %dma_start3A_110 = tpu.memref_slice %arg7[%mul3A_109] : memref<10000xi32, #tpu.memory_space<vmem>> -> memref<40xi32, #tpu.memory_space<vmem>>
      %dma_start3A_111 = arith.constant 0 : i32
      %dma_start3A_112 = arith.constant 0 : i32
      %dma_start3A_113 = tpu.memref_slice %arg2[%dma_start3A_111, %dma_start3A_112] : memref<10000x128xf32, #tpu.memory_space<hbm>> -> memref<10000x128xf32, #tpu.memory_space<hbm>>
      tpu.enqueue_indirect_dma source(%dma_start3A_113 : memref<10000x128xf32, #tpu.memory_space<hbm>>) target(%arg10 : memref<40x128xf32, #tpu.memory_space<vmem>>) offsets(%dma_start3A_110 : memref<40xi32, #tpu.memory_space<vmem>>) semaphore(%arg16 : memref<!tpu.dma_semaphore, #tpu.memory_space<semaphore_mem>>)
      %add3A_114 = arith.constant 2 : i32
      %add3A_115 = arith.addi %add3A_73, %add3A_114 : i32
      %mul3A_116 = arith.constant 40 : i32
      %mul3A_117 = arith.muli %add3A_115, %mul3A_116 : i32
      %dma_wait3A_118 = tpu.memref_slice %arg7[%mul3A_117] : memref<10000xi32, #tpu.memory_space<vmem>> -> memref<40xi32, #tpu.memory_space<vmem>>
      %dma_wait3A_119 = arith.constant 0 : i32
      %dma_wait3A_120 = arith.constant 0 : i32
      %dma_wait3A_121 = tpu.memref_slice %arg2[%dma_wait3A_119, %dma_wait3A_120] : memref<10000x128xf32, #tpu.memory_space<hbm>> -> memref<10000x128xf32, #tpu.memory_space<hbm>>
      tpu.wait_indirect_dma semaphore(%arg17 : memref<!tpu.dma_semaphore, #tpu.memory_space<semaphore_mem>>) src(%dma_wait3A_121 : memref<10000x128xf32, #tpu.memory_space<hbm>>) dst(%arg11 : memref<40x128xf32, #tpu.memory_space<vmem>>)
      %mul3A_122 = arith.constant 40 : i32
      %mul3A_123 = arith.muli %add3A_115, %mul3A_122 : i32
      "tpu.region"() ({
        %run_scoped3A = tpu.sem_alloc : memref<!tpu.dma_semaphore, #tpu.memory_space<semaphore_mem>>
        %dma_start3A_174 = tpu.memref_slice %arg8[%mul3A_123] : memref<10000xi32, #tpu.memory_space<vmem>> -> memref<40xi32, #tpu.memory_space<vmem>>
        %dma_start3A_175 = arith.constant 0 : i32
        %dma_start3A_176 = arith.constant 0 : i32
        %dma_start3A_177 = tpu.memref_slice %arg14[%dma_start3A_175, %dma_start3A_176] : memref<10240x128xf32, #tpu.memory_space<vmem_shared>> -> memref<10240x128xf32, #tpu.memory_space<vmem_shared>>
        tpu.enqueue_indirect_dma source(%arg11 : memref<40x128xf32, #tpu.memory_space<vmem>>) target(%dma_start3A_177 : memref<10240x128xf32, #tpu.memory_space<vmem_shared>>) offsets(%dma_start3A_174 : memref<40xi32, #tpu.memory_space<vmem>>) semaphore(%run_scoped3A : memref<!tpu.dma_semaphore, #tpu.memory_space<semaphore_mem>>) {add = true}
        %dma_wait3A_178 = tpu.memref_slice %arg8[%mul3A_123] : memref<10000xi32, #tpu.memory_space<vmem>> -> memref<40xi32, #tpu.memory_space<vmem>>
        %dma_wait3A_179 = arith.constant 0 : i32
        %dma_wait3A_180 = arith.constant 0 : i32
        %dma_wait3A_181 = tpu.memref_slice %arg14[%dma_wait3A_179, %dma_wait3A_180] : memref<10240x128xf32, #tpu.memory_space<vmem_shared>> -> memref<10240x128xf32, #tpu.memory_space<vmem_shared>>
        tpu.wait_indirect_dma semaphore(%run_scoped3A : memref<!tpu.dma_semaphore, #tpu.memory_space<semaphore_mem>>) src(%arg11 : memref<40x128xf32, #tpu.memory_space<vmem>>) dst(%dma_wait3A_181 : memref<10240x128xf32, #tpu.memory_space<vmem_shared>>)
        tpu.yield
      }) : () -> ()
      %add3A_124 = arith.constant 2 : i32
      %add3A_125 = arith.addi %add3A_73, %add3A_124 : i32
      %add3A_126 = arith.constant 5 : i32
      %add3A_127 = arith.addi %add3A_125, %add3A_126 : i32
      %mul3A_128 = arith.constant 40 : i32
      %mul3A_129 = arith.muli %add3A_127, %mul3A_128 : i32
      %dma_start3A_130 = tpu.memref_slice %arg7[%mul3A_129] : memref<10000xi32, #tpu.memory_space<vmem>> -> memref<40xi32, #tpu.memory_space<vmem>>
      %dma_start3A_131 = arith.constant 0 : i32
      %dma_start3A_132 = arith.constant 0 : i32
      %dma_start3A_133 = tpu.memref_slice %arg2[%dma_start3A_131, %dma_start3A_132] : memref<10000x128xf32, #tpu.memory_space<hbm>> -> memref<10000x128xf32, #tpu.memory_space<hbm>>
      tpu.enqueue_indirect_dma source(%dma_start3A_133 : memref<10000x128xf32, #tpu.memory_space<hbm>>) target(%arg11 : memref<40x128xf32, #tpu.memory_space<vmem>>) offsets(%dma_start3A_130 : memref<40xi32, #tpu.memory_space<vmem>>) semaphore(%arg17 : memref<!tpu.dma_semaphore, #tpu.memory_space<semaphore_mem>>)
      %add3A_134 = arith.constant 3 : i32
      %add3A_135 = arith.addi %add3A_73, %add3A_134 : i32
      %mul3A_136 = arith.constant 40 : i32
      %mul3A_137 = arith.muli %add3A_135, %mul3A_136 : i32
      %dma_wait3A_138 = tpu.memref_slice %arg7[%mul3A_137] : memref<10000xi32, #tpu.memory_space<vmem>> -> memref<40xi32, #tpu.memory_space<vmem>>
      %dma_wait3A_139 = arith.constant 0 : i32
      %dma_wait3A_140 = arith.constant 0 : i32
      %dma_wait3A_141 = tpu.memref_slice %arg2[%dma_wait3A_139, %dma_wait3A_140] : memref<10000x128xf32, #tpu.memory_space<hbm>> -> memref<10000x128xf32, #tpu.memory_space<hbm>>
      tpu.wait_indirect_dma semaphore(%arg18 : memref<!tpu.dma_semaphore, #tpu.memory_space<semaphore_mem>>) src(%dma_wait3A_141 : memref<10000x128xf32, #tpu.memory_space<hbm>>) dst(%arg12 : memref<40x128xf32, #tpu.memory_space<vmem>>)
      %mul3A_142 = arith.constant 40 : i32
      %mul3A_143 = arith.muli %add3A_135, %mul3A_142 : i32
      "tpu.region"() ({
        %run_scoped3A = tpu.sem_alloc : memref<!tpu.dma_semaphore, #tpu.memory_space<semaphore_mem>>
        %dma_start3A_174 = tpu.memref_slice %arg8[%mul3A_143] : memref<10000xi32, #tpu.memory_space<vmem>> -> memref<40xi32, #tpu.memory_space<vmem>>
        %dma_start3A_175 = arith.constant 0 : i32
        %dma_start3A_176 = arith.constant 0 : i32
        %dma_start3A_177 = tpu.memref_slice %arg14[%dma_start3A_175, %dma_start3A_176] : memref<10240x128xf32, #tpu.memory_space<vmem_shared>> -> memref<10240x128xf32, #tpu.memory_space<vmem_shared>>
        tpu.enqueue_indirect_dma source(%arg12 : memref<40x128xf32, #tpu.memory_space<vmem>>) target(%dma_start3A_177 : memref<10240x128xf32, #tpu.memory_space<vmem_shared>>) offsets(%dma_start3A_174 : memref<40xi32, #tpu.memory_space<vmem>>) semaphore(%run_scoped3A : memref<!tpu.dma_semaphore, #tpu.memory_space<semaphore_mem>>) {add = true}
        %dma_wait3A_178 = tpu.memref_slice %arg8[%mul3A_143] : memref<10000xi32, #tpu.memory_space<vmem>> -> memref<40xi32, #tpu.memory_space<vmem>>
        %dma_wait3A_179 = arith.constant 0 : i32
        %dma_wait3A_180 = arith.constant 0 : i32
        %dma_wait3A_181 = tpu.memref_slice %arg14[%dma_wait3A_179, %dma_wait3A_180] : memref<10240x128xf32, #tpu.memory_space<vmem_shared>> -> memref<10240x128xf32, #tpu.memory_space<vmem_shared>>
        tpu.wait_indirect_dma semaphore(%run_scoped3A : memref<!tpu.dma_semaphore, #tpu.memory_space<semaphore_mem>>) src(%arg12 : memref<40x128xf32, #tpu.memory_space<vmem>>) dst(%dma_wait3A_181 : memref<10240x128xf32, #tpu.memory_space<vmem_shared>>)
        tpu.yield
      }) : () -> ()
      %add3A_144 = arith.constant 3 : i32
      %add3A_145 = arith.addi %add3A_73, %add3A_144 : i32
      %add3A_146 = arith.constant 5 : i32
      %add3A_147 = arith.addi %add3A_145, %add3A_146 : i32
      %mul3A_148 = arith.constant 40 : i32
      %mul3A_149 = arith.muli %add3A_147, %mul3A_148 : i32
      %dma_start3A_150 = tpu.memref_slice %arg7[%mul3A_149] : memref<10000xi32, #tpu.memory_space<vmem>> -> memref<40xi32, #tpu.memory_space<vmem>>
      %dma_start3A_151 = arith.constant 0 : i32
      %dma_start3A_152 = arith.constant 0 : i32
      %dma_start3A_153 = tpu.memref_slice %arg2[%dma_start3A_151, %dma_start3A_152] : memref<10000x128xf32, #tpu.memory_space<hbm>> -> memref<10000x128xf32, #tpu.memory_space<hbm>>
      tpu.enqueue_indirect_dma source(%dma_start3A_153 : memref<10000x128xf32, #tpu.memory_space<hbm>>) target(%arg12 : memref<40x128xf32, #tpu.memory_space<vmem>>) offsets(%dma_start3A_150 : memref<40xi32, #tpu.memory_space<vmem>>) semaphore(%arg18 : memref<!tpu.dma_semaphore, #tpu.memory_space<semaphore_mem>>)
      %add3A_154 = arith.constant 4 : i32
      %add3A_155 = arith.addi %add3A_73, %add3A_154 : i32
      %mul3A_156 = arith.constant 40 : i32
      %mul3A_157 = arith.muli %add3A_155, %mul3A_156 : i32
      %dma_wait3A_158 = tpu.memref_slice %arg7[%mul3A_157] : memref<10000xi32, #tpu.memory_space<vmem>> -> memref<40xi32, #tpu.memory_space<vmem>>
      %dma_wait3A_159 = arith.constant 0 : i32
      %dma_wait3A_160 = arith.constant 0 : i32
      %dma_wait3A_161 = tpu.memref_slice %arg2[%dma_wait3A_159, %dma_wait3A_160] : memref<10000x128xf32, #tpu.memory_space<hbm>> -> memref<10000x128xf32, #tpu.memory_space<hbm>>
      tpu.wait_indirect_dma semaphore(%arg19 : memref<!tpu.dma_semaphore, #tpu.memory_space<semaphore_mem>>) src(%dma_wait3A_161 : memref<10000x128xf32, #tpu.memory_space<hbm>>) dst(%arg13 : memref<40x128xf32, #tpu.memory_space<vmem>>)
      %mul3A_162 = arith.constant 40 : i32
      %mul3A_163 = arith.muli %add3A_155, %mul3A_162 : i32
      "tpu.region"() ({
        %run_scoped3A = tpu.sem_alloc : memref<!tpu.dma_semaphore, #tpu.memory_space<semaphore_mem>>
        %dma_start3A_174 = tpu.memref_slice %arg8[%mul3A_163] : memref<10000xi32, #tpu.memory_space<vmem>> -> memref<40xi32, #tpu.memory_space<vmem>>
        %dma_start3A_175 = arith.constant 0 : i32
        %dma_start3A_176 = arith.constant 0 : i32
        %dma_start3A_177 = tpu.memref_slice %arg14[%dma_start3A_175, %dma_start3A_176] : memref<10240x128xf32, #tpu.memory_space<vmem_shared>> -> memref<10240x128xf32, #tpu.memory_space<vmem_shared>>
        tpu.enqueue_indirect_dma source(%arg13 : memref<40x128xf32, #tpu.memory_space<vmem>>) target(%dma_start3A_177 : memref<10240x128xf32, #tpu.memory_space<vmem_shared>>) offsets(%dma_start3A_174 : memref<40xi32, #tpu.memory_space<vmem>>) semaphore(%run_scoped3A : memref<!tpu.dma_semaphore, #tpu.memory_space<semaphore_mem>>) {add = true}
        %dma_wait3A_178 = tpu.memref_slice %arg8[%mul3A_163] : memref<10000xi32, #tpu.memory_space<vmem>> -> memref<40xi32, #tpu.memory_space<vmem>>
        %dma_wait3A_179 = arith.constant 0 : i32
        %dma_wait3A_180 = arith.constant 0 : i32
        %dma_wait3A_181 = tpu.memref_slice %arg14[%dma_wait3A_179, %dma_wait3A_180] : memref<10240x128xf32, #tpu.memory_space<vmem_shared>> -> memref<10240x128xf32, #tpu.memory_space<vmem_shared>>
        tpu.wait_indirect_dma semaphore(%run_scoped3A : memref<!tpu.dma_semaphore, #tpu.memory_space<semaphore_mem>>) src(%arg13 : memref<40x128xf32, #tpu.memory_space<vmem>>) dst(%dma_wait3A_181 : memref<10240x128xf32, #tpu.memory_space<vmem_shared>>)
        tpu.yield
      }) : () -> ()
      %add3A_164 = arith.constant 4 : i32
      %add3A_165 = arith.addi %add3A_73, %add3A_164 : i32
      %add3A_166 = arith.constant 5 : i32
      %add3A_167 = arith.addi %add3A_165, %add3A_166 : i32
      %mul3A_168 = arith.constant 40 : i32
      %mul3A_169 = arith.muli %add3A_167, %mul3A_168 : i32
      %dma_start3A_170 = tpu.memref_slice %arg7[%mul3A_169] : memref<10000xi32, #tpu.memory_space<vmem>> -> memref<40xi32, #tpu.memory_space<vmem>>
      %dma_start3A_171 = arith.constant 0 : i32
      %dma_start3A_172 = arith.constant 0 : i32
      %dma_start3A_173 = tpu.memref_slice %arg2[%dma_start3A_171, %dma_start3A_172] : memref<10000x128xf32, #tpu.memory_space<hbm>> -> memref<10000x128xf32, #tpu.memory_space<hbm>>
      tpu.enqueue_indirect_dma source(%dma_start3A_173 : memref<10000x128xf32, #tpu.memory_space<hbm>>) target(%arg13 : memref<40x128xf32, #tpu.memory_space<vmem>>) offsets(%dma_start3A_170 : memref<40xi32, #tpu.memory_space<vmem>>) semaphore(%arg19 : memref<!tpu.dma_semaphore, #tpu.memory_space<semaphore_mem>>)
    }
    %scan3A_36 = arith.constant 49 : i32
    %dma_wait3A = arith.constant 9800 : i32
    %dma_wait3A_37 = tpu.memref_slice %arg7[%dma_wait3A] : memref<10000xi32, #tpu.memory_space<vmem>> -> memref<40xi32, #tpu.memory_space<vmem>>
    %dma_wait3A_38 = arith.constant 0 : i32
    %dma_wait3A_39 = arith.constant 0 : i32
    %dma_wait3A_40 = tpu.memref_slice %arg2[%dma_wait3A_38, %dma_wait3A_39] : memref<10000x128xf32, #tpu.memory_space<hbm>> -> memref<10000x128xf32, #tpu.memory_space<hbm>>
    tpu.wait_indirect_dma semaphore(%arg15 : memref<!tpu.dma_semaphore, #tpu.memory_space<semaphore_mem>>) src(%dma_wait3A_40 : memref<10000x128xf32, #tpu.memory_space<hbm>>) dst(%arg9 : memref<40x128xf32, #tpu.memory_space<vmem>>)
    "tpu.region"() ({
      %run_scoped3A = tpu.sem_alloc : memref<!tpu.dma_semaphore, #tpu.memory_space<semaphore_mem>>
      %dma_start3A_69 = arith.constant 9800 : i32
      %dma_start3A_70 = tpu.memref_slice %arg8[%dma_start3A_69] : memref<10000xi32, #tpu.memory_space<vmem>> -> memref<40xi32, #tpu.memory_space<vmem>>
      %dma_start3A_71 = arith.constant 0 : i32
      %dma_start3A_72 = arith.constant 0 : i32
      %dma_start3A_73 = tpu.memref_slice %arg14[%dma_start3A_71, %dma_start3A_72] : memref<10240x128xf32, #tpu.memory_space<vmem_shared>> -> memref<10240x128xf32, #tpu.memory_space<vmem_shared>>
      tpu.enqueue_indirect_dma source(%arg9 : memref<40x128xf32, #tpu.memory_space<vmem>>) target(%dma_start3A_73 : memref<10240x128xf32, #tpu.memory_space<vmem_shared>>) offsets(%dma_start3A_70 : memref<40xi32, #tpu.memory_space<vmem>>) semaphore(%run_scoped3A : memref<!tpu.dma_semaphore, #tpu.memory_space<semaphore_mem>>) {add = true}
      %dma_wait3A_74 = arith.constant 9800 : i32
      %dma_wait3A_75 = tpu.memref_slice %arg8[%dma_wait3A_74] : memref<10000xi32, #tpu.memory_space<vmem>> -> memref<40xi32, #tpu.memory_space<vmem>>
      %dma_wait3A_76 = arith.constant 0 : i32
      %dma_wait3A_77 = arith.constant 0 : i32
      %dma_wait3A_78 = tpu.memref_slice %arg14[%dma_wait3A_76, %dma_wait3A_77] : memref<10240x128xf32, #tpu.memory_space<vmem_shared>> -> memref<10240x128xf32, #tpu.memory_space<vmem_shared>>
      tpu.wait_indirect_dma semaphore(%run_scoped3A : memref<!tpu.dma_semaphore, #tpu.memory_space<semaphore_mem>>) src(%arg9 : memref<40x128xf32, #tpu.memory_space<vmem>>) dst(%dma_wait3A_78 : memref<10240x128xf32, #tpu.memory_space<vmem_shared>>)
      tpu.yield
    }) : () -> ()
    %dma_wait3A_41 = arith.constant 9840 : i32
    %dma_wait3A_42 = tpu.memref_slice %arg7[%dma_wait3A_41] : memref<10000xi32, #tpu.memory_space<vmem>> -> memref<40xi32, #tpu.memory_space<vmem>>
    %dma_wait3A_43 = arith.constant 0 : i32
    %dma_wait3A_44 = arith.constant 0 : i32
    %dma_wait3A_45 = tpu.memref_slice %arg2[%dma_wait3A_43, %dma_wait3A_44] : memref<10000x128xf32, #tpu.memory_space<hbm>> -> memref<10000x128xf32, #tpu.memory_space<hbm>>
    tpu.wait_indirect_dma semaphore(%arg16 : memref<!tpu.dma_semaphore, #tpu.memory_space<semaphore_mem>>) src(%dma_wait3A_45 : memref<10000x128xf32, #tpu.memory_space<hbm>>) dst(%arg10 : memref<40x128xf32, #tpu.memory_space<vmem>>)
    "tpu.region"() ({
      %run_scoped3A = tpu.sem_alloc : memref<!tpu.dma_semaphore, #tpu.memory_space<semaphore_mem>>
      %dma_start3A_69 = arith.constant 9840 : i32
      %dma_start3A_70 = tpu.memref_slice %arg8[%dma_start3A_69] : memref<10000xi32, #tpu.memory_space<vmem>> -> memref<40xi32, #tpu.memory_space<vmem>>
      %dma_start3A_71 = arith.constant 0 : i32
      %dma_start3A_72 = arith.constant 0 : i32
      %dma_start3A_73 = tpu.memref_slice %arg14[%dma_start3A_71, %dma_start3A_72] : memref<10240x128xf32, #tpu.memory_space<vmem_shared>> -> memref<10240x128xf32, #tpu.memory_space<vmem_shared>>
      tpu.enqueue_indirect_dma source(%arg10 : memref<40x128xf32, #tpu.memory_space<vmem>>) target(%dma_start3A_73 : memref<10240x128xf32, #tpu.memory_space<vmem_shared>>) offsets(%dma_start3A_70 : memref<40xi32, #tpu.memory_space<vmem>>) semaphore(%run_scoped3A : memref<!tpu.dma_semaphore, #tpu.memory_space<semaphore_mem>>) {add = true}
      %dma_wait3A_74 = arith.constant 9840 : i32
      %dma_wait3A_75 = tpu.memref_slice %arg8[%dma_wait3A_74] : memref<10000xi32, #tpu.memory_space<vmem>> -> memref<40xi32, #tpu.memory_space<vmem>>
      %dma_wait3A_76 = arith.constant 0 : i32
      %dma_wait3A_77 = arith.constant 0 : i32
      %dma_wait3A_78 = tpu.memref_slice %arg14[%dma_wait3A_76, %dma_wait3A_77] : memref<10240x128xf32, #tpu.memory_space<vmem_shared>> -> memref<10240x128xf32, #tpu.memory_space<vmem_shared>>
      tpu.wait_indirect_dma semaphore(%run_scoped3A : memref<!tpu.dma_semaphore, #tpu.memory_space<semaphore_mem>>) src(%arg10 : memref<40x128xf32, #tpu.memory_space<vmem>>) dst(%dma_wait3A_78 : memref<10240x128xf32, #tpu.memory_space<vmem_shared>>)
      tpu.yield
    }) : () -> ()
    %dma_wait3A_46 = arith.constant 9880 : i32
    %dma_wait3A_47 = tpu.memref_slice %arg7[%dma_wait3A_46] : memref<10000xi32, #tpu.memory_space<vmem>> -> memref<40xi32, #tpu.memory_space<vmem>>
    %dma_wait3A_48 = arith.constant 0 : i32
    %dma_wait3A_49 = arith.constant 0 : i32
    %dma_wait3A_50 = tpu.memref_slice %arg2[%dma_wait3A_48, %dma_wait3A_49] : memref<10000x128xf32, #tpu.memory_space<hbm>> -> memref<10000x128xf32, #tpu.memory_space<hbm>>
    tpu.wait_indirect_dma semaphore(%arg17 : memref<!tpu.dma_semaphore, #tpu.memory_space<semaphore_mem>>) src(%dma_wait3A_50 : memref<10000x128xf32, #tpu.memory_space<hbm>>) dst(%arg11 : memref<40x128xf32, #tpu.memory_space<vmem>>)
    "tpu.region"() ({
      %run_scoped3A = tpu.sem_alloc : memref<!tpu.dma_semaphore, #tpu.memory_space<semaphore_mem>>
      %dma_start3A_69 = arith.constant 9880 : i32
      %dma_start3A_70 = tpu.memref_slice %arg8[%dma_start3A_69] : memref<10000xi32, #tpu.memory_space<vmem>> -> memref<40xi32, #tpu.memory_space<vmem>>
      %dma_start3A_71 = arith.constant 0 : i32
      %dma_start3A_72 = arith.constant 0 : i32
      %dma_start3A_73 = tpu.memref_slice %arg14[%dma_start3A_71, %dma_start3A_72] : memref<10240x128xf32, #tpu.memory_space<vmem_shared>> -> memref<10240x128xf32, #tpu.memory_space<vmem_shared>>
      tpu.enqueue_indirect_dma source(%arg11 : memref<40x128xf32, #tpu.memory_space<vmem>>) target(%dma_start3A_73 : memref<10240x128xf32, #tpu.memory_space<vmem_shared>>) offsets(%dma_start3A_70 : memref<40xi32, #tpu.memory_space<vmem>>) semaphore(%run_scoped3A : memref<!tpu.dma_semaphore, #tpu.memory_space<semaphore_mem>>) {add = true}
      %dma_wait3A_74 = arith.constant 9880 : i32
      %dma_wait3A_75 = tpu.memref_slice %arg8[%dma_wait3A_74] : memref<10000xi32, #tpu.memory_space<vmem>> -> memref<40xi32, #tpu.memory_space<vmem>>
      %dma_wait3A_76 = arith.constant 0 : i32
      %dma_wait3A_77 = arith.constant 0 : i32
      %dma_wait3A_78 = tpu.memref_slice %arg14[%dma_wait3A_76, %dma_wait3A_77] : memref<10240x128xf32, #tpu.memory_space<vmem_shared>> -> memref<10240x128xf32, #tpu.memory_space<vmem_shared>>
      tpu.wait_indirect_dma semaphore(%run_scoped3A : memref<!tpu.dma_semaphore, #tpu.memory_space<semaphore_mem>>) src(%arg11 : memref<40x128xf32, #tpu.memory_space<vmem>>) dst(%dma_wait3A_78 : memref<10240x128xf32, #tpu.memory_space<vmem_shared>>)
      tpu.yield
    }) : () -> ()
    %dma_wait3A_51 = arith.constant 9920 : i32
    %dma_wait3A_52 = tpu.memref_slice %arg7[%dma_wait3A_51] : memref<10000xi32, #tpu.memory_space<vmem>> -> memref<40xi32, #tpu.memory_space<vmem>>
    %dma_wait3A_53 = arith.constant 0 : i32
    %dma_wait3A_54 = arith.constant 0 : i32
    %dma_wait3A_55 = tpu.memref_slice %arg2[%dma_wait3A_53, %dma_wait3A_54] : memref<10000x128xf32, #tpu.memory_space<hbm>> -> memref<10000x128xf32, #tpu.memory_space<hbm>>
    tpu.wait_indirect_dma semaphore(%arg18 : memref<!tpu.dma_semaphore, #tpu.memory_space<semaphore_mem>>) src(%dma_wait3A_55 : memref<10000x128xf32, #tpu.memory_space<hbm>>) dst(%arg12 : memref<40x128xf32, #tpu.memory_space<vmem>>)
    "tpu.region"() ({
      %run_scoped3A = tpu.sem_alloc : memref<!tpu.dma_semaphore, #tpu.memory_space<semaphore_mem>>
      %dma_start3A_69 = arith.constant 9920 : i32
      %dma_start3A_70 = tpu.memref_slice %arg8[%dma_start3A_69] : memref<10000xi32, #tpu.memory_space<vmem>> -> memref<40xi32, #tpu.memory_space<vmem>>
      %dma_start3A_71 = arith.constant 0 : i32
      %dma_start3A_72 = arith.constant 0 : i32
      %dma_start3A_73 = tpu.memref_slice %arg14[%dma_start3A_71, %dma_start3A_72] : memref<10240x128xf32, #tpu.memory_space<vmem_shared>> -> memref<10240x128xf32, #tpu.memory_space<vmem_shared>>
      tpu.enqueue_indirect_dma source(%arg12 : memref<40x128xf32, #tpu.memory_space<vmem>>) target(%dma_start3A_73 : memref<10240x128xf32, #tpu.memory_space<vmem_shared>>) offsets(%dma_start3A_70 : memref<40xi32, #tpu.memory_space<vmem>>) semaphore(%run_scoped3A : memref<!tpu.dma_semaphore, #tpu.memory_space<semaphore_mem>>) {add = true}
      %dma_wait3A_74 = arith.constant 9920 : i32
      %dma_wait3A_75 = tpu.memref_slice %arg8[%dma_wait3A_74] : memref<10000xi32, #tpu.memory_space<vmem>> -> memref<40xi32, #tpu.memory_space<vmem>>
      %dma_wait3A_76 = arith.constant 0 : i32
      %dma_wait3A_77 = arith.constant 0 : i32
      %dma_wait3A_78 = tpu.memref_slice %arg14[%dma_wait3A_76, %dma_wait3A_77] : memref<10240x128xf32, #tpu.memory_space<vmem_shared>> -> memref<10240x128xf32, #tpu.memory_space<vmem_shared>>
      tpu.wait_indirect_dma semaphore(%run_scoped3A : memref<!tpu.dma_semaphore, #tpu.memory_space<semaphore_mem>>) src(%arg12 : memref<40x128xf32, #tpu.memory_space<vmem>>) dst(%dma_wait3A_78 : memref<10240x128xf32, #tpu.memory_space<vmem_shared>>)
      tpu.yield
    }) : () -> ()
    %dma_wait3A_56 = arith.constant 9960 : i32
    %dma_wait3A_57 = tpu.memref_slice %arg7[%dma_wait3A_56] : memref<10000xi32, #tpu.memory_space<vmem>> -> memref<40xi32, #tpu.memory_space<vmem>>
    %dma_wait3A_58 = arith.constant 0 : i32
    %dma_wait3A_59 = arith.constant 0 : i32
    %dma_wait3A_60 = tpu.memref_slice %arg2[%dma_wait3A_58, %dma_wait3A_59] : memref<10000x128xf32, #tpu.memory_space<hbm>> -> memref<10000x128xf32, #tpu.memory_space<hbm>>
    tpu.wait_indirect_dma semaphore(%arg19 : memref<!tpu.dma_semaphore, #tpu.memory_space<semaphore_mem>>) src(%dma_wait3A_60 : memref<10000x128xf32, #tpu.memory_space<hbm>>) dst(%arg13 : memref<40x128xf32, #tpu.memory_space<vmem>>)
    "tpu.region"() ({
      %run_scoped3A = tpu.sem_alloc : memref<!tpu.dma_semaphore, #tpu.memory_space<semaphore_mem>>
      %dma_start3A_69 = arith.constant 9960 : i32
      %dma_start3A_70 = tpu.memref_slice %arg8[%dma_start3A_69] : memref<10000xi32, #tpu.memory_space<vmem>> -> memref<40xi32, #tpu.memory_space<vmem>>
      %dma_start3A_71 = arith.constant 0 : i32
      %dma_start3A_72 = arith.constant 0 : i32
      %dma_start3A_73 = tpu.memref_slice %arg14[%dma_start3A_71, %dma_start3A_72] : memref<10240x128xf32, #tpu.memory_space<vmem_shared>> -> memref<10240x128xf32, #tpu.memory_space<vmem_shared>>
      tpu.enqueue_indirect_dma source(%arg13 : memref<40x128xf32, #tpu.memory_space<vmem>>) target(%dma_start3A_73 : memref<10240x128xf32, #tpu.memory_space<vmem_shared>>) offsets(%dma_start3A_70 : memref<40xi32, #tpu.memory_space<vmem>>) semaphore(%run_scoped3A : memref<!tpu.dma_semaphore, #tpu.memory_space<semaphore_mem>>) {add = true}
      %dma_wait3A_74 = arith.constant 9960 : i32
      %dma_wait3A_75 = tpu.memref_slice %arg8[%dma_wait3A_74] : memref<10000xi32, #tpu.memory_space<vmem>> -> memref<40xi32, #tpu.memory_space<vmem>>
      %dma_wait3A_76 = arith.constant 0 : i32
      %dma_wait3A_77 = arith.constant 0 : i32
      %dma_wait3A_78 = tpu.memref_slice %arg14[%dma_wait3A_76, %dma_wait3A_77] : memref<10240x128xf32, #tpu.memory_space<vmem_shared>> -> memref<10240x128xf32, #tpu.memory_space<vmem_shared>>
      tpu.wait_indirect_dma semaphore(%run_scoped3A : memref<!tpu.dma_semaphore, #tpu.memory_space<semaphore_mem>>) src(%arg13 : memref<40x128xf32, #tpu.memory_space<vmem>>) dst(%dma_wait3A_78 : memref<10240x128xf32, #tpu.memory_space<vmem_shared>>)
      tpu.yield
    }) : () -> ()
    %barrier3A_61 = arith.constant 0 : index
    tpu.barrier barrier_id(%barrier3A_61)
    %mul3A_62 = arith.constant 640 : i32
    %mul3A_63 = arith.muli %arg1, %mul3A_62 : i32
    %mul3A_64 = arith.constant 10240 : i32
    %mul3A_65 = arith.muli %arg0, %mul3A_64 : i32
    %mul3A_66 = arith.constant 640 : i32
    %mul3A_67 = arith.muli %arg1, %mul3A_66 : i32
    %add3A_68 = arith.addi %mul3A_65, %mul3A_67 : i32
    "tpu.region"() ({
      %run_scoped3A = tpu.sem_alloc : memref<!tpu.dma_semaphore, #tpu.memory_space<semaphore_mem>>
      %dma_start3A_69 = arith.constant 0 : i32
      %dma_start3A_70 = tpu.memref_slice %arg6[%add3A_68, %dma_start3A_69] : memref<20480x128xf32, #tpu.memory_space<hbm>> -> memref<640x128xf32, #tpu.memory_space<hbm>>
      %dma_start3A_71 = arith.constant 0 : i32
      %dma_start3A_72 = tpu.memref_slice %arg14[%mul3A_63, %dma_start3A_71] : memref<10240x128xf32, #tpu.memory_space<vmem_shared>> -> memref<640x128xf32, #tpu.memory_space<vmem_shared>>
      tpu.enqueue_dma source(%dma_start3A_72 : memref<640x128xf32, #tpu.memory_space<vmem_shared>>) target(%dma_start3A_70 : memref<640x128xf32, #tpu.memory_space<hbm>>) target_semaphore(%run_scoped3A : memref<!tpu.dma_semaphore, #tpu.memory_space<semaphore_mem>>)
      %dma_wait3A_73 = arith.constant 0 : i32
      %dma_wait3A_74 = tpu.memref_slice %arg6[%add3A_68, %dma_wait3A_73] : memref<20480x128xf32, #tpu.memory_space<hbm>> -> memref<640x128xf32, #tpu.memory_space<hbm>>
      %dma_wait3A_75 = arith.constant 0 : i32
      %dma_wait3A_76 = tpu.memref_slice %arg14[%mul3A_63, %dma_wait3A_75] : memref<10240x128xf32, #tpu.memory_space<vmem_shared>> -> memref<640x128xf32, #tpu.memory_space<vmem_shared>>
      tpu.wait_dma2 semaphore(%run_scoped3A : memref<!tpu.dma_semaphore, #tpu.memory_space<semaphore_mem>>) src(%dma_wait3A_76 : memref<640x128xf32, #tpu.memory_space<vmem_shared>>) dst(%dma_wait3A_74 : memref<640x128xf32, #tpu.memory_space<hbm>>)
      tpu.yield
    }) : () -> ()
    return
  }
}

#map = affine_map<(d0, d1) -> (0, 0)>
#map1 = affine_map<(d0, d1) -> (0)>
module attributes {stable_mosaic.version = 14 : i64} {
  func.func @_sc_body_gs(%arg0: i32, %arg1: i32, %arg2: memref<10240x128xf32, #tpu.memory_space<hbm>>, %arg3: memref<320000xi32, #tpu.memory_space<hbm>>, %arg4: memref<320000xi32, #tpu.memory_space<hbm>>, %arg5: memref<10240x128xf32, #tpu.memory_space<hbm>>, %arg6: memref<20480x128xf32, #tpu.memory_space<hbm>>, %arg7: memref<10000xi32, #tpu.memory_space<vmem>>, %arg8: memref<10000xi32, #tpu.memory_space<vmem>>, %arg9: memref<40x128xf32, #tpu.memory_space<vmem>>, %arg10: memref<40x128xf32, #tpu.memory_space<vmem>>, %arg11: memref<40x128xf32, #tpu.memory_space<vmem>>, %arg12: memref<40x128xf32, #tpu.memory_space<vmem>>, %arg13: memref<40x128xf32, #tpu.memory_space<vmem>>, %arg14: memref<10240x128xf32, #tpu.memory_space<vmem_shared>>, %arg15: memref<!tpu.dma_semaphore, #tpu.memory_space<semaphore_mem>>, %arg16: memref<!tpu.dma_semaphore, #tpu.memory_space<semaphore_mem>>, %arg17: memref<!tpu.dma_semaphore, #tpu.memory_space<semaphore_mem>>, %arg18: memref<!tpu.dma_semaphore, #tpu.memory_space<semaphore_mem>>, %arg19: memref<!tpu.dma_semaphore, #tpu.memory_space<semaphore_mem>>) attributes {dimension_semantics = [#tpu.dimension_semantics<core_parallel>, #tpu.dimension_semantics<subcore_parallel>], iteration_bounds = array<i64: 2, 16>, scalar_prefetch = 0 : i64, scratch_operands = 13 : i64, tpu.core_type = #tpu.core_type<sc_vector_subcore>, window_params = [{transform_indices = #map}, {transform_indices = #map1}, {transform_indices = #map1}, {transform_indices = #map}, {transform_indices = #map}]} {
    %mul3A = arith.constant 2 : i32
    %mul3A_0 = arith.muli %arg1, %mul3A : i32
    %add3A = arith.addi %mul3A_0, %arg0 : i32
    %mul3A_1 = arith.constant 10000 : i32
    %mul3A_2 = arith.muli %add3A, %mul3A_1 : i32
    "tpu.region"() ({
      %run_scoped3A = tpu.sem_alloc : memref<!tpu.dma_semaphore, #tpu.memory_space<semaphore_mem>>
      %dma_start3A_69 = tpu.memref_slice %arg3[%mul3A_2] : memref<320000xi32, #tpu.memory_space<hbm>> -> memref<10000xi32, #tpu.memory_space<hbm>>
      %dma_start3A_70 = tpu.memref_slice %arg3[%mul3A_2] : memref<320000xi32, #tpu.memory_space<hbm>> -> memref<10000xi32, #tpu.memory_space<hbm>>
      tpu.enqueue_dma source(%dma_start3A_70 : memref<10000xi32, #tpu.memory_space<hbm>>) target(%arg7 : memref<10000xi32, #tpu.memory_space<vmem>>) target_semaphore(%run_scoped3A : memref<!tpu.dma_semaphore, #tpu.memory_space<semaphore_mem>>)
      %dma_wait3A_71 = tpu.memref_slice %arg3[%mul3A_2] : memref<320000xi32, #tpu.memory_space<hbm>> -> memref<10000xi32, #tpu.memory_space<hbm>>
      %dma_wait3A_72 = tpu.memref_slice %arg3[%mul3A_2] : memref<320000xi32, #tpu.memory_space<hbm>> -> memref<10000xi32, #tpu.memory_space<hbm>>
      tpu.wait_dma2 semaphore(%run_scoped3A : memref<!tpu.dma_semaphore, #tpu.memory_space<semaphore_mem>>) src(%dma_wait3A_72 : memref<10000xi32, #tpu.memory_space<hbm>>) dst(%arg7 : memref<10000xi32, #tpu.memory_space<vmem>>)
      tpu.yield
    }) : () -> ()
    %mul3A_3 = arith.constant 10000 : i32
    %mul3A_4 = arith.muli %add3A, %mul3A_3 : i32
    "tpu.region"() ({
      %run_scoped3A = tpu.sem_alloc : memref<!tpu.dma_semaphore, #tpu.memory_space<semaphore_mem>>
      %dma_start3A_69 = tpu.memref_slice %arg4[%mul3A_4] : memref<320000xi32, #tpu.memory_space<hbm>> -> memref<10000xi32, #tpu.memory_space<hbm>>
      %dma_start3A_70 = tpu.memref_slice %arg4[%mul3A_4] : memref<320000xi32, #tpu.memory_space<hbm>> -> memref<10000xi32, #tpu.memory_space<hbm>>
      tpu.enqueue_dma source(%dma_start3A_70 : memref<10000xi32, #tpu.memory_space<hbm>>) target(%arg8 : memref<10000xi32, #tpu.memory_space<vmem>>) target_semaphore(%run_scoped3A : memref<!tpu.dma_semaphore, #tpu.memory_space<semaphore_mem>>)
      %dma_wait3A_71 = tpu.memref_slice %arg4[%mul3A_4] : memref<320000xi32, #tpu.memory_space<hbm>> -> memref<10000xi32, #tpu.memory_space<hbm>>
      %dma_wait3A_72 = tpu.memref_slice %arg4[%mul3A_4] : memref<320000xi32, #tpu.memory_space<hbm>> -> memref<10000xi32, #tpu.memory_space<hbm>>
      tpu.wait_dma2 semaphore(%run_scoped3A : memref<!tpu.dma_semaphore, #tpu.memory_space<semaphore_mem>>) src(%dma_wait3A_72 : memref<10000xi32, #tpu.memory_space<hbm>>) dst(%arg8 : memref<10000xi32, #tpu.memory_space<vmem>>)
      tpu.yield
    }) : () -> ()
    %mul3A_5 = arith.constant 640 : i32
    %mul3A_6 = arith.muli %arg1, %mul3A_5 : i32
    %mul3A_7 = arith.constant 640 : i32
    %mul3A_8 = arith.muli %arg1, %mul3A_7 : i32
    "tpu.region"() ({
      %run_scoped3A = tpu.sem_alloc : memref<!tpu.dma_semaphore, #tpu.memory_space<semaphore_mem>>
      %dma_start3A_69 = arith.constant 0 : i32
      %dma_start3A_70 = tpu.memref_slice %arg14[%mul3A_8, %dma_start3A_69] : memref<10240x128xf32, #tpu.memory_space<vmem_shared>> -> memref<640x128xf32, #tpu.memory_space<vmem_shared>>
      %dma_start3A_71 = arith.constant 0 : i32
      %dma_start3A_72 = tpu.memref_slice %arg5[%mul3A_6, %dma_start3A_71] : memref<10240x128xf32, #tpu.memory_space<hbm>> -> memref<640x128xf32, #tpu.memory_space<hbm>>
      tpu.enqueue_dma source(%dma_start3A_72 : memref<640x128xf32, #tpu.memory_space<hbm>>) target(%dma_start3A_70 : memref<640x128xf32, #tpu.memory_space<vmem_shared>>) target_semaphore(%run_scoped3A : memref<!tpu.dma_semaphore, #tpu.memory_space<semaphore_mem>>)
      %dma_wait3A_73 = arith.constant 0 : i32
      %dma_wait3A_74 = tpu.memref_slice %arg14[%mul3A_8, %dma_wait3A_73] : memref<10240x128xf32, #tpu.memory_space<vmem_shared>> -> memref<640x128xf32, #tpu.memory_space<vmem_shared>>
      %dma_wait3A_75 = arith.constant 0 : i32
      %dma_wait3A_76 = tpu.memref_slice %arg5[%mul3A_6, %dma_wait3A_75] : memref<10240x128xf32, #tpu.memory_space<hbm>> -> memref<640x128xf32, #tpu.memory_space<hbm>>
      tpu.wait_dma2 semaphore(%run_scoped3A : memref<!tpu.dma_semaphore, #tpu.memory_space<semaphore_mem>>) src(%dma_wait3A_76 : memref<640x128xf32, #tpu.memory_space<hbm>>) dst(%dma_wait3A_74 : memref<640x128xf32, #tpu.memory_space<vmem_shared>>)
      tpu.yield
    }) : () -> ()
    %barrier3A = arith.constant 0 : index
    tpu.barrier barrier_id(%barrier3A)
    %dma_start3A = arith.constant 0 : i32
    %dma_start3A_9 = tpu.memref_slice %arg7[%dma_start3A] : memref<10000xi32, #tpu.memory_space<vmem>> -> memref<40xi32, #tpu.memory_space<vmem>>
    %dma_start3A_10 = arith.constant 0 : i32
    %dma_start3A_11 = arith.constant 0 : i32
    %dma_start3A_12 = tpu.memref_slice %arg2[%dma_start3A_10, %dma_start3A_11] : memref<10240x128xf32, #tpu.memory_space<hbm>> -> memref<10240x128xf32, #tpu.memory_space<hbm>>
    tpu.enqueue_indirect_dma source(%dma_start3A_12 : memref<10240x128xf32, #tpu.memory_space<hbm>>) target(%arg9 : memref<40x128xf32, #tpu.memory_space<vmem>>) offsets(%dma_start3A_9 : memref<40xi32, #tpu.memory_space<vmem>>) semaphore(%arg15 : memref<!tpu.dma_semaphore, #tpu.memory_space<semaphore_mem>>)
    %dma_start3A_13 = arith.constant 40 : i32
    %dma_start3A_14 = tpu.memref_slice %arg7[%dma_start3A_13] : memref<10000xi32, #tpu.memory_space<vmem>> -> memref<40xi32, #tpu.memory_space<vmem>>
    %dma_start3A_15 = arith.constant 0 : i32
    %dma_start3A_16 = arith.constant 0 : i32
    %dma_start3A_17 = tpu.memref_slice %arg2[%dma_start3A_15, %dma_start3A_16] : memref<10240x128xf32, #tpu.memory_space<hbm>> -> memref<10240x128xf32, #tpu.memory_space<hbm>>
    tpu.enqueue_indirect_dma source(%dma_start3A_17 : memref<10240x128xf32, #tpu.memory_space<hbm>>) target(%arg10 : memref<40x128xf32, #tpu.memory_space<vmem>>) offsets(%dma_start3A_14 : memref<40xi32, #tpu.memory_space<vmem>>) semaphore(%arg16 : memref<!tpu.dma_semaphore, #tpu.memory_space<semaphore_mem>>)
    %dma_start3A_18 = arith.constant 80 : i32
    %dma_start3A_19 = tpu.memref_slice %arg7[%dma_start3A_18] : memref<10000xi32, #tpu.memory_space<vmem>> -> memref<40xi32, #tpu.memory_space<vmem>>
    %dma_start3A_20 = arith.constant 0 : i32
    %dma_start3A_21 = arith.constant 0 : i32
    %dma_start3A_22 = tpu.memref_slice %arg2[%dma_start3A_20, %dma_start3A_21] : memref<10240x128xf32, #tpu.memory_space<hbm>> -> memref<10240x128xf32, #tpu.memory_space<hbm>>
    tpu.enqueue_indirect_dma source(%dma_start3A_22 : memref<10240x128xf32, #tpu.memory_space<hbm>>) target(%arg11 : memref<40x128xf32, #tpu.memory_space<vmem>>) offsets(%dma_start3A_19 : memref<40xi32, #tpu.memory_space<vmem>>) semaphore(%arg17 : memref<!tpu.dma_semaphore, #tpu.memory_space<semaphore_mem>>)
    %dma_start3A_23 = arith.constant 120 : i32
    %dma_start3A_24 = tpu.memref_slice %arg7[%dma_start3A_23] : memref<10000xi32, #tpu.memory_space<vmem>> -> memref<40xi32, #tpu.memory_space<vmem>>
    %dma_start3A_25 = arith.constant 0 : i32
    %dma_start3A_26 = arith.constant 0 : i32
    %dma_start3A_27 = tpu.memref_slice %arg2[%dma_start3A_25, %dma_start3A_26] : memref<10240x128xf32, #tpu.memory_space<hbm>> -> memref<10240x128xf32, #tpu.memory_space<hbm>>
    tpu.enqueue_indirect_dma source(%dma_start3A_27 : memref<10240x128xf32, #tpu.memory_space<hbm>>) target(%arg12 : memref<40x128xf32, #tpu.memory_space<vmem>>) offsets(%dma_start3A_24 : memref<40xi32, #tpu.memory_space<vmem>>) semaphore(%arg18 : memref<!tpu.dma_semaphore, #tpu.memory_space<semaphore_mem>>)
    %dma_start3A_28 = arith.constant 160 : i32
    %dma_start3A_29 = tpu.memref_slice %arg7[%dma_start3A_28] : memref<10000xi32, #tpu.memory_space<vmem>> -> memref<40xi32, #tpu.memory_space<vmem>>
    %dma_start3A_30 = arith.constant 0 : i32
    %dma_start3A_31 = arith.constant 0 : i32
    %dma_start3A_32 = tpu.memref_slice %arg2[%dma_start3A_30, %dma_start3A_31] : memref<10240x128xf32, #tpu.memory_space<hbm>> -> memref<10240x128xf32, #tpu.memory_space<hbm>>
    tpu.enqueue_indirect_dma source(%dma_start3A_32 : memref<10240x128xf32, #tpu.memory_space<hbm>>) target(%arg13 : memref<40x128xf32, #tpu.memory_space<vmem>>) offsets(%dma_start3A_29 : memref<40xi32, #tpu.memory_space<vmem>>) semaphore(%arg19 : memref<!tpu.dma_semaphore, #tpu.memory_space<semaphore_mem>>)
    %scan3A = arith.constant 0 : i32
    %scan3A_33 = arith.constant 49 : i32
    %scan3A_34 = arith.addi %scan3A, %scan3A_33 : i32
    %scan3A_35 = arith.constant 1 : i32
    scf.for %scan3A_69 = %scan3A to %scan3A_34 step %scan3A_35  : i32 {
      %mul3A_70 = arith.constant 5 : i32
      %mul3A_71 = arith.muli %scan3A_69, %mul3A_70 : i32
      %add3A_72 = arith.constant 0 : i32
      %add3A_73 = arith.addi %add3A_72, %mul3A_71 : i32
      %add3A_74 = arith.constant 0 : i32
      %add3A_75 = arith.addi %add3A_73, %add3A_74 : i32
      %mul3A_76 = arith.constant 40 : i32
      %mul3A_77 = arith.muli %add3A_75, %mul3A_76 : i32
      %dma_wait3A_78 = tpu.memref_slice %arg7[%mul3A_77] : memref<10000xi32, #tpu.memory_space<vmem>> -> memref<40xi32, #tpu.memory_space<vmem>>
      %dma_wait3A_79 = arith.constant 0 : i32
      %dma_wait3A_80 = arith.constant 0 : i32
      %dma_wait3A_81 = tpu.memref_slice %arg2[%dma_wait3A_79, %dma_wait3A_80] : memref<10240x128xf32, #tpu.memory_space<hbm>> -> memref<10240x128xf32, #tpu.memory_space<hbm>>
      tpu.wait_indirect_dma semaphore(%arg15 : memref<!tpu.dma_semaphore, #tpu.memory_space<semaphore_mem>>) src(%dma_wait3A_81 : memref<10240x128xf32, #tpu.memory_space<hbm>>) dst(%arg9 : memref<40x128xf32, #tpu.memory_space<vmem>>)
      %mul3A_82 = arith.constant 40 : i32
      %mul3A_83 = arith.muli %add3A_75, %mul3A_82 : i32
      "tpu.region"() ({
        %run_scoped3A = tpu.sem_alloc : memref<!tpu.dma_semaphore, #tpu.memory_space<semaphore_mem>>
        %dma_start3A_174 = tpu.memref_slice %arg8[%mul3A_83] : memref<10000xi32, #tpu.memory_space<vmem>> -> memref<40xi32, #tpu.memory_space<vmem>>
        %dma_start3A_175 = arith.constant 0 : i32
        %dma_start3A_176 = arith.constant 0 : i32
        %dma_start3A_177 = tpu.memref_slice %arg14[%dma_start3A_175, %dma_start3A_176] : memref<10240x128xf32, #tpu.memory_space<vmem_shared>> -> memref<10240x128xf32, #tpu.memory_space<vmem_shared>>
        tpu.enqueue_indirect_dma source(%arg9 : memref<40x128xf32, #tpu.memory_space<vmem>>) target(%dma_start3A_177 : memref<10240x128xf32, #tpu.memory_space<vmem_shared>>) offsets(%dma_start3A_174 : memref<40xi32, #tpu.memory_space<vmem>>) semaphore(%run_scoped3A : memref<!tpu.dma_semaphore, #tpu.memory_space<semaphore_mem>>) {add = true}
        %dma_wait3A_178 = tpu.memref_slice %arg8[%mul3A_83] : memref<10000xi32, #tpu.memory_space<vmem>> -> memref<40xi32, #tpu.memory_space<vmem>>
        %dma_wait3A_179 = arith.constant 0 : i32
        %dma_wait3A_180 = arith.constant 0 : i32
        %dma_wait3A_181 = tpu.memref_slice %arg14[%dma_wait3A_179, %dma_wait3A_180] : memref<10240x128xf32, #tpu.memory_space<vmem_shared>> -> memref<10240x128xf32, #tpu.memory_space<vmem_shared>>
        tpu.wait_indirect_dma semaphore(%run_scoped3A : memref<!tpu.dma_semaphore, #tpu.memory_space<semaphore_mem>>) src(%arg9 : memref<40x128xf32, #tpu.memory_space<vmem>>) dst(%dma_wait3A_181 : memref<10240x128xf32, #tpu.memory_space<vmem_shared>>)
        tpu.yield
      }) : () -> ()
      %add3A_84 = arith.constant 0 : i32
      %add3A_85 = arith.addi %add3A_73, %add3A_84 : i32
      %add3A_86 = arith.constant 5 : i32
      %add3A_87 = arith.addi %add3A_85, %add3A_86 : i32
      %mul3A_88 = arith.constant 40 : i32
      %mul3A_89 = arith.muli %add3A_87, %mul3A_88 : i32
      %dma_start3A_90 = tpu.memref_slice %arg7[%mul3A_89] : memref<10000xi32, #tpu.memory_space<vmem>> -> memref<40xi32, #tpu.memory_space<vmem>>
      %dma_start3A_91 = arith.constant 0 : i32
      %dma_start3A_92 = arith.constant 0 : i32
      %dma_start3A_93 = tpu.memref_slice %arg2[%dma_start3A_91, %dma_start3A_92] : memref<10240x128xf32, #tpu.memory_space<hbm>> -> memref<10240x128xf32, #tpu.memory_space<hbm>>
      tpu.enqueue_indirect_dma source(%dma_start3A_93 : memref<10240x128xf32, #tpu.memory_space<hbm>>) target(%arg9 : memref<40x128xf32, #tpu.memory_space<vmem>>) offsets(%dma_start3A_90 : memref<40xi32, #tpu.memory_space<vmem>>) semaphore(%arg15 : memref<!tpu.dma_semaphore, #tpu.memory_space<semaphore_mem>>)
      %add3A_94 = arith.constant 1 : i32
      %add3A_95 = arith.addi %add3A_73, %add3A_94 : i32
      %mul3A_96 = arith.constant 40 : i32
      %mul3A_97 = arith.muli %add3A_95, %mul3A_96 : i32
      %dma_wait3A_98 = tpu.memref_slice %arg7[%mul3A_97] : memref<10000xi32, #tpu.memory_space<vmem>> -> memref<40xi32, #tpu.memory_space<vmem>>
      %dma_wait3A_99 = arith.constant 0 : i32
      %dma_wait3A_100 = arith.constant 0 : i32
      %dma_wait3A_101 = tpu.memref_slice %arg2[%dma_wait3A_99, %dma_wait3A_100] : memref<10240x128xf32, #tpu.memory_space<hbm>> -> memref<10240x128xf32, #tpu.memory_space<hbm>>
      tpu.wait_indirect_dma semaphore(%arg16 : memref<!tpu.dma_semaphore, #tpu.memory_space<semaphore_mem>>) src(%dma_wait3A_101 : memref<10240x128xf32, #tpu.memory_space<hbm>>) dst(%arg10 : memref<40x128xf32, #tpu.memory_space<vmem>>)
      %mul3A_102 = arith.constant 40 : i32
      %mul3A_103 = arith.muli %add3A_95, %mul3A_102 : i32
      "tpu.region"() ({
        %run_scoped3A = tpu.sem_alloc : memref<!tpu.dma_semaphore, #tpu.memory_space<semaphore_mem>>
        %dma_start3A_174 = tpu.memref_slice %arg8[%mul3A_103] : memref<10000xi32, #tpu.memory_space<vmem>> -> memref<40xi32, #tpu.memory_space<vmem>>
        %dma_start3A_175 = arith.constant 0 : i32
        %dma_start3A_176 = arith.constant 0 : i32
        %dma_start3A_177 = tpu.memref_slice %arg14[%dma_start3A_175, %dma_start3A_176] : memref<10240x128xf32, #tpu.memory_space<vmem_shared>> -> memref<10240x128xf32, #tpu.memory_space<vmem_shared>>
        tpu.enqueue_indirect_dma source(%arg10 : memref<40x128xf32, #tpu.memory_space<vmem>>) target(%dma_start3A_177 : memref<10240x128xf32, #tpu.memory_space<vmem_shared>>) offsets(%dma_start3A_174 : memref<40xi32, #tpu.memory_space<vmem>>) semaphore(%run_scoped3A : memref<!tpu.dma_semaphore, #tpu.memory_space<semaphore_mem>>) {add = true}
        %dma_wait3A_178 = tpu.memref_slice %arg8[%mul3A_103] : memref<10000xi32, #tpu.memory_space<vmem>> -> memref<40xi32, #tpu.memory_space<vmem>>
        %dma_wait3A_179 = arith.constant 0 : i32
        %dma_wait3A_180 = arith.constant 0 : i32
        %dma_wait3A_181 = tpu.memref_slice %arg14[%dma_wait3A_179, %dma_wait3A_180] : memref<10240x128xf32, #tpu.memory_space<vmem_shared>> -> memref<10240x128xf32, #tpu.memory_space<vmem_shared>>
        tpu.wait_indirect_dma semaphore(%run_scoped3A : memref<!tpu.dma_semaphore, #tpu.memory_space<semaphore_mem>>) src(%arg10 : memref<40x128xf32, #tpu.memory_space<vmem>>) dst(%dma_wait3A_181 : memref<10240x128xf32, #tpu.memory_space<vmem_shared>>)
        tpu.yield
      }) : () -> ()
      %add3A_104 = arith.constant 1 : i32
      %add3A_105 = arith.addi %add3A_73, %add3A_104 : i32
      %add3A_106 = arith.constant 5 : i32
      %add3A_107 = arith.addi %add3A_105, %add3A_106 : i32
      %mul3A_108 = arith.constant 40 : i32
      %mul3A_109 = arith.muli %add3A_107, %mul3A_108 : i32
      %dma_start3A_110 = tpu.memref_slice %arg7[%mul3A_109] : memref<10000xi32, #tpu.memory_space<vmem>> -> memref<40xi32, #tpu.memory_space<vmem>>
      %dma_start3A_111 = arith.constant 0 : i32
      %dma_start3A_112 = arith.constant 0 : i32
      %dma_start3A_113 = tpu.memref_slice %arg2[%dma_start3A_111, %dma_start3A_112] : memref<10240x128xf32, #tpu.memory_space<hbm>> -> memref<10240x128xf32, #tpu.memory_space<hbm>>
      tpu.enqueue_indirect_dma source(%dma_start3A_113 : memref<10240x128xf32, #tpu.memory_space<hbm>>) target(%arg10 : memref<40x128xf32, #tpu.memory_space<vmem>>) offsets(%dma_start3A_110 : memref<40xi32, #tpu.memory_space<vmem>>) semaphore(%arg16 : memref<!tpu.dma_semaphore, #tpu.memory_space<semaphore_mem>>)
      %add3A_114 = arith.constant 2 : i32
      %add3A_115 = arith.addi %add3A_73, %add3A_114 : i32
      %mul3A_116 = arith.constant 40 : i32
      %mul3A_117 = arith.muli %add3A_115, %mul3A_116 : i32
      %dma_wait3A_118 = tpu.memref_slice %arg7[%mul3A_117] : memref<10000xi32, #tpu.memory_space<vmem>> -> memref<40xi32, #tpu.memory_space<vmem>>
      %dma_wait3A_119 = arith.constant 0 : i32
      %dma_wait3A_120 = arith.constant 0 : i32
      %dma_wait3A_121 = tpu.memref_slice %arg2[%dma_wait3A_119, %dma_wait3A_120] : memref<10240x128xf32, #tpu.memory_space<hbm>> -> memref<10240x128xf32, #tpu.memory_space<hbm>>
      tpu.wait_indirect_dma semaphore(%arg17 : memref<!tpu.dma_semaphore, #tpu.memory_space<semaphore_mem>>) src(%dma_wait3A_121 : memref<10240x128xf32, #tpu.memory_space<hbm>>) dst(%arg11 : memref<40x128xf32, #tpu.memory_space<vmem>>)
      %mul3A_122 = arith.constant 40 : i32
      %mul3A_123 = arith.muli %add3A_115, %mul3A_122 : i32
      "tpu.region"() ({
        %run_scoped3A = tpu.sem_alloc : memref<!tpu.dma_semaphore, #tpu.memory_space<semaphore_mem>>
        %dma_start3A_174 = tpu.memref_slice %arg8[%mul3A_123] : memref<10000xi32, #tpu.memory_space<vmem>> -> memref<40xi32, #tpu.memory_space<vmem>>
        %dma_start3A_175 = arith.constant 0 : i32
        %dma_start3A_176 = arith.constant 0 : i32
        %dma_start3A_177 = tpu.memref_slice %arg14[%dma_start3A_175, %dma_start3A_176] : memref<10240x128xf32, #tpu.memory_space<vmem_shared>> -> memref<10240x128xf32, #tpu.memory_space<vmem_shared>>
        tpu.enqueue_indirect_dma source(%arg11 : memref<40x128xf32, #tpu.memory_space<vmem>>) target(%dma_start3A_177 : memref<10240x128xf32, #tpu.memory_space<vmem_shared>>) offsets(%dma_start3A_174 : memref<40xi32, #tpu.memory_space<vmem>>) semaphore(%run_scoped3A : memref<!tpu.dma_semaphore, #tpu.memory_space<semaphore_mem>>) {add = true}
        %dma_wait3A_178 = tpu.memref_slice %arg8[%mul3A_123] : memref<10000xi32, #tpu.memory_space<vmem>> -> memref<40xi32, #tpu.memory_space<vmem>>
        %dma_wait3A_179 = arith.constant 0 : i32
        %dma_wait3A_180 = arith.constant 0 : i32
        %dma_wait3A_181 = tpu.memref_slice %arg14[%dma_wait3A_179, %dma_wait3A_180] : memref<10240x128xf32, #tpu.memory_space<vmem_shared>> -> memref<10240x128xf32, #tpu.memory_space<vmem_shared>>
        tpu.wait_indirect_dma semaphore(%run_scoped3A : memref<!tpu.dma_semaphore, #tpu.memory_space<semaphore_mem>>) src(%arg11 : memref<40x128xf32, #tpu.memory_space<vmem>>) dst(%dma_wait3A_181 : memref<10240x128xf32, #tpu.memory_space<vmem_shared>>)
        tpu.yield
      }) : () -> ()
      %add3A_124 = arith.constant 2 : i32
      %add3A_125 = arith.addi %add3A_73, %add3A_124 : i32
      %add3A_126 = arith.constant 5 : i32
      %add3A_127 = arith.addi %add3A_125, %add3A_126 : i32
      %mul3A_128 = arith.constant 40 : i32
      %mul3A_129 = arith.muli %add3A_127, %mul3A_128 : i32
      %dma_start3A_130 = tpu.memref_slice %arg7[%mul3A_129] : memref<10000xi32, #tpu.memory_space<vmem>> -> memref<40xi32, #tpu.memory_space<vmem>>
      %dma_start3A_131 = arith.constant 0 : i32
      %dma_start3A_132 = arith.constant 0 : i32
      %dma_start3A_133 = tpu.memref_slice %arg2[%dma_start3A_131, %dma_start3A_132] : memref<10240x128xf32, #tpu.memory_space<hbm>> -> memref<10240x128xf32, #tpu.memory_space<hbm>>
      tpu.enqueue_indirect_dma source(%dma_start3A_133 : memref<10240x128xf32, #tpu.memory_space<hbm>>) target(%arg11 : memref<40x128xf32, #tpu.memory_space<vmem>>) offsets(%dma_start3A_130 : memref<40xi32, #tpu.memory_space<vmem>>) semaphore(%arg17 : memref<!tpu.dma_semaphore, #tpu.memory_space<semaphore_mem>>)
      %add3A_134 = arith.constant 3 : i32
      %add3A_135 = arith.addi %add3A_73, %add3A_134 : i32
      %mul3A_136 = arith.constant 40 : i32
      %mul3A_137 = arith.muli %add3A_135, %mul3A_136 : i32
      %dma_wait3A_138 = tpu.memref_slice %arg7[%mul3A_137] : memref<10000xi32, #tpu.memory_space<vmem>> -> memref<40xi32, #tpu.memory_space<vmem>>
      %dma_wait3A_139 = arith.constant 0 : i32
      %dma_wait3A_140 = arith.constant 0 : i32
      %dma_wait3A_141 = tpu.memref_slice %arg2[%dma_wait3A_139, %dma_wait3A_140] : memref<10240x128xf32, #tpu.memory_space<hbm>> -> memref<10240x128xf32, #tpu.memory_space<hbm>>
      tpu.wait_indirect_dma semaphore(%arg18 : memref<!tpu.dma_semaphore, #tpu.memory_space<semaphore_mem>>) src(%dma_wait3A_141 : memref<10240x128xf32, #tpu.memory_space<hbm>>) dst(%arg12 : memref<40x128xf32, #tpu.memory_space<vmem>>)
      %mul3A_142 = arith.constant 40 : i32
      %mul3A_143 = arith.muli %add3A_135, %mul3A_142 : i32
      "tpu.region"() ({
        %run_scoped3A = tpu.sem_alloc : memref<!tpu.dma_semaphore, #tpu.memory_space<semaphore_mem>>
        %dma_start3A_174 = tpu.memref_slice %arg8[%mul3A_143] : memref<10000xi32, #tpu.memory_space<vmem>> -> memref<40xi32, #tpu.memory_space<vmem>>
        %dma_start3A_175 = arith.constant 0 : i32
        %dma_start3A_176 = arith.constant 0 : i32
        %dma_start3A_177 = tpu.memref_slice %arg14[%dma_start3A_175, %dma_start3A_176] : memref<10240x128xf32, #tpu.memory_space<vmem_shared>> -> memref<10240x128xf32, #tpu.memory_space<vmem_shared>>
        tpu.enqueue_indirect_dma source(%arg12 : memref<40x128xf32, #tpu.memory_space<vmem>>) target(%dma_start3A_177 : memref<10240x128xf32, #tpu.memory_space<vmem_shared>>) offsets(%dma_start3A_174 : memref<40xi32, #tpu.memory_space<vmem>>) semaphore(%run_scoped3A : memref<!tpu.dma_semaphore, #tpu.memory_space<semaphore_mem>>) {add = true}
        %dma_wait3A_178 = tpu.memref_slice %arg8[%mul3A_143] : memref<10000xi32, #tpu.memory_space<vmem>> -> memref<40xi32, #tpu.memory_space<vmem>>
        %dma_wait3A_179 = arith.constant 0 : i32
        %dma_wait3A_180 = arith.constant 0 : i32
        %dma_wait3A_181 = tpu.memref_slice %arg14[%dma_wait3A_179, %dma_wait3A_180] : memref<10240x128xf32, #tpu.memory_space<vmem_shared>> -> memref<10240x128xf32, #tpu.memory_space<vmem_shared>>
        tpu.wait_indirect_dma semaphore(%run_scoped3A : memref<!tpu.dma_semaphore, #tpu.memory_space<semaphore_mem>>) src(%arg12 : memref<40x128xf32, #tpu.memory_space<vmem>>) dst(%dma_wait3A_181 : memref<10240x128xf32, #tpu.memory_space<vmem_shared>>)
        tpu.yield
      }) : () -> ()
      %add3A_144 = arith.constant 3 : i32
      %add3A_145 = arith.addi %add3A_73, %add3A_144 : i32
      %add3A_146 = arith.constant 5 : i32
      %add3A_147 = arith.addi %add3A_145, %add3A_146 : i32
      %mul3A_148 = arith.constant 40 : i32
      %mul3A_149 = arith.muli %add3A_147, %mul3A_148 : i32
      %dma_start3A_150 = tpu.memref_slice %arg7[%mul3A_149] : memref<10000xi32, #tpu.memory_space<vmem>> -> memref<40xi32, #tpu.memory_space<vmem>>
      %dma_start3A_151 = arith.constant 0 : i32
      %dma_start3A_152 = arith.constant 0 : i32
      %dma_start3A_153 = tpu.memref_slice %arg2[%dma_start3A_151, %dma_start3A_152] : memref<10240x128xf32, #tpu.memory_space<hbm>> -> memref<10240x128xf32, #tpu.memory_space<hbm>>
      tpu.enqueue_indirect_dma source(%dma_start3A_153 : memref<10240x128xf32, #tpu.memory_space<hbm>>) target(%arg12 : memref<40x128xf32, #tpu.memory_space<vmem>>) offsets(%dma_start3A_150 : memref<40xi32, #tpu.memory_space<vmem>>) semaphore(%arg18 : memref<!tpu.dma_semaphore, #tpu.memory_space<semaphore_mem>>)
      %add3A_154 = arith.constant 4 : i32
      %add3A_155 = arith.addi %add3A_73, %add3A_154 : i32
      %mul3A_156 = arith.constant 40 : i32
      %mul3A_157 = arith.muli %add3A_155, %mul3A_156 : i32
      %dma_wait3A_158 = tpu.memref_slice %arg7[%mul3A_157] : memref<10000xi32, #tpu.memory_space<vmem>> -> memref<40xi32, #tpu.memory_space<vmem>>
      %dma_wait3A_159 = arith.constant 0 : i32
      %dma_wait3A_160 = arith.constant 0 : i32
      %dma_wait3A_161 = tpu.memref_slice %arg2[%dma_wait3A_159, %dma_wait3A_160] : memref<10240x128xf32, #tpu.memory_space<hbm>> -> memref<10240x128xf32, #tpu.memory_space<hbm>>
      tpu.wait_indirect_dma semaphore(%arg19 : memref<!tpu.dma_semaphore, #tpu.memory_space<semaphore_mem>>) src(%dma_wait3A_161 : memref<10240x128xf32, #tpu.memory_space<hbm>>) dst(%arg13 : memref<40x128xf32, #tpu.memory_space<vmem>>)
      %mul3A_162 = arith.constant 40 : i32
      %mul3A_163 = arith.muli %add3A_155, %mul3A_162 : i32
      "tpu.region"() ({
        %run_scoped3A = tpu.sem_alloc : memref<!tpu.dma_semaphore, #tpu.memory_space<semaphore_mem>>
        %dma_start3A_174 = tpu.memref_slice %arg8[%mul3A_163] : memref<10000xi32, #tpu.memory_space<vmem>> -> memref<40xi32, #tpu.memory_space<vmem>>
        %dma_start3A_175 = arith.constant 0 : i32
        %dma_start3A_176 = arith.constant 0 : i32
        %dma_start3A_177 = tpu.memref_slice %arg14[%dma_start3A_175, %dma_start3A_176] : memref<10240x128xf32, #tpu.memory_space<vmem_shared>> -> memref<10240x128xf32, #tpu.memory_space<vmem_shared>>
        tpu.enqueue_indirect_dma source(%arg13 : memref<40x128xf32, #tpu.memory_space<vmem>>) target(%dma_start3A_177 : memref<10240x128xf32, #tpu.memory_space<vmem_shared>>) offsets(%dma_start3A_174 : memref<40xi32, #tpu.memory_space<vmem>>) semaphore(%run_scoped3A : memref<!tpu.dma_semaphore, #tpu.memory_space<semaphore_mem>>) {add = true}
        %dma_wait3A_178 = tpu.memref_slice %arg8[%mul3A_163] : memref<10000xi32, #tpu.memory_space<vmem>> -> memref<40xi32, #tpu.memory_space<vmem>>
        %dma_wait3A_179 = arith.constant 0 : i32
        %dma_wait3A_180 = arith.constant 0 : i32
        %dma_wait3A_181 = tpu.memref_slice %arg14[%dma_wait3A_179, %dma_wait3A_180] : memref<10240x128xf32, #tpu.memory_space<vmem_shared>> -> memref<10240x128xf32, #tpu.memory_space<vmem_shared>>
        tpu.wait_indirect_dma semaphore(%run_scoped3A : memref<!tpu.dma_semaphore, #tpu.memory_space<semaphore_mem>>) src(%arg13 : memref<40x128xf32, #tpu.memory_space<vmem>>) dst(%dma_wait3A_181 : memref<10240x128xf32, #tpu.memory_space<vmem_shared>>)
        tpu.yield
      }) : () -> ()
      %add3A_164 = arith.constant 4 : i32
      %add3A_165 = arith.addi %add3A_73, %add3A_164 : i32
      %add3A_166 = arith.constant 5 : i32
      %add3A_167 = arith.addi %add3A_165, %add3A_166 : i32
      %mul3A_168 = arith.constant 40 : i32
      %mul3A_169 = arith.muli %add3A_167, %mul3A_168 : i32
      %dma_start3A_170 = tpu.memref_slice %arg7[%mul3A_169] : memref<10000xi32, #tpu.memory_space<vmem>> -> memref<40xi32, #tpu.memory_space<vmem>>
      %dma_start3A_171 = arith.constant 0 : i32
      %dma_start3A_172 = arith.constant 0 : i32
      %dma_start3A_173 = tpu.memref_slice %arg2[%dma_start3A_171, %dma_start3A_172] : memref<10240x128xf32, #tpu.memory_space<hbm>> -> memref<10240x128xf32, #tpu.memory_space<hbm>>
      tpu.enqueue_indirect_dma source(%dma_start3A_173 : memref<10240x128xf32, #tpu.memory_space<hbm>>) target(%arg13 : memref<40x128xf32, #tpu.memory_space<vmem>>) offsets(%dma_start3A_170 : memref<40xi32, #tpu.memory_space<vmem>>) semaphore(%arg19 : memref<!tpu.dma_semaphore, #tpu.memory_space<semaphore_mem>>)
    }
    %scan3A_36 = arith.constant 49 : i32
    %dma_wait3A = arith.constant 9800 : i32
    %dma_wait3A_37 = tpu.memref_slice %arg7[%dma_wait3A] : memref<10000xi32, #tpu.memory_space<vmem>> -> memref<40xi32, #tpu.memory_space<vmem>>
    %dma_wait3A_38 = arith.constant 0 : i32
    %dma_wait3A_39 = arith.constant 0 : i32
    %dma_wait3A_40 = tpu.memref_slice %arg2[%dma_wait3A_38, %dma_wait3A_39] : memref<10240x128xf32, #tpu.memory_space<hbm>> -> memref<10240x128xf32, #tpu.memory_space<hbm>>
    tpu.wait_indirect_dma semaphore(%arg15 : memref<!tpu.dma_semaphore, #tpu.memory_space<semaphore_mem>>) src(%dma_wait3A_40 : memref<10240x128xf32, #tpu.memory_space<hbm>>) dst(%arg9 : memref<40x128xf32, #tpu.memory_space<vmem>>)
    "tpu.region"() ({
      %run_scoped3A = tpu.sem_alloc : memref<!tpu.dma_semaphore, #tpu.memory_space<semaphore_mem>>
      %dma_start3A_69 = arith.constant 9800 : i32
      %dma_start3A_70 = tpu.memref_slice %arg8[%dma_start3A_69] : memref<10000xi32, #tpu.memory_space<vmem>> -> memref<40xi32, #tpu.memory_space<vmem>>
      %dma_start3A_71 = arith.constant 0 : i32
      %dma_start3A_72 = arith.constant 0 : i32
      %dma_start3A_73 = tpu.memref_slice %arg14[%dma_start3A_71, %dma_start3A_72] : memref<10240x128xf32, #tpu.memory_space<vmem_shared>> -> memref<10240x128xf32, #tpu.memory_space<vmem_shared>>
      tpu.enqueue_indirect_dma source(%arg9 : memref<40x128xf32, #tpu.memory_space<vmem>>) target(%dma_start3A_73 : memref<10240x128xf32, #tpu.memory_space<vmem_shared>>) offsets(%dma_start3A_70 : memref<40xi32, #tpu.memory_space<vmem>>) semaphore(%run_scoped3A : memref<!tpu.dma_semaphore, #tpu.memory_space<semaphore_mem>>) {add = true}
      %dma_wait3A_74 = arith.constant 9800 : i32
      %dma_wait3A_75 = tpu.memref_slice %arg8[%dma_wait3A_74] : memref<10000xi32, #tpu.memory_space<vmem>> -> memref<40xi32, #tpu.memory_space<vmem>>
      %dma_wait3A_76 = arith.constant 0 : i32
      %dma_wait3A_77 = arith.constant 0 : i32
      %dma_wait3A_78 = tpu.memref_slice %arg14[%dma_wait3A_76, %dma_wait3A_77] : memref<10240x128xf32, #tpu.memory_space<vmem_shared>> -> memref<10240x128xf32, #tpu.memory_space<vmem_shared>>
      tpu.wait_indirect_dma semaphore(%run_scoped3A : memref<!tpu.dma_semaphore, #tpu.memory_space<semaphore_mem>>) src(%arg9 : memref<40x128xf32, #tpu.memory_space<vmem>>) dst(%dma_wait3A_78 : memref<10240x128xf32, #tpu.memory_space<vmem_shared>>)
      tpu.yield
    }) : () -> ()
    %dma_wait3A_41 = arith.constant 9840 : i32
    %dma_wait3A_42 = tpu.memref_slice %arg7[%dma_wait3A_41] : memref<10000xi32, #tpu.memory_space<vmem>> -> memref<40xi32, #tpu.memory_space<vmem>>
    %dma_wait3A_43 = arith.constant 0 : i32
    %dma_wait3A_44 = arith.constant 0 : i32
    %dma_wait3A_45 = tpu.memref_slice %arg2[%dma_wait3A_43, %dma_wait3A_44] : memref<10240x128xf32, #tpu.memory_space<hbm>> -> memref<10240x128xf32, #tpu.memory_space<hbm>>
    tpu.wait_indirect_dma semaphore(%arg16 : memref<!tpu.dma_semaphore, #tpu.memory_space<semaphore_mem>>) src(%dma_wait3A_45 : memref<10240x128xf32, #tpu.memory_space<hbm>>) dst(%arg10 : memref<40x128xf32, #tpu.memory_space<vmem>>)
    "tpu.region"() ({
      %run_scoped3A = tpu.sem_alloc : memref<!tpu.dma_semaphore, #tpu.memory_space<semaphore_mem>>
      %dma_start3A_69 = arith.constant 9840 : i32
      %dma_start3A_70 = tpu.memref_slice %arg8[%dma_start3A_69] : memref<10000xi32, #tpu.memory_space<vmem>> -> memref<40xi32, #tpu.memory_space<vmem>>
      %dma_start3A_71 = arith.constant 0 : i32
      %dma_start3A_72 = arith.constant 0 : i32
      %dma_start3A_73 = tpu.memref_slice %arg14[%dma_start3A_71, %dma_start3A_72] : memref<10240x128xf32, #tpu.memory_space<vmem_shared>> -> memref<10240x128xf32, #tpu.memory_space<vmem_shared>>
      tpu.enqueue_indirect_dma source(%arg10 : memref<40x128xf32, #tpu.memory_space<vmem>>) target(%dma_start3A_73 : memref<10240x128xf32, #tpu.memory_space<vmem_shared>>) offsets(%dma_start3A_70 : memref<40xi32, #tpu.memory_space<vmem>>) semaphore(%run_scoped3A : memref<!tpu.dma_semaphore, #tpu.memory_space<semaphore_mem>>) {add = true}
      %dma_wait3A_74 = arith.constant 9840 : i32
      %dma_wait3A_75 = tpu.memref_slice %arg8[%dma_wait3A_74] : memref<10000xi32, #tpu.memory_space<vmem>> -> memref<40xi32, #tpu.memory_space<vmem>>
      %dma_wait3A_76 = arith.constant 0 : i32
      %dma_wait3A_77 = arith.constant 0 : i32
      %dma_wait3A_78 = tpu.memref_slice %arg14[%dma_wait3A_76, %dma_wait3A_77] : memref<10240x128xf32, #tpu.memory_space<vmem_shared>> -> memref<10240x128xf32, #tpu.memory_space<vmem_shared>>
      tpu.wait_indirect_dma semaphore(%run_scoped3A : memref<!tpu.dma_semaphore, #tpu.memory_space<semaphore_mem>>) src(%arg10 : memref<40x128xf32, #tpu.memory_space<vmem>>) dst(%dma_wait3A_78 : memref<10240x128xf32, #tpu.memory_space<vmem_shared>>)
      tpu.yield
    }) : () -> ()
    %dma_wait3A_46 = arith.constant 9880 : i32
    %dma_wait3A_47 = tpu.memref_slice %arg7[%dma_wait3A_46] : memref<10000xi32, #tpu.memory_space<vmem>> -> memref<40xi32, #tpu.memory_space<vmem>>
    %dma_wait3A_48 = arith.constant 0 : i32
    %dma_wait3A_49 = arith.constant 0 : i32
    %dma_wait3A_50 = tpu.memref_slice %arg2[%dma_wait3A_48, %dma_wait3A_49] : memref<10240x128xf32, #tpu.memory_space<hbm>> -> memref<10240x128xf32, #tpu.memory_space<hbm>>
    tpu.wait_indirect_dma semaphore(%arg17 : memref<!tpu.dma_semaphore, #tpu.memory_space<semaphore_mem>>) src(%dma_wait3A_50 : memref<10240x128xf32, #tpu.memory_space<hbm>>) dst(%arg11 : memref<40x128xf32, #tpu.memory_space<vmem>>)
    "tpu.region"() ({
      %run_scoped3A = tpu.sem_alloc : memref<!tpu.dma_semaphore, #tpu.memory_space<semaphore_mem>>
      %dma_start3A_69 = arith.constant 9880 : i32
      %dma_start3A_70 = tpu.memref_slice %arg8[%dma_start3A_69] : memref<10000xi32, #tpu.memory_space<vmem>> -> memref<40xi32, #tpu.memory_space<vmem>>
      %dma_start3A_71 = arith.constant 0 : i32
      %dma_start3A_72 = arith.constant 0 : i32
      %dma_start3A_73 = tpu.memref_slice %arg14[%dma_start3A_71, %dma_start3A_72] : memref<10240x128xf32, #tpu.memory_space<vmem_shared>> -> memref<10240x128xf32, #tpu.memory_space<vmem_shared>>
      tpu.enqueue_indirect_dma source(%arg11 : memref<40x128xf32, #tpu.memory_space<vmem>>) target(%dma_start3A_73 : memref<10240x128xf32, #tpu.memory_space<vmem_shared>>) offsets(%dma_start3A_70 : memref<40xi32, #tpu.memory_space<vmem>>) semaphore(%run_scoped3A : memref<!tpu.dma_semaphore, #tpu.memory_space<semaphore_mem>>) {add = true}
      %dma_wait3A_74 = arith.constant 9880 : i32
      %dma_wait3A_75 = tpu.memref_slice %arg8[%dma_wait3A_74] : memref<10000xi32, #tpu.memory_space<vmem>> -> memref<40xi32, #tpu.memory_space<vmem>>
      %dma_wait3A_76 = arith.constant 0 : i32
      %dma_wait3A_77 = arith.constant 0 : i32
      %dma_wait3A_78 = tpu.memref_slice %arg14[%dma_wait3A_76, %dma_wait3A_77] : memref<10240x128xf32, #tpu.memory_space<vmem_shared>> -> memref<10240x128xf32, #tpu.memory_space<vmem_shared>>
      tpu.wait_indirect_dma semaphore(%run_scoped3A : memref<!tpu.dma_semaphore, #tpu.memory_space<semaphore_mem>>) src(%arg11 : memref<40x128xf32, #tpu.memory_space<vmem>>) dst(%dma_wait3A_78 : memref<10240x128xf32, #tpu.memory_space<vmem_shared>>)
      tpu.yield
    }) : () -> ()
    %dma_wait3A_51 = arith.constant 9920 : i32
    %dma_wait3A_52 = tpu.memref_slice %arg7[%dma_wait3A_51] : memref<10000xi32, #tpu.memory_space<vmem>> -> memref<40xi32, #tpu.memory_space<vmem>>
    %dma_wait3A_53 = arith.constant 0 : i32
    %dma_wait3A_54 = arith.constant 0 : i32
    %dma_wait3A_55 = tpu.memref_slice %arg2[%dma_wait3A_53, %dma_wait3A_54] : memref<10240x128xf32, #tpu.memory_space<hbm>> -> memref<10240x128xf32, #tpu.memory_space<hbm>>
    tpu.wait_indirect_dma semaphore(%arg18 : memref<!tpu.dma_semaphore, #tpu.memory_space<semaphore_mem>>) src(%dma_wait3A_55 : memref<10240x128xf32, #tpu.memory_space<hbm>>) dst(%arg12 : memref<40x128xf32, #tpu.memory_space<vmem>>)
    "tpu.region"() ({
      %run_scoped3A = tpu.sem_alloc : memref<!tpu.dma_semaphore, #tpu.memory_space<semaphore_mem>>
      %dma_start3A_69 = arith.constant 9920 : i32
      %dma_start3A_70 = tpu.memref_slice %arg8[%dma_start3A_69] : memref<10000xi32, #tpu.memory_space<vmem>> -> memref<40xi32, #tpu.memory_space<vmem>>
      %dma_start3A_71 = arith.constant 0 : i32
      %dma_start3A_72 = arith.constant 0 : i32
      %dma_start3A_73 = tpu.memref_slice %arg14[%dma_start3A_71, %dma_start3A_72] : memref<10240x128xf32, #tpu.memory_space<vmem_shared>> -> memref<10240x128xf32, #tpu.memory_space<vmem_shared>>
      tpu.enqueue_indirect_dma source(%arg12 : memref<40x128xf32, #tpu.memory_space<vmem>>) target(%dma_start3A_73 : memref<10240x128xf32, #tpu.memory_space<vmem_shared>>) offsets(%dma_start3A_70 : memref<40xi32, #tpu.memory_space<vmem>>) semaphore(%run_scoped3A : memref<!tpu.dma_semaphore, #tpu.memory_space<semaphore_mem>>) {add = true}
      %dma_wait3A_74 = arith.constant 9920 : i32
      %dma_wait3A_75 = tpu.memref_slice %arg8[%dma_wait3A_74] : memref<10000xi32, #tpu.memory_space<vmem>> -> memref<40xi32, #tpu.memory_space<vmem>>
      %dma_wait3A_76 = arith.constant 0 : i32
      %dma_wait3A_77 = arith.constant 0 : i32
      %dma_wait3A_78 = tpu.memref_slice %arg14[%dma_wait3A_76, %dma_wait3A_77] : memref<10240x128xf32, #tpu.memory_space<vmem_shared>> -> memref<10240x128xf32, #tpu.memory_space<vmem_shared>>
      tpu.wait_indirect_dma semaphore(%run_scoped3A : memref<!tpu.dma_semaphore, #tpu.memory_space<semaphore_mem>>) src(%arg12 : memref<40x128xf32, #tpu.memory_space<vmem>>) dst(%dma_wait3A_78 : memref<10240x128xf32, #tpu.memory_space<vmem_shared>>)
      tpu.yield
    }) : () -> ()
    %dma_wait3A_56 = arith.constant 9960 : i32
    %dma_wait3A_57 = tpu.memref_slice %arg7[%dma_wait3A_56] : memref<10000xi32, #tpu.memory_space<vmem>> -> memref<40xi32, #tpu.memory_space<vmem>>
    %dma_wait3A_58 = arith.constant 0 : i32
    %dma_wait3A_59 = arith.constant 0 : i32
    %dma_wait3A_60 = tpu.memref_slice %arg2[%dma_wait3A_58, %dma_wait3A_59] : memref<10240x128xf32, #tpu.memory_space<hbm>> -> memref<10240x128xf32, #tpu.memory_space<hbm>>
    tpu.wait_indirect_dma semaphore(%arg19 : memref<!tpu.dma_semaphore, #tpu.memory_space<semaphore_mem>>) src(%dma_wait3A_60 : memref<10240x128xf32, #tpu.memory_space<hbm>>) dst(%arg13 : memref<40x128xf32, #tpu.memory_space<vmem>>)
    "tpu.region"() ({
      %run_scoped3A = tpu.sem_alloc : memref<!tpu.dma_semaphore, #tpu.memory_space<semaphore_mem>>
      %dma_start3A_69 = arith.constant 9960 : i32
      %dma_start3A_70 = tpu.memref_slice %arg8[%dma_start3A_69] : memref<10000xi32, #tpu.memory_space<vmem>> -> memref<40xi32, #tpu.memory_space<vmem>>
      %dma_start3A_71 = arith.constant 0 : i32
      %dma_start3A_72 = arith.constant 0 : i32
      %dma_start3A_73 = tpu.memref_slice %arg14[%dma_start3A_71, %dma_start3A_72] : memref<10240x128xf32, #tpu.memory_space<vmem_shared>> -> memref<10240x128xf32, #tpu.memory_space<vmem_shared>>
      tpu.enqueue_indirect_dma source(%arg13 : memref<40x128xf32, #tpu.memory_space<vmem>>) target(%dma_start3A_73 : memref<10240x128xf32, #tpu.memory_space<vmem_shared>>) offsets(%dma_start3A_70 : memref<40xi32, #tpu.memory_space<vmem>>) semaphore(%run_scoped3A : memref<!tpu.dma_semaphore, #tpu.memory_space<semaphore_mem>>) {add = true}
      %dma_wait3A_74 = arith.constant 9960 : i32
      %dma_wait3A_75 = tpu.memref_slice %arg8[%dma_wait3A_74] : memref<10000xi32, #tpu.memory_space<vmem>> -> memref<40xi32, #tpu.memory_space<vmem>>
      %dma_wait3A_76 = arith.constant 0 : i32
      %dma_wait3A_77 = arith.constant 0 : i32
      %dma_wait3A_78 = tpu.memref_slice %arg14[%dma_wait3A_76, %dma_wait3A_77] : memref<10240x128xf32, #tpu.memory_space<vmem_shared>> -> memref<10240x128xf32, #tpu.memory_space<vmem_shared>>
      tpu.wait_indirect_dma semaphore(%run_scoped3A : memref<!tpu.dma_semaphore, #tpu.memory_space<semaphore_mem>>) src(%arg13 : memref<40x128xf32, #tpu.memory_space<vmem>>) dst(%dma_wait3A_78 : memref<10240x128xf32, #tpu.memory_space<vmem_shared>>)
      tpu.yield
    }) : () -> ()
    %barrier3A_61 = arith.constant 0 : index
    tpu.barrier barrier_id(%barrier3A_61)
    %mul3A_62 = arith.constant 640 : i32
    %mul3A_63 = arith.muli %arg1, %mul3A_62 : i32
    %mul3A_64 = arith.constant 10240 : i32
    %mul3A_65 = arith.muli %arg0, %mul3A_64 : i32
    %mul3A_66 = arith.constant 640 : i32
    %mul3A_67 = arith.muli %arg1, %mul3A_66 : i32
    %add3A_68 = arith.addi %mul3A_65, %mul3A_67 : i32
    "tpu.region"() ({
      %run_scoped3A = tpu.sem_alloc : memref<!tpu.dma_semaphore, #tpu.memory_space<semaphore_mem>>
      %dma_start3A_69 = arith.constant 0 : i32
      %dma_start3A_70 = tpu.memref_slice %arg6[%add3A_68, %dma_start3A_69] : memref<20480x128xf32, #tpu.memory_space<hbm>> -> memref<640x128xf32, #tpu.memory_space<hbm>>
      %dma_start3A_71 = arith.constant 0 : i32
      %dma_start3A_72 = tpu.memref_slice %arg14[%mul3A_63, %dma_start3A_71] : memref<10240x128xf32, #tpu.memory_space<vmem_shared>> -> memref<640x128xf32, #tpu.memory_space<vmem_shared>>
      tpu.enqueue_dma source(%dma_start3A_72 : memref<640x128xf32, #tpu.memory_space<vmem_shared>>) target(%dma_start3A_70 : memref<640x128xf32, #tpu.memory_space<hbm>>) target_semaphore(%run_scoped3A : memref<!tpu.dma_semaphore, #tpu.memory_space<semaphore_mem>>)
      %dma_wait3A_73 = arith.constant 0 : i32
      %dma_wait3A_74 = tpu.memref_slice %arg6[%add3A_68, %dma_wait3A_73] : memref<20480x128xf32, #tpu.memory_space<hbm>> -> memref<640x128xf32, #tpu.memory_space<hbm>>
      %dma_wait3A_75 = arith.constant 0 : i32
      %dma_wait3A_76 = tpu.memref_slice %arg14[%mul3A_63, %dma_wait3A_75] : memref<10240x128xf32, #tpu.memory_space<vmem_shared>> -> memref<640x128xf32, #tpu.memory_space<vmem_shared>>
      tpu.wait_dma2 semaphore(%run_scoped3A : memref<!tpu.dma_semaphore, #tpu.memory_space<semaphore_mem>>) src(%dma_wait3A_76 : memref<640x128xf32, #tpu.memory_space<vmem_shared>>) dst(%dma_wait3A_74 : memref<640x128xf32, #tpu.memory_space<hbm>>)
      tpu.yield
    }) : () -> ()
    return
  }
}

#map = affine_map<(d0, d1) -> (0, 0)>
#map1 = affine_map<(d0, d1) -> (0)>
module attributes {stable_mosaic.version = 14 : i64} {
  func.func @_sc_body_gs(%arg0: i32, %arg1: i32, %arg2: memref<10240x128xf32, #tpu.memory_space<hbm>>, %arg3: memref<320000xi32, #tpu.memory_space<hbm>>, %arg4: memref<320000xi32, #tpu.memory_space<hbm>>, %arg5: memref<10240x128xf32, #tpu.memory_space<hbm>>, %arg6: memref<20480x128xf32, #tpu.memory_space<hbm>>, %arg7: memref<10000xi32, #tpu.memory_space<vmem>>, %arg8: memref<10000xi32, #tpu.memory_space<vmem>>, %arg9: memref<40x128xf32, #tpu.memory_space<vmem>>, %arg10: memref<40x128xf32, #tpu.memory_space<vmem>>, %arg11: memref<40x128xf32, #tpu.memory_space<vmem>>, %arg12: memref<40x128xf32, #tpu.memory_space<vmem>>, %arg13: memref<40x128xf32, #tpu.memory_space<vmem>>, %arg14: memref<10240x128xf32, #tpu.memory_space<vmem_shared>>, %arg15: memref<!tpu.dma_semaphore, #tpu.memory_space<semaphore_mem>>, %arg16: memref<!tpu.dma_semaphore, #tpu.memory_space<semaphore_mem>>, %arg17: memref<!tpu.dma_semaphore, #tpu.memory_space<semaphore_mem>>, %arg18: memref<!tpu.dma_semaphore, #tpu.memory_space<semaphore_mem>>, %arg19: memref<!tpu.dma_semaphore, #tpu.memory_space<semaphore_mem>>) attributes {dimension_semantics = [#tpu.dimension_semantics<core_parallel>, #tpu.dimension_semantics<subcore_parallel>], iteration_bounds = array<i64: 2, 16>, scalar_prefetch = 0 : i64, scratch_operands = 13 : i64, tpu.core_type = #tpu.core_type<sc_vector_subcore>, window_params = [{transform_indices = #map}, {transform_indices = #map1}, {transform_indices = #map1}, {transform_indices = #map}, {transform_indices = #map}]} {
    %mul3A = arith.constant 2 : i32
    %mul3A_0 = arith.muli %arg1, %mul3A : i32
    %add3A = arith.addi %mul3A_0, %arg0 : i32
    %mul3A_1 = arith.constant 10000 : i32
    %mul3A_2 = arith.muli %add3A, %mul3A_1 : i32
    "tpu.region"() ({
      %run_scoped3A = tpu.sem_alloc : memref<!tpu.dma_semaphore, #tpu.memory_space<semaphore_mem>>
      %dma_start3A_69 = tpu.memref_slice %arg3[%mul3A_2] : memref<320000xi32, #tpu.memory_space<hbm>> -> memref<10000xi32, #tpu.memory_space<hbm>>
      %dma_start3A_70 = tpu.memref_slice %arg3[%mul3A_2] : memref<320000xi32, #tpu.memory_space<hbm>> -> memref<10000xi32, #tpu.memory_space<hbm>>
      tpu.enqueue_dma source(%dma_start3A_70 : memref<10000xi32, #tpu.memory_space<hbm>>) target(%arg7 : memref<10000xi32, #tpu.memory_space<vmem>>) target_semaphore(%run_scoped3A : memref<!tpu.dma_semaphore, #tpu.memory_space<semaphore_mem>>)
      %dma_wait3A_71 = tpu.memref_slice %arg3[%mul3A_2] : memref<320000xi32, #tpu.memory_space<hbm>> -> memref<10000xi32, #tpu.memory_space<hbm>>
      %dma_wait3A_72 = tpu.memref_slice %arg3[%mul3A_2] : memref<320000xi32, #tpu.memory_space<hbm>> -> memref<10000xi32, #tpu.memory_space<hbm>>
      tpu.wait_dma2 semaphore(%run_scoped3A : memref<!tpu.dma_semaphore, #tpu.memory_space<semaphore_mem>>) src(%dma_wait3A_72 : memref<10000xi32, #tpu.memory_space<hbm>>) dst(%arg7 : memref<10000xi32, #tpu.memory_space<vmem>>)
      tpu.yield
    }) : () -> ()
    %mul3A_3 = arith.constant 10000 : i32
    %mul3A_4 = arith.muli %add3A, %mul3A_3 : i32
    "tpu.region"() ({
      %run_scoped3A = tpu.sem_alloc : memref<!tpu.dma_semaphore, #tpu.memory_space<semaphore_mem>>
      %dma_start3A_69 = tpu.memref_slice %arg4[%mul3A_4] : memref<320000xi32, #tpu.memory_space<hbm>> -> memref<10000xi32, #tpu.memory_space<hbm>>
      %dma_start3A_70 = tpu.memref_slice %arg4[%mul3A_4] : memref<320000xi32, #tpu.memory_space<hbm>> -> memref<10000xi32, #tpu.memory_space<hbm>>
      tpu.enqueue_dma source(%dma_start3A_70 : memref<10000xi32, #tpu.memory_space<hbm>>) target(%arg8 : memref<10000xi32, #tpu.memory_space<vmem>>) target_semaphore(%run_scoped3A : memref<!tpu.dma_semaphore, #tpu.memory_space<semaphore_mem>>)
      %dma_wait3A_71 = tpu.memref_slice %arg4[%mul3A_4] : memref<320000xi32, #tpu.memory_space<hbm>> -> memref<10000xi32, #tpu.memory_space<hbm>>
      %dma_wait3A_72 = tpu.memref_slice %arg4[%mul3A_4] : memref<320000xi32, #tpu.memory_space<hbm>> -> memref<10000xi32, #tpu.memory_space<hbm>>
      tpu.wait_dma2 semaphore(%run_scoped3A : memref<!tpu.dma_semaphore, #tpu.memory_space<semaphore_mem>>) src(%dma_wait3A_72 : memref<10000xi32, #tpu.memory_space<hbm>>) dst(%arg8 : memref<10000xi32, #tpu.memory_space<vmem>>)
      tpu.yield
    }) : () -> ()
    %mul3A_5 = arith.constant 640 : i32
    %mul3A_6 = arith.muli %arg1, %mul3A_5 : i32
    %mul3A_7 = arith.constant 640 : i32
    %mul3A_8 = arith.muli %arg1, %mul3A_7 : i32
    "tpu.region"() ({
      %run_scoped3A = tpu.sem_alloc : memref<!tpu.dma_semaphore, #tpu.memory_space<semaphore_mem>>
      %dma_start3A_69 = arith.constant 0 : i32
      %dma_start3A_70 = tpu.memref_slice %arg14[%mul3A_8, %dma_start3A_69] : memref<10240x128xf32, #tpu.memory_space<vmem_shared>> -> memref<640x128xf32, #tpu.memory_space<vmem_shared>>
      %dma_start3A_71 = arith.constant 0 : i32
      %dma_start3A_72 = tpu.memref_slice %arg5[%mul3A_6, %dma_start3A_71] : memref<10240x128xf32, #tpu.memory_space<hbm>> -> memref<640x128xf32, #tpu.memory_space<hbm>>
      tpu.enqueue_dma source(%dma_start3A_72 : memref<640x128xf32, #tpu.memory_space<hbm>>) target(%dma_start3A_70 : memref<640x128xf32, #tpu.memory_space<vmem_shared>>) target_semaphore(%run_scoped3A : memref<!tpu.dma_semaphore, #tpu.memory_space<semaphore_mem>>)
      %dma_wait3A_73 = arith.constant 0 : i32
      %dma_wait3A_74 = tpu.memref_slice %arg14[%mul3A_8, %dma_wait3A_73] : memref<10240x128xf32, #tpu.memory_space<vmem_shared>> -> memref<640x128xf32, #tpu.memory_space<vmem_shared>>
      %dma_wait3A_75 = arith.constant 0 : i32
      %dma_wait3A_76 = tpu.memref_slice %arg5[%mul3A_6, %dma_wait3A_75] : memref<10240x128xf32, #tpu.memory_space<hbm>> -> memref<640x128xf32, #tpu.memory_space<hbm>>
      tpu.wait_dma2 semaphore(%run_scoped3A : memref<!tpu.dma_semaphore, #tpu.memory_space<semaphore_mem>>) src(%dma_wait3A_76 : memref<640x128xf32, #tpu.memory_space<hbm>>) dst(%dma_wait3A_74 : memref<640x128xf32, #tpu.memory_space<vmem_shared>>)
      tpu.yield
    }) : () -> ()
    %barrier3A = arith.constant 0 : index
    tpu.barrier barrier_id(%barrier3A)
    %dma_start3A = arith.constant 0 : i32
    %dma_start3A_9 = tpu.memref_slice %arg7[%dma_start3A] : memref<10000xi32, #tpu.memory_space<vmem>> -> memref<40xi32, #tpu.memory_space<vmem>>
    %dma_start3A_10 = arith.constant 0 : i32
    %dma_start3A_11 = arith.constant 0 : i32
    %dma_start3A_12 = tpu.memref_slice %arg2[%dma_start3A_10, %dma_start3A_11] : memref<10240x128xf32, #tpu.memory_space<hbm>> -> memref<10240x128xf32, #tpu.memory_space<hbm>>
    tpu.enqueue_indirect_dma source(%dma_start3A_12 : memref<10240x128xf32, #tpu.memory_space<hbm>>) target(%arg9 : memref<40x128xf32, #tpu.memory_space<vmem>>) offsets(%dma_start3A_9 : memref<40xi32, #tpu.memory_space<vmem>>) semaphore(%arg15 : memref<!tpu.dma_semaphore, #tpu.memory_space<semaphore_mem>>)
    %dma_start3A_13 = arith.constant 40 : i32
    %dma_start3A_14 = tpu.memref_slice %arg7[%dma_start3A_13] : memref<10000xi32, #tpu.memory_space<vmem>> -> memref<40xi32, #tpu.memory_space<vmem>>
    %dma_start3A_15 = arith.constant 0 : i32
    %dma_start3A_16 = arith.constant 0 : i32
    %dma_start3A_17 = tpu.memref_slice %arg2[%dma_start3A_15, %dma_start3A_16] : memref<10240x128xf32, #tpu.memory_space<hbm>> -> memref<10240x128xf32, #tpu.memory_space<hbm>>
    tpu.enqueue_indirect_dma source(%dma_start3A_17 : memref<10240x128xf32, #tpu.memory_space<hbm>>) target(%arg10 : memref<40x128xf32, #tpu.memory_space<vmem>>) offsets(%dma_start3A_14 : memref<40xi32, #tpu.memory_space<vmem>>) semaphore(%arg16 : memref<!tpu.dma_semaphore, #tpu.memory_space<semaphore_mem>>)
    %dma_start3A_18 = arith.constant 80 : i32
    %dma_start3A_19 = tpu.memref_slice %arg7[%dma_start3A_18] : memref<10000xi32, #tpu.memory_space<vmem>> -> memref<40xi32, #tpu.memory_space<vmem>>
    %dma_start3A_20 = arith.constant 0 : i32
    %dma_start3A_21 = arith.constant 0 : i32
    %dma_start3A_22 = tpu.memref_slice %arg2[%dma_start3A_20, %dma_start3A_21] : memref<10240x128xf32, #tpu.memory_space<hbm>> -> memref<10240x128xf32, #tpu.memory_space<hbm>>
    tpu.enqueue_indirect_dma source(%dma_start3A_22 : memref<10240x128xf32, #tpu.memory_space<hbm>>) target(%arg11 : memref<40x128xf32, #tpu.memory_space<vmem>>) offsets(%dma_start3A_19 : memref<40xi32, #tpu.memory_space<vmem>>) semaphore(%arg17 : memref<!tpu.dma_semaphore, #tpu.memory_space<semaphore_mem>>)
    %dma_start3A_23 = arith.constant 120 : i32
    %dma_start3A_24 = tpu.memref_slice %arg7[%dma_start3A_23] : memref<10000xi32, #tpu.memory_space<vmem>> -> memref<40xi32, #tpu.memory_space<vmem>>
    %dma_start3A_25 = arith.constant 0 : i32
    %dma_start3A_26 = arith.constant 0 : i32
    %dma_start3A_27 = tpu.memref_slice %arg2[%dma_start3A_25, %dma_start3A_26] : memref<10240x128xf32, #tpu.memory_space<hbm>> -> memref<10240x128xf32, #tpu.memory_space<hbm>>
    tpu.enqueue_indirect_dma source(%dma_start3A_27 : memref<10240x128xf32, #tpu.memory_space<hbm>>) target(%arg12 : memref<40x128xf32, #tpu.memory_space<vmem>>) offsets(%dma_start3A_24 : memref<40xi32, #tpu.memory_space<vmem>>) semaphore(%arg18 : memref<!tpu.dma_semaphore, #tpu.memory_space<semaphore_mem>>)
    %dma_start3A_28 = arith.constant 160 : i32
    %dma_start3A_29 = tpu.memref_slice %arg7[%dma_start3A_28] : memref<10000xi32, #tpu.memory_space<vmem>> -> memref<40xi32, #tpu.memory_space<vmem>>
    %dma_start3A_30 = arith.constant 0 : i32
    %dma_start3A_31 = arith.constant 0 : i32
    %dma_start3A_32 = tpu.memref_slice %arg2[%dma_start3A_30, %dma_start3A_31] : memref<10240x128xf32, #tpu.memory_space<hbm>> -> memref<10240x128xf32, #tpu.memory_space<hbm>>
    tpu.enqueue_indirect_dma source(%dma_start3A_32 : memref<10240x128xf32, #tpu.memory_space<hbm>>) target(%arg13 : memref<40x128xf32, #tpu.memory_space<vmem>>) offsets(%dma_start3A_29 : memref<40xi32, #tpu.memory_space<vmem>>) semaphore(%arg19 : memref<!tpu.dma_semaphore, #tpu.memory_space<semaphore_mem>>)
    %scan3A = arith.constant 0 : i32
    %scan3A_33 = arith.constant 49 : i32
    %scan3A_34 = arith.addi %scan3A, %scan3A_33 : i32
    %scan3A_35 = arith.constant 1 : i32
    scf.for %scan3A_69 = %scan3A to %scan3A_34 step %scan3A_35  : i32 {
      %mul3A_70 = arith.constant 5 : i32
      %mul3A_71 = arith.muli %scan3A_69, %mul3A_70 : i32
      %add3A_72 = arith.constant 0 : i32
      %add3A_73 = arith.addi %add3A_72, %mul3A_71 : i32
      %add3A_74 = arith.constant 0 : i32
      %add3A_75 = arith.addi %add3A_73, %add3A_74 : i32
      %mul3A_76 = arith.constant 40 : i32
      %mul3A_77 = arith.muli %add3A_75, %mul3A_76 : i32
      %dma_wait3A_78 = tpu.memref_slice %arg7[%mul3A_77] : memref<10000xi32, #tpu.memory_space<vmem>> -> memref<40xi32, #tpu.memory_space<vmem>>
      %dma_wait3A_79 = arith.constant 0 : i32
      %dma_wait3A_80 = arith.constant 0 : i32
      %dma_wait3A_81 = tpu.memref_slice %arg2[%dma_wait3A_79, %dma_wait3A_80] : memref<10240x128xf32, #tpu.memory_space<hbm>> -> memref<10240x128xf32, #tpu.memory_space<hbm>>
      tpu.wait_indirect_dma semaphore(%arg15 : memref<!tpu.dma_semaphore, #tpu.memory_space<semaphore_mem>>) src(%dma_wait3A_81 : memref<10240x128xf32, #tpu.memory_space<hbm>>) dst(%arg9 : memref<40x128xf32, #tpu.memory_space<vmem>>)
      %mul3A_82 = arith.constant 40 : i32
      %mul3A_83 = arith.muli %add3A_75, %mul3A_82 : i32
      "tpu.region"() ({
        %run_scoped3A = tpu.sem_alloc : memref<!tpu.dma_semaphore, #tpu.memory_space<semaphore_mem>>
        %dma_start3A_174 = tpu.memref_slice %arg8[%mul3A_83] : memref<10000xi32, #tpu.memory_space<vmem>> -> memref<40xi32, #tpu.memory_space<vmem>>
        %dma_start3A_175 = arith.constant 0 : i32
        %dma_start3A_176 = arith.constant 0 : i32
        %dma_start3A_177 = tpu.memref_slice %arg14[%dma_start3A_175, %dma_start3A_176] : memref<10240x128xf32, #tpu.memory_space<vmem_shared>> -> memref<10240x128xf32, #tpu.memory_space<vmem_shared>>
        tpu.enqueue_indirect_dma source(%arg9 : memref<40x128xf32, #tpu.memory_space<vmem>>) target(%dma_start3A_177 : memref<10240x128xf32, #tpu.memory_space<vmem_shared>>) offsets(%dma_start3A_174 : memref<40xi32, #tpu.memory_space<vmem>>) semaphore(%run_scoped3A : memref<!tpu.dma_semaphore, #tpu.memory_space<semaphore_mem>>) {add = true}
        %dma_wait3A_178 = tpu.memref_slice %arg8[%mul3A_83] : memref<10000xi32, #tpu.memory_space<vmem>> -> memref<40xi32, #tpu.memory_space<vmem>>
        %dma_wait3A_179 = arith.constant 0 : i32
        %dma_wait3A_180 = arith.constant 0 : i32
        %dma_wait3A_181 = tpu.memref_slice %arg14[%dma_wait3A_179, %dma_wait3A_180] : memref<10240x128xf32, #tpu.memory_space<vmem_shared>> -> memref<10240x128xf32, #tpu.memory_space<vmem_shared>>
        tpu.wait_indirect_dma semaphore(%run_scoped3A : memref<!tpu.dma_semaphore, #tpu.memory_space<semaphore_mem>>) src(%arg9 : memref<40x128xf32, #tpu.memory_space<vmem>>) dst(%dma_wait3A_181 : memref<10240x128xf32, #tpu.memory_space<vmem_shared>>)
        tpu.yield
      }) : () -> ()
      %add3A_84 = arith.constant 0 : i32
      %add3A_85 = arith.addi %add3A_73, %add3A_84 : i32
      %add3A_86 = arith.constant 5 : i32
      %add3A_87 = arith.addi %add3A_85, %add3A_86 : i32
      %mul3A_88 = arith.constant 40 : i32
      %mul3A_89 = arith.muli %add3A_87, %mul3A_88 : i32
      %dma_start3A_90 = tpu.memref_slice %arg7[%mul3A_89] : memref<10000xi32, #tpu.memory_space<vmem>> -> memref<40xi32, #tpu.memory_space<vmem>>
      %dma_start3A_91 = arith.constant 0 : i32
      %dma_start3A_92 = arith.constant 0 : i32
      %dma_start3A_93 = tpu.memref_slice %arg2[%dma_start3A_91, %dma_start3A_92] : memref<10240x128xf32, #tpu.memory_space<hbm>> -> memref<10240x128xf32, #tpu.memory_space<hbm>>
      tpu.enqueue_indirect_dma source(%dma_start3A_93 : memref<10240x128xf32, #tpu.memory_space<hbm>>) target(%arg9 : memref<40x128xf32, #tpu.memory_space<vmem>>) offsets(%dma_start3A_90 : memref<40xi32, #tpu.memory_space<vmem>>) semaphore(%arg15 : memref<!tpu.dma_semaphore, #tpu.memory_space<semaphore_mem>>)
      %add3A_94 = arith.constant 1 : i32
      %add3A_95 = arith.addi %add3A_73, %add3A_94 : i32
      %mul3A_96 = arith.constant 40 : i32
      %mul3A_97 = arith.muli %add3A_95, %mul3A_96 : i32
      %dma_wait3A_98 = tpu.memref_slice %arg7[%mul3A_97] : memref<10000xi32, #tpu.memory_space<vmem>> -> memref<40xi32, #tpu.memory_space<vmem>>
      %dma_wait3A_99 = arith.constant 0 : i32
      %dma_wait3A_100 = arith.constant 0 : i32
      %dma_wait3A_101 = tpu.memref_slice %arg2[%dma_wait3A_99, %dma_wait3A_100] : memref<10240x128xf32, #tpu.memory_space<hbm>> -> memref<10240x128xf32, #tpu.memory_space<hbm>>
      tpu.wait_indirect_dma semaphore(%arg16 : memref<!tpu.dma_semaphore, #tpu.memory_space<semaphore_mem>>) src(%dma_wait3A_101 : memref<10240x128xf32, #tpu.memory_space<hbm>>) dst(%arg10 : memref<40x128xf32, #tpu.memory_space<vmem>>)
      %mul3A_102 = arith.constant 40 : i32
      %mul3A_103 = arith.muli %add3A_95, %mul3A_102 : i32
      "tpu.region"() ({
        %run_scoped3A = tpu.sem_alloc : memref<!tpu.dma_semaphore, #tpu.memory_space<semaphore_mem>>
        %dma_start3A_174 = tpu.memref_slice %arg8[%mul3A_103] : memref<10000xi32, #tpu.memory_space<vmem>> -> memref<40xi32, #tpu.memory_space<vmem>>
        %dma_start3A_175 = arith.constant 0 : i32
        %dma_start3A_176 = arith.constant 0 : i32
        %dma_start3A_177 = tpu.memref_slice %arg14[%dma_start3A_175, %dma_start3A_176] : memref<10240x128xf32, #tpu.memory_space<vmem_shared>> -> memref<10240x128xf32, #tpu.memory_space<vmem_shared>>
        tpu.enqueue_indirect_dma source(%arg10 : memref<40x128xf32, #tpu.memory_space<vmem>>) target(%dma_start3A_177 : memref<10240x128xf32, #tpu.memory_space<vmem_shared>>) offsets(%dma_start3A_174 : memref<40xi32, #tpu.memory_space<vmem>>) semaphore(%run_scoped3A : memref<!tpu.dma_semaphore, #tpu.memory_space<semaphore_mem>>) {add = true}
        %dma_wait3A_178 = tpu.memref_slice %arg8[%mul3A_103] : memref<10000xi32, #tpu.memory_space<vmem>> -> memref<40xi32, #tpu.memory_space<vmem>>
        %dma_wait3A_179 = arith.constant 0 : i32
        %dma_wait3A_180 = arith.constant 0 : i32
        %dma_wait3A_181 = tpu.memref_slice %arg14[%dma_wait3A_179, %dma_wait3A_180] : memref<10240x128xf32, #tpu.memory_space<vmem_shared>> -> memref<10240x128xf32, #tpu.memory_space<vmem_shared>>
        tpu.wait_indirect_dma semaphore(%run_scoped3A : memref<!tpu.dma_semaphore, #tpu.memory_space<semaphore_mem>>) src(%arg10 : memref<40x128xf32, #tpu.memory_space<vmem>>) dst(%dma_wait3A_181 : memref<10240x128xf32, #tpu.memory_space<vmem_shared>>)
        tpu.yield
      }) : () -> ()
      %add3A_104 = arith.constant 1 : i32
      %add3A_105 = arith.addi %add3A_73, %add3A_104 : i32
      %add3A_106 = arith.constant 5 : i32
      %add3A_107 = arith.addi %add3A_105, %add3A_106 : i32
      %mul3A_108 = arith.constant 40 : i32
      %mul3A_109 = arith.muli %add3A_107, %mul3A_108 : i32
      %dma_start3A_110 = tpu.memref_slice %arg7[%mul3A_109] : memref<10000xi32, #tpu.memory_space<vmem>> -> memref<40xi32, #tpu.memory_space<vmem>>
      %dma_start3A_111 = arith.constant 0 : i32
      %dma_start3A_112 = arith.constant 0 : i32
      %dma_start3A_113 = tpu.memref_slice %arg2[%dma_start3A_111, %dma_start3A_112] : memref<10240x128xf32, #tpu.memory_space<hbm>> -> memref<10240x128xf32, #tpu.memory_space<hbm>>
      tpu.enqueue_indirect_dma source(%dma_start3A_113 : memref<10240x128xf32, #tpu.memory_space<hbm>>) target(%arg10 : memref<40x128xf32, #tpu.memory_space<vmem>>) offsets(%dma_start3A_110 : memref<40xi32, #tpu.memory_space<vmem>>) semaphore(%arg16 : memref<!tpu.dma_semaphore, #tpu.memory_space<semaphore_mem>>)
      %add3A_114 = arith.constant 2 : i32
      %add3A_115 = arith.addi %add3A_73, %add3A_114 : i32
      %mul3A_116 = arith.constant 40 : i32
      %mul3A_117 = arith.muli %add3A_115, %mul3A_116 : i32
      %dma_wait3A_118 = tpu.memref_slice %arg7[%mul3A_117] : memref<10000xi32, #tpu.memory_space<vmem>> -> memref<40xi32, #tpu.memory_space<vmem>>
      %dma_wait3A_119 = arith.constant 0 : i32
      %dma_wait3A_120 = arith.constant 0 : i32
      %dma_wait3A_121 = tpu.memref_slice %arg2[%dma_wait3A_119, %dma_wait3A_120] : memref<10240x128xf32, #tpu.memory_space<hbm>> -> memref<10240x128xf32, #tpu.memory_space<hbm>>
      tpu.wait_indirect_dma semaphore(%arg17 : memref<!tpu.dma_semaphore, #tpu.memory_space<semaphore_mem>>) src(%dma_wait3A_121 : memref<10240x128xf32, #tpu.memory_space<hbm>>) dst(%arg11 : memref<40x128xf32, #tpu.memory_space<vmem>>)
      %mul3A_122 = arith.constant 40 : i32
      %mul3A_123 = arith.muli %add3A_115, %mul3A_122 : i32
      "tpu.region"() ({
        %run_scoped3A = tpu.sem_alloc : memref<!tpu.dma_semaphore, #tpu.memory_space<semaphore_mem>>
        %dma_start3A_174 = tpu.memref_slice %arg8[%mul3A_123] : memref<10000xi32, #tpu.memory_space<vmem>> -> memref<40xi32, #tpu.memory_space<vmem>>
        %dma_start3A_175 = arith.constant 0 : i32
        %dma_start3A_176 = arith.constant 0 : i32
        %dma_start3A_177 = tpu.memref_slice %arg14[%dma_start3A_175, %dma_start3A_176] : memref<10240x128xf32, #tpu.memory_space<vmem_shared>> -> memref<10240x128xf32, #tpu.memory_space<vmem_shared>>
        tpu.enqueue_indirect_dma source(%arg11 : memref<40x128xf32, #tpu.memory_space<vmem>>) target(%dma_start3A_177 : memref<10240x128xf32, #tpu.memory_space<vmem_shared>>) offsets(%dma_start3A_174 : memref<40xi32, #tpu.memory_space<vmem>>) semaphore(%run_scoped3A : memref<!tpu.dma_semaphore, #tpu.memory_space<semaphore_mem>>) {add = true}
        %dma_wait3A_178 = tpu.memref_slice %arg8[%mul3A_123] : memref<10000xi32, #tpu.memory_space<vmem>> -> memref<40xi32, #tpu.memory_space<vmem>>
        %dma_wait3A_179 = arith.constant 0 : i32
        %dma_wait3A_180 = arith.constant 0 : i32
        %dma_wait3A_181 = tpu.memref_slice %arg14[%dma_wait3A_179, %dma_wait3A_180] : memref<10240x128xf32, #tpu.memory_space<vmem_shared>> -> memref<10240x128xf32, #tpu.memory_space<vmem_shared>>
        tpu.wait_indirect_dma semaphore(%run_scoped3A : memref<!tpu.dma_semaphore, #tpu.memory_space<semaphore_mem>>) src(%arg11 : memref<40x128xf32, #tpu.memory_space<vmem>>) dst(%dma_wait3A_181 : memref<10240x128xf32, #tpu.memory_space<vmem_shared>>)
        tpu.yield
      }) : () -> ()
      %add3A_124 = arith.constant 2 : i32
      %add3A_125 = arith.addi %add3A_73, %add3A_124 : i32
      %add3A_126 = arith.constant 5 : i32
      %add3A_127 = arith.addi %add3A_125, %add3A_126 : i32
      %mul3A_128 = arith.constant 40 : i32
      %mul3A_129 = arith.muli %add3A_127, %mul3A_128 : i32
      %dma_start3A_130 = tpu.memref_slice %arg7[%mul3A_129] : memref<10000xi32, #tpu.memory_space<vmem>> -> memref<40xi32, #tpu.memory_space<vmem>>
      %dma_start3A_131 = arith.constant 0 : i32
      %dma_start3A_132 = arith.constant 0 : i32
      %dma_start3A_133 = tpu.memref_slice %arg2[%dma_start3A_131, %dma_start3A_132] : memref<10240x128xf32, #tpu.memory_space<hbm>> -> memref<10240x128xf32, #tpu.memory_space<hbm>>
      tpu.enqueue_indirect_dma source(%dma_start3A_133 : memref<10240x128xf32, #tpu.memory_space<hbm>>) target(%arg11 : memref<40x128xf32, #tpu.memory_space<vmem>>) offsets(%dma_start3A_130 : memref<40xi32, #tpu.memory_space<vmem>>) semaphore(%arg17 : memref<!tpu.dma_semaphore, #tpu.memory_space<semaphore_mem>>)
      %add3A_134 = arith.constant 3 : i32
      %add3A_135 = arith.addi %add3A_73, %add3A_134 : i32
      %mul3A_136 = arith.constant 40 : i32
      %mul3A_137 = arith.muli %add3A_135, %mul3A_136 : i32
      %dma_wait3A_138 = tpu.memref_slice %arg7[%mul3A_137] : memref<10000xi32, #tpu.memory_space<vmem>> -> memref<40xi32, #tpu.memory_space<vmem>>
      %dma_wait3A_139 = arith.constant 0 : i32
      %dma_wait3A_140 = arith.constant 0 : i32
      %dma_wait3A_141 = tpu.memref_slice %arg2[%dma_wait3A_139, %dma_wait3A_140] : memref<10240x128xf32, #tpu.memory_space<hbm>> -> memref<10240x128xf32, #tpu.memory_space<hbm>>
      tpu.wait_indirect_dma semaphore(%arg18 : memref<!tpu.dma_semaphore, #tpu.memory_space<semaphore_mem>>) src(%dma_wait3A_141 : memref<10240x128xf32, #tpu.memory_space<hbm>>) dst(%arg12 : memref<40x128xf32, #tpu.memory_space<vmem>>)
      %mul3A_142 = arith.constant 40 : i32
      %mul3A_143 = arith.muli %add3A_135, %mul3A_142 : i32
      "tpu.region"() ({
        %run_scoped3A = tpu.sem_alloc : memref<!tpu.dma_semaphore, #tpu.memory_space<semaphore_mem>>
        %dma_start3A_174 = tpu.memref_slice %arg8[%mul3A_143] : memref<10000xi32, #tpu.memory_space<vmem>> -> memref<40xi32, #tpu.memory_space<vmem>>
        %dma_start3A_175 = arith.constant 0 : i32
        %dma_start3A_176 = arith.constant 0 : i32
        %dma_start3A_177 = tpu.memref_slice %arg14[%dma_start3A_175, %dma_start3A_176] : memref<10240x128xf32, #tpu.memory_space<vmem_shared>> -> memref<10240x128xf32, #tpu.memory_space<vmem_shared>>
        tpu.enqueue_indirect_dma source(%arg12 : memref<40x128xf32, #tpu.memory_space<vmem>>) target(%dma_start3A_177 : memref<10240x128xf32, #tpu.memory_space<vmem_shared>>) offsets(%dma_start3A_174 : memref<40xi32, #tpu.memory_space<vmem>>) semaphore(%run_scoped3A : memref<!tpu.dma_semaphore, #tpu.memory_space<semaphore_mem>>) {add = true}
        %dma_wait3A_178 = tpu.memref_slice %arg8[%mul3A_143] : memref<10000xi32, #tpu.memory_space<vmem>> -> memref<40xi32, #tpu.memory_space<vmem>>
        %dma_wait3A_179 = arith.constant 0 : i32
        %dma_wait3A_180 = arith.constant 0 : i32
        %dma_wait3A_181 = tpu.memref_slice %arg14[%dma_wait3A_179, %dma_wait3A_180] : memref<10240x128xf32, #tpu.memory_space<vmem_shared>> -> memref<10240x128xf32, #tpu.memory_space<vmem_shared>>
        tpu.wait_indirect_dma semaphore(%run_scoped3A : memref<!tpu.dma_semaphore, #tpu.memory_space<semaphore_mem>>) src(%arg12 : memref<40x128xf32, #tpu.memory_space<vmem>>) dst(%dma_wait3A_181 : memref<10240x128xf32, #tpu.memory_space<vmem_shared>>)
        tpu.yield
      }) : () -> ()
      %add3A_144 = arith.constant 3 : i32
      %add3A_145 = arith.addi %add3A_73, %add3A_144 : i32
      %add3A_146 = arith.constant 5 : i32
      %add3A_147 = arith.addi %add3A_145, %add3A_146 : i32
      %mul3A_148 = arith.constant 40 : i32
      %mul3A_149 = arith.muli %add3A_147, %mul3A_148 : i32
      %dma_start3A_150 = tpu.memref_slice %arg7[%mul3A_149] : memref<10000xi32, #tpu.memory_space<vmem>> -> memref<40xi32, #tpu.memory_space<vmem>>
      %dma_start3A_151 = arith.constant 0 : i32
      %dma_start3A_152 = arith.constant 0 : i32
      %dma_start3A_153 = tpu.memref_slice %arg2[%dma_start3A_151, %dma_start3A_152] : memref<10240x128xf32, #tpu.memory_space<hbm>> -> memref<10240x128xf32, #tpu.memory_space<hbm>>
      tpu.enqueue_indirect_dma source(%dma_start3A_153 : memref<10240x128xf32, #tpu.memory_space<hbm>>) target(%arg12 : memref<40x128xf32, #tpu.memory_space<vmem>>) offsets(%dma_start3A_150 : memref<40xi32, #tpu.memory_space<vmem>>) semaphore(%arg18 : memref<!tpu.dma_semaphore, #tpu.memory_space<semaphore_mem>>)
      %add3A_154 = arith.constant 4 : i32
      %add3A_155 = arith.addi %add3A_73, %add3A_154 : i32
      %mul3A_156 = arith.constant 40 : i32
      %mul3A_157 = arith.muli %add3A_155, %mul3A_156 : i32
      %dma_wait3A_158 = tpu.memref_slice %arg7[%mul3A_157] : memref<10000xi32, #tpu.memory_space<vmem>> -> memref<40xi32, #tpu.memory_space<vmem>>
      %dma_wait3A_159 = arith.constant 0 : i32
      %dma_wait3A_160 = arith.constant 0 : i32
      %dma_wait3A_161 = tpu.memref_slice %arg2[%dma_wait3A_159, %dma_wait3A_160] : memref<10240x128xf32, #tpu.memory_space<hbm>> -> memref<10240x128xf32, #tpu.memory_space<hbm>>
      tpu.wait_indirect_dma semaphore(%arg19 : memref<!tpu.dma_semaphore, #tpu.memory_space<semaphore_mem>>) src(%dma_wait3A_161 : memref<10240x128xf32, #tpu.memory_space<hbm>>) dst(%arg13 : memref<40x128xf32, #tpu.memory_space<vmem>>)
      %mul3A_162 = arith.constant 40 : i32
      %mul3A_163 = arith.muli %add3A_155, %mul3A_162 : i32
      "tpu.region"() ({
        %run_scoped3A = tpu.sem_alloc : memref<!tpu.dma_semaphore, #tpu.memory_space<semaphore_mem>>
        %dma_start3A_174 = tpu.memref_slice %arg8[%mul3A_163] : memref<10000xi32, #tpu.memory_space<vmem>> -> memref<40xi32, #tpu.memory_space<vmem>>
        %dma_start3A_175 = arith.constant 0 : i32
        %dma_start3A_176 = arith.constant 0 : i32
        %dma_start3A_177 = tpu.memref_slice %arg14[%dma_start3A_175, %dma_start3A_176] : memref<10240x128xf32, #tpu.memory_space<vmem_shared>> -> memref<10240x128xf32, #tpu.memory_space<vmem_shared>>
        tpu.enqueue_indirect_dma source(%arg13 : memref<40x128xf32, #tpu.memory_space<vmem>>) target(%dma_start3A_177 : memref<10240x128xf32, #tpu.memory_space<vmem_shared>>) offsets(%dma_start3A_174 : memref<40xi32, #tpu.memory_space<vmem>>) semaphore(%run_scoped3A : memref<!tpu.dma_semaphore, #tpu.memory_space<semaphore_mem>>) {add = true}
        %dma_wait3A_178 = tpu.memref_slice %arg8[%mul3A_163] : memref<10000xi32, #tpu.memory_space<vmem>> -> memref<40xi32, #tpu.memory_space<vmem>>
        %dma_wait3A_179 = arith.constant 0 : i32
        %dma_wait3A_180 = arith.constant 0 : i32
        %dma_wait3A_181 = tpu.memref_slice %arg14[%dma_wait3A_179, %dma_wait3A_180] : memref<10240x128xf32, #tpu.memory_space<vmem_shared>> -> memref<10240x128xf32, #tpu.memory_space<vmem_shared>>
        tpu.wait_indirect_dma semaphore(%run_scoped3A : memref<!tpu.dma_semaphore, #tpu.memory_space<semaphore_mem>>) src(%arg13 : memref<40x128xf32, #tpu.memory_space<vmem>>) dst(%dma_wait3A_181 : memref<10240x128xf32, #tpu.memory_space<vmem_shared>>)
        tpu.yield
      }) : () -> ()
      %add3A_164 = arith.constant 4 : i32
      %add3A_165 = arith.addi %add3A_73, %add3A_164 : i32
      %add3A_166 = arith.constant 5 : i32
      %add3A_167 = arith.addi %add3A_165, %add3A_166 : i32
      %mul3A_168 = arith.constant 40 : i32
      %mul3A_169 = arith.muli %add3A_167, %mul3A_168 : i32
      %dma_start3A_170 = tpu.memref_slice %arg7[%mul3A_169] : memref<10000xi32, #tpu.memory_space<vmem>> -> memref<40xi32, #tpu.memory_space<vmem>>
      %dma_start3A_171 = arith.constant 0 : i32
      %dma_start3A_172 = arith.constant 0 : i32
      %dma_start3A_173 = tpu.memref_slice %arg2[%dma_start3A_171, %dma_start3A_172] : memref<10240x128xf32, #tpu.memory_space<hbm>> -> memref<10240x128xf32, #tpu.memory_space<hbm>>
      tpu.enqueue_indirect_dma source(%dma_start3A_173 : memref<10240x128xf32, #tpu.memory_space<hbm>>) target(%arg13 : memref<40x128xf32, #tpu.memory_space<vmem>>) offsets(%dma_start3A_170 : memref<40xi32, #tpu.memory_space<vmem>>) semaphore(%arg19 : memref<!tpu.dma_semaphore, #tpu.memory_space<semaphore_mem>>)
    }
    %scan3A_36 = arith.constant 49 : i32
    %dma_wait3A = arith.constant 9800 : i32
    %dma_wait3A_37 = tpu.memref_slice %arg7[%dma_wait3A] : memref<10000xi32, #tpu.memory_space<vmem>> -> memref<40xi32, #tpu.memory_space<vmem>>
    %dma_wait3A_38 = arith.constant 0 : i32
    %dma_wait3A_39 = arith.constant 0 : i32
    %dma_wait3A_40 = tpu.memref_slice %arg2[%dma_wait3A_38, %dma_wait3A_39] : memref<10240x128xf32, #tpu.memory_space<hbm>> -> memref<10240x128xf32, #tpu.memory_space<hbm>>
    tpu.wait_indirect_dma semaphore(%arg15 : memref<!tpu.dma_semaphore, #tpu.memory_space<semaphore_mem>>) src(%dma_wait3A_40 : memref<10240x128xf32, #tpu.memory_space<hbm>>) dst(%arg9 : memref<40x128xf32, #tpu.memory_space<vmem>>)
    "tpu.region"() ({
      %run_scoped3A = tpu.sem_alloc : memref<!tpu.dma_semaphore, #tpu.memory_space<semaphore_mem>>
      %dma_start3A_69 = arith.constant 9800 : i32
      %dma_start3A_70 = tpu.memref_slice %arg8[%dma_start3A_69] : memref<10000xi32, #tpu.memory_space<vmem>> -> memref<40xi32, #tpu.memory_space<vmem>>
      %dma_start3A_71 = arith.constant 0 : i32
      %dma_start3A_72 = arith.constant 0 : i32
      %dma_start3A_73 = tpu.memref_slice %arg14[%dma_start3A_71, %dma_start3A_72] : memref<10240x128xf32, #tpu.memory_space<vmem_shared>> -> memref<10240x128xf32, #tpu.memory_space<vmem_shared>>
      tpu.enqueue_indirect_dma source(%arg9 : memref<40x128xf32, #tpu.memory_space<vmem>>) target(%dma_start3A_73 : memref<10240x128xf32, #tpu.memory_space<vmem_shared>>) offsets(%dma_start3A_70 : memref<40xi32, #tpu.memory_space<vmem>>) semaphore(%run_scoped3A : memref<!tpu.dma_semaphore, #tpu.memory_space<semaphore_mem>>) {add = true}
      %dma_wait3A_74 = arith.constant 9800 : i32
      %dma_wait3A_75 = tpu.memref_slice %arg8[%dma_wait3A_74] : memref<10000xi32, #tpu.memory_space<vmem>> -> memref<40xi32, #tpu.memory_space<vmem>>
      %dma_wait3A_76 = arith.constant 0 : i32
      %dma_wait3A_77 = arith.constant 0 : i32
      %dma_wait3A_78 = tpu.memref_slice %arg14[%dma_wait3A_76, %dma_wait3A_77] : memref<10240x128xf32, #tpu.memory_space<vmem_shared>> -> memref<10240x128xf32, #tpu.memory_space<vmem_shared>>
      tpu.wait_indirect_dma semaphore(%run_scoped3A : memref<!tpu.dma_semaphore, #tpu.memory_space<semaphore_mem>>) src(%arg9 : memref<40x128xf32, #tpu.memory_space<vmem>>) dst(%dma_wait3A_78 : memref<10240x128xf32, #tpu.memory_space<vmem_shared>>)
      tpu.yield
    }) : () -> ()
    %dma_wait3A_41 = arith.constant 9840 : i32
    %dma_wait3A_42 = tpu.memref_slice %arg7[%dma_wait3A_41] : memref<10000xi32, #tpu.memory_space<vmem>> -> memref<40xi32, #tpu.memory_space<vmem>>
    %dma_wait3A_43 = arith.constant 0 : i32
    %dma_wait3A_44 = arith.constant 0 : i32
    %dma_wait3A_45 = tpu.memref_slice %arg2[%dma_wait3A_43, %dma_wait3A_44] : memref<10240x128xf32, #tpu.memory_space<hbm>> -> memref<10240x128xf32, #tpu.memory_space<hbm>>
    tpu.wait_indirect_dma semaphore(%arg16 : memref<!tpu.dma_semaphore, #tpu.memory_space<semaphore_mem>>) src(%dma_wait3A_45 : memref<10240x128xf32, #tpu.memory_space<hbm>>) dst(%arg10 : memref<40x128xf32, #tpu.memory_space<vmem>>)
    "tpu.region"() ({
      %run_scoped3A = tpu.sem_alloc : memref<!tpu.dma_semaphore, #tpu.memory_space<semaphore_mem>>
      %dma_start3A_69 = arith.constant 9840 : i32
      %dma_start3A_70 = tpu.memref_slice %arg8[%dma_start3A_69] : memref<10000xi32, #tpu.memory_space<vmem>> -> memref<40xi32, #tpu.memory_space<vmem>>
      %dma_start3A_71 = arith.constant 0 : i32
      %dma_start3A_72 = arith.constant 0 : i32
      %dma_start3A_73 = tpu.memref_slice %arg14[%dma_start3A_71, %dma_start3A_72] : memref<10240x128xf32, #tpu.memory_space<vmem_shared>> -> memref<10240x128xf32, #tpu.memory_space<vmem_shared>>
      tpu.enqueue_indirect_dma source(%arg10 : memref<40x128xf32, #tpu.memory_space<vmem>>) target(%dma_start3A_73 : memref<10240x128xf32, #tpu.memory_space<vmem_shared>>) offsets(%dma_start3A_70 : memref<40xi32, #tpu.memory_space<vmem>>) semaphore(%run_scoped3A : memref<!tpu.dma_semaphore, #tpu.memory_space<semaphore_mem>>) {add = true}
      %dma_wait3A_74 = arith.constant 9840 : i32
      %dma_wait3A_75 = tpu.memref_slice %arg8[%dma_wait3A_74] : memref<10000xi32, #tpu.memory_space<vmem>> -> memref<40xi32, #tpu.memory_space<vmem>>
      %dma_wait3A_76 = arith.constant 0 : i32
      %dma_wait3A_77 = arith.constant 0 : i32
      %dma_wait3A_78 = tpu.memref_slice %arg14[%dma_wait3A_76, %dma_wait3A_77] : memref<10240x128xf32, #tpu.memory_space<vmem_shared>> -> memref<10240x128xf32, #tpu.memory_space<vmem_shared>>
      tpu.wait_indirect_dma semaphore(%run_scoped3A : memref<!tpu.dma_semaphore, #tpu.memory_space<semaphore_mem>>) src(%arg10 : memref<40x128xf32, #tpu.memory_space<vmem>>) dst(%dma_wait3A_78 : memref<10240x128xf32, #tpu.memory_space<vmem_shared>>)
      tpu.yield
    }) : () -> ()
    %dma_wait3A_46 = arith.constant 9880 : i32
    %dma_wait3A_47 = tpu.memref_slice %arg7[%dma_wait3A_46] : memref<10000xi32, #tpu.memory_space<vmem>> -> memref<40xi32, #tpu.memory_space<vmem>>
    %dma_wait3A_48 = arith.constant 0 : i32
    %dma_wait3A_49 = arith.constant 0 : i32
    %dma_wait3A_50 = tpu.memref_slice %arg2[%dma_wait3A_48, %dma_wait3A_49] : memref<10240x128xf32, #tpu.memory_space<hbm>> -> memref<10240x128xf32, #tpu.memory_space<hbm>>
    tpu.wait_indirect_dma semaphore(%arg17 : memref<!tpu.dma_semaphore, #tpu.memory_space<semaphore_mem>>) src(%dma_wait3A_50 : memref<10240x128xf32, #tpu.memory_space<hbm>>) dst(%arg11 : memref<40x128xf32, #tpu.memory_space<vmem>>)
    "tpu.region"() ({
      %run_scoped3A = tpu.sem_alloc : memref<!tpu.dma_semaphore, #tpu.memory_space<semaphore_mem>>
      %dma_start3A_69 = arith.constant 9880 : i32
      %dma_start3A_70 = tpu.memref_slice %arg8[%dma_start3A_69] : memref<10000xi32, #tpu.memory_space<vmem>> -> memref<40xi32, #tpu.memory_space<vmem>>
      %dma_start3A_71 = arith.constant 0 : i32
      %dma_start3A_72 = arith.constant 0 : i32
      %dma_start3A_73 = tpu.memref_slice %arg14[%dma_start3A_71, %dma_start3A_72] : memref<10240x128xf32, #tpu.memory_space<vmem_shared>> -> memref<10240x128xf32, #tpu.memory_space<vmem_shared>>
      tpu.enqueue_indirect_dma source(%arg11 : memref<40x128xf32, #tpu.memory_space<vmem>>) target(%dma_start3A_73 : memref<10240x128xf32, #tpu.memory_space<vmem_shared>>) offsets(%dma_start3A_70 : memref<40xi32, #tpu.memory_space<vmem>>) semaphore(%run_scoped3A : memref<!tpu.dma_semaphore, #tpu.memory_space<semaphore_mem>>) {add = true}
      %dma_wait3A_74 = arith.constant 9880 : i32
      %dma_wait3A_75 = tpu.memref_slice %arg8[%dma_wait3A_74] : memref<10000xi32, #tpu.memory_space<vmem>> -> memref<40xi32, #tpu.memory_space<vmem>>
      %dma_wait3A_76 = arith.constant 0 : i32
      %dma_wait3A_77 = arith.constant 0 : i32
      %dma_wait3A_78 = tpu.memref_slice %arg14[%dma_wait3A_76, %dma_wait3A_77] : memref<10240x128xf32, #tpu.memory_space<vmem_shared>> -> memref<10240x128xf32, #tpu.memory_space<vmem_shared>>
      tpu.wait_indirect_dma semaphore(%run_scoped3A : memref<!tpu.dma_semaphore, #tpu.memory_space<semaphore_mem>>) src(%arg11 : memref<40x128xf32, #tpu.memory_space<vmem>>) dst(%dma_wait3A_78 : memref<10240x128xf32, #tpu.memory_space<vmem_shared>>)
      tpu.yield
    }) : () -> ()
    %dma_wait3A_51 = arith.constant 9920 : i32
    %dma_wait3A_52 = tpu.memref_slice %arg7[%dma_wait3A_51] : memref<10000xi32, #tpu.memory_space<vmem>> -> memref<40xi32, #tpu.memory_space<vmem>>
    %dma_wait3A_53 = arith.constant 0 : i32
    %dma_wait3A_54 = arith.constant 0 : i32
    %dma_wait3A_55 = tpu.memref_slice %arg2[%dma_wait3A_53, %dma_wait3A_54] : memref<10240x128xf32, #tpu.memory_space<hbm>> -> memref<10240x128xf32, #tpu.memory_space<hbm>>
    tpu.wait_indirect_dma semaphore(%arg18 : memref<!tpu.dma_semaphore, #tpu.memory_space<semaphore_mem>>) src(%dma_wait3A_55 : memref<10240x128xf32, #tpu.memory_space<hbm>>) dst(%arg12 : memref<40x128xf32, #tpu.memory_space<vmem>>)
    "tpu.region"() ({
      %run_scoped3A = tpu.sem_alloc : memref<!tpu.dma_semaphore, #tpu.memory_space<semaphore_mem>>
      %dma_start3A_69 = arith.constant 9920 : i32
      %dma_start3A_70 = tpu.memref_slice %arg8[%dma_start3A_69] : memref<10000xi32, #tpu.memory_space<vmem>> -> memref<40xi32, #tpu.memory_space<vmem>>
      %dma_start3A_71 = arith.constant 0 : i32
      %dma_start3A_72 = arith.constant 0 : i32
      %dma_start3A_73 = tpu.memref_slice %arg14[%dma_start3A_71, %dma_start3A_72] : memref<10240x128xf32, #tpu.memory_space<vmem_shared>> -> memref<10240x128xf32, #tpu.memory_space<vmem_shared>>
      tpu.enqueue_indirect_dma source(%arg12 : memref<40x128xf32, #tpu.memory_space<vmem>>) target(%dma_start3A_73 : memref<10240x128xf32, #tpu.memory_space<vmem_shared>>) offsets(%dma_start3A_70 : memref<40xi32, #tpu.memory_space<vmem>>) semaphore(%run_scoped3A : memref<!tpu.dma_semaphore, #tpu.memory_space<semaphore_mem>>) {add = true}
      %dma_wait3A_74 = arith.constant 9920 : i32
      %dma_wait3A_75 = tpu.memref_slice %arg8[%dma_wait3A_74] : memref<10000xi32, #tpu.memory_space<vmem>> -> memref<40xi32, #tpu.memory_space<vmem>>
      %dma_wait3A_76 = arith.constant 0 : i32
      %dma_wait3A_77 = arith.constant 0 : i32
      %dma_wait3A_78 = tpu.memref_slice %arg14[%dma_wait3A_76, %dma_wait3A_77] : memref<10240x128xf32, #tpu.memory_space<vmem_shared>> -> memref<10240x128xf32, #tpu.memory_space<vmem_shared>>
      tpu.wait_indirect_dma semaphore(%run_scoped3A : memref<!tpu.dma_semaphore, #tpu.memory_space<semaphore_mem>>) src(%arg12 : memref<40x128xf32, #tpu.memory_space<vmem>>) dst(%dma_wait3A_78 : memref<10240x128xf32, #tpu.memory_space<vmem_shared>>)
      tpu.yield
    }) : () -> ()
    %dma_wait3A_56 = arith.constant 9960 : i32
    %dma_wait3A_57 = tpu.memref_slice %arg7[%dma_wait3A_56] : memref<10000xi32, #tpu.memory_space<vmem>> -> memref<40xi32, #tpu.memory_space<vmem>>
    %dma_wait3A_58 = arith.constant 0 : i32
    %dma_wait3A_59 = arith.constant 0 : i32
    %dma_wait3A_60 = tpu.memref_slice %arg2[%dma_wait3A_58, %dma_wait3A_59] : memref<10240x128xf32, #tpu.memory_space<hbm>> -> memref<10240x128xf32, #tpu.memory_space<hbm>>
    tpu.wait_indirect_dma semaphore(%arg19 : memref<!tpu.dma_semaphore, #tpu.memory_space<semaphore_mem>>) src(%dma_wait3A_60 : memref<10240x128xf32, #tpu.memory_space<hbm>>) dst(%arg13 : memref<40x128xf32, #tpu.memory_space<vmem>>)
    "tpu.region"() ({
      %run_scoped3A = tpu.sem_alloc : memref<!tpu.dma_semaphore, #tpu.memory_space<semaphore_mem>>
      %dma_start3A_69 = arith.constant 9960 : i32
      %dma_start3A_70 = tpu.memref_slice %arg8[%dma_start3A_69] : memref<10000xi32, #tpu.memory_space<vmem>> -> memref<40xi32, #tpu.memory_space<vmem>>
      %dma_start3A_71 = arith.constant 0 : i32
      %dma_start3A_72 = arith.constant 0 : i32
      %dma_start3A_73 = tpu.memref_slice %arg14[%dma_start3A_71, %dma_start3A_72] : memref<10240x128xf32, #tpu.memory_space<vmem_shared>> -> memref<10240x128xf32, #tpu.memory_space<vmem_shared>>
      tpu.enqueue_indirect_dma source(%arg13 : memref<40x128xf32, #tpu.memory_space<vmem>>) target(%dma_start3A_73 : memref<10240x128xf32, #tpu.memory_space<vmem_shared>>) offsets(%dma_start3A_70 : memref<40xi32, #tpu.memory_space<vmem>>) semaphore(%run_scoped3A : memref<!tpu.dma_semaphore, #tpu.memory_space<semaphore_mem>>) {add = true}
      %dma_wait3A_74 = arith.constant 9960 : i32
      %dma_wait3A_75 = tpu.memref_slice %arg8[%dma_wait3A_74] : memref<10000xi32, #tpu.memory_space<vmem>> -> memref<40xi32, #tpu.memory_space<vmem>>
      %dma_wait3A_76 = arith.constant 0 : i32
      %dma_wait3A_77 = arith.constant 0 : i32
      %dma_wait3A_78 = tpu.memref_slice %arg14[%dma_wait3A_76, %dma_wait3A_77] : memref<10240x128xf32, #tpu.memory_space<vmem_shared>> -> memref<10240x128xf32, #tpu.memory_space<vmem_shared>>
      tpu.wait_indirect_dma semaphore(%run_scoped3A : memref<!tpu.dma_semaphore, #tpu.memory_space<semaphore_mem>>) src(%arg13 : memref<40x128xf32, #tpu.memory_space<vmem>>) dst(%dma_wait3A_78 : memref<10240x128xf32, #tpu.memory_space<vmem_shared>>)
      tpu.yield
    }) : () -> ()
    %barrier3A_61 = arith.constant 0 : index
    tpu.barrier barrier_id(%barrier3A_61)
    %mul3A_62 = arith.constant 640 : i32
    %mul3A_63 = arith.muli %arg1, %mul3A_62 : i32
    %mul3A_64 = arith.constant 10240 : i32
    %mul3A_65 = arith.muli %arg0, %mul3A_64 : i32
    %mul3A_66 = arith.constant 640 : i32
    %mul3A_67 = arith.muli %arg1, %mul3A_66 : i32
    %add3A_68 = arith.addi %mul3A_65, %mul3A_67 : i32
    "tpu.region"() ({
      %run_scoped3A = tpu.sem_alloc : memref<!tpu.dma_semaphore, #tpu.memory_space<semaphore_mem>>
      %dma_start3A_69 = arith.constant 0 : i32
      %dma_start3A_70 = tpu.memref_slice %arg6[%add3A_68, %dma_start3A_69] : memref<20480x128xf32, #tpu.memory_space<hbm>> -> memref<640x128xf32, #tpu.memory_space<hbm>>
      %dma_start3A_71 = arith.constant 0 : i32
      %dma_start3A_72 = tpu.memref_slice %arg14[%mul3A_63, %dma_start3A_71] : memref<10240x128xf32, #tpu.memory_space<vmem_shared>> -> memref<640x128xf32, #tpu.memory_space<vmem_shared>>
      tpu.enqueue_dma source(%dma_start3A_72 : memref<640x128xf32, #tpu.memory_space<vmem_shared>>) target(%dma_start3A_70 : memref<640x128xf32, #tpu.memory_space<hbm>>) target_semaphore(%run_scoped3A : memref<!tpu.dma_semaphore, #tpu.memory_space<semaphore_mem>>)
      %dma_wait3A_73 = arith.constant 0 : i32
      %dma_wait3A_74 = tpu.memref_slice %arg6[%add3A_68, %dma_wait3A_73] : memref<20480x128xf32, #tpu.memory_space<hbm>> -> memref<640x128xf32, #tpu.memory_space<hbm>>
      %dma_wait3A_75 = arith.constant 0 : i32
      %dma_wait3A_76 = tpu.memref_slice %arg14[%mul3A_63, %dma_wait3A_75] : memref<10240x128xf32, #tpu.memory_space<vmem_shared>> -> memref<640x128xf32, #tpu.memory_space<vmem_shared>>
      tpu.wait_dma2 semaphore(%run_scoped3A : memref<!tpu.dma_semaphore, #tpu.memory_space<semaphore_mem>>) src(%dma_wait3A_76 : memref<640x128xf32, #tpu.memory_space<vmem_shared>>) dst(%dma_wait3A_74 : memref<640x128xf32, #tpu.memory_space<hbm>>)
      tpu.yield
    }) : () -> ()
    return
  }
}

#map = affine_map<(d0, d1) -> (0, 0)>
#map1 = affine_map<(d0, d1) -> (0)>
module attributes {stable_mosaic.version = 14 : i64} {
  func.func @_sc_body_gs(%arg0: i32, %arg1: i32, %arg2: memref<10240x128xf32, #tpu.memory_space<hbm>>, %arg3: memref<320000xi32, #tpu.memory_space<hbm>>, %arg4: memref<320000xi32, #tpu.memory_space<hbm>>, %arg5: memref<10240x128xf32, #tpu.memory_space<hbm>>, %arg6: memref<20480x128xf32, #tpu.memory_space<hbm>>, %arg7: memref<10000xi32, #tpu.memory_space<vmem>>, %arg8: memref<10000xi32, #tpu.memory_space<vmem>>, %arg9: memref<40x128xf32, #tpu.memory_space<vmem>>, %arg10: memref<40x128xf32, #tpu.memory_space<vmem>>, %arg11: memref<40x128xf32, #tpu.memory_space<vmem>>, %arg12: memref<40x128xf32, #tpu.memory_space<vmem>>, %arg13: memref<40x128xf32, #tpu.memory_space<vmem>>, %arg14: memref<10240x128xf32, #tpu.memory_space<vmem_shared>>, %arg15: memref<!tpu.dma_semaphore, #tpu.memory_space<semaphore_mem>>, %arg16: memref<!tpu.dma_semaphore, #tpu.memory_space<semaphore_mem>>, %arg17: memref<!tpu.dma_semaphore, #tpu.memory_space<semaphore_mem>>, %arg18: memref<!tpu.dma_semaphore, #tpu.memory_space<semaphore_mem>>, %arg19: memref<!tpu.dma_semaphore, #tpu.memory_space<semaphore_mem>>) attributes {dimension_semantics = [#tpu.dimension_semantics<core_parallel>, #tpu.dimension_semantics<subcore_parallel>], iteration_bounds = array<i64: 2, 16>, scalar_prefetch = 0 : i64, scratch_operands = 13 : i64, tpu.core_type = #tpu.core_type<sc_vector_subcore>, window_params = [{transform_indices = #map}, {transform_indices = #map1}, {transform_indices = #map1}, {transform_indices = #map}, {transform_indices = #map}]} {
    %mul3A = arith.constant 2 : i32
    %mul3A_0 = arith.muli %arg1, %mul3A : i32
    %add3A = arith.addi %mul3A_0, %arg0 : i32
    %mul3A_1 = arith.constant 10000 : i32
    %mul3A_2 = arith.muli %add3A, %mul3A_1 : i32
    "tpu.region"() ({
      %run_scoped3A = tpu.sem_alloc : memref<!tpu.dma_semaphore, #tpu.memory_space<semaphore_mem>>
      %dma_start3A_69 = tpu.memref_slice %arg3[%mul3A_2] : memref<320000xi32, #tpu.memory_space<hbm>> -> memref<10000xi32, #tpu.memory_space<hbm>>
      %dma_start3A_70 = tpu.memref_slice %arg3[%mul3A_2] : memref<320000xi32, #tpu.memory_space<hbm>> -> memref<10000xi32, #tpu.memory_space<hbm>>
      tpu.enqueue_dma source(%dma_start3A_70 : memref<10000xi32, #tpu.memory_space<hbm>>) target(%arg7 : memref<10000xi32, #tpu.memory_space<vmem>>) target_semaphore(%run_scoped3A : memref<!tpu.dma_semaphore, #tpu.memory_space<semaphore_mem>>)
      %dma_wait3A_71 = tpu.memref_slice %arg3[%mul3A_2] : memref<320000xi32, #tpu.memory_space<hbm>> -> memref<10000xi32, #tpu.memory_space<hbm>>
      %dma_wait3A_72 = tpu.memref_slice %arg3[%mul3A_2] : memref<320000xi32, #tpu.memory_space<hbm>> -> memref<10000xi32, #tpu.memory_space<hbm>>
      tpu.wait_dma2 semaphore(%run_scoped3A : memref<!tpu.dma_semaphore, #tpu.memory_space<semaphore_mem>>) src(%dma_wait3A_72 : memref<10000xi32, #tpu.memory_space<hbm>>) dst(%arg7 : memref<10000xi32, #tpu.memory_space<vmem>>)
      tpu.yield
    }) : () -> ()
    %mul3A_3 = arith.constant 10000 : i32
    %mul3A_4 = arith.muli %add3A, %mul3A_3 : i32
    "tpu.region"() ({
      %run_scoped3A = tpu.sem_alloc : memref<!tpu.dma_semaphore, #tpu.memory_space<semaphore_mem>>
      %dma_start3A_69 = tpu.memref_slice %arg4[%mul3A_4] : memref<320000xi32, #tpu.memory_space<hbm>> -> memref<10000xi32, #tpu.memory_space<hbm>>
      %dma_start3A_70 = tpu.memref_slice %arg4[%mul3A_4] : memref<320000xi32, #tpu.memory_space<hbm>> -> memref<10000xi32, #tpu.memory_space<hbm>>
      tpu.enqueue_dma source(%dma_start3A_70 : memref<10000xi32, #tpu.memory_space<hbm>>) target(%arg8 : memref<10000xi32, #tpu.memory_space<vmem>>) target_semaphore(%run_scoped3A : memref<!tpu.dma_semaphore, #tpu.memory_space<semaphore_mem>>)
      %dma_wait3A_71 = tpu.memref_slice %arg4[%mul3A_4] : memref<320000xi32, #tpu.memory_space<hbm>> -> memref<10000xi32, #tpu.memory_space<hbm>>
      %dma_wait3A_72 = tpu.memref_slice %arg4[%mul3A_4] : memref<320000xi32, #tpu.memory_space<hbm>> -> memref<10000xi32, #tpu.memory_space<hbm>>
      tpu.wait_dma2 semaphore(%run_scoped3A : memref<!tpu.dma_semaphore, #tpu.memory_space<semaphore_mem>>) src(%dma_wait3A_72 : memref<10000xi32, #tpu.memory_space<hbm>>) dst(%arg8 : memref<10000xi32, #tpu.memory_space<vmem>>)
      tpu.yield
    }) : () -> ()
    %mul3A_5 = arith.constant 640 : i32
    %mul3A_6 = arith.muli %arg1, %mul3A_5 : i32
    %mul3A_7 = arith.constant 640 : i32
    %mul3A_8 = arith.muli %arg1, %mul3A_7 : i32
    "tpu.region"() ({
      %run_scoped3A = tpu.sem_alloc : memref<!tpu.dma_semaphore, #tpu.memory_space<semaphore_mem>>
      %dma_start3A_69 = arith.constant 0 : i32
      %dma_start3A_70 = tpu.memref_slice %arg14[%mul3A_8, %dma_start3A_69] : memref<10240x128xf32, #tpu.memory_space<vmem_shared>> -> memref<640x128xf32, #tpu.memory_space<vmem_shared>>
      %dma_start3A_71 = arith.constant 0 : i32
      %dma_start3A_72 = tpu.memref_slice %arg5[%mul3A_6, %dma_start3A_71] : memref<10240x128xf32, #tpu.memory_space<hbm>> -> memref<640x128xf32, #tpu.memory_space<hbm>>
      tpu.enqueue_dma source(%dma_start3A_72 : memref<640x128xf32, #tpu.memory_space<hbm>>) target(%dma_start3A_70 : memref<640x128xf32, #tpu.memory_space<vmem_shared>>) target_semaphore(%run_scoped3A : memref<!tpu.dma_semaphore, #tpu.memory_space<semaphore_mem>>)
      %dma_wait3A_73 = arith.constant 0 : i32
      %dma_wait3A_74 = tpu.memref_slice %arg14[%mul3A_8, %dma_wait3A_73] : memref<10240x128xf32, #tpu.memory_space<vmem_shared>> -> memref<640x128xf32, #tpu.memory_space<vmem_shared>>
      %dma_wait3A_75 = arith.constant 0 : i32
      %dma_wait3A_76 = tpu.memref_slice %arg5[%mul3A_6, %dma_wait3A_75] : memref<10240x128xf32, #tpu.memory_space<hbm>> -> memref<640x128xf32, #tpu.memory_space<hbm>>
      tpu.wait_dma2 semaphore(%run_scoped3A : memref<!tpu.dma_semaphore, #tpu.memory_space<semaphore_mem>>) src(%dma_wait3A_76 : memref<640x128xf32, #tpu.memory_space<hbm>>) dst(%dma_wait3A_74 : memref<640x128xf32, #tpu.memory_space<vmem_shared>>)
      tpu.yield
    }) : () -> ()
    %barrier3A = arith.constant 0 : index
    tpu.barrier barrier_id(%barrier3A)
    %dma_start3A = arith.constant 0 : i32
    %dma_start3A_9 = tpu.memref_slice %arg7[%dma_start3A] : memref<10000xi32, #tpu.memory_space<vmem>> -> memref<40xi32, #tpu.memory_space<vmem>>
    %dma_start3A_10 = arith.constant 0 : i32
    %dma_start3A_11 = arith.constant 0 : i32
    %dma_start3A_12 = tpu.memref_slice %arg2[%dma_start3A_10, %dma_start3A_11] : memref<10240x128xf32, #tpu.memory_space<hbm>> -> memref<10240x128xf32, #tpu.memory_space<hbm>>
    tpu.enqueue_indirect_dma source(%dma_start3A_12 : memref<10240x128xf32, #tpu.memory_space<hbm>>) target(%arg9 : memref<40x128xf32, #tpu.memory_space<vmem>>) offsets(%dma_start3A_9 : memref<40xi32, #tpu.memory_space<vmem>>) semaphore(%arg15 : memref<!tpu.dma_semaphore, #tpu.memory_space<semaphore_mem>>)
    %dma_start3A_13 = arith.constant 40 : i32
    %dma_start3A_14 = tpu.memref_slice %arg7[%dma_start3A_13] : memref<10000xi32, #tpu.memory_space<vmem>> -> memref<40xi32, #tpu.memory_space<vmem>>
    %dma_start3A_15 = arith.constant 0 : i32
    %dma_start3A_16 = arith.constant 0 : i32
    %dma_start3A_17 = tpu.memref_slice %arg2[%dma_start3A_15, %dma_start3A_16] : memref<10240x128xf32, #tpu.memory_space<hbm>> -> memref<10240x128xf32, #tpu.memory_space<hbm>>
    tpu.enqueue_indirect_dma source(%dma_start3A_17 : memref<10240x128xf32, #tpu.memory_space<hbm>>) target(%arg10 : memref<40x128xf32, #tpu.memory_space<vmem>>) offsets(%dma_start3A_14 : memref<40xi32, #tpu.memory_space<vmem>>) semaphore(%arg16 : memref<!tpu.dma_semaphore, #tpu.memory_space<semaphore_mem>>)
    %dma_start3A_18 = arith.constant 80 : i32
    %dma_start3A_19 = tpu.memref_slice %arg7[%dma_start3A_18] : memref<10000xi32, #tpu.memory_space<vmem>> -> memref<40xi32, #tpu.memory_space<vmem>>
    %dma_start3A_20 = arith.constant 0 : i32
    %dma_start3A_21 = arith.constant 0 : i32
    %dma_start3A_22 = tpu.memref_slice %arg2[%dma_start3A_20, %dma_start3A_21] : memref<10240x128xf32, #tpu.memory_space<hbm>> -> memref<10240x128xf32, #tpu.memory_space<hbm>>
    tpu.enqueue_indirect_dma source(%dma_start3A_22 : memref<10240x128xf32, #tpu.memory_space<hbm>>) target(%arg11 : memref<40x128xf32, #tpu.memory_space<vmem>>) offsets(%dma_start3A_19 : memref<40xi32, #tpu.memory_space<vmem>>) semaphore(%arg17 : memref<!tpu.dma_semaphore, #tpu.memory_space<semaphore_mem>>)
    %dma_start3A_23 = arith.constant 120 : i32
    %dma_start3A_24 = tpu.memref_slice %arg7[%dma_start3A_23] : memref<10000xi32, #tpu.memory_space<vmem>> -> memref<40xi32, #tpu.memory_space<vmem>>
    %dma_start3A_25 = arith.constant 0 : i32
    %dma_start3A_26 = arith.constant 0 : i32
    %dma_start3A_27 = tpu.memref_slice %arg2[%dma_start3A_25, %dma_start3A_26] : memref<10240x128xf32, #tpu.memory_space<hbm>> -> memref<10240x128xf32, #tpu.memory_space<hbm>>
    tpu.enqueue_indirect_dma source(%dma_start3A_27 : memref<10240x128xf32, #tpu.memory_space<hbm>>) target(%arg12 : memref<40x128xf32, #tpu.memory_space<vmem>>) offsets(%dma_start3A_24 : memref<40xi32, #tpu.memory_space<vmem>>) semaphore(%arg18 : memref<!tpu.dma_semaphore, #tpu.memory_space<semaphore_mem>>)
    %dma_start3A_28 = arith.constant 160 : i32
    %dma_start3A_29 = tpu.memref_slice %arg7[%dma_start3A_28] : memref<10000xi32, #tpu.memory_space<vmem>> -> memref<40xi32, #tpu.memory_space<vmem>>
    %dma_start3A_30 = arith.constant 0 : i32
    %dma_start3A_31 = arith.constant 0 : i32
    %dma_start3A_32 = tpu.memref_slice %arg2[%dma_start3A_30, %dma_start3A_31] : memref<10240x128xf32, #tpu.memory_space<hbm>> -> memref<10240x128xf32, #tpu.memory_space<hbm>>
    tpu.enqueue_indirect_dma source(%dma_start3A_32 : memref<10240x128xf32, #tpu.memory_space<hbm>>) target(%arg13 : memref<40x128xf32, #tpu.memory_space<vmem>>) offsets(%dma_start3A_29 : memref<40xi32, #tpu.memory_space<vmem>>) semaphore(%arg19 : memref<!tpu.dma_semaphore, #tpu.memory_space<semaphore_mem>>)
    %scan3A = arith.constant 0 : i32
    %scan3A_33 = arith.constant 49 : i32
    %scan3A_34 = arith.addi %scan3A, %scan3A_33 : i32
    %scan3A_35 = arith.constant 1 : i32
    scf.for %scan3A_69 = %scan3A to %scan3A_34 step %scan3A_35  : i32 {
      %mul3A_70 = arith.constant 5 : i32
      %mul3A_71 = arith.muli %scan3A_69, %mul3A_70 : i32
      %add3A_72 = arith.constant 0 : i32
      %add3A_73 = arith.addi %add3A_72, %mul3A_71 : i32
      %add3A_74 = arith.constant 0 : i32
      %add3A_75 = arith.addi %add3A_73, %add3A_74 : i32
      %mul3A_76 = arith.constant 40 : i32
      %mul3A_77 = arith.muli %add3A_75, %mul3A_76 : i32
      %dma_wait3A_78 = tpu.memref_slice %arg7[%mul3A_77] : memref<10000xi32, #tpu.memory_space<vmem>> -> memref<40xi32, #tpu.memory_space<vmem>>
      %dma_wait3A_79 = arith.constant 0 : i32
      %dma_wait3A_80 = arith.constant 0 : i32
      %dma_wait3A_81 = tpu.memref_slice %arg2[%dma_wait3A_79, %dma_wait3A_80] : memref<10240x128xf32, #tpu.memory_space<hbm>> -> memref<10240x128xf32, #tpu.memory_space<hbm>>
      tpu.wait_indirect_dma semaphore(%arg15 : memref<!tpu.dma_semaphore, #tpu.memory_space<semaphore_mem>>) src(%dma_wait3A_81 : memref<10240x128xf32, #tpu.memory_space<hbm>>) dst(%arg9 : memref<40x128xf32, #tpu.memory_space<vmem>>)
      %mul3A_82 = arith.constant 40 : i32
      %mul3A_83 = arith.muli %add3A_75, %mul3A_82 : i32
      "tpu.region"() ({
        %run_scoped3A = tpu.sem_alloc : memref<!tpu.dma_semaphore, #tpu.memory_space<semaphore_mem>>
        %dma_start3A_174 = tpu.memref_slice %arg8[%mul3A_83] : memref<10000xi32, #tpu.memory_space<vmem>> -> memref<40xi32, #tpu.memory_space<vmem>>
        %dma_start3A_175 = arith.constant 0 : i32
        %dma_start3A_176 = arith.constant 0 : i32
        %dma_start3A_177 = tpu.memref_slice %arg14[%dma_start3A_175, %dma_start3A_176] : memref<10240x128xf32, #tpu.memory_space<vmem_shared>> -> memref<10240x128xf32, #tpu.memory_space<vmem_shared>>
        tpu.enqueue_indirect_dma source(%arg9 : memref<40x128xf32, #tpu.memory_space<vmem>>) target(%dma_start3A_177 : memref<10240x128xf32, #tpu.memory_space<vmem_shared>>) offsets(%dma_start3A_174 : memref<40xi32, #tpu.memory_space<vmem>>) semaphore(%run_scoped3A : memref<!tpu.dma_semaphore, #tpu.memory_space<semaphore_mem>>) {add = true}
        %dma_wait3A_178 = tpu.memref_slice %arg8[%mul3A_83] : memref<10000xi32, #tpu.memory_space<vmem>> -> memref<40xi32, #tpu.memory_space<vmem>>
        %dma_wait3A_179 = arith.constant 0 : i32
        %dma_wait3A_180 = arith.constant 0 : i32
        %dma_wait3A_181 = tpu.memref_slice %arg14[%dma_wait3A_179, %dma_wait3A_180] : memref<10240x128xf32, #tpu.memory_space<vmem_shared>> -> memref<10240x128xf32, #tpu.memory_space<vmem_shared>>
        tpu.wait_indirect_dma semaphore(%run_scoped3A : memref<!tpu.dma_semaphore, #tpu.memory_space<semaphore_mem>>) src(%arg9 : memref<40x128xf32, #tpu.memory_space<vmem>>) dst(%dma_wait3A_181 : memref<10240x128xf32, #tpu.memory_space<vmem_shared>>)
        tpu.yield
      }) : () -> ()
      %add3A_84 = arith.constant 0 : i32
      %add3A_85 = arith.addi %add3A_73, %add3A_84 : i32
      %add3A_86 = arith.constant 5 : i32
      %add3A_87 = arith.addi %add3A_85, %add3A_86 : i32
      %mul3A_88 = arith.constant 40 : i32
      %mul3A_89 = arith.muli %add3A_87, %mul3A_88 : i32
      %dma_start3A_90 = tpu.memref_slice %arg7[%mul3A_89] : memref<10000xi32, #tpu.memory_space<vmem>> -> memref<40xi32, #tpu.memory_space<vmem>>
      %dma_start3A_91 = arith.constant 0 : i32
      %dma_start3A_92 = arith.constant 0 : i32
      %dma_start3A_93 = tpu.memref_slice %arg2[%dma_start3A_91, %dma_start3A_92] : memref<10240x128xf32, #tpu.memory_space<hbm>> -> memref<10240x128xf32, #tpu.memory_space<hbm>>
      tpu.enqueue_indirect_dma source(%dma_start3A_93 : memref<10240x128xf32, #tpu.memory_space<hbm>>) target(%arg9 : memref<40x128xf32, #tpu.memory_space<vmem>>) offsets(%dma_start3A_90 : memref<40xi32, #tpu.memory_space<vmem>>) semaphore(%arg15 : memref<!tpu.dma_semaphore, #tpu.memory_space<semaphore_mem>>)
      %add3A_94 = arith.constant 1 : i32
      %add3A_95 = arith.addi %add3A_73, %add3A_94 : i32
      %mul3A_96 = arith.constant 40 : i32
      %mul3A_97 = arith.muli %add3A_95, %mul3A_96 : i32
      %dma_wait3A_98 = tpu.memref_slice %arg7[%mul3A_97] : memref<10000xi32, #tpu.memory_space<vmem>> -> memref<40xi32, #tpu.memory_space<vmem>>
      %dma_wait3A_99 = arith.constant 0 : i32
      %dma_wait3A_100 = arith.constant 0 : i32
      %dma_wait3A_101 = tpu.memref_slice %arg2[%dma_wait3A_99, %dma_wait3A_100] : memref<10240x128xf32, #tpu.memory_space<hbm>> -> memref<10240x128xf32, #tpu.memory_space<hbm>>
      tpu.wait_indirect_dma semaphore(%arg16 : memref<!tpu.dma_semaphore, #tpu.memory_space<semaphore_mem>>) src(%dma_wait3A_101 : memref<10240x128xf32, #tpu.memory_space<hbm>>) dst(%arg10 : memref<40x128xf32, #tpu.memory_space<vmem>>)
      %mul3A_102 = arith.constant 40 : i32
      %mul3A_103 = arith.muli %add3A_95, %mul3A_102 : i32
      "tpu.region"() ({
        %run_scoped3A = tpu.sem_alloc : memref<!tpu.dma_semaphore, #tpu.memory_space<semaphore_mem>>
        %dma_start3A_174 = tpu.memref_slice %arg8[%mul3A_103] : memref<10000xi32, #tpu.memory_space<vmem>> -> memref<40xi32, #tpu.memory_space<vmem>>
        %dma_start3A_175 = arith.constant 0 : i32
        %dma_start3A_176 = arith.constant 0 : i32
        %dma_start3A_177 = tpu.memref_slice %arg14[%dma_start3A_175, %dma_start3A_176] : memref<10240x128xf32, #tpu.memory_space<vmem_shared>> -> memref<10240x128xf32, #tpu.memory_space<vmem_shared>>
        tpu.enqueue_indirect_dma source(%arg10 : memref<40x128xf32, #tpu.memory_space<vmem>>) target(%dma_start3A_177 : memref<10240x128xf32, #tpu.memory_space<vmem_shared>>) offsets(%dma_start3A_174 : memref<40xi32, #tpu.memory_space<vmem>>) semaphore(%run_scoped3A : memref<!tpu.dma_semaphore, #tpu.memory_space<semaphore_mem>>) {add = true}
        %dma_wait3A_178 = tpu.memref_slice %arg8[%mul3A_103] : memref<10000xi32, #tpu.memory_space<vmem>> -> memref<40xi32, #tpu.memory_space<vmem>>
        %dma_wait3A_179 = arith.constant 0 : i32
        %dma_wait3A_180 = arith.constant 0 : i32
        %dma_wait3A_181 = tpu.memref_slice %arg14[%dma_wait3A_179, %dma_wait3A_180] : memref<10240x128xf32, #tpu.memory_space<vmem_shared>> -> memref<10240x128xf32, #tpu.memory_space<vmem_shared>>
        tpu.wait_indirect_dma semaphore(%run_scoped3A : memref<!tpu.dma_semaphore, #tpu.memory_space<semaphore_mem>>) src(%arg10 : memref<40x128xf32, #tpu.memory_space<vmem>>) dst(%dma_wait3A_181 : memref<10240x128xf32, #tpu.memory_space<vmem_shared>>)
        tpu.yield
      }) : () -> ()
      %add3A_104 = arith.constant 1 : i32
      %add3A_105 = arith.addi %add3A_73, %add3A_104 : i32
      %add3A_106 = arith.constant 5 : i32
      %add3A_107 = arith.addi %add3A_105, %add3A_106 : i32
      %mul3A_108 = arith.constant 40 : i32
      %mul3A_109 = arith.muli %add3A_107, %mul3A_108 : i32
      %dma_start3A_110 = tpu.memref_slice %arg7[%mul3A_109] : memref<10000xi32, #tpu.memory_space<vmem>> -> memref<40xi32, #tpu.memory_space<vmem>>
      %dma_start3A_111 = arith.constant 0 : i32
      %dma_start3A_112 = arith.constant 0 : i32
      %dma_start3A_113 = tpu.memref_slice %arg2[%dma_start3A_111, %dma_start3A_112] : memref<10240x128xf32, #tpu.memory_space<hbm>> -> memref<10240x128xf32, #tpu.memory_space<hbm>>
      tpu.enqueue_indirect_dma source(%dma_start3A_113 : memref<10240x128xf32, #tpu.memory_space<hbm>>) target(%arg10 : memref<40x128xf32, #tpu.memory_space<vmem>>) offsets(%dma_start3A_110 : memref<40xi32, #tpu.memory_space<vmem>>) semaphore(%arg16 : memref<!tpu.dma_semaphore, #tpu.memory_space<semaphore_mem>>)
      %add3A_114 = arith.constant 2 : i32
      %add3A_115 = arith.addi %add3A_73, %add3A_114 : i32
      %mul3A_116 = arith.constant 40 : i32
      %mul3A_117 = arith.muli %add3A_115, %mul3A_116 : i32
      %dma_wait3A_118 = tpu.memref_slice %arg7[%mul3A_117] : memref<10000xi32, #tpu.memory_space<vmem>> -> memref<40xi32, #tpu.memory_space<vmem>>
      %dma_wait3A_119 = arith.constant 0 : i32
      %dma_wait3A_120 = arith.constant 0 : i32
      %dma_wait3A_121 = tpu.memref_slice %arg2[%dma_wait3A_119, %dma_wait3A_120] : memref<10240x128xf32, #tpu.memory_space<hbm>> -> memref<10240x128xf32, #tpu.memory_space<hbm>>
      tpu.wait_indirect_dma semaphore(%arg17 : memref<!tpu.dma_semaphore, #tpu.memory_space<semaphore_mem>>) src(%dma_wait3A_121 : memref<10240x128xf32, #tpu.memory_space<hbm>>) dst(%arg11 : memref<40x128xf32, #tpu.memory_space<vmem>>)
      %mul3A_122 = arith.constant 40 : i32
      %mul3A_123 = arith.muli %add3A_115, %mul3A_122 : i32
      "tpu.region"() ({
        %run_scoped3A = tpu.sem_alloc : memref<!tpu.dma_semaphore, #tpu.memory_space<semaphore_mem>>
        %dma_start3A_174 = tpu.memref_slice %arg8[%mul3A_123] : memref<10000xi32, #tpu.memory_space<vmem>> -> memref<40xi32, #tpu.memory_space<vmem>>
        %dma_start3A_175 = arith.constant 0 : i32
        %dma_start3A_176 = arith.constant 0 : i32
        %dma_start3A_177 = tpu.memref_slice %arg14[%dma_start3A_175, %dma_start3A_176] : memref<10240x128xf32, #tpu.memory_space<vmem_shared>> -> memref<10240x128xf32, #tpu.memory_space<vmem_shared>>
        tpu.enqueue_indirect_dma source(%arg11 : memref<40x128xf32, #tpu.memory_space<vmem>>) target(%dma_start3A_177 : memref<10240x128xf32, #tpu.memory_space<vmem_shared>>) offsets(%dma_start3A_174 : memref<40xi32, #tpu.memory_space<vmem>>) semaphore(%run_scoped3A : memref<!tpu.dma_semaphore, #tpu.memory_space<semaphore_mem>>) {add = true}
        %dma_wait3A_178 = tpu.memref_slice %arg8[%mul3A_123] : memref<10000xi32, #tpu.memory_space<vmem>> -> memref<40xi32, #tpu.memory_space<vmem>>
        %dma_wait3A_179 = arith.constant 0 : i32
        %dma_wait3A_180 = arith.constant 0 : i32
        %dma_wait3A_181 = tpu.memref_slice %arg14[%dma_wait3A_179, %dma_wait3A_180] : memref<10240x128xf32, #tpu.memory_space<vmem_shared>> -> memref<10240x128xf32, #tpu.memory_space<vmem_shared>>
        tpu.wait_indirect_dma semaphore(%run_scoped3A : memref<!tpu.dma_semaphore, #tpu.memory_space<semaphore_mem>>) src(%arg11 : memref<40x128xf32, #tpu.memory_space<vmem>>) dst(%dma_wait3A_181 : memref<10240x128xf32, #tpu.memory_space<vmem_shared>>)
        tpu.yield
      }) : () -> ()
      %add3A_124 = arith.constant 2 : i32
      %add3A_125 = arith.addi %add3A_73, %add3A_124 : i32
      %add3A_126 = arith.constant 5 : i32
      %add3A_127 = arith.addi %add3A_125, %add3A_126 : i32
      %mul3A_128 = arith.constant 40 : i32
      %mul3A_129 = arith.muli %add3A_127, %mul3A_128 : i32
      %dma_start3A_130 = tpu.memref_slice %arg7[%mul3A_129] : memref<10000xi32, #tpu.memory_space<vmem>> -> memref<40xi32, #tpu.memory_space<vmem>>
      %dma_start3A_131 = arith.constant 0 : i32
      %dma_start3A_132 = arith.constant 0 : i32
      %dma_start3A_133 = tpu.memref_slice %arg2[%dma_start3A_131, %dma_start3A_132] : memref<10240x128xf32, #tpu.memory_space<hbm>> -> memref<10240x128xf32, #tpu.memory_space<hbm>>
      tpu.enqueue_indirect_dma source(%dma_start3A_133 : memref<10240x128xf32, #tpu.memory_space<hbm>>) target(%arg11 : memref<40x128xf32, #tpu.memory_space<vmem>>) offsets(%dma_start3A_130 : memref<40xi32, #tpu.memory_space<vmem>>) semaphore(%arg17 : memref<!tpu.dma_semaphore, #tpu.memory_space<semaphore_mem>>)
      %add3A_134 = arith.constant 3 : i32
      %add3A_135 = arith.addi %add3A_73, %add3A_134 : i32
      %mul3A_136 = arith.constant 40 : i32
      %mul3A_137 = arith.muli %add3A_135, %mul3A_136 : i32
      %dma_wait3A_138 = tpu.memref_slice %arg7[%mul3A_137] : memref<10000xi32, #tpu.memory_space<vmem>> -> memref<40xi32, #tpu.memory_space<vmem>>
      %dma_wait3A_139 = arith.constant 0 : i32
      %dma_wait3A_140 = arith.constant 0 : i32
      %dma_wait3A_141 = tpu.memref_slice %arg2[%dma_wait3A_139, %dma_wait3A_140] : memref<10240x128xf32, #tpu.memory_space<hbm>> -> memref<10240x128xf32, #tpu.memory_space<hbm>>
      tpu.wait_indirect_dma semaphore(%arg18 : memref<!tpu.dma_semaphore, #tpu.memory_space<semaphore_mem>>) src(%dma_wait3A_141 : memref<10240x128xf32, #tpu.memory_space<hbm>>) dst(%arg12 : memref<40x128xf32, #tpu.memory_space<vmem>>)
      %mul3A_142 = arith.constant 40 : i32
      %mul3A_143 = arith.muli %add3A_135, %mul3A_142 : i32
      "tpu.region"() ({
        %run_scoped3A = tpu.sem_alloc : memref<!tpu.dma_semaphore, #tpu.memory_space<semaphore_mem>>
        %dma_start3A_174 = tpu.memref_slice %arg8[%mul3A_143] : memref<10000xi32, #tpu.memory_space<vmem>> -> memref<40xi32, #tpu.memory_space<vmem>>
        %dma_start3A_175 = arith.constant 0 : i32
        %dma_start3A_176 = arith.constant 0 : i32
        %dma_start3A_177 = tpu.memref_slice %arg14[%dma_start3A_175, %dma_start3A_176] : memref<10240x128xf32, #tpu.memory_space<vmem_shared>> -> memref<10240x128xf32, #tpu.memory_space<vmem_shared>>
        tpu.enqueue_indirect_dma source(%arg12 : memref<40x128xf32, #tpu.memory_space<vmem>>) target(%dma_start3A_177 : memref<10240x128xf32, #tpu.memory_space<vmem_shared>>) offsets(%dma_start3A_174 : memref<40xi32, #tpu.memory_space<vmem>>) semaphore(%run_scoped3A : memref<!tpu.dma_semaphore, #tpu.memory_space<semaphore_mem>>) {add = true}
        %dma_wait3A_178 = tpu.memref_slice %arg8[%mul3A_143] : memref<10000xi32, #tpu.memory_space<vmem>> -> memref<40xi32, #tpu.memory_space<vmem>>
        %dma_wait3A_179 = arith.constant 0 : i32
        %dma_wait3A_180 = arith.constant 0 : i32
        %dma_wait3A_181 = tpu.memref_slice %arg14[%dma_wait3A_179, %dma_wait3A_180] : memref<10240x128xf32, #tpu.memory_space<vmem_shared>> -> memref<10240x128xf32, #tpu.memory_space<vmem_shared>>
        tpu.wait_indirect_dma semaphore(%run_scoped3A : memref<!tpu.dma_semaphore, #tpu.memory_space<semaphore_mem>>) src(%arg12 : memref<40x128xf32, #tpu.memory_space<vmem>>) dst(%dma_wait3A_181 : memref<10240x128xf32, #tpu.memory_space<vmem_shared>>)
        tpu.yield
      }) : () -> ()
      %add3A_144 = arith.constant 3 : i32
      %add3A_145 = arith.addi %add3A_73, %add3A_144 : i32
      %add3A_146 = arith.constant 5 : i32
      %add3A_147 = arith.addi %add3A_145, %add3A_146 : i32
      %mul3A_148 = arith.constant 40 : i32
      %mul3A_149 = arith.muli %add3A_147, %mul3A_148 : i32
      %dma_start3A_150 = tpu.memref_slice %arg7[%mul3A_149] : memref<10000xi32, #tpu.memory_space<vmem>> -> memref<40xi32, #tpu.memory_space<vmem>>
      %dma_start3A_151 = arith.constant 0 : i32
      %dma_start3A_152 = arith.constant 0 : i32
      %dma_start3A_153 = tpu.memref_slice %arg2[%dma_start3A_151, %dma_start3A_152] : memref<10240x128xf32, #tpu.memory_space<hbm>> -> memref<10240x128xf32, #tpu.memory_space<hbm>>
      tpu.enqueue_indirect_dma source(%dma_start3A_153 : memref<10240x128xf32, #tpu.memory_space<hbm>>) target(%arg12 : memref<40x128xf32, #tpu.memory_space<vmem>>) offsets(%dma_start3A_150 : memref<40xi32, #tpu.memory_space<vmem>>) semaphore(%arg18 : memref<!tpu.dma_semaphore, #tpu.memory_space<semaphore_mem>>)
      %add3A_154 = arith.constant 4 : i32
      %add3A_155 = arith.addi %add3A_73, %add3A_154 : i32
      %mul3A_156 = arith.constant 40 : i32
      %mul3A_157 = arith.muli %add3A_155, %mul3A_156 : i32
      %dma_wait3A_158 = tpu.memref_slice %arg7[%mul3A_157] : memref<10000xi32, #tpu.memory_space<vmem>> -> memref<40xi32, #tpu.memory_space<vmem>>
      %dma_wait3A_159 = arith.constant 0 : i32
      %dma_wait3A_160 = arith.constant 0 : i32
      %dma_wait3A_161 = tpu.memref_slice %arg2[%dma_wait3A_159, %dma_wait3A_160] : memref<10240x128xf32, #tpu.memory_space<hbm>> -> memref<10240x128xf32, #tpu.memory_space<hbm>>
      tpu.wait_indirect_dma semaphore(%arg19 : memref<!tpu.dma_semaphore, #tpu.memory_space<semaphore_mem>>) src(%dma_wait3A_161 : memref<10240x128xf32, #tpu.memory_space<hbm>>) dst(%arg13 : memref<40x128xf32, #tpu.memory_space<vmem>>)
      %mul3A_162 = arith.constant 40 : i32
      %mul3A_163 = arith.muli %add3A_155, %mul3A_162 : i32
      "tpu.region"() ({
        %run_scoped3A = tpu.sem_alloc : memref<!tpu.dma_semaphore, #tpu.memory_space<semaphore_mem>>
        %dma_start3A_174 = tpu.memref_slice %arg8[%mul3A_163] : memref<10000xi32, #tpu.memory_space<vmem>> -> memref<40xi32, #tpu.memory_space<vmem>>
        %dma_start3A_175 = arith.constant 0 : i32
        %dma_start3A_176 = arith.constant 0 : i32
        %dma_start3A_177 = tpu.memref_slice %arg14[%dma_start3A_175, %dma_start3A_176] : memref<10240x128xf32, #tpu.memory_space<vmem_shared>> -> memref<10240x128xf32, #tpu.memory_space<vmem_shared>>
        tpu.enqueue_indirect_dma source(%arg13 : memref<40x128xf32, #tpu.memory_space<vmem>>) target(%dma_start3A_177 : memref<10240x128xf32, #tpu.memory_space<vmem_shared>>) offsets(%dma_start3A_174 : memref<40xi32, #tpu.memory_space<vmem>>) semaphore(%run_scoped3A : memref<!tpu.dma_semaphore, #tpu.memory_space<semaphore_mem>>) {add = true}
        %dma_wait3A_178 = tpu.memref_slice %arg8[%mul3A_163] : memref<10000xi32, #tpu.memory_space<vmem>> -> memref<40xi32, #tpu.memory_space<vmem>>
        %dma_wait3A_179 = arith.constant 0 : i32
        %dma_wait3A_180 = arith.constant 0 : i32
        %dma_wait3A_181 = tpu.memref_slice %arg14[%dma_wait3A_179, %dma_wait3A_180] : memref<10240x128xf32, #tpu.memory_space<vmem_shared>> -> memref<10240x128xf32, #tpu.memory_space<vmem_shared>>
        tpu.wait_indirect_dma semaphore(%run_scoped3A : memref<!tpu.dma_semaphore, #tpu.memory_space<semaphore_mem>>) src(%arg13 : memref<40x128xf32, #tpu.memory_space<vmem>>) dst(%dma_wait3A_181 : memref<10240x128xf32, #tpu.memory_space<vmem_shared>>)
        tpu.yield
      }) : () -> ()
      %add3A_164 = arith.constant 4 : i32
      %add3A_165 = arith.addi %add3A_73, %add3A_164 : i32
      %add3A_166 = arith.constant 5 : i32
      %add3A_167 = arith.addi %add3A_165, %add3A_166 : i32
      %mul3A_168 = arith.constant 40 : i32
      %mul3A_169 = arith.muli %add3A_167, %mul3A_168 : i32
      %dma_start3A_170 = tpu.memref_slice %arg7[%mul3A_169] : memref<10000xi32, #tpu.memory_space<vmem>> -> memref<40xi32, #tpu.memory_space<vmem>>
      %dma_start3A_171 = arith.constant 0 : i32
      %dma_start3A_172 = arith.constant 0 : i32
      %dma_start3A_173 = tpu.memref_slice %arg2[%dma_start3A_171, %dma_start3A_172] : memref<10240x128xf32, #tpu.memory_space<hbm>> -> memref<10240x128xf32, #tpu.memory_space<hbm>>
      tpu.enqueue_indirect_dma source(%dma_start3A_173 : memref<10240x128xf32, #tpu.memory_space<hbm>>) target(%arg13 : memref<40x128xf32, #tpu.memory_space<vmem>>) offsets(%dma_start3A_170 : memref<40xi32, #tpu.memory_space<vmem>>) semaphore(%arg19 : memref<!tpu.dma_semaphore, #tpu.memory_space<semaphore_mem>>)
    }
    %scan3A_36 = arith.constant 49 : i32
    %dma_wait3A = arith.constant 9800 : i32
    %dma_wait3A_37 = tpu.memref_slice %arg7[%dma_wait3A] : memref<10000xi32, #tpu.memory_space<vmem>> -> memref<40xi32, #tpu.memory_space<vmem>>
    %dma_wait3A_38 = arith.constant 0 : i32
    %dma_wait3A_39 = arith.constant 0 : i32
    %dma_wait3A_40 = tpu.memref_slice %arg2[%dma_wait3A_38, %dma_wait3A_39] : memref<10240x128xf32, #tpu.memory_space<hbm>> -> memref<10240x128xf32, #tpu.memory_space<hbm>>
    tpu.wait_indirect_dma semaphore(%arg15 : memref<!tpu.dma_semaphore, #tpu.memory_space<semaphore_mem>>) src(%dma_wait3A_40 : memref<10240x128xf32, #tpu.memory_space<hbm>>) dst(%arg9 : memref<40x128xf32, #tpu.memory_space<vmem>>)
    "tpu.region"() ({
      %run_scoped3A = tpu.sem_alloc : memref<!tpu.dma_semaphore, #tpu.memory_space<semaphore_mem>>
      %dma_start3A_69 = arith.constant 9800 : i32
      %dma_start3A_70 = tpu.memref_slice %arg8[%dma_start3A_69] : memref<10000xi32, #tpu.memory_space<vmem>> -> memref<40xi32, #tpu.memory_space<vmem>>
      %dma_start3A_71 = arith.constant 0 : i32
      %dma_start3A_72 = arith.constant 0 : i32
      %dma_start3A_73 = tpu.memref_slice %arg14[%dma_start3A_71, %dma_start3A_72] : memref<10240x128xf32, #tpu.memory_space<vmem_shared>> -> memref<10240x128xf32, #tpu.memory_space<vmem_shared>>
      tpu.enqueue_indirect_dma source(%arg9 : memref<40x128xf32, #tpu.memory_space<vmem>>) target(%dma_start3A_73 : memref<10240x128xf32, #tpu.memory_space<vmem_shared>>) offsets(%dma_start3A_70 : memref<40xi32, #tpu.memory_space<vmem>>) semaphore(%run_scoped3A : memref<!tpu.dma_semaphore, #tpu.memory_space<semaphore_mem>>) {add = true}
      %dma_wait3A_74 = arith.constant 9800 : i32
      %dma_wait3A_75 = tpu.memref_slice %arg8[%dma_wait3A_74] : memref<10000xi32, #tpu.memory_space<vmem>> -> memref<40xi32, #tpu.memory_space<vmem>>
      %dma_wait3A_76 = arith.constant 0 : i32
      %dma_wait3A_77 = arith.constant 0 : i32
      %dma_wait3A_78 = tpu.memref_slice %arg14[%dma_wait3A_76, %dma_wait3A_77] : memref<10240x128xf32, #tpu.memory_space<vmem_shared>> -> memref<10240x128xf32, #tpu.memory_space<vmem_shared>>
      tpu.wait_indirect_dma semaphore(%run_scoped3A : memref<!tpu.dma_semaphore, #tpu.memory_space<semaphore_mem>>) src(%arg9 : memref<40x128xf32, #tpu.memory_space<vmem>>) dst(%dma_wait3A_78 : memref<10240x128xf32, #tpu.memory_space<vmem_shared>>)
      tpu.yield
    }) : () -> ()
    %dma_wait3A_41 = arith.constant 9840 : i32
    %dma_wait3A_42 = tpu.memref_slice %arg7[%dma_wait3A_41] : memref<10000xi32, #tpu.memory_space<vmem>> -> memref<40xi32, #tpu.memory_space<vmem>>
    %dma_wait3A_43 = arith.constant 0 : i32
    %dma_wait3A_44 = arith.constant 0 : i32
    %dma_wait3A_45 = tpu.memref_slice %arg2[%dma_wait3A_43, %dma_wait3A_44] : memref<10240x128xf32, #tpu.memory_space<hbm>> -> memref<10240x128xf32, #tpu.memory_space<hbm>>
    tpu.wait_indirect_dma semaphore(%arg16 : memref<!tpu.dma_semaphore, #tpu.memory_space<semaphore_mem>>) src(%dma_wait3A_45 : memref<10240x128xf32, #tpu.memory_space<hbm>>) dst(%arg10 : memref<40x128xf32, #tpu.memory_space<vmem>>)
    "tpu.region"() ({
      %run_scoped3A = tpu.sem_alloc : memref<!tpu.dma_semaphore, #tpu.memory_space<semaphore_mem>>
      %dma_start3A_69 = arith.constant 9840 : i32
      %dma_start3A_70 = tpu.memref_slice %arg8[%dma_start3A_69] : memref<10000xi32, #tpu.memory_space<vmem>> -> memref<40xi32, #tpu.memory_space<vmem>>
      %dma_start3A_71 = arith.constant 0 : i32
      %dma_start3A_72 = arith.constant 0 : i32
      %dma_start3A_73 = tpu.memref_slice %arg14[%dma_start3A_71, %dma_start3A_72] : memref<10240x128xf32, #tpu.memory_space<vmem_shared>> -> memref<10240x128xf32, #tpu.memory_space<vmem_shared>>
      tpu.enqueue_indirect_dma source(%arg10 : memref<40x128xf32, #tpu.memory_space<vmem>>) target(%dma_start3A_73 : memref<10240x128xf32, #tpu.memory_space<vmem_shared>>) offsets(%dma_start3A_70 : memref<40xi32, #tpu.memory_space<vmem>>) semaphore(%run_scoped3A : memref<!tpu.dma_semaphore, #tpu.memory_space<semaphore_mem>>) {add = true}
      %dma_wait3A_74 = arith.constant 9840 : i32
      %dma_wait3A_75 = tpu.memref_slice %arg8[%dma_wait3A_74] : memref<10000xi32, #tpu.memory_space<vmem>> -> memref<40xi32, #tpu.memory_space<vmem>>
      %dma_wait3A_76 = arith.constant 0 : i32
      %dma_wait3A_77 = arith.constant 0 : i32
      %dma_wait3A_78 = tpu.memref_slice %arg14[%dma_wait3A_76, %dma_wait3A_77] : memref<10240x128xf32, #tpu.memory_space<vmem_shared>> -> memref<10240x128xf32, #tpu.memory_space<vmem_shared>>
      tpu.wait_indirect_dma semaphore(%run_scoped3A : memref<!tpu.dma_semaphore, #tpu.memory_space<semaphore_mem>>) src(%arg10 : memref<40x128xf32, #tpu.memory_space<vmem>>) dst(%dma_wait3A_78 : memref<10240x128xf32, #tpu.memory_space<vmem_shared>>)
      tpu.yield
    }) : () -> ()
    %dma_wait3A_46 = arith.constant 9880 : i32
    %dma_wait3A_47 = tpu.memref_slice %arg7[%dma_wait3A_46] : memref<10000xi32, #tpu.memory_space<vmem>> -> memref<40xi32, #tpu.memory_space<vmem>>
    %dma_wait3A_48 = arith.constant 0 : i32
    %dma_wait3A_49 = arith.constant 0 : i32
    %dma_wait3A_50 = tpu.memref_slice %arg2[%dma_wait3A_48, %dma_wait3A_49] : memref<10240x128xf32, #tpu.memory_space<hbm>> -> memref<10240x128xf32, #tpu.memory_space<hbm>>
    tpu.wait_indirect_dma semaphore(%arg17 : memref<!tpu.dma_semaphore, #tpu.memory_space<semaphore_mem>>) src(%dma_wait3A_50 : memref<10240x128xf32, #tpu.memory_space<hbm>>) dst(%arg11 : memref<40x128xf32, #tpu.memory_space<vmem>>)
    "tpu.region"() ({
      %run_scoped3A = tpu.sem_alloc : memref<!tpu.dma_semaphore, #tpu.memory_space<semaphore_mem>>
      %dma_start3A_69 = arith.constant 9880 : i32
      %dma_start3A_70 = tpu.memref_slice %arg8[%dma_start3A_69] : memref<10000xi32, #tpu.memory_space<vmem>> -> memref<40xi32, #tpu.memory_space<vmem>>
      %dma_start3A_71 = arith.constant 0 : i32
      %dma_start3A_72 = arith.constant 0 : i32
      %dma_start3A_73 = tpu.memref_slice %arg14[%dma_start3A_71, %dma_start3A_72] : memref<10240x128xf32, #tpu.memory_space<vmem_shared>> -> memref<10240x128xf32, #tpu.memory_space<vmem_shared>>
      tpu.enqueue_indirect_dma source(%arg11 : memref<40x128xf32, #tpu.memory_space<vmem>>) target(%dma_start3A_73 : memref<10240x128xf32, #tpu.memory_space<vmem_shared>>) offsets(%dma_start3A_70 : memref<40xi32, #tpu.memory_space<vmem>>) semaphore(%run_scoped3A : memref<!tpu.dma_semaphore, #tpu.memory_space<semaphore_mem>>) {add = true}
      %dma_wait3A_74 = arith.constant 9880 : i32
      %dma_wait3A_75 = tpu.memref_slice %arg8[%dma_wait3A_74] : memref<10000xi32, #tpu.memory_space<vmem>> -> memref<40xi32, #tpu.memory_space<vmem>>
      %dma_wait3A_76 = arith.constant 0 : i32
      %dma_wait3A_77 = arith.constant 0 : i32
      %dma_wait3A_78 = tpu.memref_slice %arg14[%dma_wait3A_76, %dma_wait3A_77] : memref<10240x128xf32, #tpu.memory_space<vmem_shared>> -> memref<10240x128xf32, #tpu.memory_space<vmem_shared>>
      tpu.wait_indirect_dma semaphore(%run_scoped3A : memref<!tpu.dma_semaphore, #tpu.memory_space<semaphore_mem>>) src(%arg11 : memref<40x128xf32, #tpu.memory_space<vmem>>) dst(%dma_wait3A_78 : memref<10240x128xf32, #tpu.memory_space<vmem_shared>>)
      tpu.yield
    }) : () -> ()
    %dma_wait3A_51 = arith.constant 9920 : i32
    %dma_wait3A_52 = tpu.memref_slice %arg7[%dma_wait3A_51] : memref<10000xi32, #tpu.memory_space<vmem>> -> memref<40xi32, #tpu.memory_space<vmem>>
    %dma_wait3A_53 = arith.constant 0 : i32
    %dma_wait3A_54 = arith.constant 0 : i32
    %dma_wait3A_55 = tpu.memref_slice %arg2[%dma_wait3A_53, %dma_wait3A_54] : memref<10240x128xf32, #tpu.memory_space<hbm>> -> memref<10240x128xf32, #tpu.memory_space<hbm>>
    tpu.wait_indirect_dma semaphore(%arg18 : memref<!tpu.dma_semaphore, #tpu.memory_space<semaphore_mem>>) src(%dma_wait3A_55 : memref<10240x128xf32, #tpu.memory_space<hbm>>) dst(%arg12 : memref<40x128xf32, #tpu.memory_space<vmem>>)
    "tpu.region"() ({
      %run_scoped3A = tpu.sem_alloc : memref<!tpu.dma_semaphore, #tpu.memory_space<semaphore_mem>>
      %dma_start3A_69 = arith.constant 9920 : i32
      %dma_start3A_70 = tpu.memref_slice %arg8[%dma_start3A_69] : memref<10000xi32, #tpu.memory_space<vmem>> -> memref<40xi32, #tpu.memory_space<vmem>>
      %dma_start3A_71 = arith.constant 0 : i32
      %dma_start3A_72 = arith.constant 0 : i32
      %dma_start3A_73 = tpu.memref_slice %arg14[%dma_start3A_71, %dma_start3A_72] : memref<10240x128xf32, #tpu.memory_space<vmem_shared>> -> memref<10240x128xf32, #tpu.memory_space<vmem_shared>>
      tpu.enqueue_indirect_dma source(%arg12 : memref<40x128xf32, #tpu.memory_space<vmem>>) target(%dma_start3A_73 : memref<10240x128xf32, #tpu.memory_space<vmem_shared>>) offsets(%dma_start3A_70 : memref<40xi32, #tpu.memory_space<vmem>>) semaphore(%run_scoped3A : memref<!tpu.dma_semaphore, #tpu.memory_space<semaphore_mem>>) {add = true}
      %dma_wait3A_74 = arith.constant 9920 : i32
      %dma_wait3A_75 = tpu.memref_slice %arg8[%dma_wait3A_74] : memref<10000xi32, #tpu.memory_space<vmem>> -> memref<40xi32, #tpu.memory_space<vmem>>
      %dma_wait3A_76 = arith.constant 0 : i32
      %dma_wait3A_77 = arith.constant 0 : i32
      %dma_wait3A_78 = tpu.memref_slice %arg14[%dma_wait3A_76, %dma_wait3A_77] : memref<10240x128xf32, #tpu.memory_space<vmem_shared>> -> memref<10240x128xf32, #tpu.memory_space<vmem_shared>>
      tpu.wait_indirect_dma semaphore(%run_scoped3A : memref<!tpu.dma_semaphore, #tpu.memory_space<semaphore_mem>>) src(%arg12 : memref<40x128xf32, #tpu.memory_space<vmem>>) dst(%dma_wait3A_78 : memref<10240x128xf32, #tpu.memory_space<vmem_shared>>)
      tpu.yield
    }) : () -> ()
    %dma_wait3A_56 = arith.constant 9960 : i32
    %dma_wait3A_57 = tpu.memref_slice %arg7[%dma_wait3A_56] : memref<10000xi32, #tpu.memory_space<vmem>> -> memref<40xi32, #tpu.memory_space<vmem>>
    %dma_wait3A_58 = arith.constant 0 : i32
    %dma_wait3A_59 = arith.constant 0 : i32
    %dma_wait3A_60 = tpu.memref_slice %arg2[%dma_wait3A_58, %dma_wait3A_59] : memref<10240x128xf32, #tpu.memory_space<hbm>> -> memref<10240x128xf32, #tpu.memory_space<hbm>>
    tpu.wait_indirect_dma semaphore(%arg19 : memref<!tpu.dma_semaphore, #tpu.memory_space<semaphore_mem>>) src(%dma_wait3A_60 : memref<10240x128xf32, #tpu.memory_space<hbm>>) dst(%arg13 : memref<40x128xf32, #tpu.memory_space<vmem>>)
    "tpu.region"() ({
      %run_scoped3A = tpu.sem_alloc : memref<!tpu.dma_semaphore, #tpu.memory_space<semaphore_mem>>
      %dma_start3A_69 = arith.constant 9960 : i32
      %dma_start3A_70 = tpu.memref_slice %arg8[%dma_start3A_69] : memref<10000xi32, #tpu.memory_space<vmem>> -> memref<40xi32, #tpu.memory_space<vmem>>
      %dma_start3A_71 = arith.constant 0 : i32
      %dma_start3A_72 = arith.constant 0 : i32
      %dma_start3A_73 = tpu.memref_slice %arg14[%dma_start3A_71, %dma_start3A_72] : memref<10240x128xf32, #tpu.memory_space<vmem_shared>> -> memref<10240x128xf32, #tpu.memory_space<vmem_shared>>
      tpu.enqueue_indirect_dma source(%arg13 : memref<40x128xf32, #tpu.memory_space<vmem>>) target(%dma_start3A_73 : memref<10240x128xf32, #tpu.memory_space<vmem_shared>>) offsets(%dma_start3A_70 : memref<40xi32, #tpu.memory_space<vmem>>) semaphore(%run_scoped3A : memref<!tpu.dma_semaphore, #tpu.memory_space<semaphore_mem>>) {add = true}
      %dma_wait3A_74 = arith.constant 9960 : i32
      %dma_wait3A_75 = tpu.memref_slice %arg8[%dma_wait3A_74] : memref<10000xi32, #tpu.memory_space<vmem>> -> memref<40xi32, #tpu.memory_space<vmem>>
      %dma_wait3A_76 = arith.constant 0 : i32
      %dma_wait3A_77 = arith.constant 0 : i32
      %dma_wait3A_78 = tpu.memref_slice %arg14[%dma_wait3A_76, %dma_wait3A_77] : memref<10240x128xf32, #tpu.memory_space<vmem_shared>> -> memref<10240x128xf32, #tpu.memory_space<vmem_shared>>
      tpu.wait_indirect_dma semaphore(%run_scoped3A : memref<!tpu.dma_semaphore, #tpu.memory_space<semaphore_mem>>) src(%arg13 : memref<40x128xf32, #tpu.memory_space<vmem>>) dst(%dma_wait3A_78 : memref<10240x128xf32, #tpu.memory_space<vmem_shared>>)
      tpu.yield
    }) : () -> ()
    %barrier3A_61 = arith.constant 0 : index
    tpu.barrier barrier_id(%barrier3A_61)
    %mul3A_62 = arith.constant 640 : i32
    %mul3A_63 = arith.muli %arg1, %mul3A_62 : i32
    %mul3A_64 = arith.constant 10240 : i32
    %mul3A_65 = arith.muli %arg0, %mul3A_64 : i32
    %mul3A_66 = arith.constant 640 : i32
    %mul3A_67 = arith.muli %arg1, %mul3A_66 : i32
    %add3A_68 = arith.addi %mul3A_65, %mul3A_67 : i32
    "tpu.region"() ({
      %run_scoped3A = tpu.sem_alloc : memref<!tpu.dma_semaphore, #tpu.memory_space<semaphore_mem>>
      %dma_start3A_69 = arith.constant 0 : i32
      %dma_start3A_70 = tpu.memref_slice %arg6[%add3A_68, %dma_start3A_69] : memref<20480x128xf32, #tpu.memory_space<hbm>> -> memref<640x128xf32, #tpu.memory_space<hbm>>
      %dma_start3A_71 = arith.constant 0 : i32
      %dma_start3A_72 = tpu.memref_slice %arg14[%mul3A_63, %dma_start3A_71] : memref<10240x128xf32, #tpu.memory_space<vmem_shared>> -> memref<640x128xf32, #tpu.memory_space<vmem_shared>>
      tpu.enqueue_dma source(%dma_start3A_72 : memref<640x128xf32, #tpu.memory_space<vmem_shared>>) target(%dma_start3A_70 : memref<640x128xf32, #tpu.memory_space<hbm>>) target_semaphore(%run_scoped3A : memref<!tpu.dma_semaphore, #tpu.memory_space<semaphore_mem>>)
      %dma_wait3A_73 = arith.constant 0 : i32
      %dma_wait3A_74 = tpu.memref_slice %arg6[%add3A_68, %dma_wait3A_73] : memref<20480x128xf32, #tpu.memory_space<hbm>> -> memref<640x128xf32, #tpu.memory_space<hbm>>
      %dma_wait3A_75 = arith.constant 0 : i32
      %dma_wait3A_76 = tpu.memref_slice %arg14[%mul3A_63, %dma_wait3A_75] : memref<10240x128xf32, #tpu.memory_space<vmem_shared>> -> memref<640x128xf32, #tpu.memory_space<vmem_shared>>
      tpu.wait_dma2 semaphore(%run_scoped3A : memref<!tpu.dma_semaphore, #tpu.memory_space<semaphore_mem>>) src(%dma_wait3A_76 : memref<640x128xf32, #tpu.memory_space<vmem_shared>>) dst(%dma_wait3A_74 : memref<640x128xf32, #tpu.memory_space<hbm>>)
      tpu.yield
    }) : () -> ()
    return
  }
}

module attributes {stable_mosaic.version = 14 : i64} {
  func.func @body(%arg0: i32, %arg1: memref<1024x128xf32, #tpu.memory_space<vmem>>, %arg2: memref<1024x128xf32, #tpu.memory_space<vmem>>, %arg3: memref<1024x128xf32, #tpu.memory_space<vmem>>, %arg4: memref<1024x128xf32, #tpu.memory_space<vmem>>) attributes {dimension_semantics = [#tpu.dimension_semantics<arbitrary>], iteration_bounds = array<i64: 10>, scalar_prefetch = 0 : i64, scratch_operands = 0 : i64, tpu.core_type = #tpu.core_type<tc>, window_params = [{transform_indices = @transform_0, window_bounds = array<i64: 1024, 128>}, {transform_indices = @transform_1, window_bounds = array<i64: 1024, 128>}, {transform_indices = @transform_2, window_bounds = array<i64: 1024, 128>}, {transform_indices = @transform_3, window_bounds = array<i64: 1024, 128>}]} {
    %get3A = arith.constant 0 : index
    %get3A_0 = arith.constant 0 : index
    %get3A_1 = vector.load %arg3[%get3A, %get3A_0] : memref<1024x128xf32, #tpu.memory_space<vmem>>, vector<1024x128xf32>
    %slice3A = vector.extract_strided_slice %get3A_1 {offsets = [0, 0], sizes = [1024, 1], strides = [1, 1]} : vector<1024x128xf32> to vector<1024x1xf32>
    %max3A = arith.constant 1.000000e+00 : f32
    %max3A_2 = vector.broadcast %max3A : f32 to vector<1024x1xf32>
    %max3A_3 = arith.maximumf %slice3A, %max3A_2 : vector<1024x1xf32>
    %get3A_4 = arith.constant 0 : index
    %get3A_5 = arith.constant 0 : index
    %get3A_6 = vector.load %arg1[%get3A_4, %get3A_5] : memref<1024x128xf32, #tpu.memory_space<vmem>>, vector<1024x128xf32>
    %get3A_7 = arith.constant 0 : index
    %get3A_8 = arith.constant 0 : index
    %get3A_9 = vector.load %arg2[%get3A_7, %get3A_8] : memref<1024x128xf32, #tpu.memory_space<vmem>>, vector<1024x128xf32>
    %add3A = arith.addf %get3A_6, %get3A_9 : vector<1024x128xf32>
    %div3A = vector.broadcast %max3A_3 : vector<1024x1xf32> to vector<1024x128xf32>
    %div3A_10 = arith.divf %add3A, %div3A : vector<1024x128xf32>
    %swap3A = arith.constant 0 : index
    %swap3A_11 = arith.constant 0 : index
    %swap3A_12 = vector.load %arg4[%swap3A, %swap3A_11] : memref<1024x128xf32, #tpu.memory_space<vmem>>, vector<1024x128xf32>
    tpu.vector_store %arg4[%swap3A, %swap3A_11], %div3A_10 {strides = array<i32>} : memref<1024x128xf32, #tpu.memory_space<vmem>>, vector<1024x128xf32>,
    return
  }
  func.func @transform_0(%arg0: i32) -> (i32, i32) {
    %c0_i32 = arith.constant 0 : i32
    %c0_i32_0 = arith.constant 0 : i32
    return %arg0, %c0_i32 : i32, i32
  }
  func.func @transform_1(%arg0: i32) -> (i32, i32) {
    %add3A = arith.constant 10 : i32
    %add3A_0 = arith.addi %arg0, %add3A : i32
    %c0_i32 = arith.constant 0 : i32
    %c0_i32_1 = arith.constant 0 : i32
    return %add3A_0, %c0_i32 : i32, i32
  }
  func.func @transform_2(%arg0: i32) -> (i32, i32) {
    %add3A = arith.constant 0 : i32
    %add3A_0 = arith.addi %arg0, %add3A : i32
    %c0_i32 = arith.constant 0 : i32
    %c0_i32_1 = arith.constant 0 : i32
    return %add3A_0, %c0_i32 : i32, i32
  }
  func.func @transform_3(%arg0: i32) -> (i32, i32) {
    %c0_i32 = arith.constant 0 : i32
    %c0_i32_0 = arith.constant 0 : i32
    return %arg0, %c0_i32 : i32, i32
  }
}

module attributes {stable_mosaic.version = 14 : i64} {
  func.func @body(%arg0: i32, %arg1: memref<1000x128xf32, #tpu.memory_space<vmem>>, %arg2: memref<128x128xf32, #tpu.memory_space<vmem>>, %arg3: memref<1x128xf32, #tpu.memory_space<vmem>>, %arg4: memref<1000x128xf32, #tpu.memory_space<vmem>>) attributes {dimension_semantics = [#tpu.dimension_semantics<arbitrary>], iteration_bounds = array<i64: 10>, scalar_prefetch = 0 : i64, scratch_operands = 0 : i64, tpu.core_type = #tpu.core_type<tc>, window_params = [{transform_indices = @transform_0, window_bounds = array<i64: 1000, 128>}, {pipeline_mode = #tpu.pipeline_mode<synchronous>, transform_indices = @transform_1, window_bounds = array<i64: 128, 128>}, {pipeline_mode = #tpu.pipeline_mode<synchronous>, transform_indices = @transform_2, window_bounds = array<i64: 1, 128>}, {transform_indices = @transform_3, window_bounds = array<i64: 1000, 128>}]} {
    %get3A = arith.constant 0 : index
    %get3A_0 = arith.constant 0 : index
    %get3A_1 = vector.load %arg1[%get3A, %get3A_0] : memref<1000x128xf32, #tpu.memory_space<vmem>>, vector<1000x128xf32>
    %get3A_2 = arith.constant 0 : index
    %get3A_3 = arith.constant 0 : index
    %get3A_4 = vector.load %arg2[%get3A_2, %get3A_3] : memref<128x128xf32, #tpu.memory_space<vmem>>, vector<128x128xf32>
    %dot_general3A = arith.constant dense<0.000000e+00> : vector<1000x128xf32>
    %dot_general3A_5 = tpu.matmul %get3A_1, %get3A_4, %dot_general3A {dimension_numbers = #tpu.dot_dimension_numbers<[1], [0], [0], [1], [0, 0, 1, 1], [], []>, transpose_lhs_hint = false} : vector<1000x128xf32>, vector<128x128xf32>, vector<1000x128xf32> -> vector<1000x128xf32>
    %get3A_6 = arith.constant 0 : index
    %get3A_7 = arith.constant 0 : index
    %get3A_8 = vector.load %arg3[%get3A_6, %get3A_7] : memref<1x128xf32, #tpu.memory_space<vmem>>, vector<1x128xf32>
    %add3A = vector.broadcast %get3A_8 : vector<1x128xf32> to vector<1000x128xf32>
    %add3A_9 = arith.addf %dot_general3A_5, %add3A : vector<1000x128xf32>
    %swap3A = arith.constant 0 : index
    %swap3A_10 = arith.constant 0 : index
    %swap3A_11 = vector.load %arg4[%swap3A, %swap3A_10] : memref<1000x128xf32, #tpu.memory_space<vmem>>, vector<1000x128xf32>
    tpu.vector_store %arg4[%swap3A, %swap3A_10], %add3A_9 {strides = array<i32>} : memref<1000x128xf32, #tpu.memory_space<vmem>>, vector<1000x128xf32>,
    return
  }
  func.func @transform_0(%arg0: i32) -> (i32, i32) {
    %c0_i32 = arith.constant 0 : i32
    %c0_i32_0 = arith.constant 0 : i32
    return %arg0, %c0_i32 : i32, i32
  }
  func.func @transform_1(%arg0: i32) -> (i32, i32) {
    %c0_i32 = arith.constant 0 : i32
    %c0_i32_0 = arith.constant 0 : i32
    %c0_i32_1 = arith.constant 0 : i32
    return %c0_i32, %c0_i32_0 : i32, i32
  }
  func.func @transform_2(%arg0: i32) -> (i32, i32) {
    %c0_i32 = arith.constant 0 : i32
    %c0_i32_0 = arith.constant 0 : i32
    %c0_i32_1 = arith.constant 0 : i32
    return %c0_i32, %c0_i32_0 : i32, i32
  }
  func.func @transform_3(%arg0: i32) -> (i32, i32) {
    %c0_i32 = arith.constant 0 : i32
    %c0_i32_0 = arith.constant 0 : i32
    return %arg0, %c0_i32 : i32, i32
  }
}

module attributes {stable_mosaic.version = 14 : i64} {
  func.func @body(%arg0: i32, %arg1: memref<1024x128xf32, #tpu.memory_space<vmem>>, %arg2: memref<1024x128xf32, #tpu.memory_space<vmem>>, %arg3: memref<1024x128xf32, #tpu.memory_space<vmem>>, %arg4: memref<128x128xf32, #tpu.memory_space<vmem>>, %arg5: memref<1x128xf32, #tpu.memory_space<vmem>>, %arg6: memref<1024x128xf32, #tpu.memory_space<vmem>>) attributes {dimension_semantics = [#tpu.dimension_semantics<arbitrary>], iteration_bounds = array<i64: 10>, scalar_prefetch = 0 : i64, scratch_operands = 0 : i64, tpu.core_type = #tpu.core_type<tc>, window_params = [{transform_indices = @transform_0, window_bounds = array<i64: 1024, 128>}, {transform_indices = @transform_1, window_bounds = array<i64: 1024, 128>}, {transform_indices = @transform_2, window_bounds = array<i64: 1024, 128>}, {pipeline_mode = #tpu.pipeline_mode<synchronous>, transform_indices = @transform_3, window_bounds = array<i64: 128, 128>}, {pipeline_mode = #tpu.pipeline_mode<synchronous>, transform_indices = @transform_4, window_bounds = array<i64: 1, 128>}, {transform_indices = @transform_5, window_bounds = array<i64: 1024, 128>}]} {
    %get3A = arith.constant 0 : index
    %get3A_0 = arith.constant 0 : index
    %get3A_1 = vector.load %arg3[%get3A, %get3A_0] : memref<1024x128xf32, #tpu.memory_space<vmem>>, vector<1024x128xf32>
    %slice3A = vector.extract_strided_slice %get3A_1 {offsets = [0, 0], sizes = [1024, 1], strides = [1, 1]} : vector<1024x128xf32> to vector<1024x1xf32>
    %max3A = arith.constant 1.000000e+00 : f32
    %max3A_2 = vector.broadcast %max3A : f32 to vector<1024x1xf32>
    %max3A_3 = arith.maximumf %slice3A, %max3A_2 : vector<1024x1xf32>
    %get3A_4 = arith.constant 0 : index
    %get3A_5 = arith.constant 0 : index
    %get3A_6 = vector.load %arg1[%get3A_4, %get3A_5] : memref<1024x128xf32, #tpu.memory_space<vmem>>, vector<1024x128xf32>
    %get3A_7 = arith.constant 0 : index
    %get3A_8 = arith.constant 0 : index
    %get3A_9 = vector.load %arg2[%get3A_7, %get3A_8] : memref<1024x128xf32, #tpu.memory_space<vmem>>, vector<1024x128xf32>
    %add3A = arith.addf %get3A_6, %get3A_9 : vector<1024x128xf32>
    %div3A = vector.broadcast %max3A_3 : vector<1024x1xf32> to vector<1024x128xf32>
    %div3A_10 = arith.divf %add3A, %div3A : vector<1024x128xf32>
    %max3A_11 = arith.constant 0.000000e+00 : f32
    %max3A_12 = vector.broadcast %max3A_11 : f32 to vector<1024x128xf32>
    %max3A_13 = arith.maximumf %div3A_10, %max3A_12 : vector<1024x128xf32>
    %get3A_14 = arith.constant 0 : index
    %get3A_15 = arith.constant 0 : index
    %get3A_16 = vector.load %arg4[%get3A_14, %get3A_15] : memref<128x128xf32, #tpu.memory_space<vmem>>, vector<128x128xf32>
    %dot_general3A = arith.constant dense<0.000000e+00> : vector<1024x128xf32>
    %dot_general3A_17 = tpu.matmul %max3A_13, %get3A_16, %dot_general3A {dimension_numbers = #tpu.dot_dimension_numbers<[1], [0], [0], [1], [0, 0, 1, 1], [], []>, transpose_lhs_hint = false} : vector<1024x128xf32>, vector<128x128xf32>, vector<1024x128xf32> -> vector<1024x128xf32>
    %get3A_18 = arith.constant 0 : index
    %get3A_19 = arith.constant 0 : index
    %get3A_20 = vector.load %arg5[%get3A_18, %get3A_19] : memref<1x128xf32, #tpu.memory_space<vmem>>, vector<1x128xf32>
    %add3A_21 = vector.broadcast %get3A_20 : vector<1x128xf32> to vector<1024x128xf32>
    %add3A_22 = arith.addf %dot_general3A_17, %add3A_21 : vector<1024x128xf32>
    %swap3A = arith.constant 0 : index
    %swap3A_23 = arith.constant 0 : index
    %swap3A_24 = vector.load %arg6[%swap3A, %swap3A_23] : memref<1024x128xf32, #tpu.memory_space<vmem>>, vector<1024x128xf32>
    tpu.vector_store %arg6[%swap3A, %swap3A_23], %add3A_22 {strides = array<i32>} : memref<1024x128xf32, #tpu.memory_space<vmem>>, vector<1024x128xf32>,
    return
  }
  func.func @transform_0(%arg0: i32) -> (i32, i32) {
    %c0_i32 = arith.constant 0 : i32
    %c0_i32_0 = arith.constant 0 : i32
    return %arg0, %c0_i32 : i32, i32
  }
  func.func @transform_1(%arg0: i32) -> (i32, i32) {
    %add3A = arith.constant 10 : i32
    %add3A_0 = arith.addi %arg0, %add3A : i32
    %c0_i32 = arith.constant 0 : i32
    %c0_i32_1 = arith.constant 0 : i32
    return %add3A_0, %c0_i32 : i32, i32
  }
  func.func @transform_2(%arg0: i32) -> (i32, i32) {
    %add3A = arith.constant 10 : i32
    %add3A_0 = arith.addi %arg0, %add3A : i32
    %c0_i32 = arith.constant 0 : i32
    %c0_i32_1 = arith.constant 0 : i32
    return %add3A_0, %c0_i32 : i32, i32
  }
  func.func @transform_3(%arg0: i32) -> (i32, i32) {
    %c0_i32 = arith.constant 0 : i32
    %c0_i32_0 = arith.constant 0 : i32
    %c0_i32_1 = arith.constant 0 : i32
    return %c0_i32, %c0_i32_0 : i32, i32
  }
  func.func @transform_4(%arg0: i32) -> (i32, i32) {
    %c0_i32 = arith.constant 0 : i32
    %c0_i32_0 = arith.constant 0 : i32
    %c0_i32_1 = arith.constant 0 : i32
    return %c0_i32, %c0_i32_0 : i32, i32
  }
  func.func @transform_5(%arg0: i32) -> (i32, i32) {
    %c0_i32 = arith.constant 0 : i32
    %c0_i32_0 = arith.constant 0 : i32
    return %arg0, %c0_i32 : i32, i32
  }
}

module attributes {stable_mosaic.version = 14 : i64} {
  func.func @body(%arg0: i32, %arg1: memref<512x128xf32, #tpu.memory_space<vmem>>, %arg2: memref<512x128xf32, #tpu.memory_space<vmem>>, %arg3: memref<512x128xf32, #tpu.memory_space<vmem>>, %arg4: memref<512x128xf32, #tpu.memory_space<vmem>>) attributes {dimension_semantics = [#tpu.dimension_semantics<arbitrary>], iteration_bounds = array<i64: 20>, scalar_prefetch = 0 : i64, scratch_operands = 0 : i64, tpu.core_type = #tpu.core_type<tc>, window_params = [{transform_indices = @transform_0, window_bounds = array<i64: 512, 128>}, {transform_indices = @transform_1, window_bounds = array<i64: 512, 128>}, {transform_indices = @transform_2, window_bounds = array<i64: 512, 128>}, {transform_indices = @transform_3, window_bounds = array<i64: 512, 128>}]} {
    %get3A = arith.constant 0 : index
    %get3A_0 = arith.constant 0 : index
    %get3A_1 = vector.load %arg3[%get3A, %get3A_0] : memref<512x128xf32, #tpu.memory_space<vmem>>, vector<512x128xf32>
    %slice3A = vector.extract_strided_slice %get3A_1 {offsets = [0, 0], sizes = [512, 1], strides = [1, 1]} : vector<512x128xf32> to vector<512x1xf32>
    %max3A = arith.constant 1.000000e+00 : f32
    %max3A_2 = vector.broadcast %max3A : f32 to vector<512x1xf32>
    %max3A_3 = arith.maximumf %slice3A, %max3A_2 : vector<512x1xf32>
    %get3A_4 = arith.constant 0 : index
    %get3A_5 = arith.constant 0 : index
    %get3A_6 = vector.load %arg1[%get3A_4, %get3A_5] : memref<512x128xf32, #tpu.memory_space<vmem>>, vector<512x128xf32>
    %get3A_7 = arith.constant 0 : index
    %get3A_8 = arith.constant 0 : index
    %get3A_9 = vector.load %arg2[%get3A_7, %get3A_8] : memref<512x128xf32, #tpu.memory_space<vmem>>, vector<512x128xf32>
    %add3A = arith.addf %get3A_6, %get3A_9 : vector<512x128xf32>
    %div3A = vector.broadcast %max3A_3 : vector<512x1xf32> to vector<512x128xf32>
    %div3A_10 = arith.divf %add3A, %div3A : vector<512x128xf32>
    %swap3A = arith.constant 0 : index
    %swap3A_11 = arith.constant 0 : index
    %swap3A_12 = vector.load %arg4[%swap3A, %swap3A_11] : memref<512x128xf32, #tpu.memory_space<vmem>>, vector<512x128xf32>
    tpu.vector_store %arg4[%swap3A, %swap3A_11], %div3A_10 {strides = array<i32>} : memref<512x128xf32, #tpu.memory_space<vmem>>, vector<512x128xf32>,
    return
  }
  func.func @transform_0(%arg0: i32) -> (i32, i32) {
    %c0_i32 = arith.constant 0 : i32
    %c0_i32_0 = arith.constant 0 : i32
    return %arg0, %c0_i32 : i32, i32
  }
  func.func @transform_1(%arg0: i32) -> (i32, i32) {
    %add3A = arith.constant 20 : i32
    %add3A_0 = arith.addi %arg0, %add3A : i32
    %c0_i32 = arith.constant 0 : i32
    %c0_i32_1 = arith.constant 0 : i32
    return %add3A_0, %c0_i32 : i32, i32
  }
  func.func @transform_2(%arg0: i32) -> (i32, i32) {
    %add3A = arith.constant 20 : i32
    %add3A_0 = arith.addi %arg0, %add3A : i32
    %c0_i32 = arith.constant 0 : i32
    %c0_i32_1 = arith.constant 0 : i32
    return %add3A_0, %c0_i32 : i32, i32
  }
  func.func @transform_3(%arg0: i32) -> (i32, i32) {
    %c0_i32 = arith.constant 0 : i32
    %c0_i32_0 = arith.constant 0 : i32
    return %arg0, %c0_i32 : i32, i32
  }
}

</mosaic_0001>

<sc_bundles>
// kernel: kernel.12.cloned.1.call-start
scs
__scs_entry_jumppad:
0x0: {  	(pc) =	sbr.rel $0x88, $3  }
0x1: {  	(tag) =	ssettag $0x0;
	lr =	simm.s32 $0x1  }
0x2: {  	[smem:$0x3F9B] =	sst lr;
	_ =	strace $0xD0000000  }
0x3: {  	_ = 	snop  }
0x4: {  	_ = 	snop  }
0x5: {  	_ = 	snop  }
0x6: {  	_ = 	snop  }
0x7: {  	_ = 	snop  }
__scs_overlays_trampoline_lowered:
0x8: {  	[smem:$0x3FAA] =	sst s0  }
0x9: {  	[smem:$0x3FAB] =	sst s1  }
0xa: {  	[smem:$0x3FAC] =	sst s2  }
0xb: {  	[smem:$0x3FAD] =	sst s3  }
0xc: {  	[smem:$0x3FAE] =	sst s4  }
0xd: {  	[smem:$0x3FAF] =	sst s5  }
0xe: {  	[smem:$0x3FB0] =	sst s6  }
0xf: {  	[smem:$0x3FB1] =	sst s7  }
0x10: {  	[smem:$0x3FB2] =	sst s8  }
0x11: {  	[smem:$0x3FB3] =	sst s9;
	s0 =	simm.s32 @!p0 $0x0  }
0x12: {  	s1 =	sld [smem:$0x3F99];
	s0 =	simm.s32 @p0 $0x1  }
0x13: {  	[smem:$0x3FB4] =	sst s0;
	s0 =	simm.s32 @!p1 $0x0  }
0x14: {  	s2 =	sld [smem:$0x3F98];
	s0 =	simm.s32 @p1 $0x1  }
0x15: {  	[smem:$0x3FB5] =	sst s0;
	s0 =	simm.s32 @!p2 $0x0  }
0x16: {  	s3 =	sld [smem:$0x3FDB];
	s0 =	simm.s32 @p2 $0x1  }
0x17: {  	s4 =	simm.s32 $0x1BF5;
	[smem:$0x3FB7] =	sst s0  }
0x18: {  	s0 =	sld [smem:$0x3F9A];
	_ =	swait.ge [sflag:s4], $0x0  }
0x19: {  	s7 =	sld [smem:$0x3F9B]  }
0x1a: {  	s8 =	sadd.s32 $0xFFFFE003, lr  }
0x1b: {  	s9 =	sadd.s32 $0xFFFFFEF7, lr;
	s5 =	simm.s32 $0xFFFFFFFF;
	p2 =	slt.u32 s8, $0xFFFFF086  }
0x1c: {  	p1 =	slt.u32 s9, $0xF7A;
	s5 =	simm.s32 @!p2 $0x0  }
0x1d: {  	s5 =	simm.s32 @p1 $0x1;
	p0 =	seq.s32 s7, s2  }
0x1e: {  	s7 =	smul.u32 @!p0 $0xF7A, s2;
	p2 =	seq.s32 @!p0 s5, $0x0  }
0x1f: {  	s9 =	smul.u32 $0xF7A, s1;
	s8 =	simm.s32 @!p0 $0x1BF5;
	p2 =	por !p2, p0  }
0x20: {  	[sflag:s8] =	ssyncset.s32 @!p0 $0xFFFFF086;
	s6 =	sadd.s32 @!p0 s3, s7;
	s7 =	simm.s32 @!p0 $0x108  }
0x21: {  	s3 =	sadd.s32 s3, s9;
	s6 =	sadd.s32 @!p0 $0x88, s6;
	s7 =	simm.s32 @p2 $0x1082  }
0x22: {  	[simem:s7], [sflag:s8] =	dma.local @!p0 [hbm:s6], $0xF7A  }
0x23: {  	s9 =	sor.u32 $0xD0000000, s2;
	s6 =	simm.s32 $0x108;
	_ =	swait.ge @!p0 [sflag:s8], $0x0  }
0x24: {  	s3 =	sadd.s32 $0x88, s3;
	s6 =	simm.s32 @!p1 $0x1082;
	[sflag:s4] =	ssyncset.s32 $0xFFFFF086  }
0x25: {  	[simem:s6], [sflag:s4] =	dma.local [hbm:s3], $0xF7A  }
0x26: {  	[smem:$0x3F9B] =	sst s1;
	(tag) =	ssettag s2;
	_ =	strace s9  }
0x27: {  	s1 =	sld [smem:$0x3FAB]  }
0x28: {  	s2 =	sld [smem:$0x3FAC]  }
0x29: {  	s4 =	sld [smem:$0x3FAE]  }
0x2a: {  	p0 =	seq.s32 s5, $0x0;
	s5 =	sld [smem:$0x3FAF]  }
0x2b: {  	s6 =	sld [smem:$0x3FB0]  }
0x2c: {  	s7 =	sld [smem:$0x3FB1]  }
0x2d: {  	s3 =	simm.s32 $0x108;
	s8 =	sld [smem:$0x3FB2]  }
0x2e: {  	s3 =	simm.s32 @!p0 $0x1082;
	s9 =	sld [smem:$0x3FB3]  }
0x2f: {  	lr =	sadd.s32 s0, s3;
	s0 =	sld [smem:$0x3FAA]  }
0x30: {  	s3 =	sld [smem:$0x3FAD]  }
0x31: {  	[smem:$0x3FB6] =	sst s10  }
0x32: {  	s10 =	sld [smem:$0x3FB4];
	_ =	sdelay $0x3  }
0x33: {  	p0 =	seq.s32 s10, $0x1;
	s10 =	sld [smem:$0x3FB6];
	_ =	sdelay $0x3  }
0x34: {  	[smem:$0x3FB6] =	sst s10  }
0x35: {  	s10 =	sld [smem:$0x3FB5];
	_ =	sdelay $0x3  }
0x36: {  	p1 =	seq.s32 s10, $0x1;
	s10 =	sld [smem:$0x3FB6];
	_ =	sdelay $0x3  }
0x37: {  	[smem:$0x3FB6] =	sst s10  }
0x38: {  	s10 =	sld [smem:$0x3FB7]  }
0x39: {  	_ = 	snop;
	(pc) =	sbr.ind lr, $3  }
0x3a: {  	_ = 	snop  }
0x3b: {  	_ = 	snop  }
0x3c: {  	p2 =	seq.s32 s10, $0x1;
	s10 =	sld [smem:$0x3FB6]  }
0x3d: {  	_ =	shalt  }
0x3e: {  	_ =	shalt  }
0x3f: {  	_ =	shalt  }
0x40: {  	_ =	shalt  }
0x41: {  	_ =	shalt  }
0x42: {  	_ =	shalt  }
0x43: {  	_ =	shalt  }
0x44: {  	_ =	shalt  }
0x45: {  	_ =	shalt  }
0x46: {  	_ =	shalt  }
0x47: {  	_ =	shalt  }
0x48: {  	_ =	shalt  }
0x49: {  	_ =	shalt  }
0x4a: {  	_ =	shalt  }
0x4b: {  	_ =	shalt  }
0x4c: {  	_ =	shalt  }
0x4d: {  	_ =	shalt  }
0x4e: {  	_ =	shalt  }
0x4f: {  	_ =	shalt  }
0x50: {  	_ =	shalt  }
0x51: {  	_ =	shalt  }
0x52: {  	_ =	shalt  }
0x53: {  	_ =	shalt  }
0x54: {  	_ =	shalt  }
0x55: {  	_ =	shalt  }
0x56: {  	_ =	shalt  }
0x57: {  	_ =	shalt  }
0x58: {  	_ =	shalt  }
0x59: {  	_ =	shalt  }
0x5a: {  	_ =	shalt  }
0x5b: {  	_ =	shalt  }
0x5c: {  	_ =	shalt  }
0x5d: {  	_ =	shalt  }
0x5e: {  	_ =	shalt  }
0x5f: {  	_ =	shalt  }
0x60: {  	_ =	shalt  }
0x61: {  	_ =	shalt  }
0x62: {  	_ =	shalt  }
0x63: {  	_ =	shalt  }
0x64: {  	_ =	shalt  }
0x65: {  	_ =	shalt  }
0x66: {  	_ =	shalt  }
0x67: {  	_ =	shalt  }
0x68: {  	_ =	shalt  }
0x69: {  	_ =	shalt  }
0x6a: {  	_ =	shalt  }
0x6b: {  	_ =	shalt  }
0x6c: {  	_ =	shalt  }
0x6d: {  	_ =	shalt  }
0x6e: {  	_ =	shalt  }
0x6f: {  	_ =	shalt  }
0x70: {  	_ =	shalt  }
0x71: {  	_ =	shalt  }
0x72: {  	_ =	shalt  }
0x73: {  	_ =	shalt  }
0x74: {  	_ =	shalt  }
0x75: {  	_ =	shalt  }
0x76: {  	_ =	shalt  }
0x77: {  	_ =	shalt  }
0x78: {  	_ =	shalt  }
0x79: {  	_ =	shalt  }
0x7a: {  	_ =	shalt  }
0x7b: {  	_ =	shalt  }
0x7c: {  	_ =	shalt  }
0x7d: {  	_ =	shalt  }
0x7e: {  	_ =	shalt  }
0x7f: {  	_ =	shalt  }
0x80: {  	_ =	shalt  }
0x81: {  	_ =	shalt  }
0x82: {  	_ =	shalt  }
0x83: {  	_ =	shalt  }
0x84: {  	_ =	shalt  }
0x85: {  	_ =	shalt  }
0x86: {  	_ =	shalt  }
0x87: {  	_ =	shalt  }
.Lfunc_end0:
.L_simem_size_0:
called_computation_lowered:
.L_overlay_start_0:
0x88: {  	s2 =	sld [smem:$0x3FD9]  }
0x89: {  	s3 =	sld [smem:$0x3FFE];
	_ =	sdelay $0x1  }
0x8a: {  	s1 =	srdreg.scid  }
0x8b: {  	s0 =	sand.u32 $0x1, s1  }
0x8c: {  	s16 =	sshll.u32 s0, $0xA;
	s2 =	sadd.s32 s3, s2  }
0x8d: {  	s2 =	sadd.s32 s2, s16  }
0x8e: {  	[smem:$0x3FC2] =	sst s2  }
0x8f: {  	_ = 	snop  }
0x90: {  	(tm) =	ssettm $0x1  }
0x91: {  	s17 =	sld [smem:$0x3FFB];
	_ =	sdelay $0x3  }
0x92: {  	_ =	strace s17  }
0x93: {  	s2 =	sld [smem:$0x3FFC];
	_ =	sdelay $0x3  }
0x94: {  	_ =	strace s2  }
0x95: {  	s2 =	sld [smem:$0x3FFD];
	_ =	sdelay $0x3  }
0x96: {  	_ =	strace s2  }
0x97: {  	_ =	strace $0x8FFFFFFF  }
0x98: {  	s18 =	sld [smem:$0x3FDB];
	_ =	sdelay $0x1  }
0x99: {  	s19 =	simm.s32 $_scs_section_size  }
0x9a: {  	s4 =	simm.s32 $_size__tile_overlayer_lowered;
	s5 =	simm.s32 $_tile_overlayer_lowered  }
0x9b: {  	s22 =	simm.s32 $0x1BFF;
	s21 =	sshll.u32 s5, $0x1;
	s2 =	sadd.s32 s19, s18  }
0x9c: {  	s6 =	simm.s32 $0x0;
	s20 =	sshll.u32 s4, $0x1;
	s4 =	sadd.s32 s21, s2  }
0x9d: {  	[timem:s6], [sflag:s22] =	dma.local [hbm:s4], s20  }
0x9e: {  	_ =	swait.ge [sflag:s22], s20  }
0x9f: {  	s3 =	ssub.s32 $0x0, s20;
	[sflag:s22] =	ssyncset.done $0x0  }
0xa0: {  	[sflag:s22] =	ssyncadd.s32 s3;
	_ =	sdelay $0x1  }
0xa1: {  	s23 =	simm.s32 $0x1B8B  }
0xa2: {  	_ =	swait.ge [sflag:s23], $0x1  }
0xa3: {  	[sflag:s23] =	ssyncset.done $0x0  }
0xa4: {  	s25 =	simm.s32 $0x1B8E;
	s24 =	sld [smem:$0x3FFE];
	[sflag:s23] =	ssyncadd.s32 $0xFFFFFFFF  }
0xa5: {  	s26 =	simm.s32 $execute0_lowered;
	[smem:$0x3FD2] =	sst s25  }
0xa6: {  	s4 =	sshll.u32 s26, $0x1;
	_ =	strace $0x80000046;
	[dreg:$0x1] =	wrdreg $0xFFFFFFFF  }
0xa7: {  	s28 =	simm.s32 $_size_execute0_lowered;
	s2 =	sadd.s32 s2, s4;
	[dreg:$0x0] =	wrdreg $0x0  }
0xa8: {  	s4 =	sshll.u32 s28, $0x1;
	[dreg:$0x2] =	wrdreg s2  }
0xa9: {  	[dreg:$0x3] =	wrdreg s4  }
0xaa: {  	[dreg:$0x4] =	wrdreg $0xC0  }
0xab: {  	_ =	task [dreg:s6], $0x5FFFF  }
0xac: {  	[dreg:$0x1] =	wrdreg $0xFFFFFFFF  }
0xad: {  	[dreg:$0x0] =	wrdreg $0x60  }
0xae: {  	[dreg:$0x2] =	wrdreg s24  }
0xaf: {  	[dreg:$0x3] =	wrdreg $0xB2800  }
0xb0: {  	[dreg:$0x4] =	wrdreg $0x9  }
0xb1: {  	_ =	task.clear_ibuf [dreg:s6], $0x5FFFF;
	_ =	strace $0x90000046  }
0xb2: {  	s29 =	simm.s32 $0x9;
	_ =	strace $0x80000048  }
0xb3: {  	_ =	swait.ge [sflag:s29], $0x1  }
0xb4: {  	[sflag:s29] =	ssyncadd.s32 $0xFFFFFFFF  }
0xb5: {  	_ =	strace $0x90000048  }
0xb6: {  	_ =	sfence  }
0xb7: {  	s30 =	sld [smem:$0x0];
	_ =	sdelay $0x2  }
0xb8: {  	s31 =	sshll.u32 s1, $0xD;
	s1 =	sshrl.u32 s1, $0x2  }
0xb9: {  	s3 =	sand.u32 $0x4000, s31;
	s1 =	sadd.s32 s1, s30  }
0xba: {  	s0 =	sor.u32 s3, s0;
	s1 =	sshll.u32 s1, $0x11  }
0xbb: {  	s0 =	sor.u32 s1, s0  }
0xbc: {  	s0 =	sadd.s32 $0x8F2B, s0  }
0xbd: {  	[sflag:s0] =	ssyncadd.remote.s32 $0x1  }
0xbe: {  	_ =	sfence.sel $0xFFFF  }
0xbf: {  	[dreg:$0x0] =	wrdreg $0xFFFFFFFF;
	(pc) =	sbr.abs _section_cstart, $3  }
0xc0: {  	[dreg:$0x1] =	wrdreg $0xFFFFFFFF  }
0xc1: {  	_ =	task.clear_ibuf [dreg:s6], $0x2FFFF;
	_ =	strace $0x9FFFFFFF  }
0xc2: {  	(tm) =	ssettm $0x7FFFFFFF  }
0xc3: {  	_ =	shalt  }
tec
execute0_lowered:
.L_overlay_start_1:
0x0: {  	(tag) =	ssettag $0x1  }
0x1: {  	s6 =	rddreg [dreg:$0x0]  }
0x2: {  	s2 =	rddreg [dreg:$0x1]  }
0x3: {  	s0 =	srdreg.scid;
	s1 =	rddreg [dreg:$0x2]  }
0x4: {  	s3 =	simm.s32 $0x0;
	s13 =	simm.s32 $0xC8;
	s5 =	sand.u32 $0x1, s0  }
0x5: {  	s14 =	simm.s32 $0x190;
	s0 =	stileid.u32;
	s4 =	smul.u32 $0x4E200, s5  }
0x6: {  	s15 =	simm.s32 $0x258;
	s16 =	simm.s32 $0x1;
	s7 =	smul.u32 $0x4E20, s0  }
0x7: {  	s17 =	simm.s32 $0x0;
	[smem:$0x7FF] =	sst s3;
	s28 =	smul.u32 $0x2800, s0  }
0x8: {  	_ =	strace $0x80000047;
	s9 =	smul.u32 $0x28000, s5;
	s5 =	ssub.s32 $0x2, s5  }
0x9: {  	s10 =	smul.u32 $0x50000, s0;
	s31 =	sshll.u32 s0, $0x6;
	s29 =	sshrl.u32 s5, $0x1  }
0xa: {  	s4 =	sadd.s32 s7, s4;
	s11 =	sadd.s32 s28, s6;
	s7 =	sadd.s32 s28, s9  }
0xb: {  	s9 =	ssub.s32 s5, s29;
	s30 =	sshrl.u32 s10, $0x2;
	s10 =	simm.s32 $0x4E80  }
0xc: {  	s4 =	sshrl.u32 s4, $0x3;
	s7 =	sadd.s32 s7, s6;
	s12 =	sadd.s32 s30, s2  }
0xd: {  	s8 =	sadd.s32 s4, s6;
	s4 =	sadd.s32 $0x2B200, s6;
	s6 =	sadd.s32 $0x2C000, s11  }
0xe: {  	s7 =	sadd.s32 $0x54000, s7;
	s11 =	sor.u32 $0x1C02, s31;
	s12 =	sshrl.u32 s12, $0x3  }
0xf: {  	s5 =	sadd.s32 $0x17800, s8;
	s8 =	smax.u32 s9, $0x1;
	s9 =	simm.s32 $0x2  }
.LBB2_1:
0x10: {  	[tilespmem:s3], [sflag:$0x2] =	stream.linear.gather [hbm4b:s5+s3], $0x4E20, $0x38;
	[tilespmem:$0x1F280] =	vst v63  }
0x11: {  	_ =	swait.ge [sflag:s9], $0x4E20  }
0x12: {  	[sflag:s9] =	ssyncset.done $0x0  }
0x13: {  	[sflag:s9] =	ssyncadd.s32 $0xFFFFB1E0  }
0x14: {  	[tilespmem:s10], [sflag:$0x2] =	stream.linear.gather [hbm4b:s4+s3], $0x6400, $0x38;
	[tilespmem:$0x1F280] =	vst v63  }
0x15: {  	_ =	swait.ge [sflag:s9], $0x6400  }
0x16: {  	[sflag:s9] =	ssyncset.done $0x0  }
0x17: {  	[sflag:s9] =	ssyncadd.s32 $0xFFFF9C00  }
0x18: {  	[spmem:s12], [sflag:s11] =	dma.local [hbm:s6], $0x2800  }
0x19: {  	_ =	swait.ge [sflag:s9], $0x2800  }
0x1a: {  	[sflag:s9] =	ssyncset.done $0x0  }
0x1b: {  	[sflag:s9] =	ssyncadd.s32 $0xFFFFD800  }
0x1c: {  	[bflag:$0x0] =	sbarrier.arrive $0xFFFF  }
0x1d: {  	[spmem:s2] =	stream.indirect.scatter.add.f32 [tilespmem:s10], [sflag:$0x1], $0x80, s3, s13, $0xb8;
	[tilespmem:$0x1F280] =	vst v63  }
0x1e: {  	_ = 	snop  }
0x1f: {  	[spmem:s2] =	stream.indirect.scatter.add.f32 [tilespmem:s10], [sflag:$0x1], $0x80, s13, s13, $0xb8;
	[tilespmem:$0x1F280] =	vst v63  }
0x20: {  	_ = 	snop  }
0x21: {  	[spmem:s2] =	stream.indirect.scatter.add.f32 [tilespmem:s10], [sflag:$0x1], $0x80, s14, s13, $0xb8;
	[tilespmem:$0x1F280] =	vst v63  }
0x22: {  	_ = 	snop  }
0x23: {  	[spmem:s2] =	stream.indirect.scatter.add.f32 [tilespmem:s10], [sflag:$0x1], $0x80, s15, s13, $0xb8;
	[tilespmem:$0x1F280] =	vst v63  }
0x24: {  	_ =	swait.ge [sflag:s16], $0x6400  }
0x25: {  	[sflag:s16] =	ssyncset.done $0x0  }
0x26: {  	s18 =	simm.s32 $0xFA0;
	s19 =	simm.s32 $0x320;
	[sflag:s16] =	ssyncadd.s32 $0xFFFF9C00  }
.LBB2_2:
0x27: {  	[spmem:s2] =	stream.indirect.scatter.add.f32 [tilespmem:s10], [sflag:$0x1], $0x80, s19, s13, $0xb8;
	[tilespmem:$0x1F280] =	vst v63  }
0x28: {  	s19 =	smov.u32 s18;
	p0 =	sne.s32 s18, $0x13560  }
.Ltmp0:
0x29: {  	s18 =	sadd.s32 $0x320, s18;
	(pc) =	sbr.rel @p0 .LBB2_2-.Ltmp0, $4  }
0x2a: {  	_ = 	snop  }
0x2b: {  	_ =	swait.ge [sflag:s16], $0x6400  }
0x2c: {  	[sflag:s16] =	ssyncset.done $0x0  }
0x2d: {  	s19 =	sshra.s32 s19, $0x2;
	[sflag:s16] =	ssyncadd.s32 $0xFFFF9C00  }
0x2e: {  	[spmem:s2] =	stream.indirect.scatter.add.f32 [tilespmem:s10], [sflag:$0x1], $0x80, s19, s13, $0xb8;
	[tilespmem:$0x1F280] =	vst v63  }
0x2f: {  	_ =	swait.ge [sflag:s16], $0x6400  }
0x30: {  	[sflag:s16] =	ssyncset.done $0x0  }
0x31: {  	[sflag:s16] =	ssyncadd.s32 $0xFFFF9C00  }
0x32: {  	_ =	swait.ge [sflag:s16], $0x6400  }
0x33: {  	[sflag:s16] =	ssyncset.done $0x0  }
0x34: {  	[sflag:s16] =	ssyncadd.s32 $0xFFFF9C00  }
0x35: {  	_ =	swait.ge [sflag:s16], $0x6400  }
0x36: {  	[sflag:s16] =	ssyncset.done $0x0  }
0x37: {  	[sflag:s16] =	ssyncadd.s32 $0xFFFF9C00  }
0x38: {  	_ =	swait.ge [sflag:s16], $0x6400  }
0x39: {  	s17 =	sadd.s32 $0x1, s17;
	[sflag:s16] =	ssyncset.done $0x0  }
0x3a: {  	p0 =	sne.s32 s17, s8;
	[sflag:s16] =	ssyncadd.s32 $0xFFFF9C00  }
.Ltmp1:
0x3b: {  	[bflag:$0x0] =	sbarrier.arrive $0xFFFF;
	(pc) =	sbr.rel @p0 .LBB2_1-.Ltmp1, $4  }
0x3c: {  	[hbm:s7], [sflag:s11] =	dma.local [spmem:s12], $0x2800  }
0x3d: {  	_ =	swait.ge [sflag:s9], $0x2800  }
0x3e: {  	[sflag:s9] =	ssyncset.done $0x0  }
0x3f: {  	[sflag:s9] =	ssyncadd.s32 $0xFFFFD800  }
0x40: {  	_ =	sfence.sel $0x180000  }
0x41: {  	[bflag:$0x0] =	sbarrier.arrive $0xFFFF  }
0x42: {  	p0 =	sne.s32 s0, $0x0;
	_ =	strace $0x90000047  }
0x43: {  	s0 =	sadd.s32 @!p0 $0x100000, s1;
	[bflag:$0x2] =	sbarrier.arrive $0xFFFF  }
0x44: {  	[sflag:s0] =	ssyncadd.tile.s32 @!p0 $0x1;
	_ =	shalt  }
.Lfunc_end2:
_tile_overlayer_lowered:
.L_overlay_start_2:
0x45: {  	(tag) =	ssettag $0x2  }
0x46: {  	s0 =	rddreg [dreg:$0x0];
	s2 =	stileid.u32  }
0x47: {  	s1 =	rddreg [dreg:$0x1];
	p0 =	sne.s32 s2, $0x0  }
0x48: {  	s3 =	rddreg [dreg:$0x2];
	[bflag:$0x3] =	sbarrier.arrive $0xFFFF;
	s2 =	simm.s32 @!p0 $0x1C02  }
0x49: {  	[timem:s3], [sflag:s2] =	dma.local @!p0 [hbm:s0], s1  }
0x4a: {  	s0 =	simm.s32 @!p0 $0x2  }
0x4b: {  	_ =	swait.ge @!p0 [sflag:s0], s1  }
0x4c: {  	s1 =	ssub.s32 @!p0 $0x0, s1;
	[sflag:s0] =	ssyncset.done @!p0 $0x0  }
0x4d: {  	[sflag:s0] =	ssyncadd.s32 @!p0 s1  }
0x4e: {  	[bflag:$0x3] =	sbarrier.arrive $0xFFFF  }
0x4f: {  	_ =	shalt  }

// kernel: kernel.15.cloned.1.call-start
scs
__scs_entry_jumppad:
0x0: {  	(pc) =	sbr.rel $0x88, $3  }
0x1: {  	(tag) =	ssettag $0x0;
	lr =	simm.s32 $0x1  }
0x2: {  	[smem:$0x3F9B] =	sst lr;
	_ =	strace $0xD0000000  }
0x3: {  	_ = 	snop  }
0x4: {  	_ = 	snop  }
0x5: {  	_ = 	snop  }
0x6: {  	_ = 	snop  }
0x7: {  	_ = 	snop  }
__scs_overlays_trampoline_lowered:
0x8: {  	[smem:$0x3FAA] =	sst s0  }
0x9: {  	[smem:$0x3FAB] =	sst s1  }
0xa: {  	[smem:$0x3FAC] =	sst s2  }
0xb: {  	[smem:$0x3FAD] =	sst s3  }
0xc: {  	[smem:$0x3FAE] =	sst s4  }
0xd: {  	[smem:$0x3FAF] =	sst s5  }
0xe: {  	[smem:$0x3FB0] =	sst s6  }
0xf: {  	[smem:$0x3FB1] =	sst s7  }
0x10: {  	[smem:$0x3FB2] =	sst s8  }
0x11: {  	[smem:$0x3FB3] =	sst s9;
	s0 =	simm.s32 @!p0 $0x0  }
0x12: {  	s1 =	sld [smem:$0x3F99];
	s0 =	simm.s32 @p0 $0x1  }
0x13: {  	[smem:$0x3FB4] =	sst s0;
	s0 =	simm.s32 @!p1 $0x0  }
0x14: {  	s2 =	sld [smem:$0x3F98];
	s0 =	simm.s32 @p1 $0x1  }
0x15: {  	[smem:$0x3FB5] =	sst s0;
	s0 =	simm.s32 @!p2 $0x0  }
0x16: {  	s3 =	sld [smem:$0x3FDB];
	s0 =	simm.s32 @p2 $0x1  }
0x17: {  	s4 =	simm.s32 $0x1BF5;
	[smem:$0x3FB7] =	sst s0  }
0x18: {  	s0 =	sld [smem:$0x3F9A];
	_ =	swait.ge [sflag:s4], $0x0  }
0x19: {  	s7 =	sld [smem:$0x3F9B]  }
0x1a: {  	s8 =	sadd.s32 $0xFFFFE003, lr  }
0x1b: {  	s9 =	sadd.s32 $0xFFFFFEF7, lr;
	s5 =	simm.s32 $0xFFFFFFFF;
	p2 =	slt.u32 s8, $0xFFFFF086  }
0x1c: {  	p1 =	slt.u32 s9, $0xF7A;
	s5 =	simm.s32 @!p2 $0x0  }
0x1d: {  	s5 =	simm.s32 @p1 $0x1;
	p0 =	seq.s32 s7, s2  }
0x1e: {  	s7 =	smul.u32 @!p0 $0xF7A, s2;
	p2 =	seq.s32 @!p0 s5, $0x0  }
0x1f: {  	s9 =	smul.u32 $0xF7A, s1;
	s8 =	simm.s32 @!p0 $0x1BF5;
	p2 =	por !p2, p0  }
0x20: {  	[sflag:s8] =	ssyncset.s32 @!p0 $0xFFFFF086;
	s6 =	sadd.s32 @!p0 s3, s7;
	s7 =	simm.s32 @!p0 $0x108  }
0x21: {  	s3 =	sadd.s32 s3, s9;
	s6 =	sadd.s32 @!p0 $0x88, s6;
	s7 =	simm.s32 @p2 $0x1082  }
0x22: {  	[simem:s7], [sflag:s8] =	dma.local @!p0 [hbm:s6], $0xF7A  }
0x23: {  	s9 =	sor.u32 $0xD0000000, s2;
	s6 =	simm.s32 $0x108;
	_ =	swait.ge @!p0 [sflag:s8], $0x0  }
0x24: {  	s3 =	sadd.s32 $0x88, s3;
	s6 =	simm.s32 @!p1 $0x1082;
	[sflag:s4] =	ssyncset.s32 $0xFFFFF086  }
0x25: {  	[simem:s6], [sflag:s4] =	dma.local [hbm:s3], $0xF7A  }
0x26: {  	[smem:$0x3F9B] =	sst s1;
	(tag) =	ssettag s2;
	_ =	strace s9  }
0x27: {  	s1 =	sld [smem:$0x3FAB]  }
0x28: {  	s2 =	sld [smem:$0x3FAC]  }
0x29: {  	s4 =	sld [smem:$0x3FAE]  }
0x2a: {  	p0 =	seq.s32 s5, $0x0;
	s5 =	sld [smem:$0x3FAF]  }
0x2b: {  	s6 =	sld [smem:$0x3FB0]  }
0x2c: {  	s7 =	sld [smem:$0x3FB1]  }
0x2d: {  	s3 =	simm.s32 $0x108;
	s8 =	sld [smem:$0x3FB2]  }
0x2e: {  	s3 =	simm.s32 @!p0 $0x1082;
	s9 =	sld [smem:$0x3FB3]  }
0x2f: {  	lr =	sadd.s32 s0, s3;
	s0 =	sld [smem:$0x3FAA]  }
0x30: {  	s3 =	sld [smem:$0x3FAD]  }
0x31: {  	[smem:$0x3FB6] =	sst s10  }
0x32: {  	s10 =	sld [smem:$0x3FB4];
	_ =	sdelay $0x3  }
0x33: {  	p0 =	seq.s32 s10, $0x1;
	s10 =	sld [smem:$0x3FB6];
	_ =	sdelay $0x3  }
0x34: {  	[smem:$0x3FB6] =	sst s10  }
0x35: {  	s10 =	sld [smem:$0x3FB5];
	_ =	sdelay $0x3  }
0x36: {  	p1 =	seq.s32 s10, $0x1;
	s10 =	sld [smem:$0x3FB6];
	_ =	sdelay $0x3  }
0x37: {  	[smem:$0x3FB6] =	sst s10  }
0x38: {  	s10 =	sld [smem:$0x3FB7]  }
0x39: {  	_ = 	snop;
	(pc) =	sbr.ind lr, $3  }
0x3a: {  	_ = 	snop  }
0x3b: {  	_ = 	snop  }
0x3c: {  	p2 =	seq.s32 s10, $0x1;
	s10 =	sld [smem:$0x3FB6]  }
0x3d: {  	_ =	shalt  }
0x3e: {  	_ =	shalt  }
0x3f: {  	_ =	shalt  }
0x40: {  	_ =	shalt  }
0x41: {  	_ =	shalt  }
0x42: {  	_ =	shalt  }
0x43: {  	_ =	shalt  }
0x44: {  	_ =	shalt  }
0x45: {  	_ =	shalt  }
0x46: {  	_ =	shalt  }
0x47: {  	_ =	shalt  }
0x48: {  	_ =	shalt  }
0x49: {  	_ =	shalt  }
0x4a: {  	_ =	shalt  }
0x4b: {  	_ =	shalt  }
0x4c: {  	_ =	shalt  }
0x4d: {  	_ =	shalt  }
0x4e: {  	_ =	shalt  }
0x4f: {  	_ =	shalt  }
0x50: {  	_ =	shalt  }
0x51: {  	_ =	shalt  }
0x52: {  	_ =	shalt  }
0x53: {  	_ =	shalt  }
0x54: {  	_ =	shalt  }
0x55: {  	_ =	shalt  }
0x56: {  	_ =	shalt  }
0x57: {  	_ =	shalt  }
0x58: {  	_ =	shalt  }
0x59: {  	_ =	shalt  }
0x5a: {  	_ =	shalt  }
0x5b: {  	_ =	shalt  }
0x5c: {  	_ =	shalt  }
0x5d: {  	_ =	shalt  }
0x5e: {  	_ =	shalt  }
0x5f: {  	_ =	shalt  }
0x60: {  	_ =	shalt  }
0x61: {  	_ =	shalt  }
0x62: {  	_ =	shalt  }
0x63: {  	_ =	shalt  }
0x64: {  	_ =	shalt  }
0x65: {  	_ =	shalt  }
0x66: {  	_ =	shalt  }
0x67: {  	_ =	shalt  }
0x68: {  	_ =	shalt  }
0x69: {  	_ =	shalt  }
0x6a: {  	_ =	shalt  }
0x6b: {  	_ =	shalt  }
0x6c: {  	_ =	shalt  }
0x6d: {  	_ =	shalt  }
0x6e: {  	_ =	shalt  }
0x6f: {  	_ =	shalt  }
0x70: {  	_ =	shalt  }
0x71: {  	_ =	shalt  }
0x72: {  	_ =	shalt  }
0x73: {  	_ =	shalt  }
0x74: {  	_ =	shalt  }
0x75: {  	_ =	shalt  }
0x76: {  	_ =	shalt  }
0x77: {  	_ =	shalt  }
0x78: {  	_ =	shalt  }
0x79: {  	_ =	shalt  }
0x7a: {  	_ =	shalt  }
0x7b: {  	_ =	shalt  }
0x7c: {  	_ =	shalt  }
0x7d: {  	_ =	shalt  }
0x7e: {  	_ =	shalt  }
0x7f: {  	_ =	shalt  }
0x80: {  	_ =	shalt  }
0x81: {  	_ =	shalt  }
0x82: {  	_ =	shalt  }
0x83: {  	_ =	shalt  }
0x84: {  	_ =	shalt  }
0x85: {  	_ =	shalt  }
0x86: {  	_ =	shalt  }
0x87: {  	_ =	shalt  }
.Lfunc_end0:
.L_simem_size_0:
called_computation.1_lowered:
.L_overlay_start_0:
0x88: {  	s2 =	sld [smem:$0x3FD9]  }
0x89: {  	s3 =	sld [smem:$0x3FFE];
	_ =	sdelay $0x1  }
0x8a: {  	s1 =	srdreg.scid  }
0x8b: {  	s0 =	sand.u32 $0x1, s1  }
0x8c: {  	s17 =	sshll.u32 s0, $0xA;
	s2 =	sadd.s32 s3, s2  }
0x8d: {  	s2 =	sadd.s32 s2, s17  }
0x8e: {  	[smem:$0x3FC2] =	sst s2  }
0x8f: {  	_ = 	snop  }
0x90: {  	s18 =	sld [smem:$0x3FD0];
	(tm) =	ssettm $0x1  }
0x91: {  	s19 =	sld [smem:$0x3FFB];
	_ =	sdelay $0x3  }
0x92: {  	_ =	strace s19  }
0x93: {  	s2 =	sld [smem:$0x3FFC];
	_ =	sdelay $0x3  }
0x94: {  	_ =	strace s2  }
0x95: {  	s2 =	sld [smem:$0x3FFD];
	_ =	sdelay $0x3  }
0x96: {  	_ =	strace s2  }
0x97: {  	_ =	strace $0x8FFFFFFF  }
0x98: {  	s20 =	sld [smem:$0x3FDB];
	_ =	sdelay $0x1  }
0x99: {  	s4 =	simm.s32 $_scs_section_size  }
0x9a: {  	s5 =	simm.s32 $_size__tile_overlayer_lowered;
	s6 =	simm.s32 $_tile_overlayer_lowered  }
0x9b: {  	s7 =	simm.s32 $0x1BFF;
	s21 =	sshll.u32 s6, $0x1;
	s4 =	sadd.s32 s4, s20  }
0x9c: {  	s22 =	simm.s32 $0x0;
	s5 =	sshll.u32 s5, $0x1;
	s6 =	sadd.s32 s21, s4  }
0x9d: {  	[timem:s22], [sflag:s7] =	dma.local [hbm:s6], s5  }
0x9e: {  	_ =	swait.ge [sflag:s7], s5  }
0x9f: {  	s5 =	ssub.s32 $0x0, s5;
	[sflag:s7] =	ssyncset.done $0x0  }
0xa0: {  	[sflag:s7] =	ssyncadd.s32 s5;
	_ =	sdelay $0x1  }
0xa1: {  	s23 =	simm.s32 $0x1B8B  }
0xa2: {  	_ =	swait.ge [sflag:s23], $0x1  }
0xa3: {  	[sflag:s23] =	ssyncset.done $0x0  }
0xa4: {  	[sflag:s23] =	ssyncadd.s32 $0xFFFFFFFF  }
0xa5: {  	s5 =	sld [smem:$0x0]  }
0xa6: {  	s6 =	sand.u32 $0xFFFFFFFE, s1  }
0xa7: {  	p0 =	sne.s32 s1, s6  }
0xa8: {  	s6 =	sshll.u32 @p0 s6, $0xE  }
0xa9: {  	s6 =	sadd.s32 @p0 $0x11B8D, s6;
	s7 =	sshll.u32 @p0 s5, $0x11  }
0xaa: {  	s6 =	sor.u32 @p0 s7, s6  }
0xab: {  	[sflag:s6] =	ssyncadd.remote.s32 @p0 $0x1;
	_ =	sdelay $0x1  }
0xac: {  	s6 =	simm.s32 @p0 $0x1B8D  }
0xad: {  	_ =	swait.eq @p0 [sflag:s6], $0x1  }
0xae: {  	[sflag:s6] =	ssyncadd.s32 @p0 $0xFFFFFFFF  }
0xaf: {  	s7 =	sshll.u32 @!p0 s1, $0xE  }
0xb0: {  	s7 =	sor.u32 @!p0 $0x4000, s7;
	s6 =	simm.s32 @!p0 $0x1B8D  }
0xb1: {  	s5 =	sshll.u32 @!p0 s5, $0x11;
	s7 =	sadd.s32 @!p0 $0x11B8D, s7;
	_ =	swait.eq @!p0 [sflag:s6], $0x1  }
0xb2: {  	s5 =	sor.u32 @!p0 s5, s7;
	[sflag:s6] =	ssyncadd.s32 @!p0 $0xFFFFFFFF  }
0xb3: {  	s25 =	simm.s32 $0x1B8E;
	s24 =	sld [smem:$0x3FFE];
	[sflag:s5] =	ssyncadd.remote.s32 @!p0 $0x1  }
0xb4: {  	s26 =	simm.s32 $execute0_lowered;
	[smem:$0x3FD2] =	sst s25  }
0xb5: {  	s6 =	sshll.u32 s26, $0x1;
	_ =	strace $0x80000049;
	[dreg:$0x1] =	wrdreg $0xFFFFFFFF  }
0xb6: {  	s28 =	simm.s32 $_size_execute0_lowered;
	s4 =	sadd.s32 s4, s6;
	[dreg:$0x0] =	wrdreg $0x0  }
0xb7: {  	s6 =	sshll.u32 s28, $0x1;
	[dreg:$0x2] =	wrdreg s4  }
0xb8: {  	[dreg:$0x3] =	wrdreg s6  }
0xb9: {  	[dreg:$0x4] =	wrdreg $0xC0  }
0xba: {  	_ =	task [dreg:s22], $0x5FFFF  }
0xbb: {  	[dreg:$0x1] =	wrdreg $0xFFFFFFFF  }
0xbc: {  	[dreg:$0x0] =	wrdreg $0x60  }
0xbd: {  	[dreg:$0x2] =	wrdreg s18  }
0xbe: {  	[dreg:$0x3] =	wrdreg s24  }
0xbf: {  	[dreg:$0x4] =	wrdreg $0xB3000  }
0xc0: {  	[dreg:$0x5] =	wrdreg $0xA  }
0xc1: {  	_ =	task.clear_ibuf [dreg:s22], $0x6FFFF;
	_ =	strace $0x90000049  }
0xc2: {  	s29 =	simm.s32 $0xA;
	_ =	strace $0x8000004B  }
0xc3: {  	_ =	swait.ge [sflag:s29], $0x1  }
0xc4: {  	[sflag:s29] =	ssyncadd.s32 $0xFFFFFFFF  }
0xc5: {  	_ =	strace $0x9000004B  }
0xc6: {  	_ =	sfence  }
0xc7: {  	s30 =	sld [smem:$0x0];
	_ =	sdelay $0x2  }
0xc8: {  	s31 =	sshll.u32 s1, $0xD;
	s1 =	sshrl.u32 s1, $0x2  }
0xc9: {  	s4 =	sand.u32 $0x4000, s31;
	s1 =	sadd.s32 s1, s30  }
0xca: {  	s0 =	sor.u32 s4, s0;
	s1 =	sshll.u32 s1, $0x11  }
0xcb: {  	s0 =	sor.u32 s1, s0  }
0xcc: {  	s0 =	sadd.s32 $0x8F2B, s0  }
0xcd: {  	[sflag:s0] =	ssyncadd.remote.s32 $0x1  }
0xce: {  	_ =	sfence.sel $0xFFFF  }
0xcf: {  	[dreg:$0x0] =	wrdreg $0xFFFFFFFF;
	(pc) =	sbr.abs _section_cstart, $3  }
0xd0: {  	[dreg:$0x1] =	wrdreg $0xFFFFFFFF  }
0xd1: {  	_ =	task.clear_ibuf [dreg:s22], $0x2FFFF;
	_ =	strace $0x9FFFFFFF  }
0xd2: {  	(tm) =	ssettm $0x7FFFFFFF  }
0xd3: {  	_ =	shalt  }
tec
execute0_lowered:
.L_overlay_start_1:
0x0: {  	(tag) =	ssettag $0x1  }
0x1: {  	s1 =	rddreg [dreg:$0x0]  }
0x2: {  	s0 =	srdreg.scid;
	s5 =	rddreg [dreg:$0x1]  }
0x3: {  	s11 =	stileid.u32;
	s3 =	rddreg [dreg:$0x2]  }
0x4: {  	s4 =	simm.s32 $0x0;
	s14 =	simm.s32 $0x28;
	s15 =	simm.s32 $0x4F00  }
0x5: {  	s16 =	simm.s32 $0x6300;
	s18 =	simm.s32 $0x7700;
	s20 =	simm.s32 $0x8B00  }
0x6: {  	s22 =	simm.s32 $0x9F00;
	s28 =	simm.s32 $0x5;
	s29 =	simm.s32 $0x4DC8  }
0x7: {  	s30 =	simm.s32 $0x4DF0;
	s31 =	simm.s32 $0x4E18;
	s0 =	sand.u32 $0x1, s0  }
0x8: {  	s2 =	sshll.u32 s11, $0x1;
	s6 =	smul.u32 $0x2800, s11;
	[smem:$0x7FF] =	sst s4  }
0x9: {  	s8 =	smul.u32 $0x50000, s11;
	s26 =	sshll.u32 s11, $0x6;
	s11 =	simm.s32 $0x0  }
0xa: {  	s2 =	sor.u32 s0, s2;
	s7 =	smul.u32 $0x28000, s0;
	_ =	strace $0x8000004A  }
0xb: {  	s0 =	ssub.s32 $0x2, s0;
	s12 =	sor.u32 $0x1C06, s26;
	s26 =	simm.s32 $0x4  }
0xc: {  	s2 =	smul.u32 $0x4E2, s2;
	s9 =	sadd.s32 s6, s5;
	s23 =	sshrl.u32 s0, $0x1  }
0xd: {  	s24 =	sshrl.u32 s8, $0x2;
	s7 =	sadd.s32 s6, s7;
	s0 =	ssub.s32 s0, s23  }
0xe: {  	s25 =	sadd.s32 s24, s3;
	s23 =	simm.s32 $0x1;
	s24 =	simm.s32 $0x2  }
0xf: {  	s2 =	sadd.s32 s2, s5;
	s10 =	sadd.s32 s7, s5;
	s7 =	sadd.s32 $0x2C000, s9  }
0x10: {  	s9 =	smax.u32 s0, $0x1;
	s13 =	sshrl.u32 s25, $0x3;
	s25 =	simm.s32 $0x3  }
0x11: {  	s0 =	simm.s32 $0x4E68;
	s5 =	sadd.s32 $0xDA00, s2;
	s6 =	sadd.s32 $0x3C00, s2  }
0x12: {  	s8 =	sadd.s32 $0xA4000, s10;
	s10 =	simm.s32 $0x6;
	s2 =	simm.s32 $0x4E40  }
.LBB2_1:
0x13: {  	[tilespmem:s4], [sflag:$0x6] =	stream.linear.gather [hbm4b:s5+s4], $0x2710, $0x38;
	[tilespmem:$0x1F300] =	vst v63  }
0x14: {  	_ =	swait.ge [sflag:s10], $0x2710  }
0x15: {  	[sflag:s10] =	ssyncset.done $0x0  }
0x16: {  	s17 =	simm.s32 $0x2780;
	[sflag:s10] =	ssyncadd.s32 $0xFFFFD8F0  }
0x17: {  	[tilespmem:s17], [sflag:$0x6] =	stream.linear.gather [hbm4b:s6+s4], $0x2710, $0x38;
	[tilespmem:$0x1F300] =	vst v63  }
0x18: {  	_ =	swait.ge [sflag:s10], $0x2710  }
0x19: {  	[sflag:s10] =	ssyncset.done $0x0  }
0x1a: {  	[sflag:s10] =	ssyncadd.s32 $0xFFFFD8F0  }
0x1b: {  	[spmem:s13], [sflag:s12] =	dma.local [hbm:s7], $0x2800  }
0x1c: {  	_ =	swait.ge [sflag:s10], $0x2800  }
0x1d: {  	[sflag:s10] =	ssyncset.done $0x0  }
0x1e: {  	[sflag:s10] =	ssyncadd.s32 $0xFFFFD800  }
0x1f: {  	[bflag:$0x0] =	sbarrier.arrive $0xFFFF  }
0x20: {  	[tilespmem:s15], [sflag:$0x1] =	stream.indirect.gather [hbm4b:s1+s14], $0x80, s4, s14, $0xb8;
	[tilespmem:$0x1F300] =	vst v63  }
0x21: {  	_ = 	snop  }
0x22: {  	[tilespmem:s16], [sflag:$0x2] =	stream.indirect.gather [hbm4b:s1+s14], $0x80, s14, s14, $0xb8;
	[tilespmem:$0x1F300] =	vst v63  }
0x23: {  	s19 =	simm.s32 $0x50  }
0x24: {  	[tilespmem:s18], [sflag:$0x3] =	stream.indirect.gather [hbm4b:s1+s14], $0x80, s19, s14, $0xb8;
	[tilespmem:$0x1F300] =	vst v63  }
0x25: {  	s21 =	simm.s32 $0x78  }
0x26: {  	[tilespmem:s20], [sflag:$0x4] =	stream.indirect.gather [hbm4b:s1+s14], $0x80, s21, s14, $0xb8;
	[tilespmem:$0x1F300] =	vst v63  }
0x27: {  	s19 =	simm.s32 $0xA0  }
0x28: {  	[tilespmem:s22], [sflag:$0x5] =	stream.indirect.gather [hbm4b:s1+s14], $0x80, s19, s14, $0xb8;
	[tilespmem:$0x1F300] =	vst v63  }
0x29: {  	_ =	swait.ge [sflag:s23], $0x1400  }
0x2a: {  	[sflag:s23] =	ssyncset.done $0x0  }
0x2b: {  	s21 =	simm.s32 $0x2780;
	[sflag:s23] =	ssyncadd.s32 $0xFFFFEC00  }
0x2c: {  	[spmem:s3] =	stream.indirect.scatter.add.f32 [tilespmem:s15], [sflag:$0x6], $0x80, s21, s14, $0xb8;
	[tilespmem:$0x1F300] =	vst v63  }
0x2d: {  	_ =	swait.ge [sflag:s10], $0x1400  }
0x2e: {  	[sflag:s10] =	ssyncset.done $0x0  }
0x2f: {  	s19 =	simm.s32 $0xC8;
	[sflag:s10] =	ssyncadd.s32 $0xFFFFEC00  }
0x30: {  	[tilespmem:s15], [sflag:$0x1] =	stream.indirect.gather [hbm4b:s1+s14], $0x80, s19, s14, $0xb8;
	[tilespmem:$0x1F300] =	vst v63  }
0x31: {  	_ =	swait.ge [sflag:s24], $0x1400  }
0x32: {  	[sflag:s24] =	ssyncset.done $0x0  }
0x33: {  	s21 =	simm.s32 $0x27A8;
	[sflag:s24] =	ssyncadd.s32 $0xFFFFEC00  }
0x34: {  	[spmem:s3] =	stream.indirect.scatter.add.f32 [tilespmem:s16], [sflag:$0x6], $0x80, s21, s14, $0xb8;
	[tilespmem:$0x1F300] =	vst v63  }
0x35: {  	_ =	swait.ge [sflag:s10], $0x1400  }
0x36: {  	[sflag:s10] =	ssyncset.done $0x0  }
0x37: {  	s19 =	simm.s32 $0xF0;
	[sflag:s10] =	ssyncadd.s32 $0xFFFFEC00  }
0x38: {  	[tilespmem:s16], [sflag:$0x2] =	stream.indirect.gather [hbm4b:s1+s14], $0x80, s19, s14, $0xb8;
	[tilespmem:$0x1F300] =	vst v63  }
0x39: {  	_ =	swait.ge [sflag:s25], $0x1400  }
0x3a: {  	[sflag:s25] =	ssyncset.done $0x0  }
0x3b: {  	s21 =	simm.s32 $0x27D0;
	[sflag:s25] =	ssyncadd.s32 $0xFFFFEC00  }
0x3c: {  	[spmem:s3] =	stream.indirect.scatter.add.f32 [tilespmem:s18], [sflag:$0x6], $0x80, s21, s14, $0xb8;
	[tilespmem:$0x1F300] =	vst v63  }
0x3d: {  	_ =	swait.ge [sflag:s10], $0x1400  }
0x3e: {  	[sflag:s10] =	ssyncset.done $0x0  }
0x3f: {  	s19 =	simm.s32 $0x118;
	[sflag:s10] =	ssyncadd.s32 $0xFFFFEC00  }
0x40: {  	[tilespmem:s18], [sflag:$0x3] =	stream.indirect.gather [hbm4b:s1+s14], $0x80, s19, s14, $0xb8;
	[tilespmem:$0x1F300] =	vst v63  }
0x41: {  	_ =	swait.ge [sflag:s26], $0x1400  }
0x42: {  	[sflag:s26] =	ssyncset.done $0x0  }
0x43: {  	s21 =	simm.s32 $0x27F8;
	[sflag:s26] =	ssyncadd.s32 $0xFFFFEC00  }
0x44: {  	[spmem:s3] =	stream.indirect.scatter.add.f32 [tilespmem:s20], [sflag:$0x6], $0x80, s21, s14, $0xb8;
	[tilespmem:$0x1F300] =	vst v63  }
0x45: {  	_ =	swait.ge [sflag:s10], $0x1400  }
0x46: {  	[sflag:s10] =	ssyncset.done $0x0  }
0x47: {  	s19 =	simm.s32 $0x140;
	[sflag:s10] =	ssyncadd.s32 $0xFFFFEC00  }
0x48: {  	[tilespmem:s20], [sflag:$0x4] =	stream.indirect.gather [hbm4b:s1+s14], $0x80, s19, s14, $0xb8;
	[tilespmem:$0x1F300] =	vst v63  }
0x49: {  	_ =	swait.ge [sflag:s28], $0x1400  }
0x4a: {  	[sflag:s28] =	ssyncset.done $0x0  }
0x4b: {  	s21 =	simm.s32 $0x2820;
	[sflag:s28] =	ssyncadd.s32 $0xFFFFEC00  }
0x4c: {  	[spmem:s3] =	stream.indirect.scatter.add.f32 [tilespmem:s22], [sflag:$0x6], $0x80, s21, s14, $0xb8;
	[tilespmem:$0x1F300] =	vst v63  }
0x4d: {  	_ =	swait.ge [sflag:s10], $0x1400  }
0x4e: {  	[sflag:s10] =	ssyncset.done $0x0  }
0x4f: {  	s17 =	simm.s32 $0x320;
	s19 =	simm.s32 $0x168;
	[sflag:s10] =	ssyncadd.s32 $0xFFFFEC00  }
.LBB2_2:
0x50: {  	[tilespmem:s22], [sflag:$0x5] =	stream.indirect.gather [hbm4b:s1+s14], $0x80, s19, s14, $0xb8;
	[tilespmem:$0x1F300] =	vst v63  }
0x51: {  	s19 =	smov.u32 s17  }
0x52: {  	p0 =	sne.s32 s17, $0x9600;
	s17 =	sadd.s32 $0x320, s17;
	_ =	swait.ge [sflag:s23], $0x1400  }
0x53: {  	s19 =	sshra.s32 s19, $0x2;
	[sflag:s23] =	ssyncset.done $0x0  }
0x54: {  	s21 =	sadd.s32 $0x2780, s19;
	[sflag:s23] =	ssyncadd.s32 $0xFFFFEC00  }
0x55: {  	[spmem:s3] =	stream.indirect.scatter.add.f32 [tilespmem:s15], [sflag:$0x6], $0x80, s21, s14, $0xb8;
	[tilespmem:$0x1F300] =	vst v63  }
0x56: {  	_ =	swait.ge [sflag:s10], $0x1400  }
0x57: {  	[sflag:s10] =	ssyncset.done $0x0  }
0x58: {  	s21 =	sadd.s32 $0xC8, s19;
	[sflag:s10] =	ssyncadd.s32 $0xFFFFEC00  }
0x59: {  	[tilespmem:s15], [sflag:$0x1] =	stream.indirect.gather [hbm4b:s1+s14], $0x80, s21, s14, $0xb8;
	[tilespmem:$0x1F300] =	vst v63  }
0x5a: {  	_ =	swait.ge [sflag:s24], $0x1400  }
0x5b: {  	[sflag:s24] =	ssyncset.done $0x0  }
0x5c: {  	s21 =	sadd.s32 $0x27A8, s19;
	[sflag:s24] =	ssyncadd.s32 $0xFFFFEC00  }
0x5d: {  	[spmem:s3] =	stream.indirect.scatter.add.f32 [tilespmem:s16], [sflag:$0x6], $0x80, s21, s14, $0xb8;
	[tilespmem:$0x1F300] =	vst v63  }
0x5e: {  	_ =	swait.ge [sflag:s10], $0x1400  }
0x5f: {  	[sflag:s10] =	ssyncset.done $0x0  }
0x60: {  	s21 =	sadd.s32 $0xF0, s19;
	[sflag:s10] =	ssyncadd.s32 $0xFFFFEC00  }
0x61: {  	[tilespmem:s16], [sflag:$0x2] =	stream.indirect.gather [hbm4b:s1+s14], $0x80, s21, s14, $0xb8;
	[tilespmem:$0x1F300] =	vst v63  }
0x62: {  	_ =	swait.ge [sflag:s25], $0x1400  }
0x63: {  	[sflag:s25] =	ssyncset.done $0x0  }
0x64: {  	s21 =	sadd.s32 $0x27D0, s19;
	[sflag:s25] =	ssyncadd.s32 $0xFFFFEC00  }
0x65: {  	[spmem:s3] =	stream.indirect.scatter.add.f32 [tilespmem:s18], [sflag:$0x6], $0x80, s21, s14, $0xb8;
	[tilespmem:$0x1F300] =	vst v63  }
0x66: {  	_ =	swait.ge [sflag:s10], $0x1400  }
0x67: {  	[sflag:s10] =	ssyncset.done $0x0  }
0x68: {  	s21 =	sadd.s32 $0x118, s19;
	[sflag:s10] =	ssyncadd.s32 $0xFFFFEC00  }
0x69: {  	[tilespmem:s18], [sflag:$0x3] =	stream.indirect.gather [hbm4b:s1+s14], $0x80, s21, s14, $0xb8;
	[tilespmem:$0x1F300] =	vst v63  }
0x6a: {  	_ =	swait.ge [sflag:s26], $0x1400  }
0x6b: {  	[sflag:s26] =	ssyncset.done $0x0  }
0x6c: {  	s21 =	sadd.s32 $0x27F8, s19;
	[sflag:s26] =	ssyncadd.s32 $0xFFFFEC00  }
0x6d: {  	[spmem:s3] =	stream.indirect.scatter.add.f32 [tilespmem:s20], [sflag:$0x6], $0x80, s21, s14, $0xb8;
	[tilespmem:$0x1F300] =	vst v63  }
0x6e: {  	_ =	swait.ge [sflag:s10], $0x1400  }
0x6f: {  	[sflag:s10] =	ssyncset.done $0x0  }
0x70: {  	s21 =	sadd.s32 $0x140, s19;
	[sflag:s10] =	ssyncadd.s32 $0xFFFFEC00  }
0x71: {  	[tilespmem:s20], [sflag:$0x4] =	stream.indirect.gather [hbm4b:s1+s14], $0x80, s21, s14, $0xb8;
	[tilespmem:$0x1F300] =	vst v63  }
0x72: {  	_ =	swait.ge [sflag:s28], $0x1400  }
0x73: {  	[sflag:s28] =	ssyncset.done $0x0  }
.Ltmp0:
0x74: {  	s21 =	sadd.s32 $0x2820, s19;
	[sflag:s28] =	ssyncadd.s32 $0xFFFFEC00;
	(pc) =	sbr.rel @p0 .LBB2_2-.Ltmp0, $4  }
0x75: {  	[spmem:s3] =	stream.indirect.scatter.add.f32 [tilespmem:s22], [sflag:$0x6], $0x80, s21, s14, $0xb8;
	[tilespmem:$0x1F300] =	vst v63  }
0x76: {  	_ =	swait.ge [sflag:s10], $0x1400  }
0x77: {  	[sflag:s10] =	ssyncset.done $0x0  }
0x78: {  	s19 =	sadd.s32 $0x168, s19;
	[sflag:s10] =	ssyncadd.s32 $0xFFFFEC00  }
0x79: {  	[tilespmem:s22], [sflag:$0x5] =	stream.indirect.gather [hbm4b:s1+s14], $0x80, s19, s14, $0xb8;
	[tilespmem:$0x1F300] =	vst v63  }
0x7a: {  	_ =	swait.ge [sflag:s23], $0x1400  }
0x7b: {  	[sflag:s23] =	ssyncset.done $0x0  }
0x7c: {  	[sflag:s23] =	ssyncadd.s32 $0xFFFFEC00  }
0x7d: {  	[spmem:s3] =	stream.indirect.scatter.add.f32 [tilespmem:s15], [sflag:$0x6], $0x80, s29, s14, $0xb8;
	[tilespmem:$0x1F300] =	vst v63  }
0x7e: {  	_ =	swait.ge [sflag:s10], $0x1400  }
0x7f: {  	[sflag:s10] =	ssyncset.done $0x0  }
0x80: {  	[sflag:s10] =	ssyncadd.s32 $0xFFFFEC00  }
0x81: {  	_ =	swait.ge [sflag:s24], $0x1400  }
0x82: {  	[sflag:s24] =	ssyncset.done $0x0  }
0x83: {  	[sflag:s24] =	ssyncadd.s32 $0xFFFFEC00  }
0x84: {  	[spmem:s3] =	stream.indirect.scatter.add.f32 [tilespmem:s16], [sflag:$0x6], $0x80, s30, s14, $0xb8;
	[tilespmem:$0x1F300] =	vst v63  }
0x85: {  	_ =	swait.ge [sflag:s10], $0x1400  }
0x86: {  	[sflag:s10] =	ssyncset.done $0x0  }
0x87: {  	[sflag:s10] =	ssyncadd.s32 $0xFFFFEC00  }
0x88: {  	_ =	swait.ge [sflag:s25], $0x1400  }
0x89: {  	[sflag:s25] =	ssyncset.done $0x0  }
0x8a: {  	[sflag:s25] =	ssyncadd.s32 $0xFFFFEC00  }
0x8b: {  	[spmem:s3] =	stream.indirect.scatter.add.f32 [tilespmem:s18], [sflag:$0x6], $0x80, s31, s14, $0xb8;
	[tilespmem:$0x1F300] =	vst v63  }
0x8c: {  	_ =	swait.ge [sflag:s10], $0x1400  }
0x8d: {  	[sflag:s10] =	ssyncset.done $0x0  }
0x8e: {  	[sflag:s10] =	ssyncadd.s32 $0xFFFFEC00  }
0x8f: {  	_ =	swait.ge [sflag:s26], $0x1400  }
0x90: {  	[sflag:s26] =	ssyncset.done $0x0  }
0x91: {  	[sflag:s26] =	ssyncadd.s32 $0xFFFFEC00  }
0x92: {  	[spmem:s3] =	stream.indirect.scatter.add.f32 [tilespmem:s20], [sflag:$0x6], $0x80, s2, s14, $0xb8;
	[tilespmem:$0x1F300] =	vst v63  }
0x93: {  	_ =	swait.ge [sflag:s10], $0x1400  }
0x94: {  	[sflag:s10] =	ssyncset.done $0x0  }
0x95: {  	[sflag:s10] =	ssyncadd.s32 $0xFFFFEC00  }
0x96: {  	_ =	swait.ge [sflag:s28], $0x1400  }
0x97: {  	[sflag:s28] =	ssyncset.done $0x0  }
0x98: {  	[sflag:s28] =	ssyncadd.s32 $0xFFFFEC00  }
0x99: {  	[spmem:s3] =	stream.indirect.scatter.add.f32 [tilespmem:s22], [sflag:$0x6], $0x80, s0, s14, $0xb8;
	[tilespmem:$0x1F300] =	vst v63  }
0x9a: {  	_ =	swait.ge [sflag:s10], $0x1400  }
0x9b: {  	s11 =	sadd.s32 $0x1, s11;
	[sflag:s10] =	ssyncset.done $0x0  }
0x9c: {  	p0 =	sne.s32 s11, s9;
	[sflag:s10] =	ssyncadd.s32 $0xFFFFEC00  }
.Ltmp1:
0x9d: {  	[bflag:$0x0] =	sbarrier.arrive $0xFFFF;
	(pc) =	sbr.rel @p0 .LBB2_1-.Ltmp1, $4  }
0x9e: {  	[hbm:s8], [sflag:s12] =	dma.local [spmem:s13], $0x2800  }
0x9f: {  	_ =	swait.ge [sflag:s10], $0x2800  }
0xa0: {  	[sflag:s10] =	ssyncset.done $0x0  }
0xa1: {  	[sflag:s10] =	ssyncadd.s32 $0xFFFFD800  }
0xa2: {  	_ =	sfence.sel $0x180000  }
0xa3: {  	[bflag:$0x0] =	sbarrier.arrive $0xFFFF  }
0xa4: {  	_ =	strace $0x9000004A  }
0xa5: {  	s0 =	stileid.u32;
	[bflag:$0x2] =	sbarrier.arrive $0xFFFF  }
0xa6: {  	p0 =	sne.s32 s0, $0x0;
	s0 =	rddreg [dreg:$0x3]  }
0xa7: {  	s0 =	sadd.s32 @!p0 $0x100000, s0  }
0xa8: {  	[sflag:s0] =	ssyncadd.tile.s32 @!p0 $0x1;
	_ =	shalt  }
.Lfunc_end2:
_tile_overlayer_lowered:
.L_overlay_start_2:
0xa9: {  	(tag) =	ssettag $0x2  }
0xaa: {  	s0 =	rddreg [dreg:$0x0];
	s2 =	stileid.u32  }
0xab: {  	s1 =	rddreg [dreg:$0x1];
	p0 =	sne.s32 s2, $0x0  }
0xac: {  	s3 =	rddreg [dreg:$0x2];
	[bflag:$0x3] =	sbarrier.arrive $0xFFFF;
	s2 =	simm.s32 @!p0 $0x1C06  }
0xad: {  	[timem:s3], [sflag:s2] =	dma.local @!p0 [hbm:s0], s1  }
0xae: {  	s0 =	simm.s32 @!p0 $0x6  }
0xaf: {  	_ =	swait.ge @!p0 [sflag:s0], s1  }
0xb0: {  	s1 =	ssub.s32 @!p0 $0x0, s1;
	[sflag:s0] =	ssyncset.done @!p0 $0x0  }
0xb1: {  	[sflag:s0] =	ssyncadd.s32 @!p0 s1  }
0xb2: {  	[bflag:$0x3] =	sbarrier.arrive $0xFFFF  }
0xb3: {  	_ =	shalt  }

// kernel: kernel.18.cloned.1.call-start
scs
__scs_entry_jumppad:
0x0: {  	(pc) =	sbr.rel $0x88, $3  }
0x1: {  	(tag) =	ssettag $0x0;
	lr =	simm.s32 $0x1  }
0x2: {  	[smem:$0x3F9B] =	sst lr;
	_ =	strace $0xD0000000  }
0x3: {  	_ = 	snop  }
0x4: {  	_ = 	snop  }
0x5: {  	_ = 	snop  }
0x6: {  	_ = 	snop  }
0x7: {  	_ = 	snop  }
__scs_overlays_trampoline_lowered:
0x8: {  	[smem:$0x3FAA] =	sst s0  }
0x9: {  	[smem:$0x3FAB] =	sst s1  }
0xa: {  	[smem:$0x3FAC] =	sst s2  }
0xb: {  	[smem:$0x3FAD] =	sst s3  }
0xc: {  	[smem:$0x3FAE] =	sst s4  }
0xd: {  	[smem:$0x3FAF] =	sst s5  }
0xe: {  	[smem:$0x3FB0] =	sst s6  }
0xf: {  	[smem:$0x3FB1] =	sst s7  }
0x10: {  	[smem:$0x3FB2] =	sst s8  }
0x11: {  	[smem:$0x3FB3] =	sst s9;
	s0 =	simm.s32 @!p0 $0x0  }
0x12: {  	s1 =	sld [smem:$0x3F99];
	s0 =	simm.s32 @p0 $0x1  }
0x13: {  	[smem:$0x3FB4] =	sst s0;
	s0 =	simm.s32 @!p1 $0x0  }
0x14: {  	s2 =	sld [smem:$0x3F98];
	s0 =	simm.s32 @p1 $0x1  }
0x15: {  	[smem:$0x3FB5] =	sst s0;
	s0 =	simm.s32 @!p2 $0x0  }
0x16: {  	s3 =	sld [smem:$0x3FDB];
	s0 =	simm.s32 @p2 $0x1  }
0x17: {  	s4 =	simm.s32 $0x1BF5;
	[smem:$0x3FB7] =	sst s0  }
0x18: {  	s0 =	sld [smem:$0x3F9A];
	_ =	swait.ge [sflag:s4], $0x0  }
0x19: {  	s7 =	sld [smem:$0x3F9B]  }
0x1a: {  	s8 =	sadd.s32 $0xFFFFE003, lr  }
0x1b: {  	s9 =	sadd.s32 $0xFFFFFEF7, lr;
	s5 =	simm.s32 $0xFFFFFFFF;
	p2 =	slt.u32 s8, $0xFFFFF086  }
0x1c: {  	p1 =	slt.u32 s9, $0xF7A;
	s5 =	simm.s32 @!p2 $0x0  }
0x1d: {  	s5 =	simm.s32 @p1 $0x1;
	p0 =	seq.s32 s7, s2  }
0x1e: {  	s7 =	smul.u32 @!p0 $0xF7A, s2;
	p2 =	seq.s32 @!p0 s5, $0x0  }
0x1f: {  	s9 =	smul.u32 $0xF7A, s1;
	s8 =	simm.s32 @!p0 $0x1BF5;
	p2 =	por !p2, p0  }
0x20: {  	[sflag:s8] =	ssyncset.s32 @!p0 $0xFFFFF086;
	s6 =	sadd.s32 @!p0 s3, s7;
	s7 =	simm.s32 @!p0 $0x108  }
0x21: {  	s3 =	sadd.s32 s3, s9;
	s6 =	sadd.s32 @!p0 $0x88, s6;
	s7 =	simm.s32 @p2 $0x1082  }
0x22: {  	[simem:s7], [sflag:s8] =	dma.local @!p0 [hbm:s6], $0xF7A  }
0x23: {  	s9 =	sor.u32 $0xD0000000, s2;
	s6 =	simm.s32 $0x108;
	_ =	swait.ge @!p0 [sflag:s8], $0x0  }
0x24: {  	s3 =	sadd.s32 $0x88, s3;
	s6 =	simm.s32 @!p1 $0x1082;
	[sflag:s4] =	ssyncset.s32 $0xFFFFF086  }
0x25: {  	[simem:s6], [sflag:s4] =	dma.local [hbm:s3], $0xF7A  }
0x26: {  	[smem:$0x3F9B] =	sst s1;
	(tag) =	ssettag s2;
	_ =	strace s9  }
0x27: {  	s1 =	sld [smem:$0x3FAB]  }
0x28: {  	s2 =	sld [smem:$0x3FAC]  }
0x29: {  	s4 =	sld [smem:$0x3FAE]  }
0x2a: {  	p0 =	seq.s32 s5, $0x0;
	s5 =	sld [smem:$0x3FAF]  }
0x2b: {  	s6 =	sld [smem:$0x3FB0]  }
0x2c: {  	s7 =	sld [smem:$0x3FB1]  }
0x2d: {  	s3 =	simm.s32 $0x108;
	s8 =	sld [smem:$0x3FB2]  }
0x2e: {  	s3 =	simm.s32 @!p0 $0x1082;
	s9 =	sld [smem:$0x3FB3]  }
0x2f: {  	lr =	sadd.s32 s0, s3;
	s0 =	sld [smem:$0x3FAA]  }
0x30: {  	s3 =	sld [smem:$0x3FAD]  }
0x31: {  	[smem:$0x3FB6] =	sst s10  }
0x32: {  	s10 =	sld [smem:$0x3FB4];
	_ =	sdelay $0x3  }
0x33: {  	p0 =	seq.s32 s10, $0x1;
	s10 =	sld [smem:$0x3FB6];
	_ =	sdelay $0x3  }
0x34: {  	[smem:$0x3FB6] =	sst s10  }
0x35: {  	s10 =	sld [smem:$0x3FB5];
	_ =	sdelay $0x3  }
0x36: {  	p1 =	seq.s32 s10, $0x1;
	s10 =	sld [smem:$0x3FB6];
	_ =	sdelay $0x3  }
0x37: {  	[smem:$0x3FB6] =	sst s10  }
0x38: {  	s10 =	sld [smem:$0x3FB7]  }
0x39: {  	_ = 	snop;
	(pc) =	sbr.ind lr, $3  }
0x3a: {  	_ = 	snop  }
0x3b: {  	_ = 	snop  }
0x3c: {  	p2 =	seq.s32 s10, $0x1;
	s10 =	sld [smem:$0x3FB6]  }
0x3d: {  	_ =	shalt  }
0x3e: {  	_ =	shalt  }
0x3f: {  	_ =	shalt  }
0x40: {  	_ =	shalt  }
0x41: {  	_ =	shalt  }
0x42: {  	_ =	shalt  }
0x43: {  	_ =	shalt  }
0x44: {  	_ =	shalt  }
0x45: {  	_ =	shalt  }
0x46: {  	_ =	shalt  }
0x47: {  	_ =	shalt  }
0x48: {  	_ =	shalt  }
0x49: {  	_ =	shalt  }
0x4a: {  	_ =	shalt  }
0x4b: {  	_ =	shalt  }
0x4c: {  	_ =	shalt  }
0x4d: {  	_ =	shalt  }
0x4e: {  	_ =	shalt  }
0x4f: {  	_ =	shalt  }
0x50: {  	_ =	shalt  }
0x51: {  	_ =	shalt  }
0x52: {  	_ =	shalt  }
0x53: {  	_ =	shalt  }
0x54: {  	_ =	shalt  }
0x55: {  	_ =	shalt  }
0x56: {  	_ =	shalt  }
0x57: {  	_ =	shalt  }
0x58: {  	_ =	shalt  }
0x59: {  	_ =	shalt  }
0x5a: {  	_ =	shalt  }
0x5b: {  	_ =	shalt  }
0x5c: {  	_ =	shalt  }
0x5d: {  	_ =	shalt  }
0x5e: {  	_ =	shalt  }
0x5f: {  	_ =	shalt  }
0x60: {  	_ =	shalt  }
0x61: {  	_ =	shalt  }
0x62: {  	_ =	shalt  }
0x63: {  	_ =	shalt  }
0x64: {  	_ =	shalt  }
0x65: {  	_ =	shalt  }
0x66: {  	_ =	shalt  }
0x67: {  	_ =	shalt  }
0x68: {  	_ =	shalt  }
0x69: {  	_ =	shalt  }
0x6a: {  	_ =	shalt  }
0x6b: {  	_ =	shalt  }
0x6c: {  	_ =	shalt  }
0x6d: {  	_ =	shalt  }
0x6e: {  	_ =	shalt  }
0x6f: {  	_ =	shalt  }
0x70: {  	_ =	shalt  }
0x71: {  	_ =	shalt  }
0x72: {  	_ =	shalt  }
0x73: {  	_ =	shalt  }
0x74: {  	_ =	shalt  }
0x75: {  	_ =	shalt  }
0x76: {  	_ =	shalt  }
0x77: {  	_ =	shalt  }
0x78: {  	_ =	shalt  }
0x79: {  	_ =	shalt  }
0x7a: {  	_ =	shalt  }
0x7b: {  	_ =	shalt  }
0x7c: {  	_ =	shalt  }
0x7d: {  	_ =	shalt  }
0x7e: {  	_ =	shalt  }
0x7f: {  	_ =	shalt  }
0x80: {  	_ =	shalt  }
0x81: {  	_ =	shalt  }
0x82: {  	_ =	shalt  }
0x83: {  	_ =	shalt  }
0x84: {  	_ =	shalt  }
0x85: {  	_ =	shalt  }
0x86: {  	_ =	shalt  }
0x87: {  	_ =	shalt  }
.Lfunc_end0:
.L_simem_size_0:
called_computation.2_lowered:
.L_overlay_start_0:
0x88: {  	s2 =	sld [smem:$0x3FD9]  }
0x89: {  	s3 =	sld [smem:$0x3FFE];
	_ =	sdelay $0x1  }
0x8a: {  	s1 =	srdreg.scid  }
0x8b: {  	s0 =	sand.u32 $0x1, s1  }
0x8c: {  	s16 =	sshll.u32 s0, $0xA;
	s2 =	sadd.s32 s3, s2  }
0x8d: {  	s2 =	sadd.s32 s2, s16  }
0x8e: {  	[smem:$0x3FC2] =	sst s2  }
0x8f: {  	_ = 	snop  }
0x90: {  	(tm) =	ssettm $0x1  }
0x91: {  	s17 =	sld [smem:$0x3FFB];
	_ =	sdelay $0x3  }
0x92: {  	_ =	strace s17  }
0x93: {  	s2 =	sld [smem:$0x3FFC];
	_ =	sdelay $0x3  }
0x94: {  	_ =	strace s2  }
0x95: {  	s2 =	sld [smem:$0x3FFD];
	_ =	sdelay $0x3  }
0x96: {  	_ =	strace s2  }
0x97: {  	_ =	strace $0x8FFFFFFF  }
0x98: {  	s18 =	sld [smem:$0x3FDB];
	_ =	sdelay $0x1  }
0x99: {  	s19 =	simm.s32 $_scs_section_size  }
0x9a: {  	s4 =	simm.s32 $_size__tile_overlayer_lowered;
	s5 =	simm.s32 $_tile_overlayer_lowered  }
0x9b: {  	s22 =	simm.s32 $0x1BFF;
	s21 =	sshll.u32 s5, $0x1;
	s2 =	sadd.s32 s19, s18  }
0x9c: {  	s6 =	simm.s32 $0x0;
	s20 =	sshll.u32 s4, $0x1;
	s4 =	sadd.s32 s21, s2  }
0x9d: {  	[timem:s6], [sflag:s22] =	dma.local [hbm:s4], s20  }
0x9e: {  	_ =	swait.ge [sflag:s22], s20  }
0x9f: {  	s3 =	ssub.s32 $0x0, s20;
	[sflag:s22] =	ssyncset.done $0x0  }
0xa0: {  	[sflag:s22] =	ssyncadd.s32 s3;
	_ =	sdelay $0x1  }
0xa1: {  	s23 =	simm.s32 $0x1B8B  }
0xa2: {  	_ =	swait.ge [sflag:s23], $0x1  }
0xa3: {  	[sflag:s23] =	ssyncset.done $0x0  }
0xa4: {  	s25 =	simm.s32 $0x1B8E;
	s24 =	sld [smem:$0x3FFE];
	[sflag:s23] =	ssyncadd.s32 $0xFFFFFFFF  }
0xa5: {  	s26 =	simm.s32 $execute0_lowered;
	[smem:$0x3FD2] =	sst s25  }
0xa6: {  	s4 =	sshll.u32 s26, $0x1;
	_ =	strace $0x8000004C;
	[dreg:$0x1] =	wrdreg $0xFFFFFFFF  }
0xa7: {  	s28 =	simm.s32 $_size_execute0_lowered;
	s2 =	sadd.s32 s2, s4;
	[dreg:$0x0] =	wrdreg $0x0  }
0xa8: {  	s4 =	sshll.u32 s28, $0x1;
	[dreg:$0x2] =	wrdreg s2  }
0xa9: {  	[dreg:$0x3] =	wrdreg s4  }
0xaa: {  	[dreg:$0x4] =	wrdreg $0xC0  }
0xab: {  	_ =	task [dreg:s6], $0x5FFFF  }
0xac: {  	[dreg:$0x1] =	wrdreg $0xFFFFFFFF  }
0xad: {  	[dreg:$0x0] =	wrdreg $0x60  }
0xae: {  	[dreg:$0x2] =	wrdreg s24  }
0xaf: {  	[dreg:$0x3] =	wrdreg $0xB3000  }
0xb0: {  	[dreg:$0x4] =	wrdreg $0x9  }
0xb1: {  	_ =	task.clear_ibuf [dreg:s6], $0x5FFFF;
	_ =	strace $0x9000004C  }
0xb2: {  	s29 =	simm.s32 $0x9;
	_ =	strace $0x8000004E  }
0xb3: {  	_ =	swait.ge [sflag:s29], $0x1  }
0xb4: {  	[sflag:s29] =	ssyncadd.s32 $0xFFFFFFFF  }
0xb5: {  	_ =	strace $0x9000004E  }
0xb6: {  	_ =	sfence  }
0xb7: {  	s30 =	sld [smem:$0x0];
	_ =	sdelay $0x2  }
0xb8: {  	s31 =	sshll.u32 s1, $0xD;
	s1 =	sshrl.u32 s1, $0x2  }
0xb9: {  	s3 =	sand.u32 $0x4000, s31;
	s1 =	sadd.s32 s1, s30  }
0xba: {  	s0 =	sor.u32 s3, s0;
	s1 =	sshll.u32 s1, $0x11  }
0xbb: {  	s0 =	sor.u32 s1, s0  }
0xbc: {  	s0 =	sadd.s32 $0x8F2B, s0  }
0xbd: {  	[sflag:s0] =	ssyncadd.remote.s32 $0x1  }
0xbe: {  	_ =	sfence.sel $0xFFFF  }
0xbf: {  	[dreg:$0x0] =	wrdreg $0xFFFFFFFF;
	(pc) =	sbr.abs _section_cstart, $3  }
0xc0: {  	[dreg:$0x1] =	wrdreg $0xFFFFFFFF  }
0xc1: {  	_ =	task.clear_ibuf [dreg:s6], $0x2FFFF;
	_ =	strace $0x9FFFFFFF  }
0xc2: {  	(tm) =	ssettm $0x7FFFFFFF  }
0xc3: {  	_ =	shalt  }
tec
execute0_lowered:
.L_overlay_start_1:
0x0: {  	(tag) =	ssettag $0x1  }
0x1: {  	s0 =	srdreg.scid;
	s5 =	rddreg [dreg:$0x0]  }
0x2: {  	s11 =	stileid.u32;
	s2 =	rddreg [dreg:$0x1];
	s3 =	simm.s32 $0x0  }
0x3: {  	s14 =	simm.s32 $0x28;
	s15 =	simm.s32 $0x4F00;
	s16 =	simm.s32 $0x6300  }
0x4: {  	s18 =	simm.s32 $0x7700;
	s20 =	simm.s32 $0x8B00;
	s22 =	simm.s32 $0x9F00  }
0x5: {  	s28 =	simm.s32 $0x5;
	s29 =	simm.s32 $0x4DC8;
	s30 =	simm.s32 $0x4DF0  }
0x6: {  	s31 =	simm.s32 $0x4E18;
	s0 =	sand.u32 $0x1, s0;
	s1 =	sshll.u32 s11, $0x1  }
0x7: {  	s6 =	smul.u32 $0x2800, s11;
	[smem:$0x7FF] =	sst s3;
	s4 =	sadd.s32 $0xA4000, s5  }
0x8: {  	s8 =	smul.u32 $0x50000, s11;
	s26 =	sshll.u32 s11, $0x6;
	s11 =	simm.s32 $0x0  }
0x9: {  	s1 =	sor.u32 s0, s1;
	s7 =	smul.u32 $0x28000, s0;
	_ =	strace $0x8000004D  }
0xa: {  	s0 =	ssub.s32 $0x2, s0;
	s12 =	sor.u32 $0x1C06, s26;
	s26 =	simm.s32 $0x4  }
0xb: {  	s1 =	smul.u32 $0x4E2, s1;
	s9 =	sadd.s32 s6, s5;
	s23 =	sshrl.u32 s0, $0x1  }
0xc: {  	s24 =	sshrl.u32 s8, $0x2;
	s7 =	sadd.s32 s6, s7;
	s0 =	ssub.s32 s0, s23  }
0xd: {  	s25 =	sadd.s32 s24, s2;
	s23 =	simm.s32 $0x1;
	s24 =	simm.s32 $0x2  }
0xe: {  	s1 =	sadd.s32 s1, s5;
	s10 =	sadd.s32 s7, s5;
	s7 =	sadd.s32 $0x2C000, s9  }
0xf: {  	s9 =	smax.u32 s0, $0x1;
	s13 =	sshrl.u32 s25, $0x3;
	s25 =	simm.s32 $0x3  }
0x10: {  	s0 =	simm.s32 $0x4E68;
	s5 =	sadd.s32 $0x3C00, s1;
	s6 =	sadd.s32 $0xDA00, s1  }
0x11: {  	s8 =	sadd.s32 $0xCC000, s10;
	s10 =	simm.s32 $0x6;
	s1 =	simm.s32 $0x4E40  }
.LBB2_1:
0x12: {  	[tilespmem:s3], [sflag:$0x6] =	stream.linear.gather [hbm4b:s5+s3], $0x2710, $0x38;
	[tilespmem:$0x1F300] =	vst v63  }
0x13: {  	_ =	swait.ge [sflag:s10], $0x2710  }
0x14: {  	[sflag:s10] =	ssyncset.done $0x0  }
0x15: {  	s17 =	simm.s32 $0x2780;
	[sflag:s10] =	ssyncadd.s32 $0xFFFFD8F0  }
0x16: {  	[tilespmem:s17], [sflag:$0x6] =	stream.linear.gather [hbm4b:s6+s3], $0x2710, $0x38;
	[tilespmem:$0x1F300] =	vst v63  }
0x17: {  	_ =	swait.ge [sflag:s10], $0x2710  }
0x18: {  	[sflag:s10] =	ssyncset.done $0x0  }
0x19: {  	[sflag:s10] =	ssyncadd.s32 $0xFFFFD8F0  }
0x1a: {  	[spmem:s13], [sflag:s12] =	dma.local [hbm:s7], $0x2800  }
0x1b: {  	_ =	swait.ge [sflag:s10], $0x2800  }
0x1c: {  	[sflag:s10] =	ssyncset.done $0x0  }
0x1d: {  	[sflag:s10] =	ssyncadd.s32 $0xFFFFD800  }
0x1e: {  	[bflag:$0x0] =	sbarrier.arrive $0xFFFF  }
0x1f: {  	[tilespmem:s15], [sflag:$0x1] =	stream.indirect.gather [hbm4b:s4+s14], $0x80, s3, s14, $0xb8;
	[tilespmem:$0x1F300] =	vst v63  }
0x20: {  	_ = 	snop  }
0x21: {  	[tilespmem:s16], [sflag:$0x2] =	stream.indirect.gather [hbm4b:s4+s14], $0x80, s14, s14, $0xb8;
	[tilespmem:$0x1F300] =	vst v63  }
0x22: {  	s19 =	simm.s32 $0x50  }
0x23: {  	[tilespmem:s18], [sflag:$0x3] =	stream.indirect.gather [hbm4b:s4+s14], $0x80, s19, s14, $0xb8;
	[tilespmem:$0x1F300] =	vst v63  }
0x24: {  	s21 =	simm.s32 $0x78  }
0x25: {  	[tilespmem:s20], [sflag:$0x4] =	stream.indirect.gather [hbm4b:s4+s14], $0x80, s21, s14, $0xb8;
	[tilespmem:$0x1F300] =	vst v63  }
0x26: {  	s19 =	simm.s32 $0xA0  }
0x27: {  	[tilespmem:s22], [sflag:$0x5] =	stream.indirect.gather [hbm4b:s4+s14], $0x80, s19, s14, $0xb8;
	[tilespmem:$0x1F300] =	vst v63  }
0x28: {  	_ =	swait.ge [sflag:s23], $0x1400  }
0x29: {  	[sflag:s23] =	ssyncset.done $0x0  }
0x2a: {  	s21 =	simm.s32 $0x2780;
	[sflag:s23] =	ssyncadd.s32 $0xFFFFEC00  }
0x2b: {  	[spmem:s2] =	stream.indirect.scatter.add.f32 [tilespmem:s15], [sflag:$0x6], $0x80, s21, s14, $0xb8;
	[tilespmem:$0x1F300] =	vst v63  }
0x2c: {  	_ =	swait.ge [sflag:s10], $0x1400  }
0x2d: {  	[sflag:s10] =	ssyncset.done $0x0  }
0x2e: {  	s19 =	simm.s32 $0xC8;
	[sflag:s10] =	ssyncadd.s32 $0xFFFFEC00  }
0x2f: {  	[tilespmem:s15], [sflag:$0x1] =	stream.indirect.gather [hbm4b:s4+s14], $0x80, s19, s14, $0xb8;
	[tilespmem:$0x1F300] =	vst v63  }
0x30: {  	_ =	swait.ge [sflag:s24], $0x1400  }
0x31: {  	[sflag:s24] =	ssyncset.done $0x0  }
0x32: {  	s21 =	simm.s32 $0x27A8;
	[sflag:s24] =	ssyncadd.s32 $0xFFFFEC00  }
0x33: {  	[spmem:s2] =	stream.indirect.scatter.add.f32 [tilespmem:s16], [sflag:$0x6], $0x80, s21, s14, $0xb8;
	[tilespmem:$0x1F300] =	vst v63  }
0x34: {  	_ =	swait.ge [sflag:s10], $0x1400  }
0x35: {  	[sflag:s10] =	ssyncset.done $0x0  }
0x36: {  	s19 =	simm.s32 $0xF0;
	[sflag:s10] =	ssyncadd.s32 $0xFFFFEC00  }
0x37: {  	[tilespmem:s16], [sflag:$0x2] =	stream.indirect.gather [hbm4b:s4+s14], $0x80, s19, s14, $0xb8;
	[tilespmem:$0x1F300] =	vst v63  }
0x38: {  	_ =	swait.ge [sflag:s25], $0x1400  }
0x39: {  	[sflag:s25] =	ssyncset.done $0x0  }
0x3a: {  	s21 =	simm.s32 $0x27D0;
	[sflag:s25] =	ssyncadd.s32 $0xFFFFEC00  }
0x3b: {  	[spmem:s2] =	stream.indirect.scatter.add.f32 [tilespmem:s18], [sflag:$0x6], $0x80, s21, s14, $0xb8;
	[tilespmem:$0x1F300] =	vst v63  }
0x3c: {  	_ =	swait.ge [sflag:s10], $0x1400  }
0x3d: {  	[sflag:s10] =	ssyncset.done $0x0  }
0x3e: {  	s19 =	simm.s32 $0x118;
	[sflag:s10] =	ssyncadd.s32 $0xFFFFEC00  }
0x3f: {  	[tilespmem:s18], [sflag:$0x3] =	stream.indirect.gather [hbm4b:s4+s14], $0x80, s19, s14, $0xb8;
	[tilespmem:$0x1F300] =	vst v63  }
0x40: {  	_ =	swait.ge [sflag:s26], $0x1400  }
0x41: {  	[sflag:s26] =	ssyncset.done $0x0  }
0x42: {  	s21 =	simm.s32 $0x27F8;
	[sflag:s26] =	ssyncadd.s32 $0xFFFFEC00  }
0x43: {  	[spmem:s2] =	stream.indirect.scatter.add.f32 [tilespmem:s20], [sflag:$0x6], $0x80, s21, s14, $0xb8;
	[tilespmem:$0x1F300] =	vst v63  }
0x44: {  	_ =	swait.ge [sflag:s10], $0x1400  }
0x45: {  	[sflag:s10] =	ssyncset.done $0x0  }
0x46: {  	s19 =	simm.s32 $0x140;
	[sflag:s10] =	ssyncadd.s32 $0xFFFFEC00  }
0x47: {  	[tilespmem:s20], [sflag:$0x4] =	stream.indirect.gather [hbm4b:s4+s14], $0x80, s19, s14, $0xb8;
	[tilespmem:$0x1F300] =	vst v63  }
0x48: {  	_ =	swait.ge [sflag:s28], $0x1400  }
0x49: {  	[sflag:s28] =	ssyncset.done $0x0  }
0x4a: {  	s21 =	simm.s32 $0x2820;
	[sflag:s28] =	ssyncadd.s32 $0xFFFFEC00  }
0x4b: {  	[spmem:s2] =	stream.indirect.scatter.add.f32 [tilespmem:s22], [sflag:$0x6], $0x80, s21, s14, $0xb8;
	[tilespmem:$0x1F300] =	vst v63  }
0x4c: {  	_ =	swait.ge [sflag:s10], $0x1400  }
0x4d: {  	[sflag:s10] =	ssyncset.done $0x0  }
0x4e: {  	s17 =	simm.s32 $0x320;
	s19 =	simm.s32 $0x168;
	[sflag:s10] =	ssyncadd.s32 $0xFFFFEC00  }
.LBB2_2:
0x4f: {  	[tilespmem:s22], [sflag:$0x5] =	stream.indirect.gather [hbm4b:s4+s14], $0x80, s19, s14, $0xb8;
	[tilespmem:$0x1F300] =	vst v63  }
0x50: {  	s19 =	smov.u32 s17  }
0x51: {  	p0 =	sne.s32 s17, $0x9600;
	s17 =	sadd.s32 $0x320, s17;
	_ =	swait.ge [sflag:s23], $0x1400  }
0x52: {  	s19 =	sshra.s32 s19, $0x2;
	[sflag:s23] =	ssyncset.done $0x0  }
0x53: {  	s21 =	sadd.s32 $0x2780, s19;
	[sflag:s23] =	ssyncadd.s32 $0xFFFFEC00  }
0x54: {  	[spmem:s2] =	stream.indirect.scatter.add.f32 [tilespmem:s15], [sflag:$0x6], $0x80, s21, s14, $0xb8;
	[tilespmem:$0x1F300] =	vst v63  }
0x55: {  	_ =	swait.ge [sflag:s10], $0x1400  }
0x56: {  	[sflag:s10] =	ssyncset.done $0x0  }
0x57: {  	s21 =	sadd.s32 $0xC8, s19;
	[sflag:s10] =	ssyncadd.s32 $0xFFFFEC00  }
0x58: {  	[tilespmem:s15], [sflag:$0x1] =	stream.indirect.gather [hbm4b:s4+s14], $0x80, s21, s14, $0xb8;
	[tilespmem:$0x1F300] =	vst v63  }
0x59: {  	_ =	swait.ge [sflag:s24], $0x1400  }
0x5a: {  	[sflag:s24] =	ssyncset.done $0x0  }
0x5b: {  	s21 =	sadd.s32 $0x27A8, s19;
	[sflag:s24] =	ssyncadd.s32 $0xFFFFEC00  }
0x5c: {  	[spmem:s2] =	stream.indirect.scatter.add.f32 [tilespmem:s16], [sflag:$0x6], $0x80, s21, s14, $0xb8;
	[tilespmem:$0x1F300] =	vst v63  }
0x5d: {  	_ =	swait.ge [sflag:s10], $0x1400  }
0x5e: {  	[sflag:s10] =	ssyncset.done $0x0  }
0x5f: {  	s21 =	sadd.s32 $0xF0, s19;
	[sflag:s10] =	ssyncadd.s32 $0xFFFFEC00  }
0x60: {  	[tilespmem:s16], [sflag:$0x2] =	stream.indirect.gather [hbm4b:s4+s14], $0x80, s21, s14, $0xb8;
	[tilespmem:$0x1F300] =	vst v63  }
0x61: {  	_ =	swait.ge [sflag:s25], $0x1400  }
0x62: {  	[sflag:s25] =	ssyncset.done $0x0  }
0x63: {  	s21 =	sadd.s32 $0x27D0, s19;
	[sflag:s25] =	ssyncadd.s32 $0xFFFFEC00  }
0x64: {  	[spmem:s2] =	stream.indirect.scatter.add.f32 [tilespmem:s18], [sflag:$0x6], $0x80, s21, s14, $0xb8;
	[tilespmem:$0x1F300] =	vst v63  }
0x65: {  	_ =	swait.ge [sflag:s10], $0x1400  }
0x66: {  	[sflag:s10] =	ssyncset.done $0x0  }
0x67: {  	s21 =	sadd.s32 $0x118, s19;
	[sflag:s10] =	ssyncadd.s32 $0xFFFFEC00  }
0x68: {  	[tilespmem:s18], [sflag:$0x3] =	stream.indirect.gather [hbm4b:s4+s14], $0x80, s21, s14, $0xb8;
	[tilespmem:$0x1F300] =	vst v63  }
0x69: {  	_ =	swait.ge [sflag:s26], $0x1400  }
0x6a: {  	[sflag:s26] =	ssyncset.done $0x0  }
0x6b: {  	s21 =	sadd.s32 $0x27F8, s19;
	[sflag:s26] =	ssyncadd.s32 $0xFFFFEC00  }
0x6c: {  	[spmem:s2] =	stream.indirect.scatter.add.f32 [tilespmem:s20], [sflag:$0x6], $0x80, s21, s14, $0xb8;
	[tilespmem:$0x1F300] =	vst v63  }
0x6d: {  	_ =	swait.ge [sflag:s10], $0x1400  }
0x6e: {  	[sflag:s10] =	ssyncset.done $0x0  }
0x6f: {  	s21 =	sadd.s32 $0x140, s19;
	[sflag:s10] =	ssyncadd.s32 $0xFFFFEC00  }
0x70: {  	[tilespmem:s20], [sflag:$0x4] =	stream.indirect.gather [hbm4b:s4+s14], $0x80, s21, s14, $0xb8;
	[tilespmem:$0x1F300] =	vst v63  }
0x71: {  	_ =	swait.ge [sflag:s28], $0x1400  }
0x72: {  	[sflag:s28] =	ssyncset.done $0x0  }
.Ltmp0:
0x73: {  	s21 =	sadd.s32 $0x2820, s19;
	[sflag:s28] =	ssyncadd.s32 $0xFFFFEC00;
	(pc) =	sbr.rel @p0 .LBB2_2-.Ltmp0, $4  }
0x74: {  	[spmem:s2] =	stream.indirect.scatter.add.f32 [tilespmem:s22], [sflag:$0x6], $0x80, s21, s14, $0xb8;
	[tilespmem:$0x1F300] =	vst v63  }
0x75: {  	_ =	swait.ge [sflag:s10], $0x1400  }
0x76: {  	[sflag:s10] =	ssyncset.done $0x0  }
0x77: {  	s19 =	sadd.s32 $0x168, s19;
	[sflag:s10] =	ssyncadd.s32 $0xFFFFEC00  }
0x78: {  	[tilespmem:s22], [sflag:$0x5] =	stream.indirect.gather [hbm4b:s4+s14], $0x80, s19, s14, $0xb8;
	[tilespmem:$0x1F300] =	vst v63  }
0x79: {  	_ =	swait.ge [sflag:s23], $0x1400  }
0x7a: {  	[sflag:s23] =	ssyncset.done $0x0  }
0x7b: {  	[sflag:s23] =	ssyncadd.s32 $0xFFFFEC00  }
0x7c: {  	[spmem:s2] =	stream.indirect.scatter.add.f32 [tilespmem:s15], [sflag:$0x6], $0x80, s29, s14, $0xb8;
	[tilespmem:$0x1F300] =	vst v63  }
0x7d: {  	_ =	swait.ge [sflag:s10], $0x1400  }
0x7e: {  	[sflag:s10] =	ssyncset.done $0x0  }
0x7f: {  	[sflag:s10] =	ssyncadd.s32 $0xFFFFEC00  }
0x80: {  	_ =	swait.ge [sflag:s24], $0x1400  }
0x81: {  	[sflag:s24] =	ssyncset.done $0x0  }
0x82: {  	[sflag:s24] =	ssyncadd.s32 $0xFFFFEC00  }
0x83: {  	[spmem:s2] =	stream.indirect.scatter.add.f32 [tilespmem:s16], [sflag:$0x6], $0x80, s30, s14, $0xb8;
	[tilespmem:$0x1F300] =	vst v63  }
0x84: {  	_ =	swait.ge [sflag:s10], $0x1400  }
0x85: {  	[sflag:s10] =	ssyncset.done $0x0  }
0x86: {  	[sflag:s10] =	ssyncadd.s32 $0xFFFFEC00  }
0x87: {  	_ =	swait.ge [sflag:s25], $0x1400  }
0x88: {  	[sflag:s25] =	ssyncset.done $0x0  }
0x89: {  	[sflag:s25] =	ssyncadd.s32 $0xFFFFEC00  }
0x8a: {  	[spmem:s2] =	stream.indirect.scatter.add.f32 [tilespmem:s18], [sflag:$0x6], $0x80, s31, s14, $0xb8;
	[tilespmem:$0x1F300] =	vst v63  }
0x8b: {  	_ =	swait.ge [sflag:s10], $0x1400  }
0x8c: {  	[sflag:s10] =	ssyncset.done $0x0  }
0x8d: {  	[sflag:s10] =	ssyncadd.s32 $0xFFFFEC00  }
0x8e: {  	_ =	swait.ge [sflag:s26], $0x1400  }
0x8f: {  	[sflag:s26] =	ssyncset.done $0x0  }
0x90: {  	[sflag:s26] =	ssyncadd.s32 $0xFFFFEC00  }
0x91: {  	[spmem:s2] =	stream.indirect.scatter.add.f32 [tilespmem:s20], [sflag:$0x6], $0x80, s1, s14, $0xb8;
	[tilespmem:$0x1F300] =	vst v63  }
0x92: {  	_ =	swait.ge [sflag:s10], $0x1400  }
0x93: {  	[sflag:s10] =	ssyncset.done $0x0  }
0x94: {  	[sflag:s10] =	ssyncadd.s32 $0xFFFFEC00  }
0x95: {  	_ =	swait.ge [sflag:s28], $0x1400  }
0x96: {  	[sflag:s28] =	ssyncset.done $0x0  }
0x97: {  	[sflag:s28] =	ssyncadd.s32 $0xFFFFEC00  }
0x98: {  	[spmem:s2] =	stream.indirect.scatter.add.f32 [tilespmem:s22], [sflag:$0x6], $0x80, s0, s14, $0xb8;
	[tilespmem:$0x1F300] =	vst v63  }
0x99: {  	_ =	swait.ge [sflag:s10], $0x1400  }
0x9a: {  	s11 =	sadd.s32 $0x1, s11;
	[sflag:s10] =	ssyncset.done $0x0  }
0x9b: {  	p0 =	sne.s32 s11, s9;
	[sflag:s10] =	ssyncadd.s32 $0xFFFFEC00  }
.Ltmp1:
0x9c: {  	[bflag:$0x0] =	sbarrier.arrive $0xFFFF;
	(pc) =	sbr.rel @p0 .LBB2_1-.Ltmp1, $4  }
0x9d: {  	[hbm:s8], [sflag:s12] =	dma.local [spmem:s13], $0x2800  }
0x9e: {  	_ =	swait.ge [sflag:s10], $0x2800  }
0x9f: {  	[sflag:s10] =	ssyncset.done $0x0  }
0xa0: {  	[sflag:s10] =	ssyncadd.s32 $0xFFFFD800  }
0xa1: {  	_ =	sfence.sel $0x180000  }
0xa2: {  	[bflag:$0x0] =	sbarrier.arrive $0xFFFF  }
0xa3: {  	_ =	strace $0x9000004D  }
0xa4: {  	s0 =	stileid.u32;
	[bflag:$0x2] =	sbarrier.arrive $0xFFFF  }
0xa5: {  	p0 =	sne.s32 s0, $0x0;
	s0 =	rddreg [dreg:$0x2]  }
0xa6: {  	s0 =	sadd.s32 @!p0 $0x100000, s0  }
0xa7: {  	[sflag:s0] =	ssyncadd.tile.s32 @!p0 $0x1;
	_ =	shalt  }
.Lfunc_end2:
_tile_overlayer_lowered:
.L_overlay_start_2:
0xa8: {  	(tag) =	ssettag $0x2  }
0xa9: {  	s0 =	rddreg [dreg:$0x0];
	s2 =	stileid.u32  }
0xaa: {  	s1 =	rddreg [dreg:$0x1];
	p0 =	sne.s32 s2, $0x0  }
0xab: {  	s3 =	rddreg [dreg:$0x2];
	[bflag:$0x3] =	sbarrier.arrive $0xFFFF;
	s2 =	simm.s32 @!p0 $0x1C06  }
0xac: {  	[timem:s3], [sflag:s2] =	dma.local @!p0 [hbm:s0], s1  }
0xad: {  	s0 =	simm.s32 @!p0 $0x6  }
0xae: {  	_ =	swait.ge @!p0 [sflag:s0], s1  }
0xaf: {  	s1 =	ssub.s32 @!p0 $0x0, s1;
	[sflag:s0] =	ssyncset.done @!p0 $0x0  }
0xb0: {  	[sflag:s0] =	ssyncadd.s32 @!p0 s1  }
0xb1: {  	[bflag:$0x3] =	sbarrier.arrive $0xFFFF  }
0xb2: {  	_ =	shalt  }

// kernel: kernel.21.cloned.1.call-start
scs
__scs_entry_jumppad:
0x0: {  	(pc) =	sbr.rel $0x88, $3  }
0x1: {  	(tag) =	ssettag $0x0;
	lr =	simm.s32 $0x1  }
0x2: {  	[smem:$0x3F9B] =	sst lr;
	_ =	strace $0xD0000000  }
0x3: {  	_ = 	snop  }
0x4: {  	_ = 	snop  }
0x5: {  	_ = 	snop  }
0x6: {  	_ = 	snop  }
0x7: {  	_ = 	snop  }
__scs_overlays_trampoline_lowered:
0x8: {  	[smem:$0x3FAA] =	sst s0  }
0x9: {  	[smem:$0x3FAB] =	sst s1  }
0xa: {  	[smem:$0x3FAC] =	sst s2  }
0xb: {  	[smem:$0x3FAD] =	sst s3  }
0xc: {  	[smem:$0x3FAE] =	sst s4  }
0xd: {  	[smem:$0x3FAF] =	sst s5  }
0xe: {  	[smem:$0x3FB0] =	sst s6  }
0xf: {  	[smem:$0x3FB1] =	sst s7  }
0x10: {  	[smem:$0x3FB2] =	sst s8  }
0x11: {  	[smem:$0x3FB3] =	sst s9;
	s0 =	simm.s32 @!p0 $0x0  }
0x12: {  	s1 =	sld [smem:$0x3F99];
	s0 =	simm.s32 @p0 $0x1  }
0x13: {  	[smem:$0x3FB4] =	sst s0;
	s0 =	simm.s32 @!p1 $0x0  }
0x14: {  	s2 =	sld [smem:$0x3F98];
	s0 =	simm.s32 @p1 $0x1  }
0x15: {  	[smem:$0x3FB5] =	sst s0;
	s0 =	simm.s32 @!p2 $0x0  }
0x16: {  	s3 =	sld [smem:$0x3FDB];
	s0 =	simm.s32 @p2 $0x1  }
0x17: {  	s4 =	simm.s32 $0x1BF5;
	[smem:$0x3FB7] =	sst s0  }
0x18: {  	s0 =	sld [smem:$0x3F9A];
	_ =	swait.ge [sflag:s4], $0x0  }
0x19: {  	s7 =	sld [smem:$0x3F9B]  }
0x1a: {  	s8 =	sadd.s32 $0xFFFFE003, lr  }
0x1b: {  	s9 =	sadd.s32 $0xFFFFFEF7, lr;
	s5 =	simm.s32 $0xFFFFFFFF;
	p2 =	slt.u32 s8, $0xFFFFF086  }
0x1c: {  	p1 =	slt.u32 s9, $0xF7A;
	s5 =	simm.s32 @!p2 $0x0  }
0x1d: {  	s5 =	simm.s32 @p1 $0x1;
	p0 =	seq.s32 s7, s2  }
0x1e: {  	s7 =	smul.u32 @!p0 $0xF7A, s2;
	p2 =	seq.s32 @!p0 s5, $0x0  }
0x1f: {  	s9 =	smul.u32 $0xF7A, s1;
	s8 =	simm.s32 @!p0 $0x1BF5;
	p2 =	por !p2, p0  }
0x20: {  	[sflag:s8] =	ssyncset.s32 @!p0 $0xFFFFF086;
	s6 =	sadd.s32 @!p0 s3, s7;
	s7 =	simm.s32 @!p0 $0x108  }
0x21: {  	s3 =	sadd.s32 s3, s9;
	s6 =	sadd.s32 @!p0 $0x88, s6;
	s7 =	simm.s32 @p2 $0x1082  }
0x22: {  	[simem:s7], [sflag:s8] =	dma.local @!p0 [hbm:s6], $0xF7A  }
0x23: {  	s9 =	sor.u32 $0xD0000000, s2;
	s6 =	simm.s32 $0x108;
	_ =	swait.ge @!p0 [sflag:s8], $0x0  }
0x24: {  	s3 =	sadd.s32 $0x88, s3;
	s6 =	simm.s32 @!p1 $0x1082;
	[sflag:s4] =	ssyncset.s32 $0xFFFFF086  }
0x25: {  	[simem:s6], [sflag:s4] =	dma.local [hbm:s3], $0xF7A  }
0x26: {  	[smem:$0x3F9B] =	sst s1;
	(tag) =	ssettag s2;
	_ =	strace s9  }
0x27: {  	s1 =	sld [smem:$0x3FAB]  }
0x28: {  	s2 =	sld [smem:$0x3FAC]  }
0x29: {  	s4 =	sld [smem:$0x3FAE]  }
0x2a: {  	p0 =	seq.s32 s5, $0x0;
	s5 =	sld [smem:$0x3FAF]  }
0x2b: {  	s6 =	sld [smem:$0x3FB0]  }
0x2c: {  	s7 =	sld [smem:$0x3FB1]  }
0x2d: {  	s3 =	simm.s32 $0x108;
	s8 =	sld [smem:$0x3FB2]  }
0x2e: {  	s3 =	simm.s32 @!p0 $0x1082;
	s9 =	sld [smem:$0x3FB3]  }
0x2f: {  	lr =	sadd.s32 s0, s3;
	s0 =	sld [smem:$0x3FAA]  }
0x30: {  	s3 =	sld [smem:$0x3FAD]  }
0x31: {  	[smem:$0x3FB6] =	sst s10  }
0x32: {  	s10 =	sld [smem:$0x3FB4];
	_ =	sdelay $0x3  }
0x33: {  	p0 =	seq.s32 s10, $0x1;
	s10 =	sld [smem:$0x3FB6];
	_ =	sdelay $0x3  }
0x34: {  	[smem:$0x3FB6] =	sst s10  }
0x35: {  	s10 =	sld [smem:$0x3FB5];
	_ =	sdelay $0x3  }
0x36: {  	p1 =	seq.s32 s10, $0x1;
	s10 =	sld [smem:$0x3FB6];
	_ =	sdelay $0x3  }
0x37: {  	[smem:$0x3FB6] =	sst s10  }
0x38: {  	s10 =	sld [smem:$0x3FB7]  }
0x39: {  	_ = 	snop;
	(pc) =	sbr.ind lr, $3  }
0x3a: {  	_ = 	snop  }
0x3b: {  	_ = 	snop  }
0x3c: {  	p2 =	seq.s32 s10, $0x1;
	s10 =	sld [smem:$0x3FB6]  }
0x3d: {  	_ =	shalt  }
0x3e: {  	_ =	shalt  }
0x3f: {  	_ =	shalt  }
0x40: {  	_ =	shalt  }
0x41: {  	_ =	shalt  }
0x42: {  	_ =	shalt  }
0x43: {  	_ =	shalt  }
0x44: {  	_ =	shalt  }
0x45: {  	_ =	shalt  }
0x46: {  	_ =	shalt  }
0x47: {  	_ =	shalt  }
0x48: {  	_ =	shalt  }
0x49: {  	_ =	shalt  }
0x4a: {  	_ =	shalt  }
0x4b: {  	_ =	shalt  }
0x4c: {  	_ =	shalt  }
0x4d: {  	_ =	shalt  }
0x4e: {  	_ =	shalt  }
0x4f: {  	_ =	shalt  }
0x50: {  	_ =	shalt  }
0x51: {  	_ =	shalt  }
0x52: {  	_ =	shalt  }
0x53: {  	_ =	shalt  }
0x54: {  	_ =	shalt  }
0x55: {  	_ =	shalt  }
0x56: {  	_ =	shalt  }
0x57: {  	_ =	shalt  }
0x58: {  	_ =	shalt  }
0x59: {  	_ =	shalt  }
0x5a: {  	_ =	shalt  }
0x5b: {  	_ =	shalt  }
0x5c: {  	_ =	shalt  }
0x5d: {  	_ =	shalt  }
0x5e: {  	_ =	shalt  }
0x5f: {  	_ =	shalt  }
0x60: {  	_ =	shalt  }
0x61: {  	_ =	shalt  }
0x62: {  	_ =	shalt  }
0x63: {  	_ =	shalt  }
0x64: {  	_ =	shalt  }
0x65: {  	_ =	shalt  }
0x66: {  	_ =	shalt  }
0x67: {  	_ =	shalt  }
0x68: {  	_ =	shalt  }
0x69: {  	_ =	shalt  }
0x6a: {  	_ =	shalt  }
0x6b: {  	_ =	shalt  }
0x6c: {  	_ =	shalt  }
0x6d: {  	_ =	shalt  }
0x6e: {  	_ =	shalt  }
0x6f: {  	_ =	shalt  }
0x70: {  	_ =	shalt  }
0x71: {  	_ =	shalt  }
0x72: {  	_ =	shalt  }
0x73: {  	_ =	shalt  }
0x74: {  	_ =	shalt  }
0x75: {  	_ =	shalt  }
0x76: {  	_ =	shalt  }
0x77: {  	_ =	shalt  }
0x78: {  	_ =	shalt  }
0x79: {  	_ =	shalt  }
0x7a: {  	_ =	shalt  }
0x7b: {  	_ =	shalt  }
0x7c: {  	_ =	shalt  }
0x7d: {  	_ =	shalt  }
0x7e: {  	_ =	shalt  }
0x7f: {  	_ =	shalt  }
0x80: {  	_ =	shalt  }
0x81: {  	_ =	shalt  }
0x82: {  	_ =	shalt  }
0x83: {  	_ =	shalt  }
0x84: {  	_ =	shalt  }
0x85: {  	_ =	shalt  }
0x86: {  	_ =	shalt  }
0x87: {  	_ =	shalt  }
.Lfunc_end0:
.L_simem_size_0:
called_computation.3_lowered:
.L_overlay_start_0:
0x88: {  	s2 =	sld [smem:$0x3FD9]  }
0x89: {  	s3 =	sld [smem:$0x3FFE];
	_ =	sdelay $0x1  }
0x8a: {  	s1 =	srdreg.scid  }
0x8b: {  	s0 =	sand.u32 $0x1, s1  }
0x8c: {  	s16 =	sshll.u32 s0, $0xA;
	s2 =	sadd.s32 s3, s2  }
0x8d: {  	s2 =	sadd.s32 s2, s16  }
0x8e: {  	[smem:$0x3FC2] =	sst s2  }
0x8f: {  	_ = 	snop  }
0x90: {  	(tm) =	ssettm $0x1  }
0x91: {  	s17 =	sld [smem:$0x3FFB];
	_ =	sdelay $0x3  }
0x92: {  	_ =	strace s17  }
0x93: {  	s2 =	sld [smem:$0x3FFC];
	_ =	sdelay $0x3  }
0x94: {  	_ =	strace s2  }
0x95: {  	s2 =	sld [smem:$0x3FFD];
	_ =	sdelay $0x3  }
0x96: {  	_ =	strace s2  }
0x97: {  	_ =	strace $0x8FFFFFFF  }
0x98: {  	s18 =	sld [smem:$0x3FDB];
	_ =	sdelay $0x1  }
0x99: {  	s19 =	simm.s32 $_scs_section_size  }
0x9a: {  	s4 =	simm.s32 $_size__tile_overlayer_lowered;
	s5 =	simm.s32 $_tile_overlayer_lowered  }
0x9b: {  	s22 =	simm.s32 $0x1BFF;
	s21 =	sshll.u32 s5, $0x1;
	s2 =	sadd.s32 s19, s18  }
0x9c: {  	s6 =	simm.s32 $0x0;
	s20 =	sshll.u32 s4, $0x1;
	s4 =	sadd.s32 s21, s2  }
0x9d: {  	[timem:s6], [sflag:s22] =	dma.local [hbm:s4], s20  }
0x9e: {  	_ =	swait.ge [sflag:s22], s20  }
0x9f: {  	s3 =	ssub.s32 $0x0, s20;
	[sflag:s22] =	ssyncset.done $0x0  }
0xa0: {  	[sflag:s22] =	ssyncadd.s32 s3;
	_ =	sdelay $0x1  }
0xa1: {  	s23 =	simm.s32 $0x1B8B  }
0xa2: {  	_ =	swait.ge [sflag:s23], $0x1  }
0xa3: {  	[sflag:s23] =	ssyncset.done $0x0  }
0xa4: {  	s25 =	simm.s32 $0x1B8E;
	s24 =	sld [smem:$0x3FFE];
	[sflag:s23] =	ssyncadd.s32 $0xFFFFFFFF  }
0xa5: {  	s26 =	simm.s32 $execute0_lowered;
	[smem:$0x3FD2] =	sst s25  }
0xa6: {  	s4 =	sshll.u32 s26, $0x1;
	_ =	strace $0x8000004F;
	[dreg:$0x1] =	wrdreg $0xFFFFFFFF  }
0xa7: {  	s28 =	simm.s32 $_size_execute0_lowered;
	s2 =	sadd.s32 s2, s4;
	[dreg:$0x0] =	wrdreg $0x0  }
0xa8: {  	s4 =	sshll.u32 s28, $0x1;
	[dreg:$0x2] =	wrdreg s2  }
0xa9: {  	[dreg:$0x3] =	wrdreg s4  }
0xaa: {  	[dreg:$0x4] =	wrdreg $0xC0  }
0xab: {  	_ =	task [dreg:s6], $0x5FFFF  }
0xac: {  	[dreg:$0x1] =	wrdreg $0xFFFFFFFF  }
0xad: {  	[dreg:$0x0] =	wrdreg $0x60  }
0xae: {  	[dreg:$0x2] =	wrdreg s24  }
0xaf: {  	[dreg:$0x3] =	wrdreg $0xB3000  }
0xb0: {  	[dreg:$0x4] =	wrdreg $0x9  }
0xb1: {  	_ =	task.clear_ibuf [dreg:s6], $0x5FFFF;
	_ =	strace $0x9000004F  }
0xb2: {  	s29 =	simm.s32 $0x9;
	_ =	strace $0x80000051  }
0xb3: {  	_ =	swait.ge [sflag:s29], $0x1  }
0xb4: {  	[sflag:s29] =	ssyncadd.s32 $0xFFFFFFFF  }
0xb5: {  	_ =	strace $0x90000051  }
0xb6: {  	_ =	sfence  }
0xb7: {  	s30 =	sld [smem:$0x0];
	_ =	sdelay $0x2  }
0xb8: {  	s31 =	sshll.u32 s1, $0xD;
	s1 =	sshrl.u32 s1, $0x2  }
0xb9: {  	s3 =	sand.u32 $0x4000, s31;
	s1 =	sadd.s32 s1, s30  }
0xba: {  	s0 =	sor.u32 s3, s0;
	s1 =	sshll.u32 s1, $0x11  }
0xbb: {  	s0 =	sor.u32 s1, s0  }
0xbc: {  	s0 =	sadd.s32 $0x8F2B, s0  }
0xbd: {  	[sflag:s0] =	ssyncadd.remote.s32 $0x1  }
0xbe: {  	_ =	sfence.sel $0xFFFF  }
0xbf: {  	[dreg:$0x0] =	wrdreg $0xFFFFFFFF;
	(pc) =	sbr.abs _section_cstart, $3  }
0xc0: {  	[dreg:$0x1] =	wrdreg $0xFFFFFFFF  }
0xc1: {  	_ =	task.clear_ibuf [dreg:s6], $0x2FFFF;
	_ =	strace $0x9FFFFFFF  }
0xc2: {  	(tm) =	ssettm $0x7FFFFFFF  }
0xc3: {  	_ =	shalt  }
tec
execute0_lowered:
.L_overlay_start_1:
0x0: {  	(tag) =	ssettag $0x1  }
0x1: {  	s0 =	srdreg.scid;
	s5 =	rddreg [dreg:$0x0]  }
0x2: {  	s11 =	stileid.u32;
	s2 =	rddreg [dreg:$0x1];
	s3 =	simm.s32 $0x0  }
0x3: {  	s14 =	simm.s32 $0x28;
	s15 =	simm.s32 $0x4F00;
	s16 =	simm.s32 $0x6300  }
0x4: {  	s18 =	simm.s32 $0x7700;
	s20 =	simm.s32 $0x8B00;
	s22 =	simm.s32 $0x9F00  }
0x5: {  	s28 =	simm.s32 $0x5;
	s29 =	simm.s32 $0x4DC8;
	s30 =	simm.s32 $0x4DF0  }
0x6: {  	s31 =	simm.s32 $0x4E18;
	s0 =	sand.u32 $0x1, s0;
	s1 =	sshll.u32 s11, $0x1  }
0x7: {  	s6 =	smul.u32 $0x2800, s11;
	[smem:$0x7FF] =	sst s3;
	s4 =	sadd.s32 $0xA4000, s5  }
0x8: {  	s8 =	smul.u32 $0x50000, s11;
	s26 =	sshll.u32 s11, $0x6;
	s11 =	simm.s32 $0x0  }
0x9: {  	s1 =	sor.u32 s0, s1;
	s7 =	smul.u32 $0x28000, s0;
	_ =	strace $0x80000050  }
0xa: {  	s0 =	ssub.s32 $0x2, s0;
	s12 =	sor.u32 $0x1C06, s26;
	s26 =	simm.s32 $0x4  }
0xb: {  	s1 =	smul.u32 $0x4E2, s1;
	s9 =	sadd.s32 s6, s5;
	s23 =	sshrl.u32 s0, $0x1  }
0xc: {  	s24 =	sshrl.u32 s8, $0x2;
	s7 =	sadd.s32 s6, s7;
	s0 =	ssub.s32 s0, s23  }
0xd: {  	s25 =	sadd.s32 s24, s2;
	s23 =	simm.s32 $0x1;
	s24 =	simm.s32 $0x2  }
0xe: {  	s1 =	sadd.s32 s1, s5;
	s10 =	sadd.s32 s7, s5;
	s7 =	sadd.s32 $0x2C000, s9  }
0xf: {  	s9 =	smax.u32 s0, $0x1;
	s13 =	sshrl.u32 s25, $0x3;
	s25 =	simm.s32 $0x3  }
0x10: {  	s0 =	simm.s32 $0x4E68;
	s5 =	sadd.s32 $0xDA00, s1;
	s6 =	sadd.s32 $0x3C00, s1  }
0x11: {  	s8 =	sadd.s32 $0xCC000, s10;
	s10 =	simm.s32 $0x6;
	s1 =	simm.s32 $0x4E40  }
.LBB2_1:
0x12: {  	[tilespmem:s3], [sflag:$0x6] =	stream.linear.gather [hbm4b:s5+s3], $0x2710, $0x38;
	[tilespmem:$0x1F300] =	vst v63  }
0x13: {  	_ =	swait.ge [sflag:s10], $0x2710  }
0x14: {  	[sflag:s10] =	ssyncset.done $0x0  }
0x15: {  	s17 =	simm.s32 $0x2780;
	[sflag:s10] =	ssyncadd.s32 $0xFFFFD8F0  }
0x16: {  	[tilespmem:s17], [sflag:$0x6] =	stream.linear.gather [hbm4b:s6+s3], $0x2710, $0x38;
	[tilespmem:$0x1F300] =	vst v63  }
0x17: {  	_ =	swait.ge [sflag:s10], $0x2710  }
0x18: {  	[sflag:s10] =	ssyncset.done $0x0  }
0x19: {  	[sflag:s10] =	ssyncadd.s32 $0xFFFFD8F0  }
0x1a: {  	[spmem:s13], [sflag:s12] =	dma.local [hbm:s7], $0x2800  }
0x1b: {  	_ =	swait.ge [sflag:s10], $0x2800  }
0x1c: {  	[sflag:s10] =	ssyncset.done $0x0  }
0x1d: {  	[sflag:s10] =	ssyncadd.s32 $0xFFFFD800  }
0x1e: {  	[bflag:$0x0] =	sbarrier.arrive $0xFFFF  }
0x1f: {  	[tilespmem:s15], [sflag:$0x1] =	stream.indirect.gather [hbm4b:s4+s14], $0x80, s3, s14, $0xb8;
	[tilespmem:$0x1F300] =	vst v63  }
0x20: {  	_ = 	snop  }
0x21: {  	[tilespmem:s16], [sflag:$0x2] =	stream.indirect.gather [hbm4b:s4+s14], $0x80, s14, s14, $0xb8;
	[tilespmem:$0x1F300] =	vst v63  }
0x22: {  	s19 =	simm.s32 $0x50  }
0x23: {  	[tilespmem:s18], [sflag:$0x3] =	stream.indirect.gather [hbm4b:s4+s14], $0x80, s19, s14, $0xb8;
	[tilespmem:$0x1F300] =	vst v63  }
0x24: {  	s21 =	simm.s32 $0x78  }
0x25: {  	[tilespmem:s20], [sflag:$0x4] =	stream.indirect.gather [hbm4b:s4+s14], $0x80, s21, s14, $0xb8;
	[tilespmem:$0x1F300] =	vst v63  }
0x26: {  	s19 =	simm.s32 $0xA0  }
0x27: {  	[tilespmem:s22], [sflag:$0x5] =	stream.indirect.gather [hbm4b:s4+s14], $0x80, s19, s14, $0xb8;
	[tilespmem:$0x1F300] =	vst v63  }
0x28: {  	_ =	swait.ge [sflag:s23], $0x1400  }
0x29: {  	[sflag:s23] =	ssyncset.done $0x0  }
0x2a: {  	s21 =	simm.s32 $0x2780;
	[sflag:s23] =	ssyncadd.s32 $0xFFFFEC00  }
0x2b: {  	[spmem:s2] =	stream.indirect.scatter.add.f32 [tilespmem:s15], [sflag:$0x6], $0x80, s21, s14, $0xb8;
	[tilespmem:$0x1F300] =	vst v63  }
0x2c: {  	_ =	swait.ge [sflag:s10], $0x1400  }
0x2d: {  	[sflag:s10] =	ssyncset.done $0x0  }
0x2e: {  	s19 =	simm.s32 $0xC8;
	[sflag:s10] =	ssyncadd.s32 $0xFFFFEC00  }
0x2f: {  	[tilespmem:s15], [sflag:$0x1] =	stream.indirect.gather [hbm4b:s4+s14], $0x80, s19, s14, $0xb8;
	[tilespmem:$0x1F300] =	vst v63  }
0x30: {  	_ =	swait.ge [sflag:s24], $0x1400  }
0x31: {  	[sflag:s24] =	ssyncset.done $0x0  }
0x32: {  	s21 =	simm.s32 $0x27A8;
	[sflag:s24] =	ssyncadd.s32 $0xFFFFEC00  }
0x33: {  	[spmem:s2] =	stream.indirect.scatter.add.f32 [tilespmem:s16], [sflag:$0x6], $0x80, s21, s14, $0xb8;
	[tilespmem:$0x1F300] =	vst v63  }
0x34: {  	_ =	swait.ge [sflag:s10], $0x1400  }
0x35: {  	[sflag:s10] =	ssyncset.done $0x0  }
0x36: {  	s19 =	simm.s32 $0xF0;
	[sflag:s10] =	ssyncadd.s32 $0xFFFFEC00  }
0x37: {  	[tilespmem:s16], [sflag:$0x2] =	stream.indirect.gather [hbm4b:s4+s14], $0x80, s19, s14, $0xb8;
	[tilespmem:$0x1F300] =	vst v63  }
0x38: {  	_ =	swait.ge [sflag:s25], $0x1400  }
0x39: {  	[sflag:s25] =	ssyncset.done $0x0  }
0x3a: {  	s21 =	simm.s32 $0x27D0;
	[sflag:s25] =	ssyncadd.s32 $0xFFFFEC00  }
0x3b: {  	[spmem:s2] =	stream.indirect.scatter.add.f32 [tilespmem:s18], [sflag:$0x6], $0x80, s21, s14, $0xb8;
	[tilespmem:$0x1F300] =	vst v63  }
0x3c: {  	_ =	swait.ge [sflag:s10], $0x1400  }
0x3d: {  	[sflag:s10] =	ssyncset.done $0x0  }
0x3e: {  	s19 =	simm.s32 $0x118;
	[sflag:s10] =	ssyncadd.s32 $0xFFFFEC00  }
0x3f: {  	[tilespmem:s18], [sflag:$0x3] =	stream.indirect.gather [hbm4b:s4+s14], $0x80, s19, s14, $0xb8;
	[tilespmem:$0x1F300] =	vst v63  }
0x40: {  	_ =	swait.ge [sflag:s26], $0x1400  }
0x41: {  	[sflag:s26] =	ssyncset.done $0x0  }
0x42: {  	s21 =	simm.s32 $0x27F8;
	[sflag:s26] =	ssyncadd.s32 $0xFFFFEC00  }
0x43: {  	[spmem:s2] =	stream.indirect.scatter.add.f32 [tilespmem:s20], [sflag:$0x6], $0x80, s21, s14, $0xb8;
	[tilespmem:$0x1F300] =	vst v63  }
0x44: {  	_ =	swait.ge [sflag:s10], $0x1400  }
0x45: {  	[sflag:s10] =	ssyncset.done $0x0  }
0x46: {  	s19 =	simm.s32 $0x140;
	[sflag:s10] =	ssyncadd.s32 $0xFFFFEC00  }
0x47: {  	[tilespmem:s20], [sflag:$0x4] =	stream.indirect.gather [hbm4b:s4+s14], $0x80, s19, s14, $0xb8;
	[tilespmem:$0x1F300] =	vst v63  }
0x48: {  	_ =	swait.ge [sflag:s28], $0x1400  }
0x49: {  	[sflag:s28] =	ssyncset.done $0x0  }
0x4a: {  	s21 =	simm.s32 $0x2820;
	[sflag:s28] =	ssyncadd.s32 $0xFFFFEC00  }
0x4b: {  	[spmem:s2] =	stream.indirect.scatter.add.f32 [tilespmem:s22], [sflag:$0x6], $0x80, s21, s14, $0xb8;
	[tilespmem:$0x1F300] =	vst v63  }
0x4c: {  	_ =	swait.ge [sflag:s10], $0x1400  }
0x4d: {  	[sflag:s10] =	ssyncset.done $0x0  }
0x4e: {  	s17 =	simm.s32 $0x320;
	s19 =	simm.s32 $0x168;
	[sflag:s10] =	ssyncadd.s32 $0xFFFFEC00  }
.LBB2_2:
0x4f: {  	[tilespmem:s22], [sflag:$0x5] =	stream.indirect.gather [hbm4b:s4+s14], $0x80, s19, s14, $0xb8;
	[tilespmem:$0x1F300] =	vst v63  }
0x50: {  	s19 =	smov.u32 s17  }
0x51: {  	p0 =	sne.s32 s17, $0x9600;
	s17 =	sadd.s32 $0x320, s17;
	_ =	swait.ge [sflag:s23], $0x1400  }
0x52: {  	s19 =	sshra.s32 s19, $0x2;
	[sflag:s23] =	ssyncset.done $0x0  }
0x53: {  	s21 =	sadd.s32 $0x2780, s19;
	[sflag:s23] =	ssyncadd.s32 $0xFFFFEC00  }
0x54: {  	[spmem:s2] =	stream.indirect.scatter.add.f32 [tilespmem:s15], [sflag:$0x6], $0x80, s21, s14, $0xb8;
	[tilespmem:$0x1F300] =	vst v63  }
0x55: {  	_ =	swait.ge [sflag:s10], $0x1400  }
0x56: {  	[sflag:s10] =	ssyncset.done $0x0  }
0x57: {  	s21 =	sadd.s32 $0xC8, s19;
	[sflag:s10] =	ssyncadd.s32 $0xFFFFEC00  }
0x58: {  	[tilespmem:s15], [sflag:$0x1] =	stream.indirect.gather [hbm4b:s4+s14], $0x80, s21, s14, $0xb8;
	[tilespmem:$0x1F300] =	vst v63  }
0x59: {  	_ =	swait.ge [sflag:s24], $0x1400  }
0x5a: {  	[sflag:s24] =	ssyncset.done $0x0  }
0x5b: {  	s21 =	sadd.s32 $0x27A8, s19;
	[sflag:s24] =	ssyncadd.s32 $0xFFFFEC00  }
0x5c: {  	[spmem:s2] =	stream.indirect.scatter.add.f32 [tilespmem:s16], [sflag:$0x6], $0x80, s21, s14, $0xb8;
	[tilespmem:$0x1F300] =	vst v63  }
0x5d: {  	_ =	swait.ge [sflag:s10], $0x1400  }
0x5e: {  	[sflag:s10] =	ssyncset.done $0x0  }
0x5f: {  	s21 =	sadd.s32 $0xF0, s19;
	[sflag:s10] =	ssyncadd.s32 $0xFFFFEC00  }
0x60: {  	[tilespmem:s16], [sflag:$0x2] =	stream.indirect.gather [hbm4b:s4+s14], $0x80, s21, s14, $0xb8;
	[tilespmem:$0x1F300] =	vst v63  }
0x61: {  	_ =	swait.ge [sflag:s25], $0x1400  }
0x62: {  	[sflag:s25] =	ssyncset.done $0x0  }
0x63: {  	s21 =	sadd.s32 $0x27D0, s19;
	[sflag:s25] =	ssyncadd.s32 $0xFFFFEC00  }
0x64: {  	[spmem:s2] =	stream.indirect.scatter.add.f32 [tilespmem:s18], [sflag:$0x6], $0x80, s21, s14, $0xb8;
	[tilespmem:$0x1F300] =	vst v63  }
0x65: {  	_ =	swait.ge [sflag:s10], $0x1400  }
0x66: {  	[sflag:s10] =	ssyncset.done $0x0  }
0x67: {  	s21 =	sadd.s32 $0x118, s19;
	[sflag:s10] =	ssyncadd.s32 $0xFFFFEC00  }
0x68: {  	[tilespmem:s18], [sflag:$0x3] =	stream.indirect.gather [hbm4b:s4+s14], $0x80, s21, s14, $0xb8;
	[tilespmem:$0x1F300] =	vst v63  }
0x69: {  	_ =	swait.ge [sflag:s26], $0x1400  }
0x6a: {  	[sflag:s26] =	ssyncset.done $0x0  }
0x6b: {  	s21 =	sadd.s32 $0x27F8, s19;
	[sflag:s26] =	ssyncadd.s32 $0xFFFFEC00  }
0x6c: {  	[spmem:s2] =	stream.indirect.scatter.add.f32 [tilespmem:s20], [sflag:$0x6], $0x80, s21, s14, $0xb8;
	[tilespmem:$0x1F300] =	vst v63  }
0x6d: {  	_ =	swait.ge [sflag:s10], $0x1400  }
0x6e: {  	[sflag:s10] =	ssyncset.done $0x0  }
0x6f: {  	s21 =	sadd.s32 $0x140, s19;
	[sflag:s10] =	ssyncadd.s32 $0xFFFFEC00  }
0x70: {  	[tilespmem:s20], [sflag:$0x4] =	stream.indirect.gather [hbm4b:s4+s14], $0x80, s21, s14, $0xb8;
	[tilespmem:$0x1F300] =	vst v63  }
0x71: {  	_ =	swait.ge [sflag:s28], $0x1400  }
0x72: {  	[sflag:s28] =	ssyncset.done $0x0  }
.Ltmp0:
0x73: {  	s21 =	sadd.s32 $0x2820, s19;
	[sflag:s28] =	ssyncadd.s32 $0xFFFFEC00;
	(pc) =	sbr.rel @p0 .LBB2_2-.Ltmp0, $4  }
0x74: {  	[spmem:s2] =	stream.indirect.scatter.add.f32 [tilespmem:s22], [sflag:$0x6], $0x80, s21, s14, $0xb8;
	[tilespmem:$0x1F300] =	vst v63  }
0x75: {  	_ =	swait.ge [sflag:s10], $0x1400  }
0x76: {  	[sflag:s10] =	ssyncset.done $0x0  }
0x77: {  	s19 =	sadd.s32 $0x168, s19;
	[sflag:s10] =	ssyncadd.s32 $0xFFFFEC00  }
0x78: {  	[tilespmem:s22], [sflag:$0x5] =	stream.indirect.gather [hbm4b:s4+s14], $0x80, s19, s14, $0xb8;
	[tilespmem:$0x1F300] =	vst v63  }
0x79: {  	_ =	swait.ge [sflag:s23], $0x1400  }
0x7a: {  	[sflag:s23] =	ssyncset.done $0x0  }
0x7b: {  	[sflag:s23] =	ssyncadd.s32 $0xFFFFEC00  }
0x7c: {  	[spmem:s2] =	stream.indirect.scatter.add.f32 [tilespmem:s15], [sflag:$0x6], $0x80, s29, s14, $0xb8;
	[tilespmem:$0x1F300] =	vst v63  }
0x7d: {  	_ =	swait.ge [sflag:s10], $0x1400  }
0x7e: {  	[sflag:s10] =	ssyncset.done $0x0  }
0x7f: {  	[sflag:s10] =	ssyncadd.s32 $0xFFFFEC00  }
0x80: {  	_ =	swait.ge [sflag:s24], $0x1400  }
0x81: {  	[sflag:s24] =	ssyncset.done $0x0  }
0x82: {  	[sflag:s24] =	ssyncadd.s32 $0xFFFFEC00  }
0x83: {  	[spmem:s2] =	stream.indirect.scatter.add.f32 [tilespmem:s16], [sflag:$0x6], $0x80, s30, s14, $0xb8;
	[tilespmem:$0x1F300] =	vst v63  }
0x84: {  	_ =	swait.ge [sflag:s10], $0x1400  }
0x85: {  	[sflag:s10] =	ssyncset.done $0x0  }
0x86: {  	[sflag:s10] =	ssyncadd.s32 $0xFFFFEC00  }
0x87: {  	_ =	swait.ge [sflag:s25], $0x1400  }
0x88: {  	[sflag:s25] =	ssyncset.done $0x0  }
0x89: {  	[sflag:s25] =	ssyncadd.s32 $0xFFFFEC00  }
0x8a: {  	[spmem:s2] =	stream.indirect.scatter.add.f32 [tilespmem:s18], [sflag:$0x6], $0x80, s31, s14, $0xb8;
	[tilespmem:$0x1F300] =	vst v63  }
0x8b: {  	_ =	swait.ge [sflag:s10], $0x1400  }
0x8c: {  	[sflag:s10] =	ssyncset.done $0x0  }
0x8d: {  	[sflag:s10] =	ssyncadd.s32 $0xFFFFEC00  }
0x8e: {  	_ =	swait.ge [sflag:s26], $0x1400  }
0x8f: {  	[sflag:s26] =	ssyncset.done $0x0  }
0x90: {  	[sflag:s26] =	ssyncadd.s32 $0xFFFFEC00  }
0x91: {  	[spmem:s2] =	stream.indirect.scatter.add.f32 [tilespmem:s20], [sflag:$0x6], $0x80, s1, s14, $0xb8;
	[tilespmem:$0x1F300] =	vst v63  }
0x92: {  	_ =	swait.ge [sflag:s10], $0x1400  }
0x93: {  	[sflag:s10] =	ssyncset.done $0x0  }
0x94: {  	[sflag:s10] =	ssyncadd.s32 $0xFFFFEC00  }
0x95: {  	_ =	swait.ge [sflag:s28], $0x1400  }
0x96: {  	[sflag:s28] =	ssyncset.done $0x0  }
0x97: {  	[sflag:s28] =	ssyncadd.s32 $0xFFFFEC00  }
0x98: {  	[spmem:s2] =	stream.indirect.scatter.add.f32 [tilespmem:s22], [sflag:$0x6], $0x80, s0, s14, $0xb8;
	[tilespmem:$0x1F300] =	vst v63  }
0x99: {  	_ =	swait.ge [sflag:s10], $0x1400  }
0x9a: {  	s11 =	sadd.s32 $0x1, s11;
	[sflag:s10] =	ssyncset.done $0x0  }
0x9b: {  	p0 =	sne.s32 s11, s9;
	[sflag:s10] =	ssyncadd.s32 $0xFFFFEC00  }
.Ltmp1:
0x9c: {  	[bflag:$0x0] =	sbarrier.arrive $0xFFFF;
	(pc) =	sbr.rel @p0 .LBB2_1-.Ltmp1, $4  }
0x9d: {  	[hbm:s8], [sflag:s12] =	dma.local [spmem:s13], $0x2800  }
0x9e: {  	_ =	swait.ge [sflag:s10], $0x2800  }
0x9f: {  	[sflag:s10] =	ssyncset.done $0x0  }
0xa0: {  	[sflag:s10] =	ssyncadd.s32 $0xFFFFD800  }
0xa1: {  	_ =	sfence.sel $0x180000  }
0xa2: {  	[bflag:$0x0] =	sbarrier.arrive $0xFFFF  }
0xa3: {  	_ =	strace $0x90000050  }
0xa4: {  	s0 =	stileid.u32;
	[bflag:$0x2] =	sbarrier.arrive $0xFFFF  }
0xa5: {  	p0 =	sne.s32 s0, $0x0;
	s0 =	rddreg [dreg:$0x2]  }
0xa6: {  	s0 =	sadd.s32 @!p0 $0x100000, s0  }
0xa7: {  	[sflag:s0] =	ssyncadd.tile.s32 @!p0 $0x1;
	_ =	shalt  }
.Lfunc_end2:
_tile_overlayer_lowered:
.L_overlay_start_2:
0xa8: {  	(tag) =	ssettag $0x2  }
0xa9: {  	s0 =	rddreg [dreg:$0x0];
	s2 =	stileid.u32  }
0xaa: {  	s1 =	rddreg [dreg:$0x1];
	p0 =	sne.s32 s2, $0x0  }
0xab: {  	s3 =	rddreg [dreg:$0x2];
	[bflag:$0x3] =	sbarrier.arrive $0xFFFF;
	s2 =	simm.s32 @!p0 $0x1C06  }
0xac: {  	[timem:s3], [sflag:s2] =	dma.local @!p0 [hbm:s0], s1  }
0xad: {  	s0 =	simm.s32 @!p0 $0x6  }
0xae: {  	_ =	swait.ge @!p0 [sflag:s0], s1  }
0xaf: {  	s1 =	ssub.s32 @!p0 $0x0, s1;
	[sflag:s0] =	ssyncset.done @!p0 $0x0  }
0xb0: {  	[sflag:s0] =	ssyncadd.s32 @!p0 s1  }
0xb1: {  	[bflag:$0x3] =	sbarrier.arrive $0xFFFF  }
0xb2: {  	_ =	shalt  }

// kernel: kernel.24.cloned.1.call-start
scs
__scs_entry_jumppad:
0x0: {  	(pc) =	sbr.rel $0x88, $3  }
0x1: {  	(tag) =	ssettag $0x0;
	lr =	simm.s32 $0x1  }
0x2: {  	[smem:$0x3F9B] =	sst lr;
	_ =	strace $0xD0000000  }
0x3: {  	_ = 	snop  }
0x4: {  	_ = 	snop  }
0x5: {  	_ = 	snop  }
0x6: {  	_ = 	snop  }
0x7: {  	_ = 	snop  }
__scs_overlays_trampoline_lowered:
0x8: {  	[smem:$0x3FAA] =	sst s0  }
0x9: {  	[smem:$0x3FAB] =	sst s1  }
0xa: {  	[smem:$0x3FAC] =	sst s2  }
0xb: {  	[smem:$0x3FAD] =	sst s3  }
0xc: {  	[smem:$0x3FAE] =	sst s4  }
0xd: {  	[smem:$0x3FAF] =	sst s5  }
0xe: {  	[smem:$0x3FB0] =	sst s6  }
0xf: {  	[smem:$0x3FB1] =	sst s7  }
0x10: {  	[smem:$0x3FB2] =	sst s8  }
0x11: {  	[smem:$0x3FB3] =	sst s9;
	s0 =	simm.s32 @!p0 $0x0  }
0x12: {  	s1 =	sld [smem:$0x3F99];
	s0 =	simm.s32 @p0 $0x1  }
0x13: {  	[smem:$0x3FB4] =	sst s0;
	s0 =	simm.s32 @!p1 $0x0  }
0x14: {  	s2 =	sld [smem:$0x3F98];
	s0 =	simm.s32 @p1 $0x1  }
0x15: {  	[smem:$0x3FB5] =	sst s0;
	s0 =	simm.s32 @!p2 $0x0  }
0x16: {  	s3 =	sld [smem:$0x3FDB];
	s0 =	simm.s32 @p2 $0x1  }
0x17: {  	s4 =	simm.s32 $0x1BF5;
	[smem:$0x3FB7] =	sst s0  }
0x18: {  	s0 =	sld [smem:$0x3F9A];
	_ =	swait.ge [sflag:s4], $0x0  }
0x19: {  	s7 =	sld [smem:$0x3F9B]  }
0x1a: {  	s8 =	sadd.s32 $0xFFFFE003, lr  }
0x1b: {  	s9 =	sadd.s32 $0xFFFFFEF7, lr;
	s5 =	simm.s32 $0xFFFFFFFF;
	p2 =	slt.u32 s8, $0xFFFFF086  }
0x1c: {  	p1 =	slt.u32 s9, $0xF7A;
	s5 =	simm.s32 @!p2 $0x0  }
0x1d: {  	s5 =	simm.s32 @p1 $0x1;
	p0 =	seq.s32 s7, s2  }
0x1e: {  	s7 =	smul.u32 @!p0 $0xF7A, s2;
	p2 =	seq.s32 @!p0 s5, $0x0  }
0x1f: {  	s9 =	smul.u32 $0xF7A, s1;
	s8 =	simm.s32 @!p0 $0x1BF5;
	p2 =	por !p2, p0  }
0x20: {  	[sflag:s8] =	ssyncset.s32 @!p0 $0xFFFFF086;
	s6 =	sadd.s32 @!p0 s3, s7;
	s7 =	simm.s32 @!p0 $0x108  }
0x21: {  	s3 =	sadd.s32 s3, s9;
	s6 =	sadd.s32 @!p0 $0x88, s6;
	s7 =	simm.s32 @p2 $0x1082  }
0x22: {  	[simem:s7], [sflag:s8] =	dma.local @!p0 [hbm:s6], $0xF7A  }
0x23: {  	s9 =	sor.u32 $0xD0000000, s2;
	s6 =	simm.s32 $0x108;
	_ =	swait.ge @!p0 [sflag:s8], $0x0  }
0x24: {  	s3 =	sadd.s32 $0x88, s3;
	s6 =	simm.s32 @!p1 $0x1082;
	[sflag:s4] =	ssyncset.s32 $0xFFFFF086  }
0x25: {  	[simem:s6], [sflag:s4] =	dma.local [hbm:s3], $0xF7A  }
0x26: {  	[smem:$0x3F9B] =	sst s1;
	(tag) =	ssettag s2;
	_ =	strace s9  }
0x27: {  	s1 =	sld [smem:$0x3FAB]  }
0x28: {  	s2 =	sld [smem:$0x3FAC]  }
0x29: {  	s4 =	sld [smem:$0x3FAE]  }
0x2a: {  	p0 =	seq.s32 s5, $0x0;
	s5 =	sld [smem:$0x3FAF]  }
0x2b: {  	s6 =	sld [smem:$0x3FB0]  }
0x2c: {  	s7 =	sld [smem:$0x3FB1]  }
0x2d: {  	s3 =	simm.s32 $0x108;
	s8 =	sld [smem:$0x3FB2]  }
0x2e: {  	s3 =	simm.s32 @!p0 $0x1082;
	s9 =	sld [smem:$0x3FB3]  }
0x2f: {  	lr =	sadd.s32 s0, s3;
	s0 =	sld [smem:$0x3FAA]  }
0x30: {  	s3 =	sld [smem:$0x3FAD]  }
0x31: {  	[smem:$0x3FB6] =	sst s10  }
0x32: {  	s10 =	sld [smem:$0x3FB4];
	_ =	sdelay $0x3  }
0x33: {  	p0 =	seq.s32 s10, $0x1;
	s10 =	sld [smem:$0x3FB6];
	_ =	sdelay $0x3  }
0x34: {  	[smem:$0x3FB6] =	sst s10  }
0x35: {  	s10 =	sld [smem:$0x3FB5];
	_ =	sdelay $0x3  }
0x36: {  	p1 =	seq.s32 s10, $0x1;
	s10 =	sld [smem:$0x3FB6];
	_ =	sdelay $0x3  }
0x37: {  	[smem:$0x3FB6] =	sst s10  }
0x38: {  	s10 =	sld [smem:$0x3FB7]  }
0x39: {  	_ = 	snop;
	(pc) =	sbr.ind lr, $3  }
0x3a: {  	_ = 	snop  }
0x3b: {  	_ = 	snop  }
0x3c: {  	p2 =	seq.s32 s10, $0x1;
	s10 =	sld [smem:$0x3FB6]  }
0x3d: {  	_ =	shalt  }
0x3e: {  	_ =	shalt  }
0x3f: {  	_ =	shalt  }
0x40: {  	_ =	shalt  }
0x41: {  	_ =	shalt  }
0x42: {  	_ =	shalt  }
0x43: {  	_ =	shalt  }
0x44: {  	_ =	shalt  }
0x45: {  	_ =	shalt  }
0x46: {  	_ =	shalt  }
0x47: {  	_ =	shalt  }
0x48: {  	_ =	shalt  }
0x49: {  	_ =	shalt  }
0x4a: {  	_ =	shalt  }
0x4b: {  	_ =	shalt  }
0x4c: {  	_ =	shalt  }
0x4d: {  	_ =	shalt  }
0x4e: {  	_ =	shalt  }
0x4f: {  	_ =	shalt  }
0x50: {  	_ =	shalt  }
0x51: {  	_ =	shalt  }
0x52: {  	_ =	shalt  }
0x53: {  	_ =	shalt  }
0x54: {  	_ =	shalt  }
0x55: {  	_ =	shalt  }
0x56: {  	_ =	shalt  }
0x57: {  	_ =	shalt  }
0x58: {  	_ =	shalt  }
0x59: {  	_ =	shalt  }
0x5a: {  	_ =	shalt  }
0x5b: {  	_ =	shalt  }
0x5c: {  	_ =	shalt  }
0x5d: {  	_ =	shalt  }
0x5e: {  	_ =	shalt  }
0x5f: {  	_ =	shalt  }
0x60: {  	_ =	shalt  }
0x61: {  	_ =	shalt  }
0x62: {  	_ =	shalt  }
0x63: {  	_ =	shalt  }
0x64: {  	_ =	shalt  }
0x65: {  	_ =	shalt  }
0x66: {  	_ =	shalt  }
0x67: {  	_ =	shalt  }
0x68: {  	_ =	shalt  }
0x69: {  	_ =	shalt  }
0x6a: {  	_ =	shalt  }
0x6b: {  	_ =	shalt  }
0x6c: {  	_ =	shalt  }
0x6d: {  	_ =	shalt  }
0x6e: {  	_ =	shalt  }
0x6f: {  	_ =	shalt  }
0x70: {  	_ =	shalt  }
0x71: {  	_ =	shalt  }
0x72: {  	_ =	shalt  }
0x73: {  	_ =	shalt  }
0x74: {  	_ =	shalt  }
0x75: {  	_ =	shalt  }
0x76: {  	_ =	shalt  }
0x77: {  	_ =	shalt  }
0x78: {  	_ =	shalt  }
0x79: {  	_ =	shalt  }
0x7a: {  	_ =	shalt  }
0x7b: {  	_ =	shalt  }
0x7c: {  	_ =	shalt  }
0x7d: {  	_ =	shalt  }
0x7e: {  	_ =	shalt  }
0x7f: {  	_ =	shalt  }
0x80: {  	_ =	shalt  }
0x81: {  	_ =	shalt  }
0x82: {  	_ =	shalt  }
0x83: {  	_ =	shalt  }
0x84: {  	_ =	shalt  }
0x85: {  	_ =	shalt  }
0x86: {  	_ =	shalt  }
0x87: {  	_ =	shalt  }
.Lfunc_end0:
.L_simem_size_0:
called_computation.4_lowered:
.L_overlay_start_0:
0x88: {  	s2 =	sld [smem:$0x3FD9]  }
0x89: {  	s3 =	sld [smem:$0x3FFE];
	_ =	sdelay $0x1  }
0x8a: {  	s1 =	srdreg.scid  }
0x8b: {  	s0 =	sand.u32 $0x1, s1  }
0x8c: {  	s16 =	sshll.u32 s0, $0xA;
	s2 =	sadd.s32 s3, s2  }
0x8d: {  	s2 =	sadd.s32 s2, s16  }
0x8e: {  	[smem:$0x3FC2] =	sst s2  }
0x8f: {  	_ = 	snop  }
0x90: {  	(tm) =	ssettm $0x1  }
0x91: {  	s17 =	sld [smem:$0x3FFB];
	_ =	sdelay $0x3  }
0x92: {  	_ =	strace s17  }
0x93: {  	s2 =	sld [smem:$0x3FFC];
	_ =	sdelay $0x3  }
0x94: {  	_ =	strace s2  }
0x95: {  	s2 =	sld [smem:$0x3FFD];
	_ =	sdelay $0x3  }
0x96: {  	_ =	strace s2  }
0x97: {  	_ =	strace $0x8FFFFFFF  }
0x98: {  	s18 =	sld [smem:$0x3FDB];
	_ =	sdelay $0x1  }
0x99: {  	s19 =	simm.s32 $_scs_section_size  }
0x9a: {  	s4 =	simm.s32 $_size__tile_overlayer_lowered;
	s5 =	simm.s32 $_tile_overlayer_lowered  }
0x9b: {  	s22 =	simm.s32 $0x1BFF;
	s21 =	sshll.u32 s5, $0x1;
	s2 =	sadd.s32 s19, s18  }
0x9c: {  	s6 =	simm.s32 $0x0;
	s20 =	sshll.u32 s4, $0x1;
	s4 =	sadd.s32 s21, s2  }
0x9d: {  	[timem:s6], [sflag:s22] =	dma.local [hbm:s4], s20  }
0x9e: {  	_ =	swait.ge [sflag:s22], s20  }
0x9f: {  	s3 =	ssub.s32 $0x0, s20;
	[sflag:s22] =	ssyncset.done $0x0  }
0xa0: {  	[sflag:s22] =	ssyncadd.s32 s3;
	_ =	sdelay $0x1  }
0xa1: {  	s23 =	simm.s32 $0x1B8B  }
0xa2: {  	_ =	swait.ge [sflag:s23], $0x1  }
0xa3: {  	[sflag:s23] =	ssyncset.done $0x0  }
0xa4: {  	s25 =	simm.s32 $0x1B8E;
	s24 =	sld [smem:$0x3FFE];
	[sflag:s23] =	ssyncadd.s32 $0xFFFFFFFF  }
0xa5: {  	s26 =	simm.s32 $execute0_lowered;
	[smem:$0x3FD2] =	sst s25  }
0xa6: {  	s4 =	sshll.u32 s26, $0x1;
	_ =	strace $0x80000052;
	[dreg:$0x1] =	wrdreg $0xFFFFFFFF  }
0xa7: {  	s28 =	simm.s32 $_size_execute0_lowered;
	s2 =	sadd.s32 s2, s4;
	[dreg:$0x0] =	wrdreg $0x0  }
0xa8: {  	s4 =	sshll.u32 s28, $0x1;
	[dreg:$0x2] =	wrdreg s2  }
0xa9: {  	[dreg:$0x3] =	wrdreg s4  }
0xaa: {  	[dreg:$0x4] =	wrdreg $0xC0  }
0xab: {  	_ =	task [dreg:s6], $0x5FFFF  }
0xac: {  	[dreg:$0x1] =	wrdreg $0xFFFFFFFF  }
0xad: {  	[dreg:$0x0] =	wrdreg $0x60  }
0xae: {  	[dreg:$0x2] =	wrdreg s24  }
0xaf: {  	[dreg:$0x3] =	wrdreg $0xB3000  }
0xb0: {  	[dreg:$0x4] =	wrdreg $0x9  }
0xb1: {  	_ =	task.clear_ibuf [dreg:s6], $0x5FFFF;
	_ =	strace $0x90000052  }
0xb2: {  	s29 =	simm.s32 $0x9;
	_ =	strace $0x80000054  }
0xb3: {  	_ =	swait.ge [sflag:s29], $0x1  }
0xb4: {  	[sflag:s29] =	ssyncadd.s32 $0xFFFFFFFF  }
0xb5: {  	_ =	strace $0x90000054  }
0xb6: {  	_ =	sfence  }
0xb7: {  	s30 =	sld [smem:$0x0];
	_ =	sdelay $0x2  }
0xb8: {  	s31 =	sshll.u32 s1, $0xD;
	s1 =	sshrl.u32 s1, $0x2  }
0xb9: {  	s3 =	sand.u32 $0x4000, s31;
	s1 =	sadd.s32 s1, s30  }
0xba: {  	s0 =	sor.u32 s3, s0;
	s1 =	sshll.u32 s1, $0x11  }
0xbb: {  	s0 =	sor.u32 s1, s0  }
0xbc: {  	s0 =	sadd.s32 $0x8F2B, s0  }
0xbd: {  	[sflag:s0] =	ssyncadd.remote.s32 $0x1  }
0xbe: {  	_ =	sfence.sel $0xFFFF  }
0xbf: {  	[dreg:$0x0] =	wrdreg $0xFFFFFFFF;
	(pc) =	sbr.abs _section_cstart, $3  }
0xc0: {  	[dreg:$0x1] =	wrdreg $0xFFFFFFFF  }
0xc1: {  	_ =	task.clear_ibuf [dreg:s6], $0x2FFFF;
	_ =	strace $0x9FFFFFFF  }
0xc2: {  	(tm) =	ssettm $0x7FFFFFFF  }
0xc3: {  	_ =	shalt  }
tec
execute0_lowered:
.L_overlay_start_1:
0x0: {  	(tag) =	ssettag $0x1  }
0x1: {  	s0 =	srdreg.scid;
	s5 =	rddreg [dreg:$0x0]  }
0x2: {  	s11 =	stileid.u32;
	s2 =	rddreg [dreg:$0x1];
	s3 =	simm.s32 $0x0  }
0x3: {  	s14 =	simm.s32 $0x28;
	s15 =	simm.s32 $0x4F00;
	s16 =	simm.s32 $0x6300  }
0x4: {  	s18 =	simm.s32 $0x7700;
	s20 =	simm.s32 $0x8B00;
	s22 =	simm.s32 $0x9F00  }
0x5: {  	s28 =	simm.s32 $0x5;
	s29 =	simm.s32 $0x4DC8;
	s30 =	simm.s32 $0x4DF0  }
0x6: {  	s31 =	simm.s32 $0x4E18;
	s0 =	sand.u32 $0x1, s0;
	s1 =	sshll.u32 s11, $0x1  }
0x7: {  	s6 =	smul.u32 $0x2800, s11;
	[smem:$0x7FF] =	sst s3;
	s4 =	sadd.s32 $0xA4000, s5  }
0x8: {  	s8 =	smul.u32 $0x50000, s11;
	s26 =	sshll.u32 s11, $0x6;
	s11 =	simm.s32 $0x0  }
0x9: {  	s1 =	sor.u32 s0, s1;
	s7 =	smul.u32 $0x28000, s0;
	_ =	strace $0x80000053  }
0xa: {  	s0 =	ssub.s32 $0x2, s0;
	s12 =	sor.u32 $0x1C06, s26;
	s26 =	simm.s32 $0x4  }
0xb: {  	s1 =	smul.u32 $0x4E2, s1;
	s9 =	sadd.s32 s6, s5;
	s23 =	sshrl.u32 s0, $0x1  }
0xc: {  	s24 =	sshrl.u32 s8, $0x2;
	s7 =	sadd.s32 s6, s7;
	s0 =	ssub.s32 s0, s23  }
0xd: {  	s25 =	sadd.s32 s24, s2;
	s23 =	simm.s32 $0x1;
	s24 =	simm.s32 $0x2  }
0xe: {  	s1 =	sadd.s32 s1, s5;
	s10 =	sadd.s32 s7, s5;
	s7 =	sadd.s32 $0x2C000, s9  }
0xf: {  	s9 =	smax.u32 s0, $0x1;
	s13 =	sshrl.u32 s25, $0x3;
	s25 =	simm.s32 $0x3  }
0x10: {  	s0 =	simm.s32 $0x4E68;
	s5 =	sadd.s32 $0x3C00, s1;
	s6 =	sadd.s32 $0xDA00, s1  }
0x11: {  	s8 =	sadd.s32 $0xCC000, s10;
	s10 =	simm.s32 $0x6;
	s1 =	simm.s32 $0x4E40  }
.LBB2_1:
0x12: {  	[tilespmem:s3], [sflag:$0x6] =	stream.linear.gather [hbm4b:s5+s3], $0x2710, $0x38;
	[tilespmem:$0x1F300] =	vst v63  }
0x13: {  	_ =	swait.ge [sflag:s10], $0x2710  }
0x14: {  	[sflag:s10] =	ssyncset.done $0x0  }
0x15: {  	s17 =	simm.s32 $0x2780;
	[sflag:s10] =	ssyncadd.s32 $0xFFFFD8F0  }
0x16: {  	[tilespmem:s17], [sflag:$0x6] =	stream.linear.gather [hbm4b:s6+s3], $0x2710, $0x38;
	[tilespmem:$0x1F300] =	vst v63  }
0x17: {  	_ =	swait.ge [sflag:s10], $0x2710  }
0x18: {  	[sflag:s10] =	ssyncset.done $0x0  }
0x19: {  	[sflag:s10] =	ssyncadd.s32 $0xFFFFD8F0  }
0x1a: {  	[spmem:s13], [sflag:s12] =	dma.local [hbm:s7], $0x2800  }
0x1b: {  	_ =	swait.ge [sflag:s10], $0x2800  }
0x1c: {  	[sflag:s10] =	ssyncset.done $0x0  }
0x1d: {  	[sflag:s10] =	ssyncadd.s32 $0xFFFFD800  }
0x1e: {  	[bflag:$0x0] =	sbarrier.arrive $0xFFFF  }
0x1f: {  	[tilespmem:s15], [sflag:$0x1] =	stream.indirect.gather [hbm4b:s4+s14], $0x80, s3, s14, $0xb8;
	[tilespmem:$0x1F300] =	vst v63  }
0x20: {  	_ = 	snop  }
0x21: {  	[tilespmem:s16], [sflag:$0x2] =	stream.indirect.gather [hbm4b:s4+s14], $0x80, s14, s14, $0xb8;
	[tilespmem:$0x1F300] =	vst v63  }
0x22: {  	s19 =	simm.s32 $0x50  }
0x23: {  	[tilespmem:s18], [sflag:$0x3] =	stream.indirect.gather [hbm4b:s4+s14], $0x80, s19, s14, $0xb8;
	[tilespmem:$0x1F300] =	vst v63  }
0x24: {  	s21 =	simm.s32 $0x78  }
0x25: {  	[tilespmem:s20], [sflag:$0x4] =	stream.indirect.gather [hbm4b:s4+s14], $0x80, s21, s14, $0xb8;
	[tilespmem:$0x1F300] =	vst v63  }
0x26: {  	s19 =	simm.s32 $0xA0  }
0x27: {  	[tilespmem:s22], [sflag:$0x5] =	stream.indirect.gather [hbm4b:s4+s14], $0x80, s19, s14, $0xb8;
	[tilespmem:$0x1F300] =	vst v63  }
0x28: {  	_ =	swait.ge [sflag:s23], $0x1400  }
0x29: {  	[sflag:s23] =	ssyncset.done $0x0  }
0x2a: {  	s21 =	simm.s32 $0x2780;
	[sflag:s23] =	ssyncadd.s32 $0xFFFFEC00  }
0x2b: {  	[spmem:s2] =	stream.indirect.scatter.add.f32 [tilespmem:s15], [sflag:$0x6], $0x80, s21, s14, $0xb8;
	[tilespmem:$0x1F300] =	vst v63  }
0x2c: {  	_ =	swait.ge [sflag:s10], $0x1400  }
0x2d: {  	[sflag:s10] =	ssyncset.done $0x0  }
0x2e: {  	s19 =	simm.s32 $0xC8;
	[sflag:s10] =	ssyncadd.s32 $0xFFFFEC00  }
0x2f: {  	[tilespmem:s15], [sflag:$0x1] =	stream.indirect.gather [hbm4b:s4+s14], $0x80, s19, s14, $0xb8;
	[tilespmem:$0x1F300] =	vst v63  }
0x30: {  	_ =	swait.ge [sflag:s24], $0x1400  }
0x31: {  	[sflag:s24] =	ssyncset.done $0x0  }
0x32: {  	s21 =	simm.s32 $0x27A8;
	[sflag:s24] =	ssyncadd.s32 $0xFFFFEC00  }
0x33: {  	[spmem:s2] =	stream.indirect.scatter.add.f32 [tilespmem:s16], [sflag:$0x6], $0x80, s21, s14, $0xb8;
	[tilespmem:$0x1F300] =	vst v63  }
0x34: {  	_ =	swait.ge [sflag:s10], $0x1400  }
0x35: {  	[sflag:s10] =	ssyncset.done $0x0  }
0x36: {  	s19 =	simm.s32 $0xF0;
	[sflag:s10] =	ssyncadd.s32 $0xFFFFEC00  }
0x37: {  	[tilespmem:s16], [sflag:$0x2] =	stream.indirect.gather [hbm4b:s4+s14], $0x80, s19, s14, $0xb8;
	[tilespmem:$0x1F300] =	vst v63  }
0x38: {  	_ =	swait.ge [sflag:s25], $0x1400  }
0x39: {  	[sflag:s25] =	ssyncset.done $0x0  }
0x3a: {  	s21 =	simm.s32 $0x27D0;
	[sflag:s25] =	ssyncadd.s32 $0xFFFFEC00  }
0x3b: {  	[spmem:s2] =	stream.indirect.scatter.add.f32 [tilespmem:s18], [sflag:$0x6], $0x80, s21, s14, $0xb8;
	[tilespmem:$0x1F300] =	vst v63  }
0x3c: {  	_ =	swait.ge [sflag:s10], $0x1400  }
0x3d: {  	[sflag:s10] =	ssyncset.done $0x0  }
0x3e: {  	s19 =	simm.s32 $0x118;
	[sflag:s10] =	ssyncadd.s32 $0xFFFFEC00  }
0x3f: {  	[tilespmem:s18], [sflag:$0x3] =	stream.indirect.gather [hbm4b:s4+s14], $0x80, s19, s14, $0xb8;
	[tilespmem:$0x1F300] =	vst v63  }
0x40: {  	_ =	swait.ge [sflag:s26], $0x1400  }
0x41: {  	[sflag:s26] =	ssyncset.done $0x0  }
0x42: {  	s21 =	simm.s32 $0x27F8;
	[sflag:s26] =	ssyncadd.s32 $0xFFFFEC00  }
0x43: {  	[spmem:s2] =	stream.indirect.scatter.add.f32 [tilespmem:s20], [sflag:$0x6], $0x80, s21, s14, $0xb8;
	[tilespmem:$0x1F300] =	vst v63  }
0x44: {  	_ =	swait.ge [sflag:s10], $0x1400  }
0x45: {  	[sflag:s10] =	ssyncset.done $0x0  }
0x46: {  	s19 =	simm.s32 $0x140;
	[sflag:s10] =	ssyncadd.s32 $0xFFFFEC00  }
0x47: {  	[tilespmem:s20], [sflag:$0x4] =	stream.indirect.gather [hbm4b:s4+s14], $0x80, s19, s14, $0xb8;
	[tilespmem:$0x1F300] =	vst v63  }
0x48: {  	_ =	swait.ge [sflag:s28], $0x1400  }
0x49: {  	[sflag:s28] =	ssyncset.done $0x0  }
0x4a: {  	s21 =	simm.s32 $0x2820;
	[sflag:s28] =	ssyncadd.s32 $0xFFFFEC00  }
0x4b: {  	[spmem:s2] =	stream.indirect.scatter.add.f32 [tilespmem:s22], [sflag:$0x6], $0x80, s21, s14, $0xb8;
	[tilespmem:$0x1F300] =	vst v63  }
0x4c: {  	_ =	swait.ge [sflag:s10], $0x1400  }
0x4d: {  	[sflag:s10] =	ssyncset.done $0x0  }
0x4e: {  	s17 =	simm.s32 $0x320;
	s19 =	simm.s32 $0x168;
	[sflag:s10] =	ssyncadd.s32 $0xFFFFEC00  }
.LBB2_2:
0x4f: {  	[tilespmem:s22], [sflag:$0x5] =	stream.indirect.gather [hbm4b:s4+s14], $0x80, s19, s14, $0xb8;
	[tilespmem:$0x1F300] =	vst v63  }
0x50: {  	s19 =	smov.u32 s17  }
0x51: {  	p0 =	sne.s32 s17, $0x9600;
	s17 =	sadd.s32 $0x320, s17;
	_ =	swait.ge [sflag:s23], $0x1400  }
0x52: {  	s19 =	sshra.s32 s19, $0x2;
	[sflag:s23] =	ssyncset.done $0x0  }
0x53: {  	s21 =	sadd.s32 $0x2780, s19;
	[sflag:s23] =	ssyncadd.s32 $0xFFFFEC00  }
0x54: {  	[spmem:s2] =	stream.indirect.scatter.add.f32 [tilespmem:s15], [sflag:$0x6], $0x80, s21, s14, $0xb8;
	[tilespmem:$0x1F300] =	vst v63  }
0x55: {  	_ =	swait.ge [sflag:s10], $0x1400  }
0x56: {  	[sflag:s10] =	ssyncset.done $0x0  }
0x57: {  	s21 =	sadd.s32 $0xC8, s19;
	[sflag:s10] =	ssyncadd.s32 $0xFFFFEC00  }
0x58: {  	[tilespmem:s15], [sflag:$0x1] =	stream.indirect.gather [hbm4b:s4+s14], $0x80, s21, s14, $0xb8;
	[tilespmem:$0x1F300] =	vst v63  }
0x59: {  	_ =	swait.ge [sflag:s24], $0x1400  }
0x5a: {  	[sflag:s24] =	ssyncset.done $0x0  }
0x5b: {  	s21 =	sadd.s32 $0x27A8, s19;
	[sflag:s24] =	ssyncadd.s32 $0xFFFFEC00  }
0x5c: {  	[spmem:s2] =	stream.indirect.scatter.add.f32 [tilespmem:s16], [sflag:$0x6], $0x80, s21, s14, $0xb8;
	[tilespmem:$0x1F300] =	vst v63  }
0x5d: {  	_ =	swait.ge [sflag:s10], $0x1400  }
0x5e: {  	[sflag:s10] =	ssyncset.done $0x0  }
0x5f: {  	s21 =	sadd.s32 $0xF0, s19;
	[sflag:s10] =	ssyncadd.s32 $0xFFFFEC00  }
0x60: {  	[tilespmem:s16], [sflag:$0x2] =	stream.indirect.gather [hbm4b:s4+s14], $0x80, s21, s14, $0xb8;
	[tilespmem:$0x1F300] =	vst v63  }
0x61: {  	_ =	swait.ge [sflag:s25], $0x1400  }
0x62: {  	[sflag:s25] =	ssyncset.done $0x0  }
0x63: {  	s21 =	sadd.s32 $0x27D0, s19;
	[sflag:s25] =	ssyncadd.s32 $0xFFFFEC00  }
0x64: {  	[spmem:s2] =	stream.indirect.scatter.add.f32 [tilespmem:s18], [sflag:$0x6], $0x80, s21, s14, $0xb8;
	[tilespmem:$0x1F300] =	vst v63  }
0x65: {  	_ =	swait.ge [sflag:s10], $0x1400  }
0x66: {  	[sflag:s10] =	ssyncset.done $0x0  }
0x67: {  	s21 =	sadd.s32 $0x118, s19;
	[sflag:s10] =	ssyncadd.s32 $0xFFFFEC00  }
0x68: {  	[tilespmem:s18], [sflag:$0x3] =	stream.indirect.gather [hbm4b:s4+s14], $0x80, s21, s14, $0xb8;
	[tilespmem:$0x1F300] =	vst v63  }
0x69: {  	_ =	swait.ge [sflag:s26], $0x1400  }
0x6a: {  	[sflag:s26] =	ssyncset.done $0x0  }
0x6b: {  	s21 =	sadd.s32 $0x27F8, s19;
	[sflag:s26] =	ssyncadd.s32 $0xFFFFEC00  }
0x6c: {  	[spmem:s2] =	stream.indirect.scatter.add.f32 [tilespmem:s20], [sflag:$0x6], $0x80, s21, s14, $0xb8;
	[tilespmem:$0x1F300] =	vst v63  }
0x6d: {  	_ =	swait.ge [sflag:s10], $0x1400  }
0x6e: {  	[sflag:s10] =	ssyncset.done $0x0  }
0x6f: {  	s21 =	sadd.s32 $0x140, s19;
	[sflag:s10] =	ssyncadd.s32 $0xFFFFEC00  }
0x70: {  	[tilespmem:s20], [sflag:$0x4] =	stream.indirect.gather [hbm4b:s4+s14], $0x80, s21, s14, $0xb8;
	[tilespmem:$0x1F300] =	vst v63  }
0x71: {  	_ =	swait.ge [sflag:s28], $0x1400  }
0x72: {  	[sflag:s28] =	ssyncset.done $0x0  }
.Ltmp0:
0x73: {  	s21 =	sadd.s32 $0x2820, s19;
	[sflag:s28] =	ssyncadd.s32 $0xFFFFEC00;
	(pc) =	sbr.rel @p0 .LBB2_2-.Ltmp0, $4  }
0x74: {  	[spmem:s2] =	stream.indirect.scatter.add.f32 [tilespmem:s22], [sflag:$0x6], $0x80, s21, s14, $0xb8;
	[tilespmem:$0x1F300] =	vst v63  }
0x75: {  	_ =	swait.ge [sflag:s10], $0x1400  }
0x76: {  	[sflag:s10] =	ssyncset.done $0x0  }
0x77: {  	s19 =	sadd.s32 $0x168, s19;
	[sflag:s10] =	ssyncadd.s32 $0xFFFFEC00  }
0x78: {  	[tilespmem:s22], [sflag:$0x5] =	stream.indirect.gather [hbm4b:s4+s14], $0x80, s19, s14, $0xb8;
	[tilespmem:$0x1F300] =	vst v63  }
0x79: {  	_ =	swait.ge [sflag:s23], $0x1400  }
0x7a: {  	[sflag:s23] =	ssyncset.done $0x0  }
0x7b: {  	[sflag:s23] =	ssyncadd.s32 $0xFFFFEC00  }
0x7c: {  	[spmem:s2] =	stream.indirect.scatter.add.f32 [tilespmem:s15], [sflag:$0x6], $0x80, s29, s14, $0xb8;
	[tilespmem:$0x1F300] =	vst v63  }
0x7d: {  	_ =	swait.ge [sflag:s10], $0x1400  }
0x7e: {  	[sflag:s10] =	ssyncset.done $0x0  }
0x7f: {  	[sflag:s10] =	ssyncadd.s32 $0xFFFFEC00  }
0x80: {  	_ =	swait.ge [sflag:s24], $0x1400  }
0x81: {  	[sflag:s24] =	ssyncset.done $0x0  }
0x82: {  	[sflag:s24] =	ssyncadd.s32 $0xFFFFEC00  }
0x83: {  	[spmem:s2] =	stream.indirect.scatter.add.f32 [tilespmem:s16], [sflag:$0x6], $0x80, s30, s14, $0xb8;
	[tilespmem:$0x1F300] =	vst v63  }
0x84: {  	_ =	swait.ge [sflag:s10], $0x1400  }
0x85: {  	[sflag:s10] =	ssyncset.done $0x0  }
0x86: {  	[sflag:s10] =	ssyncadd.s32 $0xFFFFEC00  }
0x87: {  	_ =	swait.ge [sflag:s25], $0x1400  }
0x88: {  	[sflag:s25] =	ssyncset.done $0x0  }
0x89: {  	[sflag:s25] =	ssyncadd.s32 $0xFFFFEC00  }
0x8a: {  	[spmem:s2] =	stream.indirect.scatter.add.f32 [tilespmem:s18], [sflag:$0x6], $0x80, s31, s14, $0xb8;
	[tilespmem:$0x1F300] =	vst v63  }
0x8b: {  	_ =	swait.ge [sflag:s10], $0x1400  }
0x8c: {  	[sflag:s10] =	ssyncset.done $0x0  }
0x8d: {  	[sflag:s10] =	ssyncadd.s32 $0xFFFFEC00  }
0x8e: {  	_ =	swait.ge [sflag:s26], $0x1400  }
0x8f: {  	[sflag:s26] =	ssyncset.done $0x0  }
0x90: {  	[sflag:s26] =	ssyncadd.s32 $0xFFFFEC00  }
0x91: {  	[spmem:s2] =	stream.indirect.scatter.add.f32 [tilespmem:s20], [sflag:$0x6], $0x80, s1, s14, $0xb8;
	[tilespmem:$0x1F300] =	vst v63  }
0x92: {  	_ =	swait.ge [sflag:s10], $0x1400  }
0x93: {  	[sflag:s10] =	ssyncset.done $0x0  }
0x94: {  	[sflag:s10] =	ssyncadd.s32 $0xFFFFEC00  }
0x95: {  	_ =	swait.ge [sflag:s28], $0x1400  }
0x96: {  	[sflag:s28] =	ssyncset.done $0x0  }
0x97: {  	[sflag:s28] =	ssyncadd.s32 $0xFFFFEC00  }
0x98: {  	[spmem:s2] =	stream.indirect.scatter.add.f32 [tilespmem:s22], [sflag:$0x6], $0x80, s0, s14, $0xb8;
	[tilespmem:$0x1F300] =	vst v63  }
0x99: {  	_ =	swait.ge [sflag:s10], $0x1400  }
0x9a: {  	s11 =	sadd.s32 $0x1, s11;
	[sflag:s10] =	ssyncset.done $0x0  }
0x9b: {  	p0 =	sne.s32 s11, s9;
	[sflag:s10] =	ssyncadd.s32 $0xFFFFEC00  }
.Ltmp1:
0x9c: {  	[bflag:$0x0] =	sbarrier.arrive $0xFFFF;
	(pc) =	sbr.rel @p0 .LBB2_1-.Ltmp1, $4  }
0x9d: {  	[hbm:s8], [sflag:s12] =	dma.local [spmem:s13], $0x2800  }
0x9e: {  	_ =	swait.ge [sflag:s10], $0x2800  }
0x9f: {  	[sflag:s10] =	ssyncset.done $0x0  }
0xa0: {  	[sflag:s10] =	ssyncadd.s32 $0xFFFFD800  }
0xa1: {  	_ =	sfence.sel $0x180000  }
0xa2: {  	[bflag:$0x0] =	sbarrier.arrive $0xFFFF  }
0xa3: {  	_ =	strace $0x90000053  }
0xa4: {  	s0 =	stileid.u32;
	[bflag:$0x2] =	sbarrier.arrive $0xFFFF  }
0xa5: {  	p0 =	sne.s32 s0, $0x0;
	s0 =	rddreg [dreg:$0x2]  }
0xa6: {  	s0 =	sadd.s32 @!p0 $0x100000, s0  }
0xa7: {  	[sflag:s0] =	ssyncadd.tile.s32 @!p0 $0x1;
	_ =	shalt  }
.Lfunc_end2:
_tile_overlayer_lowered:
.L_overlay_start_2:
0xa8: {  	(tag) =	ssettag $0x2  }
0xa9: {  	s0 =	rddreg [dreg:$0x0];
	s2 =	stileid.u32  }
0xaa: {  	s1 =	rddreg [dreg:$0x1];
	p0 =	sne.s32 s2, $0x0  }
0xab: {  	s3 =	rddreg [dreg:$0x2];
	[bflag:$0x3] =	sbarrier.arrive $0xFFFF;
	s2 =	simm.s32 @!p0 $0x1C06  }
0xac: {  	[timem:s3], [sflag:s2] =	dma.local @!p0 [hbm:s0], s1  }
0xad: {  	s0 =	simm.s32 @!p0 $0x6  }
0xae: {  	_ =	swait.ge @!p0 [sflag:s0], s1  }
0xaf: {  	s1 =	ssub.s32 @!p0 $0x0, s1;
	[sflag:s0] =	ssyncset.done @!p0 $0x0  }
0xb0: {  	[sflag:s0] =	ssyncadd.s32 @!p0 s1  }
0xb1: {  	[bflag:$0x3] =	sbarrier.arrive $0xFFFF  }
0xb2: {  	_ =	shalt  }

</sc_bundles>
